<compile_context>
chip_gen: v7x
topology: tpu7x:2x2x1
jax: 0.10.2.dev20260603
libtpu: 0.0.44.dev20260713+nightly
codegen_flags: <defaults>
</compile_context>

<pallas_src>
import functools

import jax
import jax.numpy as jnp
from jax import lax
from jax.experimental import pallas as pl
from jax.experimental.pallas import tpu as pltpu
from jax.experimental.pallas import tpu_sc as plsc

B = 2
C_IN = 10
P = 12000
NPTS = 100
C_OUT = 64
GRID = 500
CELLS = GRID * GRID
P_PAD = P + 8
C_PAD = 128
PBLK = 120
CHUNK = 400
TOTAL_ROWS = B * CELLS
N_CHUNKS = TOTAL_ROWS // CHUNK
TBLK = 2048


def _encode_body(f_ref, w_ref, scale_ref, shift_ref, o_ref):
    f = f_ref[0].reshape(C_IN, PBLK * NPTS)
    w = w_ref[...]
    y = lax.dot_general(f, w, (((0,), (1,)), ((), ())),
                        preferred_element_type=jnp.float32)
    y = jnp.maximum(y * scale_ref[...] + shift_ref[...], 0.0)
    y = y.reshape(PBLK, NPTS, C_PAD)
    o_ref[0] = jnp.max(y, axis=1)


def _encode(pillar_feats, w, scale, shift):
    return pl.pallas_call(
        _encode_body,
        grid=(B, P // PBLK),
        in_specs=[
            pl.BlockSpec((1, C_IN, PBLK, NPTS), lambda b, i: (b, 0, i, 0)),
            pl.BlockSpec((C_PAD, C_IN), lambda b, i: (0, 0)),
            pl.BlockSpec((1, C_PAD), lambda b, i: (0, 0)),
            pl.BlockSpec((1, C_PAD), lambda b, i: (0, 0)),
        ],
        out_specs=pl.BlockSpec((1, PBLK, C_PAD), lambda b, i: (b, i, 0)),
        out_shape=jax.ShapeDtypeStruct((B, P, C_PAD), jnp.float32),
    )(pillar_feats, w, scale, shift)


def _make_sc_gather():
    info = plsc.get_sparse_core_info()
    nc, ns = info.num_cores, info.num_subcores
    nw = nc * ns
    mesh = plsc.VectorSubcoreMesh(core_axis_name="c", subcore_axis_name="s")
    n_rounds = -(-N_CHUNKS // nw)

    @functools.partial(
        pl.kernel,
        mesh=mesh,
        out_type=jax.ShapeDtypeStruct((TOTAL_ROWS, C_PAD), jnp.float32),
        scratch_types=[
            pltpu.VMEM((CHUNK,), jnp.int32),
            pltpu.VMEM((CHUNK, C_PAD), jnp.float32),
            pltpu.SemaphoreType.DMA,
        ],
    )
    def sc_gather(enc_hbm, gidx_hbm, out_hbm, idx_v, rows_v, sem):
        wid = lax.axis_index("s") * nc + lax.axis_index("c")
        for j in range(n_rounds):
            k = j * nw + wid

            @pl.when(k < N_CHUNKS)
            def _():
                base = k * CHUNK
                pltpu.sync_copy(gidx_hbm.at[pl.ds(base, CHUNK)], idx_v)
                pltpu.async_copy(enc_hbm.at[idx_v], rows_v, sem).wait()
                pltpu.sync_copy(rows_v, out_hbm.at[pl.ds(base, CHUNK)])

    return sc_gather


def _transpose_body(i_ref, o_ref):
    o_ref[0] = i_ref[0][:, :C_OUT].T


def _to_channel_major(bev_rows):
    return pl.pallas_call(
        _transpose_body,
        grid=(B, -(-CELLS // TBLK)),
        in_specs=[
            pl.BlockSpec((1, TBLK, C_PAD), lambda b, i: (b, i, 0)),
        ],
        out_specs=pl.BlockSpec((1, C_OUT, TBLK), lambda b, i: (b, 0, i)),
        out_shape=jax.ShapeDtypeStruct((B, C_OUT, CELLS), jnp.float32),
    )(bev_rows)


def kernel(pillar_feats, W, gamma, beta, running_mean, running_var, pillar_idxs):
    eps = 1e-5
    scale = gamma / jnp.sqrt(running_var + eps)
    shift = beta - running_mean * scale
    w_pad = jnp.pad(W, ((0, C_PAD - C_OUT), (0, 0)))
    scale = jnp.pad(scale, (0, C_PAD - C_OUT)).reshape(1, C_PAD)
    shift = jnp.pad(shift, (0, C_PAD - C_OUT)).reshape(1, C_PAD)

    enc = _encode(pillar_feats, w_pad, scale, shift)
    enc_flat = jnp.pad(enc, ((0, 0), (1, 7), (0, 0))).reshape(B * P_PAD, C_PAD)

    flat_idx = pillar_idxs[..., 0] * GRID + pillar_idxs[..., 1]
    pids = jnp.arange(1, P + 1, dtype=jnp.int32)
    win = jax.vmap(
        lambda fi: jnp.zeros((CELLS,), jnp.int32).at[fi].max(pids)
    )(flat_idx)
    gidx = win + (jnp.arange(B, dtype=jnp.int32) * P_PAD)[:, None]
    gidx = gidx.reshape(-1)

    bev_rows = _make_sc_gather()(enc_flat, gidx)
    bev = _to_channel_major(bev_rows.reshape(B, CELLS, C_PAD))

    return bev.reshape(B, C_OUT, GRID, GRID)

# --- scband reference (transcript-rebuilt; emitter-appended) ---
"""Pipeline reference for scband-ssd-70300024701369 (READ-ONLY COPY).

The authoritative reference and input builder live on the scoring server;
editing this copy changes nothing except your own understanding.
"""

import jax, jax.numpy as jnp
import numpy as np


def setup_inputs(seed: int = 0) -> dict:
    key = jax.random.key(seed)
    ks = jax.random.split(key, 6)
    B, C_in, P, Npts, C_out = 2, 10, 12000, 100, 64
    pillar_feats = jax.random.normal(ks[0], (B, C_in, P, Npts), dtype=jnp.float32)
    pillar_idxs = jax.random.randint(ks[1], (B, P, 2), 0, 500, dtype=jnp.int32)
    W = jax.random.normal(ks[2], (C_out, C_in), dtype=jnp.float32) * 0.1
    gamma = jnp.ones((C_out,), dtype=jnp.float32)
    beta = jnp.zeros((C_out,), dtype=jnp.float32)
    running_mean = jnp.zeros((C_out,), dtype=jnp.float32)
    running_var = jnp.ones((C_out,), dtype=jnp.float32)
    return {
        "pillar_feats": pillar_feats,
        "W": W,
        "gamma": gamma,
        "beta": beta,
        "running_mean": running_mean,
        "running_var": running_var,
        "pillar_idxs": pillar_idxs,
    }


def reference(pillar_feats, W, gamma, beta, running_mean, running_var, pillar_idxs):
    # conv1: 1x1 Conv2d(10 -> 64, bias=False) over (P, Npts) spatial dims == channel matmul
    x = jnp.einsum("ci,bipn->bcpn", W, pillar_feats)
    # bn1 in eval mode (running stats), eps=1e-5
    eps = 1e-5
    scale = gamma / jnp.sqrt(running_var + eps)
    shift = beta - running_mean * scale
    x = x * scale[None, :, None, None] + shift[None, :, None, None]
    x = jax.nn.relu(x)
    # max over points within each pillar -> (B, 64, P)
    encoded_pillars = jnp.max(x, axis=-1)
    # scatter encoded pillars to 500x500 BEV grid (overwrite semantics)
    flat_idx = pillar_idxs[..., 0] * 500 + pillar_idxs[..., 1]  # (B, P)

    def scatter_one(enc, idx):
        bev = jnp.zeros((64, 500 * 500), dtype=enc.dtype)
        bev = bev.at[:, idx].set(enc)
        return bev.reshape(64, 500, 500)

    encoded_bev = jax.vmap(scatter_one)(encoded_pillars, flat_idx)
    return encoded_bev

if __name__ == "__main__":
    import jax
    _d = setup_inputs()
    print(jax.jit(kernel)(*tuple(_d.values())))

</pallas_src>

<mosaic_0001>
#map = affine_map<(d0, d1) -> (0, 0)>
#map1 = affine_map<(d0, d1) -> (0)>
module attributes {stable_mosaic.version = 14 : i64} {
  func.func @sc_gather(%arg0: i32, %arg1: i32, %arg2: memref<24016x128xf32, #tpu.memory_space<hbm>>, %arg3: memref<500000xi32, #tpu.memory_space<hbm>>, %arg4: memref<500000x128xf32, #tpu.memory_space<hbm>>, %arg5: memref<400xi32, #tpu.memory_space<vmem>>, %arg6: memref<400x128xf32, #tpu.memory_space<vmem>>, %arg7: memref<!tpu.dma_semaphore, #tpu.memory_space<semaphore_mem>>) attributes {dimension_semantics = [#tpu.dimension_semantics<core_parallel>, #tpu.dimension_semantics<subcore_parallel>], iteration_bounds = array<i64: 2, 16>, scalar_prefetch = 0 : i64, scratch_operands = 3 : i64, tpu.core_type = #tpu.core_type<sc_vector_subcore>, window_params = [{transform_indices = #map}, {transform_indices = #map1}, {transform_indices = #map}]} {
    %mul3A = arith.constant 2 : i32
    %mul3A_0 = arith.muli %arg1, %mul3A : i32
    %add3A = arith.addi %mul3A_0, %arg0 : i32
    %add3A_1 = arith.constant 0 : i32
    %add3A_2 = arith.addi %add3A_1, %add3A : i32
    %lt3A = arith.constant 1250 : i32
    %lt3A_3 = arith.cmpi slt, %add3A_2, %lt3A : i32
    %convert_element_type3A = arith.extui %lt3A_3 : i1 to i32
    %cond3A = arith.constant 0 : i32
    %cond3A_4 = arith.cmpi ne, %convert_element_type3A, %cond3A : i32
    scf.if %cond3A_4 {
      %mul3A_278 = arith.constant 400 : i32
      %mul3A_279 = arith.muli %add3A_2, %mul3A_278 : i32
      "tpu.region"() ({
        %run_scoped3A = tpu.sem_alloc : memref<!tpu.dma_semaphore, #tpu.memory_space<semaphore_mem>>
        %dma_start3A_284 = tpu.memref_slice %arg3[%mul3A_279] : memref<500000xi32, #tpu.memory_space<hbm>> -> memref<400xi32, #tpu.memory_space<hbm>>
        %dma_start3A_285 = tpu.memref_slice %arg3[%mul3A_279] : memref<500000xi32, #tpu.memory_space<hbm>> -> memref<400xi32, #tpu.memory_space<hbm>>
        tpu.enqueue_dma source(%dma_start3A_285 : memref<400xi32, #tpu.memory_space<hbm>>) target(%arg5 : memref<400xi32, #tpu.memory_space<vmem>>) target_semaphore(%run_scoped3A : memref<!tpu.dma_semaphore, #tpu.memory_space<semaphore_mem>>)
        %dma_wait3A_286 = tpu.memref_slice %arg3[%mul3A_279] : memref<500000xi32, #tpu.memory_space<hbm>> -> memref<400xi32, #tpu.memory_space<hbm>>
        %dma_wait3A_287 = tpu.memref_slice %arg3[%mul3A_279] : memref<500000xi32, #tpu.memory_space<hbm>> -> memref<400xi32, #tpu.memory_space<hbm>>
        tpu.wait_dma2 semaphore(%run_scoped3A : memref<!tpu.dma_semaphore, #tpu.memory_space<semaphore_mem>>) src(%dma_wait3A_287 : memref<400xi32, #tpu.memory_space<hbm>>) dst(%arg5 : memref<400xi32, #tpu.memory_space<vmem>>)
        tpu.yield
      }) : () -> ()
      %dma_start3A = arith.constant 0 : i32
      %dma_start3A_280 = arith.constant 0 : i32
      %dma_start3A_281 = tpu.memref_slice %arg2[%dma_start3A, %dma_start3A_280] : memref<24016x128xf32, #tpu.memory_space<hbm>> -> memref<24016x128xf32, #tpu.memory_space<hbm>>
      tpu.enqueue_indirect_dma source(%dma_start3A_281 : memref<24016x128xf32, #tpu.memory_space<hbm>>) target(%arg6 : memref<400x128xf32, #tpu.memory_space<vmem>>) offsets(%arg5 : memref<400xi32, #tpu.memory_space<vmem>>) semaphore(%arg7 : memref<!tpu.dma_semaphore, #tpu.memory_space<semaphore_mem>>)
      %dma_wait3A = arith.constant 0 : i32
      %dma_wait3A_282 = arith.constant 0 : i32
      %dma_wait3A_283 = tpu.memref_slice %arg2[%dma_wait3A, %dma_wait3A_282] : memref<24016x128xf32, #tpu.memory_space<hbm>> -> memref<24016x128xf32, #tpu.memory_space<hbm>>
      tpu.wait_indirect_dma semaphore(%arg7 : memref<!tpu.dma_semaphore, #tpu.memory_space<semaphore_mem>>) src(%dma_wait3A_283 : memref<24016x128xf32, #tpu.memory_space<hbm>>) dst(%arg6 : memref<400x128xf32, #tpu.memory_space<vmem>>)
      "tpu.region"() ({
        %run_scoped3A = tpu.sem_alloc : memref<!tpu.dma_semaphore, #tpu.memory_space<semaphore_mem>>
        %dma_start3A_284 = arith.constant 0 : i32
        %dma_start3A_285 = tpu.memref_slice %arg4[%mul3A_279, %dma_start3A_284] : memref<500000x128xf32, #tpu.memory_space<hbm>> -> memref<400x128xf32, #tpu.memory_space<hbm>>
        %dma_start3A_286 = arith.constant 0 : i32
        %dma_start3A_287 = tpu.memref_slice %arg4[%mul3A_279, %dma_start3A_286] : memref<500000x128xf32, #tpu.memory_space<hbm>> -> memref<400x128xf32, #tpu.memory_space<hbm>>
        tpu.enqueue_dma source(%arg6 : memref<400x128xf32, #tpu.memory_space<vmem>>) target(%dma_start3A_287 : memref<400x128xf32, #tpu.memory_space<hbm>>) target_semaphore(%run_scoped3A : memref<!tpu.dma_semaphore, #tpu.memory_space<semaphore_mem>>)
        %dma_wait3A_288 = arith.constant 0 : i32
        %dma_wait3A_289 = tpu.memref_slice %arg4[%mul3A_279, %dma_wait3A_288] : memref<500000x128xf32, #tpu.memory_space<hbm>> -> memref<400x128xf32, #tpu.memory_space<hbm>>
        %dma_wait3A_290 = arith.constant 0 : i32
        %dma_wait3A_291 = tpu.memref_slice %arg4[%mul3A_279, %dma_wait3A_290] : memref<500000x128xf32, #tpu.memory_space<hbm>> -> memref<400x128xf32, #tpu.memory_space<hbm>>
        tpu.wait_dma2 semaphore(%run_scoped3A : memref<!tpu.dma_semaphore, #tpu.memory_space<semaphore_mem>>) src(%arg6 : memref<400x128xf32, #tpu.memory_space<vmem>>) dst(%dma_wait3A_291 : memref<400x128xf32, #tpu.memory_space<hbm>>)
        tpu.yield
      }) : () -> ()
    } else {
    }
    %add3A_5 = arith.constant 32 : i32
    %add3A_6 = arith.addi %add3A_5, %add3A : i32
    %lt3A_7 = arith.constant 1250 : i32
    %lt3A_8 = arith.cmpi slt, %add3A_6, %lt3A_7 : i32
    %convert_element_type3A_9 = arith.extui %lt3A_8 : i1 to i32
    %cond3A_10 = arith.constant 0 : i32
    %cond3A_11 = arith.cmpi ne, %convert_element_type3A_9, %cond3A_10 : i32
    scf.if %cond3A_11 {
      %mul3A_278 = arith.constant 400 : i32
      %mul3A_279 = arith.muli %add3A_6, %mul3A_278 : i32
      "tpu.region"() ({
        %run_scoped3A = tpu.sem_alloc : memref<!tpu.dma_semaphore, #tpu.memory_space<semaphore_mem>>
        %dma_start3A_284 = tpu.memref_slice %arg3[%mul3A_279] : memref<500000xi32, #tpu.memory_space<hbm>> -> memref<400xi32, #tpu.memory_space<hbm>>
        %dma_start3A_285 = tpu.memref_slice %arg3[%mul3A_279] : memref<500000xi32, #tpu.memory_space<hbm>> -> memref<400xi32, #tpu.memory_space<hbm>>
        tpu.enqueue_dma source(%dma_start3A_285 : memref<400xi32, #tpu.memory_space<hbm>>) target(%arg5 : memref<400xi32, #tpu.memory_space<vmem>>) target_semaphore(%run_scoped3A : memref<!tpu.dma_semaphore, #tpu.memory_space<semaphore_mem>>)
        %dma_wait3A_286 = tpu.memref_slice %arg3[%mul3A_279] : memref<500000xi32, #tpu.memory_space<hbm>> -> memref<400xi32, #tpu.memory_space<hbm>>
        %dma_wait3A_287 = tpu.memref_slice %arg3[%mul3A_279] : memref<500000xi32, #tpu.memory_space<hbm>> -> memref<400xi32, #tpu.memory_space<hbm>>
        tpu.wait_dma2 semaphore(%run_scoped3A : memref<!tpu.dma_semaphore, #tpu.memory_space<semaphore_mem>>) src(%dma_wait3A_287 : memref<400xi32, #tpu.memory_space<hbm>>) dst(%arg5 : memref<400xi32, #tpu.memory_space<vmem>>)
        tpu.yield
      }) : () -> ()
      %dma_start3A = arith.constant 0 : i32
      %dma_start3A_280 = arith.constant 0 : i32
      %dma_start3A_281 = tpu.memref_slice %arg2[%dma_start3A, %dma_start3A_280] : memref<24016x128xf32, #tpu.memory_space<hbm>> -> memref<24016x128xf32, #tpu.memory_space<hbm>>
      tpu.enqueue_indirect_dma source(%dma_start3A_281 : memref<24016x128xf32, #tpu.memory_space<hbm>>) target(%arg6 : memref<400x128xf32, #tpu.memory_space<vmem>>) offsets(%arg5 : memref<400xi32, #tpu.memory_space<vmem>>) semaphore(%arg7 : memref<!tpu.dma_semaphore, #tpu.memory_space<semaphore_mem>>)
      %dma_wait3A = arith.constant 0 : i32
      %dma_wait3A_282 = arith.constant 0 : i32
      %dma_wait3A_283 = tpu.memref_slice %arg2[%dma_wait3A, %dma_wait3A_282] : memref<24016x128xf32, #tpu.memory_space<hbm>> -> memref<24016x128xf32, #tpu.memory_space<hbm>>
      tpu.wait_indirect_dma semaphore(%arg7 : memref<!tpu.dma_semaphore, #tpu.memory_space<semaphore_mem>>) src(%dma_wait3A_283 : memref<24016x128xf32, #tpu.memory_space<hbm>>) dst(%arg6 : memref<400x128xf32, #tpu.memory_space<vmem>>)
      "tpu.region"() ({
        %run_scoped3A = tpu.sem_alloc : memref<!tpu.dma_semaphore, #tpu.memory_space<semaphore_mem>>
        %dma_start3A_284 = arith.constant 0 : i32
        %dma_start3A_285 = tpu.memref_slice %arg4[%mul3A_279, %dma_start3A_284] : memref<500000x128xf32, #tpu.memory_space<hbm>> -> memref<400x128xf32, #tpu.memory_space<hbm>>
        %dma_start3A_286 = arith.constant 0 : i32
        %dma_start3A_287 = tpu.memref_slice %arg4[%mul3A_279, %dma_start3A_286] : memref<500000x128xf32, #tpu.memory_space<hbm>> -> memref<400x128xf32, #tpu.memory_space<hbm>>
        tpu.enqueue_dma source(%arg6 : memref<400x128xf32, #tpu.memory_space<vmem>>) target(%dma_start3A_287 : memref<400x128xf32, #tpu.memory_space<hbm>>) target_semaphore(%run_scoped3A : memref<!tpu.dma_semaphore, #tpu.memory_space<semaphore_mem>>)
        %dma_wait3A_288 = arith.constant 0 : i32
        %dma_wait3A_289 = tpu.memref_slice %arg4[%mul3A_279, %dma_wait3A_288] : memref<500000x128xf32, #tpu.memory_space<hbm>> -> memref<400x128xf32, #tpu.memory_space<hbm>>
        %dma_wait3A_290 = arith.constant 0 : i32
        %dma_wait3A_291 = tpu.memref_slice %arg4[%mul3A_279, %dma_wait3A_290] : memref<500000x128xf32, #tpu.memory_space<hbm>> -> memref<400x128xf32, #tpu.memory_space<hbm>>
        tpu.wait_dma2 semaphore(%run_scoped3A : memref<!tpu.dma_semaphore, #tpu.memory_space<semaphore_mem>>) src(%arg6 : memref<400x128xf32, #tpu.memory_space<vmem>>) dst(%dma_wait3A_291 : memref<400x128xf32, #tpu.memory_space<hbm>>)
        tpu.yield
      }) : () -> ()
    } else {
    }
    %add3A_12 = arith.constant 64 : i32
    %add3A_13 = arith.addi %add3A_12, %add3A : i32
    %lt3A_14 = arith.constant 1250 : i32
    %lt3A_15 = arith.cmpi slt, %add3A_13, %lt3A_14 : i32
    %convert_element_type3A_16 = arith.extui %lt3A_15 : i1 to i32
    %cond3A_17 = arith.constant 0 : i32
    %cond3A_18 = arith.cmpi ne, %convert_element_type3A_16, %cond3A_17 : i32
    scf.if %cond3A_18 {
      %mul3A_278 = arith.constant 400 : i32
      %mul3A_279 = arith.muli %add3A_13, %mul3A_278 : i32
      "tpu.region"() ({
        %run_scoped3A = tpu.sem_alloc : memref<!tpu.dma_semaphore, #tpu.memory_space<semaphore_mem>>
        %dma_start3A_284 = tpu.memref_slice %arg3[%mul3A_279] : memref<500000xi32, #tpu.memory_space<hbm>> -> memref<400xi32, #tpu.memory_space<hbm>>
        %dma_start3A_285 = tpu.memref_slice %arg3[%mul3A_279] : memref<500000xi32, #tpu.memory_space<hbm>> -> memref<400xi32, #tpu.memory_space<hbm>>
        tpu.enqueue_dma source(%dma_start3A_285 : memref<400xi32, #tpu.memory_space<hbm>>) target(%arg5 : memref<400xi32, #tpu.memory_space<vmem>>) target_semaphore(%run_scoped3A : memref<!tpu.dma_semaphore, #tpu.memory_space<semaphore_mem>>)
        %dma_wait3A_286 = tpu.memref_slice %arg3[%mul3A_279] : memref<500000xi32, #tpu.memory_space<hbm>> -> memref<400xi32, #tpu.memory_space<hbm>>
        %dma_wait3A_287 = tpu.memref_slice %arg3[%mul3A_279] : memref<500000xi32, #tpu.memory_space<hbm>> -> memref<400xi32, #tpu.memory_space<hbm>>
        tpu.wait_dma2 semaphore(%run_scoped3A : memref<!tpu.dma_semaphore, #tpu.memory_space<semaphore_mem>>) src(%dma_wait3A_287 : memref<400xi32, #tpu.memory_space<hbm>>) dst(%arg5 : memref<400xi32, #tpu.memory_space<vmem>>)
        tpu.yield
      }) : () -> ()
      %dma_start3A = arith.constant 0 : i32
      %dma_start3A_280 = arith.constant 0 : i32
      %dma_start3A_281 = tpu.memref_slice %arg2[%dma_start3A, %dma_start3A_280] : memref<24016x128xf32, #tpu.memory_space<hbm>> -> memref<24016x128xf32, #tpu.memory_space<hbm>>
      tpu.enqueue_indirect_dma source(%dma_start3A_281 : memref<24016x128xf32, #tpu.memory_space<hbm>>) target(%arg6 : memref<400x128xf32, #tpu.memory_space<vmem>>) offsets(%arg5 : memref<400xi32, #tpu.memory_space<vmem>>) semaphore(%arg7 : memref<!tpu.dma_semaphore, #tpu.memory_space<semaphore_mem>>)
      %dma_wait3A = arith.constant 0 : i32
      %dma_wait3A_282 = arith.constant 0 : i32
      %dma_wait3A_283 = tpu.memref_slice %arg2[%dma_wait3A, %dma_wait3A_282] : memref<24016x128xf32, #tpu.memory_space<hbm>> -> memref<24016x128xf32, #tpu.memory_space<hbm>>
      tpu.wait_indirect_dma semaphore(%arg7 : memref<!tpu.dma_semaphore, #tpu.memory_space<semaphore_mem>>) src(%dma_wait3A_283 : memref<24016x128xf32, #tpu.memory_space<hbm>>) dst(%arg6 : memref<400x128xf32, #tpu.memory_space<vmem>>)
      "tpu.region"() ({
        %run_scoped3A = tpu.sem_alloc : memref<!tpu.dma_semaphore, #tpu.memory_space<semaphore_mem>>
        %dma_start3A_284 = arith.constant 0 : i32
        %dma_start3A_285 = tpu.memref_slice %arg4[%mul3A_279, %dma_start3A_284] : memref<500000x128xf32, #tpu.memory_space<hbm>> -> memref<400x128xf32, #tpu.memory_space<hbm>>
        %dma_start3A_286 = arith.constant 0 : i32
        %dma_start3A_287 = tpu.memref_slice %arg4[%mul3A_279, %dma_start3A_286] : memref<500000x128xf32, #tpu.memory_space<hbm>> -> memref<400x128xf32, #tpu.memory_space<hbm>>
        tpu.enqueue_dma source(%arg6 : memref<400x128xf32, #tpu.memory_space<vmem>>) target(%dma_start3A_287 : memref<400x128xf32, #tpu.memory_space<hbm>>) target_semaphore(%run_scoped3A : memref<!tpu.dma_semaphore, #tpu.memory_space<semaphore_mem>>)
        %dma_wait3A_288 = arith.constant 0 : i32
        %dma_wait3A_289 = tpu.memref_slice %arg4[%mul3A_279, %dma_wait3A_288] : memref<500000x128xf32, #tpu.memory_space<hbm>> -> memref<400x128xf32, #tpu.memory_space<hbm>>
        %dma_wait3A_290 = arith.constant 0 : i32
        %dma_wait3A_291 = tpu.memref_slice %arg4[%mul3A_279, %dma_wait3A_290] : memref<500000x128xf32, #tpu.memory_space<hbm>> -> memref<400x128xf32, #tpu.memory_space<hbm>>
        tpu.wait_dma2 semaphore(%run_scoped3A : memref<!tpu.dma_semaphore, #tpu.memory_space<semaphore_mem>>) src(%arg6 : memref<400x128xf32, #tpu.memory_space<vmem>>) dst(%dma_wait3A_291 : memref<400x128xf32, #tpu.memory_space<hbm>>)
        tpu.yield
      }) : () -> ()
    } else {
    }
    %add3A_19 = arith.constant 96 : i32
    %add3A_20 = arith.addi %add3A_19, %add3A : i32
    %lt3A_21 = arith.constant 1250 : i32
    %lt3A_22 = arith.cmpi slt, %add3A_20, %lt3A_21 : i32
    %convert_element_type3A_23 = arith.extui %lt3A_22 : i1 to i32
    %cond3A_24 = arith.constant 0 : i32
    %cond3A_25 = arith.cmpi ne, %convert_element_type3A_23, %cond3A_24 : i32
    scf.if %cond3A_25 {
      %mul3A_278 = arith.constant 400 : i32
      %mul3A_279 = arith.muli %add3A_20, %mul3A_278 : i32
      "tpu.region"() ({
        %run_scoped3A = tpu.sem_alloc : memref<!tpu.dma_semaphore, #tpu.memory_space<semaphore_mem>>
        %dma_start3A_284 = tpu.memref_slice %arg3[%mul3A_279] : memref<500000xi32, #tpu.memory_space<hbm>> -> memref<400xi32, #tpu.memory_space<hbm>>
        %dma_start3A_285 = tpu.memref_slice %arg3[%mul3A_279] : memref<500000xi32, #tpu.memory_space<hbm>> -> memref<400xi32, #tpu.memory_space<hbm>>
        tpu.enqueue_dma source(%dma_start3A_285 : memref<400xi32, #tpu.memory_space<hbm>>) target(%arg5 : memref<400xi32, #tpu.memory_space<vmem>>) target_semaphore(%run_scoped3A : memref<!tpu.dma_semaphore, #tpu.memory_space<semaphore_mem>>)
        %dma_wait3A_286 = tpu.memref_slice %arg3[%mul3A_279] : memref<500000xi32, #tpu.memory_space<hbm>> -> memref<400xi32, #tpu.memory_space<hbm>>
        %dma_wait3A_287 = tpu.memref_slice %arg3[%mul3A_279] : memref<500000xi32, #tpu.memory_space<hbm>> -> memref<400xi32, #tpu.memory_space<hbm>>
        tpu.wait_dma2 semaphore(%run_scoped3A : memref<!tpu.dma_semaphore, #tpu.memory_space<semaphore_mem>>) src(%dma_wait3A_287 : memref<400xi32, #tpu.memory_space<hbm>>) dst(%arg5 : memref<400xi32, #tpu.memory_space<vmem>>)
        tpu.yield
      }) : () -> ()
      %dma_start3A = arith.constant 0 : i32
      %dma_start3A_280 = arith.constant 0 : i32
      %dma_start3A_281 = tpu.memref_slice %arg2[%dma_start3A, %dma_start3A_280] : memref<24016x128xf32, #tpu.memory_space<hbm>> -> memref<24016x128xf32, #tpu.memory_space<hbm>>
      tpu.enqueue_indirect_dma source(%dma_start3A_281 : memref<24016x128xf32, #tpu.memory_space<hbm>>) target(%arg6 : memref<400x128xf32, #tpu.memory_space<vmem>>) offsets(%arg5 : memref<400xi32, #tpu.memory_space<vmem>>) semaphore(%arg7 : memref<!tpu.dma_semaphore, #tpu.memory_space<semaphore_mem>>)
      %dma_wait3A = arith.constant 0 : i32
      %dma_wait3A_282 = arith.constant 0 : i32
      %dma_wait3A_283 = tpu.memref_slice %arg2[%dma_wait3A, %dma_wait3A_282] : memref<24016x128xf32, #tpu.memory_space<hbm>> -> memref<24016x128xf32, #tpu.memory_space<hbm>>
      tpu.wait_indirect_dma semaphore(%arg7 : memref<!tpu.dma_semaphore, #tpu.memory_space<semaphore_mem>>) src(%dma_wait3A_283 : memref<24016x128xf32, #tpu.memory_space<hbm>>) dst(%arg6 : memref<400x128xf32, #tpu.memory_space<vmem>>)
      "tpu.region"() ({
        %run_scoped3A = tpu.sem_alloc : memref<!tpu.dma_semaphore, #tpu.memory_space<semaphore_mem>>
        %dma_start3A_284 = arith.constant 0 : i32
        %dma_start3A_285 = tpu.memref_slice %arg4[%mul3A_279, %dma_start3A_284] : memref<500000x128xf32, #tpu.memory_space<hbm>> -> memref<400x128xf32, #tpu.memory_space<hbm>>
        %dma_start3A_286 = arith.constant 0 : i32
        %dma_start3A_287 = tpu.memref_slice %arg4[%mul3A_279, %dma_start3A_286] : memref<500000x128xf32, #tpu.memory_space<hbm>> -> memref<400x128xf32, #tpu.memory_space<hbm>>
        tpu.enqueue_dma source(%arg6 : memref<400x128xf32, #tpu.memory_space<vmem>>) target(%dma_start3A_287 : memref<400x128xf32, #tpu.memory_space<hbm>>) target_semaphore(%run_scoped3A : memref<!tpu.dma_semaphore, #tpu.memory_space<semaphore_mem>>)
        %dma_wait3A_288 = arith.constant 0 : i32
        %dma_wait3A_289 = tpu.memref_slice %arg4[%mul3A_279, %dma_wait3A_288] : memref<500000x128xf32, #tpu.memory_space<hbm>> -> memref<400x128xf32, #tpu.memory_space<hbm>>
        %dma_wait3A_290 = arith.constant 0 : i32
        %dma_wait3A_291 = tpu.memref_slice %arg4[%mul3A_279, %dma_wait3A_290] : memref<500000x128xf32, #tpu.memory_space<hbm>> -> memref<400x128xf32, #tpu.memory_space<hbm>>
        tpu.wait_dma2 semaphore(%run_scoped3A : memref<!tpu.dma_semaphore, #tpu.memory_space<semaphore_mem>>) src(%arg6 : memref<400x128xf32, #tpu.memory_space<vmem>>) dst(%dma_wait3A_291 : memref<400x128xf32, #tpu.memory_space<hbm>>)
        tpu.yield
      }) : () -> ()
    } else {
    }
    %add3A_26 = arith.constant 128 : i32
    %add3A_27 = arith.addi %add3A_26, %add3A : i32
    %lt3A_28 = arith.constant 1250 : i32
    %lt3A_29 = arith.cmpi slt, %add3A_27, %lt3A_28 : i32
    %convert_element_type3A_30 = arith.extui %lt3A_29 : i1 to i32
    %cond3A_31 = arith.constant 0 : i32
    %cond3A_32 = arith.cmpi ne, %convert_element_type3A_30, %cond3A_31 : i32
    scf.if %cond3A_32 {
      %mul3A_278 = arith.constant 400 : i32
      %mul3A_279 = arith.muli %add3A_27, %mul3A_278 : i32
      "tpu.region"() ({
        %run_scoped3A = tpu.sem_alloc : memref<!tpu.dma_semaphore, #tpu.memory_space<semaphore_mem>>
        %dma_start3A_284 = tpu.memref_slice %arg3[%mul3A_279] : memref<500000xi32, #tpu.memory_space<hbm>> -> memref<400xi32, #tpu.memory_space<hbm>>
        %dma_start3A_285 = tpu.memref_slice %arg3[%mul3A_279] : memref<500000xi32, #tpu.memory_space<hbm>> -> memref<400xi32, #tpu.memory_space<hbm>>
        tpu.enqueue_dma source(%dma_start3A_285 : memref<400xi32, #tpu.memory_space<hbm>>) target(%arg5 : memref<400xi32, #tpu.memory_space<vmem>>) target_semaphore(%run_scoped3A : memref<!tpu.dma_semaphore, #tpu.memory_space<semaphore_mem>>)
        %dma_wait3A_286 = tpu.memref_slice %arg3[%mul3A_279] : memref<500000xi32, #tpu.memory_space<hbm>> -> memref<400xi32, #tpu.memory_space<hbm>>
        %dma_wait3A_287 = tpu.memref_slice %arg3[%mul3A_279] : memref<500000xi32, #tpu.memory_space<hbm>> -> memref<400xi32, #tpu.memory_space<hbm>>
        tpu.wait_dma2 semaphore(%run_scoped3A : memref<!tpu.dma_semaphore, #tpu.memory_space<semaphore_mem>>) src(%dma_wait3A_287 : memref<400xi32, #tpu.memory_space<hbm>>) dst(%arg5 : memref<400xi32, #tpu.memory_space<vmem>>)
        tpu.yield
      }) : () -> ()
      %dma_start3A = arith.constant 0 : i32
      %dma_start3A_280 = arith.constant 0 : i32
      %dma_start3A_281 = tpu.memref_slice %arg2[%dma_start3A, %dma_start3A_280] : memref<24016x128xf32, #tpu.memory_space<hbm>> -> memref<24016x128xf32, #tpu.memory_space<hbm>>
      tpu.enqueue_indirect_dma source(%dma_start3A_281 : memref<24016x128xf32, #tpu.memory_space<hbm>>) target(%arg6 : memref<400x128xf32, #tpu.memory_space<vmem>>) offsets(%arg5 : memref<400xi32, #tpu.memory_space<vmem>>) semaphore(%arg7 : memref<!tpu.dma_semaphore, #tpu.memory_space<semaphore_mem>>)
      %dma_wait3A = arith.constant 0 : i32
      %dma_wait3A_282 = arith.constant 0 : i32
      %dma_wait3A_283 = tpu.memref_slice %arg2[%dma_wait3A, %dma_wait3A_282] : memref<24016x128xf32, #tpu.memory_space<hbm>> -> memref<24016x128xf32, #tpu.memory_space<hbm>>
      tpu.wait_indirect_dma semaphore(%arg7 : memref<!tpu.dma_semaphore, #tpu.memory_space<semaphore_mem>>) src(%dma_wait3A_283 : memref<24016x128xf32, #tpu.memory_space<hbm>>) dst(%arg6 : memref<400x128xf32, #tpu.memory_space<vmem>>)
      "tpu.region"() ({
        %run_scoped3A = tpu.sem_alloc : memref<!tpu.dma_semaphore, #tpu.memory_space<semaphore_mem>>
        %dma_start3A_284 = arith.constant 0 : i32
        %dma_start3A_285 = tpu.memref_slice %arg4[%mul3A_279, %dma_start3A_284] : memref<500000x128xf32, #tpu.memory_space<hbm>> -> memref<400x128xf32, #tpu.memory_space<hbm>>
        %dma_start3A_286 = arith.constant 0 : i32
        %dma_start3A_287 = tpu.memref_slice %arg4[%mul3A_279, %dma_start3A_286] : memref<500000x128xf32, #tpu.memory_space<hbm>> -> memref<400x128xf32, #tpu.memory_space<hbm>>
        tpu.enqueue_dma source(%arg6 : memref<400x128xf32, #tpu.memory_space<vmem>>) target(%dma_start3A_287 : memref<400x128xf32, #tpu.memory_space<hbm>>) target_semaphore(%run_scoped3A : memref<!tpu.dma_semaphore, #tpu.memory_space<semaphore_mem>>)
        %dma_wait3A_288 = arith.constant 0 : i32
        %dma_wait3A_289 = tpu.memref_slice %arg4[%mul3A_279, %dma_wait3A_288] : memref<500000x128xf32, #tpu.memory_space<hbm>> -> memref<400x128xf32, #tpu.memory_space<hbm>>
        %dma_wait3A_290 = arith.constant 0 : i32
        %dma_wait3A_291 = tpu.memref_slice %arg4[%mul3A_279, %dma_wait3A_290] : memref<500000x128xf32, #tpu.memory_space<hbm>> -> memref<400x128xf32, #tpu.memory_space<hbm>>
        tpu.wait_dma2 semaphore(%run_scoped3A : memref<!tpu.dma_semaphore, #tpu.memory_space<semaphore_mem>>) src(%arg6 : memref<400x128xf32, #tpu.memory_space<vmem>>) dst(%dma_wait3A_291 : memref<400x128xf32, #tpu.memory_space<hbm>>)
        tpu.yield
      }) : () -> ()
    } else {
    }
    %add3A_33 = arith.constant 160 : i32
    %add3A_34 = arith.addi %add3A_33, %add3A : i32
    %lt3A_35 = arith.constant 1250 : i32
    %lt3A_36 = arith.cmpi slt, %add3A_34, %lt3A_35 : i32
    %convert_element_type3A_37 = arith.extui %lt3A_36 : i1 to i32
    %cond3A_38 = arith.constant 0 : i32
    %cond3A_39 = arith.cmpi ne, %convert_element_type3A_37, %cond3A_38 : i32
    scf.if %cond3A_39 {
      %mul3A_278 = arith.constant 400 : i32
      %mul3A_279 = arith.muli %add3A_34, %mul3A_278 : i32
      "tpu.region"() ({
        %run_scoped3A = tpu.sem_alloc : memref<!tpu.dma_semaphore, #tpu.memory_space<semaphore_mem>>
        %dma_start3A_284 = tpu.memref_slice %arg3[%mul3A_279] : memref<500000xi32, #tpu.memory_space<hbm>> -> memref<400xi32, #tpu.memory_space<hbm>>
        %dma_start3A_285 = tpu.memref_slice %arg3[%mul3A_279] : memref<500000xi32, #tpu.memory_space<hbm>> -> memref<400xi32, #tpu.memory_space<hbm>>
        tpu.enqueue_dma source(%dma_start3A_285 : memref<400xi32, #tpu.memory_space<hbm>>) target(%arg5 : memref<400xi32, #tpu.memory_space<vmem>>) target_semaphore(%run_scoped3A : memref<!tpu.dma_semaphore, #tpu.memory_space<semaphore_mem>>)
        %dma_wait3A_286 = tpu.memref_slice %arg3[%mul3A_279] : memref<500000xi32, #tpu.memory_space<hbm>> -> memref<400xi32, #tpu.memory_space<hbm>>
        %dma_wait3A_287 = tpu.memref_slice %arg3[%mul3A_279] : memref<500000xi32, #tpu.memory_space<hbm>> -> memref<400xi32, #tpu.memory_space<hbm>>
        tpu.wait_dma2 semaphore(%run_scoped3A : memref<!tpu.dma_semaphore, #tpu.memory_space<semaphore_mem>>) src(%dma_wait3A_287 : memref<400xi32, #tpu.memory_space<hbm>>) dst(%arg5 : memref<400xi32, #tpu.memory_space<vmem>>)
        tpu.yield
      }) : () -> ()
      %dma_start3A = arith.constant 0 : i32
      %dma_start3A_280 = arith.constant 0 : i32
      %dma_start3A_281 = tpu.memref_slice %arg2[%dma_start3A, %dma_start3A_280] : memref<24016x128xf32, #tpu.memory_space<hbm>> -> memref<24016x128xf32, #tpu.memory_space<hbm>>
      tpu.enqueue_indirect_dma source(%dma_start3A_281 : memref<24016x128xf32, #tpu.memory_space<hbm>>) target(%arg6 : memref<400x128xf32, #tpu.memory_space<vmem>>) offsets(%arg5 : memref<400xi32, #tpu.memory_space<vmem>>) semaphore(%arg7 : memref<!tpu.dma_semaphore, #tpu.memory_space<semaphore_mem>>)
      %dma_wait3A = arith.constant 0 : i32
      %dma_wait3A_282 = arith.constant 0 : i32
      %dma_wait3A_283 = tpu.memref_slice %arg2[%dma_wait3A, %dma_wait3A_282] : memref<24016x128xf32, #tpu.memory_space<hbm>> -> memref<24016x128xf32, #tpu.memory_space<hbm>>
      tpu.wait_indirect_dma semaphore(%arg7 : memref<!tpu.dma_semaphore, #tpu.memory_space<semaphore_mem>>) src(%dma_wait3A_283 : memref<24016x128xf32, #tpu.memory_space<hbm>>) dst(%arg6 : memref<400x128xf32, #tpu.memory_space<vmem>>)
      "tpu.region"() ({
        %run_scoped3A = tpu.sem_alloc : memref<!tpu.dma_semaphore, #tpu.memory_space<semaphore_mem>>
        %dma_start3A_284 = arith.constant 0 : i32
        %dma_start3A_285 = tpu.memref_slice %arg4[%mul3A_279, %dma_start3A_284] : memref<500000x128xf32, #tpu.memory_space<hbm>> -> memref<400x128xf32, #tpu.memory_space<hbm>>
        %dma_start3A_286 = arith.constant 0 : i32
        %dma_start3A_287 = tpu.memref_slice %arg4[%mul3A_279, %dma_start3A_286] : memref<500000x128xf32, #tpu.memory_space<hbm>> -> memref<400x128xf32, #tpu.memory_space<hbm>>
        tpu.enqueue_dma source(%arg6 : memref<400x128xf32, #tpu.memory_space<vmem>>) target(%dma_start3A_287 : memref<400x128xf32, #tpu.memory_space<hbm>>) target_semaphore(%run_scoped3A : memref<!tpu.dma_semaphore, #tpu.memory_space<semaphore_mem>>)
        %dma_wait3A_288 = arith.constant 0 : i32
        %dma_wait3A_289 = tpu.memref_slice %arg4[%mul3A_279, %dma_wait3A_288] : memref<500000x128xf32, #tpu.memory_space<hbm>> -> memref<400x128xf32, #tpu.memory_space<hbm>>
        %dma_wait3A_290 = arith.constant 0 : i32
        %dma_wait3A_291 = tpu.memref_slice %arg4[%mul3A_279, %dma_wait3A_290] : memref<500000x128xf32, #tpu.memory_space<hbm>> -> memref<400x128xf32, #tpu.memory_space<hbm>>
        tpu.wait_dma2 semaphore(%run_scoped3A : memref<!tpu.dma_semaphore, #tpu.memory_space<semaphore_mem>>) src(%arg6 : memref<400x128xf32, #tpu.memory_space<vmem>>) dst(%dma_wait3A_291 : memref<400x128xf32, #tpu.memory_space<hbm>>)
        tpu.yield
      }) : () -> ()
    } else {
    }
    %add3A_40 = arith.constant 192 : i32
    %add3A_41 = arith.addi %add3A_40, %add3A : i32
    %lt3A_42 = arith.constant 1250 : i32
    %lt3A_43 = arith.cmpi slt, %add3A_41, %lt3A_42 : i32
    %convert_element_type3A_44 = arith.extui %lt3A_43 : i1 to i32
    %cond3A_45 = arith.constant 0 : i32
    %cond3A_46 = arith.cmpi ne, %convert_element_type3A_44, %cond3A_45 : i32
    scf.if %cond3A_46 {
      %mul3A_278 = arith.constant 400 : i32
      %mul3A_279 = arith.muli %add3A_41, %mul3A_278 : i32
      "tpu.region"() ({
        %run_scoped3A = tpu.sem_alloc : memref<!tpu.dma_semaphore, #tpu.memory_space<semaphore_mem>>
        %dma_start3A_284 = tpu.memref_slice %arg3[%mul3A_279] : memref<500000xi32, #tpu.memory_space<hbm>> -> memref<400xi32, #tpu.memory_space<hbm>>
        %dma_start3A_285 = tpu.memref_slice %arg3[%mul3A_279] : memref<500000xi32, #tpu.memory_space<hbm>> -> memref<400xi32, #tpu.memory_space<hbm>>
        tpu.enqueue_dma source(%dma_start3A_285 : memref<400xi32, #tpu.memory_space<hbm>>) target(%arg5 : memref<400xi32, #tpu.memory_space<vmem>>) target_semaphore(%run_scoped3A : memref<!tpu.dma_semaphore, #tpu.memory_space<semaphore_mem>>)
        %dma_wait3A_286 = tpu.memref_slice %arg3[%mul3A_279] : memref<500000xi32, #tpu.memory_space<hbm>> -> memref<400xi32, #tpu.memory_space<hbm>>
        %dma_wait3A_287 = tpu.memref_slice %arg3[%mul3A_279] : memref<500000xi32, #tpu.memory_space<hbm>> -> memref<400xi32, #tpu.memory_space<hbm>>
        tpu.wait_dma2 semaphore(%run_scoped3A : memref<!tpu.dma_semaphore, #tpu.memory_space<semaphore_mem>>) src(%dma_wait3A_287 : memref<400xi32, #tpu.memory_space<hbm>>) dst(%arg5 : memref<400xi32, #tpu.memory_space<vmem>>)
        tpu.yield
      }) : () -> ()
      %dma_start3A = arith.constant 0 : i32
      %dma_start3A_280 = arith.constant 0 : i32
      %dma_start3A_281 = tpu.memref_slice %arg2[%dma_start3A, %dma_start3A_280] : memref<24016x128xf32, #tpu.memory_space<hbm>> -> memref<24016x128xf32, #tpu.memory_space<hbm>>
      tpu.enqueue_indirect_dma source(%dma_start3A_281 : memref<24016x128xf32, #tpu.memory_space<hbm>>) target(%arg6 : memref<400x128xf32, #tpu.memory_space<vmem>>) offsets(%arg5 : memref<400xi32, #tpu.memory_space<vmem>>) semaphore(%arg7 : memref<!tpu.dma_semaphore, #tpu.memory_space<semaphore_mem>>)
      %dma_wait3A = arith.constant 0 : i32
      %dma_wait3A_282 = arith.constant 0 : i32
      %dma_wait3A_283 = tpu.memref_slice %arg2[%dma_wait3A, %dma_wait3A_282] : memref<24016x128xf32, #tpu.memory_space<hbm>> -> memref<24016x128xf32, #tpu.memory_space<hbm>>
      tpu.wait_indirect_dma semaphore(%arg7 : memref<!tpu.dma_semaphore, #tpu.memory_space<semaphore_mem>>) src(%dma_wait3A_283 : memref<24016x128xf32, #tpu.memory_space<hbm>>) dst(%arg6 : memref<400x128xf32, #tpu.memory_space<vmem>>)
      "tpu.region"() ({
        %run_scoped3A = tpu.sem_alloc : memref<!tpu.dma_semaphore, #tpu.memory_space<semaphore_mem>>
        %dma_start3A_284 = arith.constant 0 : i32
        %dma_start3A_285 = tpu.memref_slice %arg4[%mul3A_279, %dma_start3A_284] : memref<500000x128xf32, #tpu.memory_space<hbm>> -> memref<400x128xf32, #tpu.memory_space<hbm>>
        %dma_start3A_286 = arith.constant 0 : i32
        %dma_start3A_287 = tpu.memref_slice %arg4[%mul3A_279, %dma_start3A_286] : memref<500000x128xf32, #tpu.memory_space<hbm>> -> memref<400x128xf32, #tpu.memory_space<hbm>>
        tpu.enqueue_dma source(%arg6 : memref<400x128xf32, #tpu.memory_space<vmem>>) target(%dma_start3A_287 : memref<400x128xf32, #tpu.memory_space<hbm>>) target_semaphore(%run_scoped3A : memref<!tpu.dma_semaphore, #tpu.memory_space<semaphore_mem>>)
        %dma_wait3A_288 = arith.constant 0 : i32
        %dma_wait3A_289 = tpu.memref_slice %arg4[%mul3A_279, %dma_wait3A_288] : memref<500000x128xf32, #tpu.memory_space<hbm>> -> memref<400x128xf32, #tpu.memory_space<hbm>>
        %dma_wait3A_290 = arith.constant 0 : i32
        %dma_wait3A_291 = tpu.memref_slice %arg4[%mul3A_279, %dma_wait3A_290] : memref<500000x128xf32, #tpu.memory_space<hbm>> -> memref<400x128xf32, #tpu.memory_space<hbm>>
        tpu.wait_dma2 semaphore(%run_scoped3A : memref<!tpu.dma_semaphore, #tpu.memory_space<semaphore_mem>>) src(%arg6 : memref<400x128xf32, #tpu.memory_space<vmem>>) dst(%dma_wait3A_291 : memref<400x128xf32, #tpu.memory_space<hbm>>)
        tpu.yield
      }) : () -> ()
    } else {
    }
    %add3A_47 = arith.constant 224 : i32
    %add3A_48 = arith.addi %add3A_47, %add3A : i32
    %lt3A_49 = arith.constant 1250 : i32
    %lt3A_50 = arith.cmpi slt, %add3A_48, %lt3A_49 : i32
    %convert_element_type3A_51 = arith.extui %lt3A_50 : i1 to i32
    %cond3A_52 = arith.constant 0 : i32
    %cond3A_53 = arith.cmpi ne, %convert_element_type3A_51, %cond3A_52 : i32
    scf.if %cond3A_53 {
      %mul3A_278 = arith.constant 400 : i32
      %mul3A_279 = arith.muli %add3A_48, %mul3A_278 : i32
      "tpu.region"() ({
        %run_scoped3A = tpu.sem_alloc : memref<!tpu.dma_semaphore, #tpu.memory_space<semaphore_mem>>
        %dma_start3A_284 = tpu.memref_slice %arg3[%mul3A_279] : memref<500000xi32, #tpu.memory_space<hbm>> -> memref<400xi32, #tpu.memory_space<hbm>>
        %dma_start3A_285 = tpu.memref_slice %arg3[%mul3A_279] : memref<500000xi32, #tpu.memory_space<hbm>> -> memref<400xi32, #tpu.memory_space<hbm>>
        tpu.enqueue_dma source(%dma_start3A_285 : memref<400xi32, #tpu.memory_space<hbm>>) target(%arg5 : memref<400xi32, #tpu.memory_space<vmem>>) target_semaphore(%run_scoped3A : memref<!tpu.dma_semaphore, #tpu.memory_space<semaphore_mem>>)
        %dma_wait3A_286 = tpu.memref_slice %arg3[%mul3A_279] : memref<500000xi32, #tpu.memory_space<hbm>> -> memref<400xi32, #tpu.memory_space<hbm>>
        %dma_wait3A_287 = tpu.memref_slice %arg3[%mul3A_279] : memref<500000xi32, #tpu.memory_space<hbm>> -> memref<400xi32, #tpu.memory_space<hbm>>
        tpu.wait_dma2 semaphore(%run_scoped3A : memref<!tpu.dma_semaphore, #tpu.memory_space<semaphore_mem>>) src(%dma_wait3A_287 : memref<400xi32, #tpu.memory_space<hbm>>) dst(%arg5 : memref<400xi32, #tpu.memory_space<vmem>>)
        tpu.yield
      }) : () -> ()
      %dma_start3A = arith.constant 0 : i32
      %dma_start3A_280 = arith.constant 0 : i32
      %dma_start3A_281 = tpu.memref_slice %arg2[%dma_start3A, %dma_start3A_280] : memref<24016x128xf32, #tpu.memory_space<hbm>> -> memref<24016x128xf32, #tpu.memory_space<hbm>>
      tpu.enqueue_indirect_dma source(%dma_start3A_281 : memref<24016x128xf32, #tpu.memory_space<hbm>>) target(%arg6 : memref<400x128xf32, #tpu.memory_space<vmem>>) offsets(%arg5 : memref<400xi32, #tpu.memory_space<vmem>>) semaphore(%arg7 : memref<!tpu.dma_semaphore, #tpu.memory_space<semaphore_mem>>)
      %dma_wait3A = arith.constant 0 : i32
      %dma_wait3A_282 = arith.constant 0 : i32
      %dma_wait3A_283 = tpu.memref_slice %arg2[%dma_wait3A, %dma_wait3A_282] : memref<24016x128xf32, #tpu.memory_space<hbm>> -> memref<24016x128xf32, #tpu.memory_space<hbm>>
      tpu.wait_indirect_dma semaphore(%arg7 : memref<!tpu.dma_semaphore, #tpu.memory_space<semaphore_mem>>) src(%dma_wait3A_283 : memref<24016x128xf32, #tpu.memory_space<hbm>>) dst(%arg6 : memref<400x128xf32, #tpu.memory_space<vmem>>)
      "tpu.region"() ({
        %run_scoped3A = tpu.sem_alloc : memref<!tpu.dma_semaphore, #tpu.memory_space<semaphore_mem>>
        %dma_start3A_284 = arith.constant 0 : i32
        %dma_start3A_285 = tpu.memref_slice %arg4[%mul3A_279, %dma_start3A_284] : memref<500000x128xf32, #tpu.memory_space<hbm>> -> memref<400x128xf32, #tpu.memory_space<hbm>>
        %dma_start3A_286 = arith.constant 0 : i32
        %dma_start3A_287 = tpu.memref_slice %arg4[%mul3A_279, %dma_start3A_286] : memref<500000x128xf32, #tpu.memory_space<hbm>> -> memref<400x128xf32, #tpu.memory_space<hbm>>
        tpu.enqueue_dma source(%arg6 : memref<400x128xf32, #tpu.memory_space<vmem>>) target(%dma_start3A_287 : memref<400x128xf32, #tpu.memory_space<hbm>>) target_semaphore(%run_scoped3A : memref<!tpu.dma_semaphore, #tpu.memory_space<semaphore_mem>>)
        %dma_wait3A_288 = arith.constant 0 : i32
        %dma_wait3A_289 = tpu.memref_slice %arg4[%mul3A_279, %dma_wait3A_288] : memref<500000x128xf32, #tpu.memory_space<hbm>> -> memref<400x128xf32, #tpu.memory_space<hbm>>
        %dma_wait3A_290 = arith.constant 0 : i32
        %dma_wait3A_291 = tpu.memref_slice %arg4[%mul3A_279, %dma_wait3A_290] : memref<500000x128xf32, #tpu.memory_space<hbm>> -> memref<400x128xf32, #tpu.memory_space<hbm>>
        tpu.wait_dma2 semaphore(%run_scoped3A : memref<!tpu.dma_semaphore, #tpu.memory_space<semaphore_mem>>) src(%arg6 : memref<400x128xf32, #tpu.memory_space<vmem>>) dst(%dma_wait3A_291 : memref<400x128xf32, #tpu.memory_space<hbm>>)
        tpu.yield
      }) : () -> ()
    } else {
    }
    %add3A_54 = arith.constant 256 : i32
    %add3A_55 = arith.addi %add3A_54, %add3A : i32
    %lt3A_56 = arith.constant 1250 : i32
    %lt3A_57 = arith.cmpi slt, %add3A_55, %lt3A_56 : i32
    %convert_element_type3A_58 = arith.extui %lt3A_57 : i1 to i32
    %cond3A_59 = arith.constant 0 : i32
    %cond3A_60 = arith.cmpi ne, %convert_element_type3A_58, %cond3A_59 : i32
    scf.if %cond3A_60 {
      %mul3A_278 = arith.constant 400 : i32
      %mul3A_279 = arith.muli %add3A_55, %mul3A_278 : i32
      "tpu.region"() ({
        %run_scoped3A = tpu.sem_alloc : memref<!tpu.dma_semaphore, #tpu.memory_space<semaphore_mem>>
        %dma_start3A_284 = tpu.memref_slice %arg3[%mul3A_279] : memref<500000xi32, #tpu.memory_space<hbm>> -> memref<400xi32, #tpu.memory_space<hbm>>
        %dma_start3A_285 = tpu.memref_slice %arg3[%mul3A_279] : memref<500000xi32, #tpu.memory_space<hbm>> -> memref<400xi32, #tpu.memory_space<hbm>>
        tpu.enqueue_dma source(%dma_start3A_285 : memref<400xi32, #tpu.memory_space<hbm>>) target(%arg5 : memref<400xi32, #tpu.memory_space<vmem>>) target_semaphore(%run_scoped3A : memref<!tpu.dma_semaphore, #tpu.memory_space<semaphore_mem>>)
        %dma_wait3A_286 = tpu.memref_slice %arg3[%mul3A_279] : memref<500000xi32, #tpu.memory_space<hbm>> -> memref<400xi32, #tpu.memory_space<hbm>>
        %dma_wait3A_287 = tpu.memref_slice %arg3[%mul3A_279] : memref<500000xi32, #tpu.memory_space<hbm>> -> memref<400xi32, #tpu.memory_space<hbm>>
        tpu.wait_dma2 semaphore(%run_scoped3A : memref<!tpu.dma_semaphore, #tpu.memory_space<semaphore_mem>>) src(%dma_wait3A_287 : memref<400xi32, #tpu.memory_space<hbm>>) dst(%arg5 : memref<400xi32, #tpu.memory_space<vmem>>)
        tpu.yield
      }) : () -> ()
      %dma_start3A = arith.constant 0 : i32
      %dma_start3A_280 = arith.constant 0 : i32
      %dma_start3A_281 = tpu.memref_slice %arg2[%dma_start3A, %dma_start3A_280] : memref<24016x128xf32, #tpu.memory_space<hbm>> -> memref<24016x128xf32, #tpu.memory_space<hbm>>
      tpu.enqueue_indirect_dma source(%dma_start3A_281 : memref<24016x128xf32, #tpu.memory_space<hbm>>) target(%arg6 : memref<400x128xf32, #tpu.memory_space<vmem>>) offsets(%arg5 : memref<400xi32, #tpu.memory_space<vmem>>) semaphore(%arg7 : memref<!tpu.dma_semaphore, #tpu.memory_space<semaphore_mem>>)
      %dma_wait3A = arith.constant 0 : i32
      %dma_wait3A_282 = arith.constant 0 : i32
      %dma_wait3A_283 = tpu.memref_slice %arg2[%dma_wait3A, %dma_wait3A_282] : memref<24016x128xf32, #tpu.memory_space<hbm>> -> memref<24016x128xf32, #tpu.memory_space<hbm>>
      tpu.wait_indirect_dma semaphore(%arg7 : memref<!tpu.dma_semaphore, #tpu.memory_space<semaphore_mem>>) src(%dma_wait3A_283 : memref<24016x128xf32, #tpu.memory_space<hbm>>) dst(%arg6 : memref<400x128xf32, #tpu.memory_space<vmem>>)
      "tpu.region"() ({
        %run_scoped3A = tpu.sem_alloc : memref<!tpu.dma_semaphore, #tpu.memory_space<semaphore_mem>>
        %dma_start3A_284 = arith.constant 0 : i32
        %dma_start3A_285 = tpu.memref_slice %arg4[%mul3A_279, %dma_start3A_284] : memref<500000x128xf32, #tpu.memory_space<hbm>> -> memref<400x128xf32, #tpu.memory_space<hbm>>
        %dma_start3A_286 = arith.constant 0 : i32
        %dma_start3A_287 = tpu.memref_slice %arg4[%mul3A_279, %dma_start3A_286] : memref<500000x128xf32, #tpu.memory_space<hbm>> -> memref<400x128xf32, #tpu.memory_space<hbm>>
        tpu.enqueue_dma source(%arg6 : memref<400x128xf32, #tpu.memory_space<vmem>>) target(%dma_start3A_287 : memref<400x128xf32, #tpu.memory_space<hbm>>) target_semaphore(%run_scoped3A : memref<!tpu.dma_semaphore, #tpu.memory_space<semaphore_mem>>)
        %dma_wait3A_288 = arith.constant 0 : i32
        %dma_wait3A_289 = tpu.memref_slice %arg4[%mul3A_279, %dma_wait3A_288] : memref<500000x128xf32, #tpu.memory_space<hbm>> -> memref<400x128xf32, #tpu.memory_space<hbm>>
        %dma_wait3A_290 = arith.constant 0 : i32
        %dma_wait3A_291 = tpu.memref_slice %arg4[%mul3A_279, %dma_wait3A_290] : memref<500000x128xf32, #tpu.memory_space<hbm>> -> memref<400x128xf32, #tpu.memory_space<hbm>>
        tpu.wait_dma2 semaphore(%run_scoped3A : memref<!tpu.dma_semaphore, #tpu.memory_space<semaphore_mem>>) src(%arg6 : memref<400x128xf32, #tpu.memory_space<vmem>>) dst(%dma_wait3A_291 : memref<400x128xf32, #tpu.memory_space<hbm>>)
        tpu.yield
      }) : () -> ()
    } else {
    }
    %add3A_61 = arith.constant 288 : i32
    %add3A_62 = arith.addi %add3A_61, %add3A : i32
    %lt3A_63 = arith.constant 1250 : i32
    %lt3A_64 = arith.cmpi slt, %add3A_62, %lt3A_63 : i32
    %convert_element_type3A_65 = arith.extui %lt3A_64 : i1 to i32
    %cond3A_66 = arith.constant 0 : i32
    %cond3A_67 = arith.cmpi ne, %convert_element_type3A_65, %cond3A_66 : i32
    scf.if %cond3A_67 {
      %mul3A_278 = arith.constant 400 : i32
      %mul3A_279 = arith.muli %add3A_62, %mul3A_278 : i32
      "tpu.region"() ({
        %run_scoped3A = tpu.sem_alloc : memref<!tpu.dma_semaphore, #tpu.memory_space<semaphore_mem>>
        %dma_start3A_284 = tpu.memref_slice %arg3[%mul3A_279] : memref<500000xi32, #tpu.memory_space<hbm>> -> memref<400xi32, #tpu.memory_space<hbm>>
        %dma_start3A_285 = tpu.memref_slice %arg3[%mul3A_279] : memref<500000xi32, #tpu.memory_space<hbm>> -> memref<400xi32, #tpu.memory_space<hbm>>
        tpu.enqueue_dma source(%dma_start3A_285 : memref<400xi32, #tpu.memory_space<hbm>>) target(%arg5 : memref<400xi32, #tpu.memory_space<vmem>>) target_semaphore(%run_scoped3A : memref<!tpu.dma_semaphore, #tpu.memory_space<semaphore_mem>>)
        %dma_wait3A_286 = tpu.memref_slice %arg3[%mul3A_279] : memref<500000xi32, #tpu.memory_space<hbm>> -> memref<400xi32, #tpu.memory_space<hbm>>
        %dma_wait3A_287 = tpu.memref_slice %arg3[%mul3A_279] : memref<500000xi32, #tpu.memory_space<hbm>> -> memref<400xi32, #tpu.memory_space<hbm>>
        tpu.wait_dma2 semaphore(%run_scoped3A : memref<!tpu.dma_semaphore, #tpu.memory_space<semaphore_mem>>) src(%dma_wait3A_287 : memref<400xi32, #tpu.memory_space<hbm>>) dst(%arg5 : memref<400xi32, #tpu.memory_space<vmem>>)
        tpu.yield
      }) : () -> ()
      %dma_start3A = arith.constant 0 : i32
      %dma_start3A_280 = arith.constant 0 : i32
      %dma_start3A_281 = tpu.memref_slice %arg2[%dma_start3A, %dma_start3A_280] : memref<24016x128xf32, #tpu.memory_space<hbm>> -> memref<24016x128xf32, #tpu.memory_space<hbm>>
      tpu.enqueue_indirect_dma source(%dma_start3A_281 : memref<24016x128xf32, #tpu.memory_space<hbm>>) target(%arg6 : memref<400x128xf32, #tpu.memory_space<vmem>>) offsets(%arg5 : memref<400xi32, #tpu.memory_space<vmem>>) semaphore(%arg7 : memref<!tpu.dma_semaphore, #tpu.memory_space<semaphore_mem>>)
      %dma_wait3A = arith.constant 0 : i32
      %dma_wait3A_282 = arith.constant 0 : i32
      %dma_wait3A_283 = tpu.memref_slice %arg2[%dma_wait3A, %dma_wait3A_282] : memref<24016x128xf32, #tpu.memory_space<hbm>> -> memref<24016x128xf32, #tpu.memory_space<hbm>>
      tpu.wait_indirect_dma semaphore(%arg7 : memref<!tpu.dma_semaphore, #tpu.memory_space<semaphore_mem>>) src(%dma_wait3A_283 : memref<24016x128xf32, #tpu.memory_space<hbm>>) dst(%arg6 : memref<400x128xf32, #tpu.memory_space<vmem>>)
      "tpu.region"() ({
        %run_scoped3A = tpu.sem_alloc : memref<!tpu.dma_semaphore, #tpu.memory_space<semaphore_mem>>
        %dma_start3A_284 = arith.constant 0 : i32
        %dma_start3A_285 = tpu.memref_slice %arg4[%mul3A_279, %dma_start3A_284] : memref<500000x128xf32, #tpu.memory_space<hbm>> -> memref<400x128xf32, #tpu.memory_space<hbm>>
        %dma_start3A_286 = arith.constant 0 : i32
        %dma_start3A_287 = tpu.memref_slice %arg4[%mul3A_279, %dma_start3A_286] : memref<500000x128xf32, #tpu.memory_space<hbm>> -> memref<400x128xf32, #tpu.memory_space<hbm>>
        tpu.enqueue_dma source(%arg6 : memref<400x128xf32, #tpu.memory_space<vmem>>) target(%dma_start3A_287 : memref<400x128xf32, #tpu.memory_space<hbm>>) target_semaphore(%run_scoped3A : memref<!tpu.dma_semaphore, #tpu.memory_space<semaphore_mem>>)
        %dma_wait3A_288 = arith.constant 0 : i32
        %dma_wait3A_289 = tpu.memref_slice %arg4[%mul3A_279, %dma_wait3A_288] : memref<500000x128xf32, #tpu.memory_space<hbm>> -> memref<400x128xf32, #tpu.memory_space<hbm>>
        %dma_wait3A_290 = arith.constant 0 : i32
        %dma_wait3A_291 = tpu.memref_slice %arg4[%mul3A_279, %dma_wait3A_290] : memref<500000x128xf32, #tpu.memory_space<hbm>> -> memref<400x128xf32, #tpu.memory_space<hbm>>
        tpu.wait_dma2 semaphore(%run_scoped3A : memref<!tpu.dma_semaphore, #tpu.memory_space<semaphore_mem>>) src(%arg6 : memref<400x128xf32, #tpu.memory_space<vmem>>) dst(%dma_wait3A_291 : memref<400x128xf32, #tpu.memory_space<hbm>>)
        tpu.yield
      }) : () -> ()
    } else {
    }
    %add3A_68 = arith.constant 320 : i32
    %add3A_69 = arith.addi %add3A_68, %add3A : i32
    %lt3A_70 = arith.constant 1250 : i32
    %lt3A_71 = arith.cmpi slt, %add3A_69, %lt3A_70 : i32
    %convert_element_type3A_72 = arith.extui %lt3A_71 : i1 to i32
    %cond3A_73 = arith.constant 0 : i32
    %cond3A_74 = arith.cmpi ne, %convert_element_type3A_72, %cond3A_73 : i32
    scf.if %cond3A_74 {
      %mul3A_278 = arith.constant 400 : i32
      %mul3A_279 = arith.muli %add3A_69, %mul3A_278 : i32
      "tpu.region"() ({
        %run_scoped3A = tpu.sem_alloc : memref<!tpu.dma_semaphore, #tpu.memory_space<semaphore_mem>>
        %dma_start3A_284 = tpu.memref_slice %arg3[%mul3A_279] : memref<500000xi32, #tpu.memory_space<hbm>> -> memref<400xi32, #tpu.memory_space<hbm>>
        %dma_start3A_285 = tpu.memref_slice %arg3[%mul3A_279] : memref<500000xi32, #tpu.memory_space<hbm>> -> memref<400xi32, #tpu.memory_space<hbm>>
        tpu.enqueue_dma source(%dma_start3A_285 : memref<400xi32, #tpu.memory_space<hbm>>) target(%arg5 : memref<400xi32, #tpu.memory_space<vmem>>) target_semaphore(%run_scoped3A : memref<!tpu.dma_semaphore, #tpu.memory_space<semaphore_mem>>)
        %dma_wait3A_286 = tpu.memref_slice %arg3[%mul3A_279] : memref<500000xi32, #tpu.memory_space<hbm>> -> memref<400xi32, #tpu.memory_space<hbm>>
        %dma_wait3A_287 = tpu.memref_slice %arg3[%mul3A_279] : memref<500000xi32, #tpu.memory_space<hbm>> -> memref<400xi32, #tpu.memory_space<hbm>>
        tpu.wait_dma2 semaphore(%run_scoped3A : memref<!tpu.dma_semaphore, #tpu.memory_space<semaphore_mem>>) src(%dma_wait3A_287 : memref<400xi32, #tpu.memory_space<hbm>>) dst(%arg5 : memref<400xi32, #tpu.memory_space<vmem>>)
        tpu.yield
      }) : () -> ()
      %dma_start3A = arith.constant 0 : i32
      %dma_start3A_280 = arith.constant 0 : i32
      %dma_start3A_281 = tpu.memref_slice %arg2[%dma_start3A, %dma_start3A_280] : memref<24016x128xf32, #tpu.memory_space<hbm>> -> memref<24016x128xf32, #tpu.memory_space<hbm>>
      tpu.enqueue_indirect_dma source(%dma_start3A_281 : memref<24016x128xf32, #tpu.memory_space<hbm>>) target(%arg6 : memref<400x128xf32, #tpu.memory_space<vmem>>) offsets(%arg5 : memref<400xi32, #tpu.memory_space<vmem>>) semaphore(%arg7 : memref<!tpu.dma_semaphore, #tpu.memory_space<semaphore_mem>>)
      %dma_wait3A = arith.constant 0 : i32
      %dma_wait3A_282 = arith.constant 0 : i32
      %dma_wait3A_283 = tpu.memref_slice %arg2[%dma_wait3A, %dma_wait3A_282] : memref<24016x128xf32, #tpu.memory_space<hbm>> -> memref<24016x128xf32, #tpu.memory_space<hbm>>
      tpu.wait_indirect_dma semaphore(%arg7 : memref<!tpu.dma_semaphore, #tpu.memory_space<semaphore_mem>>) src(%dma_wait3A_283 : memref<24016x128xf32, #tpu.memory_space<hbm>>) dst(%arg6 : memref<400x128xf32, #tpu.memory_space<vmem>>)
      "tpu.region"() ({
        %run_scoped3A = tpu.sem_alloc : memref<!tpu.dma_semaphore, #tpu.memory_space<semaphore_mem>>
        %dma_start3A_284 = arith.constant 0 : i32
        %dma_start3A_285 = tpu.memref_slice %arg4[%mul3A_279, %dma_start3A_284] : memref<500000x128xf32, #tpu.memory_space<hbm>> -> memref<400x128xf32, #tpu.memory_space<hbm>>
        %dma_start3A_286 = arith.constant 0 : i32
        %dma_start3A_287 = tpu.memref_slice %arg4[%mul3A_279, %dma_start3A_286] : memref<500000x128xf32, #tpu.memory_space<hbm>> -> memref<400x128xf32, #tpu.memory_space<hbm>>
        tpu.enqueue_dma source(%arg6 : memref<400x128xf32, #tpu.memory_space<vmem>>) target(%dma_start3A_287 : memref<400x128xf32, #tpu.memory_space<hbm>>) target_semaphore(%run_scoped3A : memref<!tpu.dma_semaphore, #tpu.memory_space<semaphore_mem>>)
        %dma_wait3A_288 = arith.constant 0 : i32
        %dma_wait3A_289 = tpu.memref_slice %arg4[%mul3A_279, %dma_wait3A_288] : memref<500000x128xf32, #tpu.memory_space<hbm>> -> memref<400x128xf32, #tpu.memory_space<hbm>>
        %dma_wait3A_290 = arith.constant 0 : i32
        %dma_wait3A_291 = tpu.memref_slice %arg4[%mul3A_279, %dma_wait3A_290] : memref<500000x128xf32, #tpu.memory_space<hbm>> -> memref<400x128xf32, #tpu.memory_space<hbm>>
        tpu.wait_dma2 semaphore(%run_scoped3A : memref<!tpu.dma_semaphore, #tpu.memory_space<semaphore_mem>>) src(%arg6 : memref<400x128xf32, #tpu.memory_space<vmem>>) dst(%dma_wait3A_291 : memref<400x128xf32, #tpu.memory_space<hbm>>)
        tpu.yield
      }) : () -> ()
    } else {
    }
    %add3A_75 = arith.constant 352 : i32
    %add3A_76 = arith.addi %add3A_75, %add3A : i32
    %lt3A_77 = arith.constant 1250 : i32
    %lt3A_78 = arith.cmpi slt, %add3A_76, %lt3A_77 : i32
    %convert_element_type3A_79 = arith.extui %lt3A_78 : i1 to i32
    %cond3A_80 = arith.constant 0 : i32
    %cond3A_81 = arith.cmpi ne, %convert_element_type3A_79, %cond3A_80 : i32
    scf.if %cond3A_81 {
      %mul3A_278 = arith.constant 400 : i32
      %mul3A_279 = arith.muli %add3A_76, %mul3A_278 : i32
      "tpu.region"() ({
        %run_scoped3A = tpu.sem_alloc : memref<!tpu.dma_semaphore, #tpu.memory_space<semaphore_mem>>
        %dma_start3A_284 = tpu.memref_slice %arg3[%mul3A_279] : memref<500000xi32, #tpu.memory_space<hbm>> -> memref<400xi32, #tpu.memory_space<hbm>>
        %dma_start3A_285 = tpu.memref_slice %arg3[%mul3A_279] : memref<500000xi32, #tpu.memory_space<hbm>> -> memref<400xi32, #tpu.memory_space<hbm>>
        tpu.enqueue_dma source(%dma_start3A_285 : memref<400xi32, #tpu.memory_space<hbm>>) target(%arg5 : memref<400xi32, #tpu.memory_space<vmem>>) target_semaphore(%run_scoped3A : memref<!tpu.dma_semaphore, #tpu.memory_space<semaphore_mem>>)
        %dma_wait3A_286 = tpu.memref_slice %arg3[%mul3A_279] : memref<500000xi32, #tpu.memory_space<hbm>> -> memref<400xi32, #tpu.memory_space<hbm>>
        %dma_wait3A_287 = tpu.memref_slice %arg3[%mul3A_279] : memref<500000xi32, #tpu.memory_space<hbm>> -> memref<400xi32, #tpu.memory_space<hbm>>
        tpu.wait_dma2 semaphore(%run_scoped3A : memref<!tpu.dma_semaphore, #tpu.memory_space<semaphore_mem>>) src(%dma_wait3A_287 : memref<400xi32, #tpu.memory_space<hbm>>) dst(%arg5 : memref<400xi32, #tpu.memory_space<vmem>>)
        tpu.yield
      }) : () -> ()
      %dma_start3A = arith.constant 0 : i32
      %dma_start3A_280 = arith.constant 0 : i32
      %dma_start3A_281 = tpu.memref_slice %arg2[%dma_start3A, %dma_start3A_280] : memref<24016x128xf32, #tpu.memory_space<hbm>> -> memref<24016x128xf32, #tpu.memory_space<hbm>>
      tpu.enqueue_indirect_dma source(%dma_start3A_281 : memref<24016x128xf32, #tpu.memory_space<hbm>>) target(%arg6 : memref<400x128xf32, #tpu.memory_space<vmem>>) offsets(%arg5 : memref<400xi32, #tpu.memory_space<vmem>>) semaphore(%arg7 : memref<!tpu.dma_semaphore, #tpu.memory_space<semaphore_mem>>)
      %dma_wait3A = arith.constant 0 : i32
      %dma_wait3A_282 = arith.constant 0 : i32
      %dma_wait3A_283 = tpu.memref_slice %arg2[%dma_wait3A, %dma_wait3A_282] : memref<24016x128xf32, #tpu.memory_space<hbm>> -> memref<24016x128xf32, #tpu.memory_space<hbm>>
      tpu.wait_indirect_dma semaphore(%arg7 : memref<!tpu.dma_semaphore, #tpu.memory_space<semaphore_mem>>) src(%dma_wait3A_283 : memref<24016x128xf32, #tpu.memory_space<hbm>>) dst(%arg6 : memref<400x128xf32, #tpu.memory_space<vmem>>)
      "tpu.region"() ({
        %run_scoped3A = tpu.sem_alloc : memref<!tpu.dma_semaphore, #tpu.memory_space<semaphore_mem>>
        %dma_start3A_284 = arith.constant 0 : i32
        %dma_start3A_285 = tpu.memref_slice %arg4[%mul3A_279, %dma_start3A_284] : memref<500000x128xf32, #tpu.memory_space<hbm>> -> memref<400x128xf32, #tpu.memory_space<hbm>>
        %dma_start3A_286 = arith.constant 0 : i32
        %dma_start3A_287 = tpu.memref_slice %arg4[%mul3A_279, %dma_start3A_286] : memref<500000x128xf32, #tpu.memory_space<hbm>> -> memref<400x128xf32, #tpu.memory_space<hbm>>
        tpu.enqueue_dma source(%arg6 : memref<400x128xf32, #tpu.memory_space<vmem>>) target(%dma_start3A_287 : memref<400x128xf32, #tpu.memory_space<hbm>>) target_semaphore(%run_scoped3A : memref<!tpu.dma_semaphore, #tpu.memory_space<semaphore_mem>>)
        %dma_wait3A_288 = arith.constant 0 : i32
        %dma_wait3A_289 = tpu.memref_slice %arg4[%mul3A_279, %dma_wait3A_288] : memref<500000x128xf32, #tpu.memory_space<hbm>> -> memref<400x128xf32, #tpu.memory_space<hbm>>
        %dma_wait3A_290 = arith.constant 0 : i32
        %dma_wait3A_291 = tpu.memref_slice %arg4[%mul3A_279, %dma_wait3A_290] : memref<500000x128xf32, #tpu.memory_space<hbm>> -> memref<400x128xf32, #tpu.memory_space<hbm>>
        tpu.wait_dma2 semaphore(%run_scoped3A : memref<!tpu.dma_semaphore, #tpu.memory_space<semaphore_mem>>) src(%arg6 : memref<400x128xf32, #tpu.memory_space<vmem>>) dst(%dma_wait3A_291 : memref<400x128xf32, #tpu.memory_space<hbm>>)
        tpu.yield
      }) : () -> ()
    } else {
    }
    %add3A_82 = arith.constant 384 : i32
    %add3A_83 = arith.addi %add3A_82, %add3A : i32
    %lt3A_84 = arith.constant 1250 : i32
    %lt3A_85 = arith.cmpi slt, %add3A_83, %lt3A_84 : i32
    %convert_element_type3A_86 = arith.extui %lt3A_85 : i1 to i32
    %cond3A_87 = arith.constant 0 : i32
    %cond3A_88 = arith.cmpi ne, %convert_element_type3A_86, %cond3A_87 : i32
    scf.if %cond3A_88 {
      %mul3A_278 = arith.constant 400 : i32
      %mul3A_279 = arith.muli %add3A_83, %mul3A_278 : i32
      "tpu.region"() ({
        %run_scoped3A = tpu.sem_alloc : memref<!tpu.dma_semaphore, #tpu.memory_space<semaphore_mem>>
        %dma_start3A_284 = tpu.memref_slice %arg3[%mul3A_279] : memref<500000xi32, #tpu.memory_space<hbm>> -> memref<400xi32, #tpu.memory_space<hbm>>
        %dma_start3A_285 = tpu.memref_slice %arg3[%mul3A_279] : memref<500000xi32, #tpu.memory_space<hbm>> -> memref<400xi32, #tpu.memory_space<hbm>>
        tpu.enqueue_dma source(%dma_start3A_285 : memref<400xi32, #tpu.memory_space<hbm>>) target(%arg5 : memref<400xi32, #tpu.memory_space<vmem>>) target_semaphore(%run_scoped3A : memref<!tpu.dma_semaphore, #tpu.memory_space<semaphore_mem>>)
        %dma_wait3A_286 = tpu.memref_slice %arg3[%mul3A_279] : memref<500000xi32, #tpu.memory_space<hbm>> -> memref<400xi32, #tpu.memory_space<hbm>>
        %dma_wait3A_287 = tpu.memref_slice %arg3[%mul3A_279] : memref<500000xi32, #tpu.memory_space<hbm>> -> memref<400xi32, #tpu.memory_space<hbm>>
        tpu.wait_dma2 semaphore(%run_scoped3A : memref<!tpu.dma_semaphore, #tpu.memory_space<semaphore_mem>>) src(%dma_wait3A_287 : memref<400xi32, #tpu.memory_space<hbm>>) dst(%arg5 : memref<400xi32, #tpu.memory_space<vmem>>)
        tpu.yield
      }) : () -> ()
      %dma_start3A = arith.constant 0 : i32
      %dma_start3A_280 = arith.constant 0 : i32
      %dma_start3A_281 = tpu.memref_slice %arg2[%dma_start3A, %dma_start3A_280] : memref<24016x128xf32, #tpu.memory_space<hbm>> -> memref<24016x128xf32, #tpu.memory_space<hbm>>
      tpu.enqueue_indirect_dma source(%dma_start3A_281 : memref<24016x128xf32, #tpu.memory_space<hbm>>) target(%arg6 : memref<400x128xf32, #tpu.memory_space<vmem>>) offsets(%arg5 : memref<400xi32, #tpu.memory_space<vmem>>) semaphore(%arg7 : memref<!tpu.dma_semaphore, #tpu.memory_space<semaphore_mem>>)
      %dma_wait3A = arith.constant 0 : i32
      %dma_wait3A_282 = arith.constant 0 : i32
      %dma_wait3A_283 = tpu.memref_slice %arg2[%dma_wait3A, %dma_wait3A_282] : memref<24016x128xf32, #tpu.memory_space<hbm>> -> memref<24016x128xf32, #tpu.memory_space<hbm>>
      tpu.wait_indirect_dma semaphore(%arg7 : memref<!tpu.dma_semaphore, #tpu.memory_space<semaphore_mem>>) src(%dma_wait3A_283 : memref<24016x128xf32, #tpu.memory_space<hbm>>) dst(%arg6 : memref<400x128xf32, #tpu.memory_space<vmem>>)
      "tpu.region"() ({
        %run_scoped3A = tpu.sem_alloc : memref<!tpu.dma_semaphore, #tpu.memory_space<semaphore_mem>>
        %dma_start3A_284 = arith.constant 0 : i32
        %dma_start3A_285 = tpu.memref_slice %arg4[%mul3A_279, %dma_start3A_284] : memref<500000x128xf32, #tpu.memory_space<hbm>> -> memref<400x128xf32, #tpu.memory_space<hbm>>
        %dma_start3A_286 = arith.constant 0 : i32
        %dma_start3A_287 = tpu.memref_slice %arg4[%mul3A_279, %dma_start3A_286] : memref<500000x128xf32, #tpu.memory_space<hbm>> -> memref<400x128xf32, #tpu.memory_space<hbm>>
        tpu.enqueue_dma source(%arg6 : memref<400x128xf32, #tpu.memory_space<vmem>>) target(%dma_start3A_287 : memref<400x128xf32, #tpu.memory_space<hbm>>) target_semaphore(%run_scoped3A : memref<!tpu.dma_semaphore, #tpu.memory_space<semaphore_mem>>)
        %dma_wait3A_288 = arith.constant 0 : i32
        %dma_wait3A_289 = tpu.memref_slice %arg4[%mul3A_279, %dma_wait3A_288] : memref<500000x128xf32, #tpu.memory_space<hbm>> -> memref<400x128xf32, #tpu.memory_space<hbm>>
        %dma_wait3A_290 = arith.constant 0 : i32
        %dma_wait3A_291 = tpu.memref_slice %arg4[%mul3A_279, %dma_wait3A_290] : memref<500000x128xf32, #tpu.memory_space<hbm>> -> memref<400x128xf32, #tpu.memory_space<hbm>>
        tpu.wait_dma2 semaphore(%run_scoped3A : memref<!tpu.dma_semaphore, #tpu.memory_space<semaphore_mem>>) src(%arg6 : memref<400x128xf32, #tpu.memory_space<vmem>>) dst(%dma_wait3A_291 : memref<400x128xf32, #tpu.memory_space<hbm>>)
        tpu.yield
      }) : () -> ()
    } else {
    }
    %add3A_89 = arith.constant 416 : i32
    %add3A_90 = arith.addi %add3A_89, %add3A : i32
    %lt3A_91 = arith.constant 1250 : i32
    %lt3A_92 = arith.cmpi slt, %add3A_90, %lt3A_91 : i32
    %convert_element_type3A_93 = arith.extui %lt3A_92 : i1 to i32
    %cond3A_94 = arith.constant 0 : i32
    %cond3A_95 = arith.cmpi ne, %convert_element_type3A_93, %cond3A_94 : i32
    scf.if %cond3A_95 {
      %mul3A_278 = arith.constant 400 : i32
      %mul3A_279 = arith.muli %add3A_90, %mul3A_278 : i32
      "tpu.region"() ({
        %run_scoped3A = tpu.sem_alloc : memref<!tpu.dma_semaphore, #tpu.memory_space<semaphore_mem>>
        %dma_start3A_284 = tpu.memref_slice %arg3[%mul3A_279] : memref<500000xi32, #tpu.memory_space<hbm>> -> memref<400xi32, #tpu.memory_space<hbm>>
        %dma_start3A_285 = tpu.memref_slice %arg3[%mul3A_279] : memref<500000xi32, #tpu.memory_space<hbm>> -> memref<400xi32, #tpu.memory_space<hbm>>
        tpu.enqueue_dma source(%dma_start3A_285 : memref<400xi32, #tpu.memory_space<hbm>>) target(%arg5 : memref<400xi32, #tpu.memory_space<vmem>>) target_semaphore(%run_scoped3A : memref<!tpu.dma_semaphore, #tpu.memory_space<semaphore_mem>>)
        %dma_wait3A_286 = tpu.memref_slice %arg3[%mul3A_279] : memref<500000xi32, #tpu.memory_space<hbm>> -> memref<400xi32, #tpu.memory_space<hbm>>
        %dma_wait3A_287 = tpu.memref_slice %arg3[%mul3A_279] : memref<500000xi32, #tpu.memory_space<hbm>> -> memref<400xi32, #tpu.memory_space<hbm>>
        tpu.wait_dma2 semaphore(%run_scoped3A : memref<!tpu.dma_semaphore, #tpu.memory_space<semaphore_mem>>) src(%dma_wait3A_287 : memref<400xi32, #tpu.memory_space<hbm>>) dst(%arg5 : memref<400xi32, #tpu.memory_space<vmem>>)
        tpu.yield
      }) : () -> ()
      %dma_start3A = arith.constant 0 : i32
      %dma_start3A_280 = arith.constant 0 : i32
      %dma_start3A_281 = tpu.memref_slice %arg2[%dma_start3A, %dma_start3A_280] : memref<24016x128xf32, #tpu.memory_space<hbm>> -> memref<24016x128xf32, #tpu.memory_space<hbm>>
      tpu.enqueue_indirect_dma source(%dma_start3A_281 : memref<24016x128xf32, #tpu.memory_space<hbm>>) target(%arg6 : memref<400x128xf32, #tpu.memory_space<vmem>>) offsets(%arg5 : memref<400xi32, #tpu.memory_space<vmem>>) semaphore(%arg7 : memref<!tpu.dma_semaphore, #tpu.memory_space<semaphore_mem>>)
      %dma_wait3A = arith.constant 0 : i32
      %dma_wait3A_282 = arith.constant 0 : i32
      %dma_wait3A_283 = tpu.memref_slice %arg2[%dma_wait3A, %dma_wait3A_282] : memref<24016x128xf32, #tpu.memory_space<hbm>> -> memref<24016x128xf32, #tpu.memory_space<hbm>>
      tpu.wait_indirect_dma semaphore(%arg7 : memref<!tpu.dma_semaphore, #tpu.memory_space<semaphore_mem>>) src(%dma_wait3A_283 : memref<24016x128xf32, #tpu.memory_space<hbm>>) dst(%arg6 : memref<400x128xf32, #tpu.memory_space<vmem>>)
      "tpu.region"() ({
        %run_scoped3A = tpu.sem_alloc : memref<!tpu.dma_semaphore, #tpu.memory_space<semaphore_mem>>
        %dma_start3A_284 = arith.constant 0 : i32
        %dma_start3A_285 = tpu.memref_slice %arg4[%mul3A_279, %dma_start3A_284] : memref<500000x128xf32, #tpu.memory_space<hbm>> -> memref<400x128xf32, #tpu.memory_space<hbm>>
        %dma_start3A_286 = arith.constant 0 : i32
        %dma_start3A_287 = tpu.memref_slice %arg4[%mul3A_279, %dma_start3A_286] : memref<500000x128xf32, #tpu.memory_space<hbm>> -> memref<400x128xf32, #tpu.memory_space<hbm>>
        tpu.enqueue_dma source(%arg6 : memref<400x128xf32, #tpu.memory_space<vmem>>) target(%dma_start3A_287 : memref<400x128xf32, #tpu.memory_space<hbm>>) target_semaphore(%run_scoped3A : memref<!tpu.dma_semaphore, #tpu.memory_space<semaphore_mem>>)
        %dma_wait3A_288 = arith.constant 0 : i32
        %dma_wait3A_289 = tpu.memref_slice %arg4[%mul3A_279, %dma_wait3A_288] : memref<500000x128xf32, #tpu.memory_space<hbm>> -> memref<400x128xf32, #tpu.memory_space<hbm>>
        %dma_wait3A_290 = arith.constant 0 : i32
        %dma_wait3A_291 = tpu.memref_slice %arg4[%mul3A_279, %dma_wait3A_290] : memref<500000x128xf32, #tpu.memory_space<hbm>> -> memref<400x128xf32, #tpu.memory_space<hbm>>
        tpu.wait_dma2 semaphore(%run_scoped3A : memref<!tpu.dma_semaphore, #tpu.memory_space<semaphore_mem>>) src(%arg6 : memref<400x128xf32, #tpu.memory_space<vmem>>) dst(%dma_wait3A_291 : memref<400x128xf32, #tpu.memory_space<hbm>>)
        tpu.yield
      }) : () -> ()
    } else {
    }
    %add3A_96 = arith.constant 448 : i32
    %add3A_97 = arith.addi %add3A_96, %add3A : i32
    %lt3A_98 = arith.constant 1250 : i32
    %lt3A_99 = arith.cmpi slt, %add3A_97, %lt3A_98 : i32
    %convert_element_type3A_100 = arith.extui %lt3A_99 : i1 to i32
    %cond3A_101 = arith.constant 0 : i32
    %cond3A_102 = arith.cmpi ne, %convert_element_type3A_100, %cond3A_101 : i32
    scf.if %cond3A_102 {
      %mul3A_278 = arith.constant 400 : i32
      %mul3A_279 = arith.muli %add3A_97, %mul3A_278 : i32
      "tpu.region"() ({
        %run_scoped3A = tpu.sem_alloc : memref<!tpu.dma_semaphore, #tpu.memory_space<semaphore_mem>>
        %dma_start3A_284 = tpu.memref_slice %arg3[%mul3A_279] : memref<500000xi32, #tpu.memory_space<hbm>> -> memref<400xi32, #tpu.memory_space<hbm>>
        %dma_start3A_285 = tpu.memref_slice %arg3[%mul3A_279] : memref<500000xi32, #tpu.memory_space<hbm>> -> memref<400xi32, #tpu.memory_space<hbm>>
        tpu.enqueue_dma source(%dma_start3A_285 : memref<400xi32, #tpu.memory_space<hbm>>) target(%arg5 : memref<400xi32, #tpu.memory_space<vmem>>) target_semaphore(%run_scoped3A : memref<!tpu.dma_semaphore, #tpu.memory_space<semaphore_mem>>)
        %dma_wait3A_286 = tpu.memref_slice %arg3[%mul3A_279] : memref<500000xi32, #tpu.memory_space<hbm>> -> memref<400xi32, #tpu.memory_space<hbm>>
        %dma_wait3A_287 = tpu.memref_slice %arg3[%mul3A_279] : memref<500000xi32, #tpu.memory_space<hbm>> -> memref<400xi32, #tpu.memory_space<hbm>>
        tpu.wait_dma2 semaphore(%run_scoped3A : memref<!tpu.dma_semaphore, #tpu.memory_space<semaphore_mem>>) src(%dma_wait3A_287 : memref<400xi32, #tpu.memory_space<hbm>>) dst(%arg5 : memref<400xi32, #tpu.memory_space<vmem>>)
        tpu.yield
      }) : () -> ()
      %dma_start3A = arith.constant 0 : i32
      %dma_start3A_280 = arith.constant 0 : i32
      %dma_start3A_281 = tpu.memref_slice %arg2[%dma_start3A, %dma_start3A_280] : memref<24016x128xf32, #tpu.memory_space<hbm>> -> memref<24016x128xf32, #tpu.memory_space<hbm>>
      tpu.enqueue_indirect_dma source(%dma_start3A_281 : memref<24016x128xf32, #tpu.memory_space<hbm>>) target(%arg6 : memref<400x128xf32, #tpu.memory_space<vmem>>) offsets(%arg5 : memref<400xi32, #tpu.memory_space<vmem>>) semaphore(%arg7 : memref<!tpu.dma_semaphore, #tpu.memory_space<semaphore_mem>>)
      %dma_wait3A = arith.constant 0 : i32
      %dma_wait3A_282 = arith.constant 0 : i32
      %dma_wait3A_283 = tpu.memref_slice %arg2[%dma_wait3A, %dma_wait3A_282] : memref<24016x128xf32, #tpu.memory_space<hbm>> -> memref<24016x128xf32, #tpu.memory_space<hbm>>
      tpu.wait_indirect_dma semaphore(%arg7 : memref<!tpu.dma_semaphore, #tpu.memory_space<semaphore_mem>>) src(%dma_wait3A_283 : memref<24016x128xf32, #tpu.memory_space<hbm>>) dst(%arg6 : memref<400x128xf32, #tpu.memory_space<vmem>>)
      "tpu.region"() ({
        %run_scoped3A = tpu.sem_alloc : memref<!tpu.dma_semaphore, #tpu.memory_space<semaphore_mem>>
        %dma_start3A_284 = arith.constant 0 : i32
        %dma_start3A_285 = tpu.memref_slice %arg4[%mul3A_279, %dma_start3A_284] : memref<500000x128xf32, #tpu.memory_space<hbm>> -> memref<400x128xf32, #tpu.memory_space<hbm>>
        %dma_start3A_286 = arith.constant 0 : i32
        %dma_start3A_287 = tpu.memref_slice %arg4[%mul3A_279, %dma_start3A_286] : memref<500000x128xf32, #tpu.memory_space<hbm>> -> memref<400x128xf32, #tpu.memory_space<hbm>>
        tpu.enqueue_dma source(%arg6 : memref<400x128xf32, #tpu.memory_space<vmem>>) target(%dma_start3A_287 : memref<400x128xf32, #tpu.memory_space<hbm>>) target_semaphore(%run_scoped3A : memref<!tpu.dma_semaphore, #tpu.memory_space<semaphore_mem>>)
        %dma_wait3A_288 = arith.constant 0 : i32
        %dma_wait3A_289 = tpu.memref_slice %arg4[%mul3A_279, %dma_wait3A_288] : memref<500000x128xf32, #tpu.memory_space<hbm>> -> memref<400x128xf32, #tpu.memory_space<hbm>>
        %dma_wait3A_290 = arith.constant 0 : i32
        %dma_wait3A_291 = tpu.memref_slice %arg4[%mul3A_279, %dma_wait3A_290] : memref<500000x128xf32, #tpu.memory_space<hbm>> -> memref<400x128xf32, #tpu.memory_space<hbm>>
        tpu.wait_dma2 semaphore(%run_scoped3A : memref<!tpu.dma_semaphore, #tpu.memory_space<semaphore_mem>>) src(%arg6 : memref<400x128xf32, #tpu.memory_space<vmem>>) dst(%dma_wait3A_291 : memref<400x128xf32, #tpu.memory_space<hbm>>)
        tpu.yield
      }) : () -> ()
    } else {
    }
    %add3A_103 = arith.constant 480 : i32
    %add3A_104 = arith.addi %add3A_103, %add3A : i32
    %lt3A_105 = arith.constant 1250 : i32
    %lt3A_106 = arith.cmpi slt, %add3A_104, %lt3A_105 : i32
    %convert_element_type3A_107 = arith.extui %lt3A_106 : i1 to i32
    %cond3A_108 = arith.constant 0 : i32
    %cond3A_109 = arith.cmpi ne, %convert_element_type3A_107, %cond3A_108 : i32
    scf.if %cond3A_109 {
      %mul3A_278 = arith.constant 400 : i32
      %mul3A_279 = arith.muli %add3A_104, %mul3A_278 : i32
      "tpu.region"() ({
        %run_scoped3A = tpu.sem_alloc : memref<!tpu.dma_semaphore, #tpu.memory_space<semaphore_mem>>
        %dma_start3A_284 = tpu.memref_slice %arg3[%mul3A_279] : memref<500000xi32, #tpu.memory_space<hbm>> -> memref<400xi32, #tpu.memory_space<hbm>>
        %dma_start3A_285 = tpu.memref_slice %arg3[%mul3A_279] : memref<500000xi32, #tpu.memory_space<hbm>> -> memref<400xi32, #tpu.memory_space<hbm>>
        tpu.enqueue_dma source(%dma_start3A_285 : memref<400xi32, #tpu.memory_space<hbm>>) target(%arg5 : memref<400xi32, #tpu.memory_space<vmem>>) target_semaphore(%run_scoped3A : memref<!tpu.dma_semaphore, #tpu.memory_space<semaphore_mem>>)
        %dma_wait3A_286 = tpu.memref_slice %arg3[%mul3A_279] : memref<500000xi32, #tpu.memory_space<hbm>> -> memref<400xi32, #tpu.memory_space<hbm>>
        %dma_wait3A_287 = tpu.memref_slice %arg3[%mul3A_279] : memref<500000xi32, #tpu.memory_space<hbm>> -> memref<400xi32, #tpu.memory_space<hbm>>
        tpu.wait_dma2 semaphore(%run_scoped3A : memref<!tpu.dma_semaphore, #tpu.memory_space<semaphore_mem>>) src(%dma_wait3A_287 : memref<400xi32, #tpu.memory_space<hbm>>) dst(%arg5 : memref<400xi32, #tpu.memory_space<vmem>>)
        tpu.yield
      }) : () -> ()
      %dma_start3A = arith.constant 0 : i32
      %dma_start3A_280 = arith.constant 0 : i32
      %dma_start3A_281 = tpu.memref_slice %arg2[%dma_start3A, %dma_start3A_280] : memref<24016x128xf32, #tpu.memory_space<hbm>> -> memref<24016x128xf32, #tpu.memory_space<hbm>>
      tpu.enqueue_indirect_dma source(%dma_start3A_281 : memref<24016x128xf32, #tpu.memory_space<hbm>>) target(%arg6 : memref<400x128xf32, #tpu.memory_space<vmem>>) offsets(%arg5 : memref<400xi32, #tpu.memory_space<vmem>>) semaphore(%arg7 : memref<!tpu.dma_semaphore, #tpu.memory_space<semaphore_mem>>)
      %dma_wait3A = arith.constant 0 : i32
      %dma_wait3A_282 = arith.constant 0 : i32
      %dma_wait3A_283 = tpu.memref_slice %arg2[%dma_wait3A, %dma_wait3A_282] : memref<24016x128xf32, #tpu.memory_space<hbm>> -> memref<24016x128xf32, #tpu.memory_space<hbm>>
      tpu.wait_indirect_dma semaphore(%arg7 : memref<!tpu.dma_semaphore, #tpu.memory_space<semaphore_mem>>) src(%dma_wait3A_283 : memref<24016x128xf32, #tpu.memory_space<hbm>>) dst(%arg6 : memref<400x128xf32, #tpu.memory_space<vmem>>)
      "tpu.region"() ({
        %run_scoped3A = tpu.sem_alloc : memref<!tpu.dma_semaphore, #tpu.memory_space<semaphore_mem>>
        %dma_start3A_284 = arith.constant 0 : i32
        %dma_start3A_285 = tpu.memref_slice %arg4[%mul3A_279, %dma_start3A_284] : memref<500000x128xf32, #tpu.memory_space<hbm>> -> memref<400x128xf32, #tpu.memory_space<hbm>>
        %dma_start3A_286 = arith.constant 0 : i32
        %dma_start3A_287 = tpu.memref_slice %arg4[%mul3A_279, %dma_start3A_286] : memref<500000x128xf32, #tpu.memory_space<hbm>> -> memref<400x128xf32, #tpu.memory_space<hbm>>
        tpu.enqueue_dma source(%arg6 : memref<400x128xf32, #tpu.memory_space<vmem>>) target(%dma_start3A_287 : memref<400x128xf32, #tpu.memory_space<hbm>>) target_semaphore(%run_scoped3A : memref<!tpu.dma_semaphore, #tpu.memory_space<semaphore_mem>>)
        %dma_wait3A_288 = arith.constant 0 : i32
        %dma_wait3A_289 = tpu.memref_slice %arg4[%mul3A_279, %dma_wait3A_288] : memref<500000x128xf32, #tpu.memory_space<hbm>> -> memref<400x128xf32, #tpu.memory_space<hbm>>
        %dma_wait3A_290 = arith.constant 0 : i32
        %dma_wait3A_291 = tpu.memref_slice %arg4[%mul3A_279, %dma_wait3A_290] : memref<500000x128xf32, #tpu.memory_space<hbm>> -> memref<400x128xf32, #tpu.memory_space<hbm>>
        tpu.wait_dma2 semaphore(%run_scoped3A : memref<!tpu.dma_semaphore, #tpu.memory_space<semaphore_mem>>) src(%arg6 : memref<400x128xf32, #tpu.memory_space<vmem>>) dst(%dma_wait3A_291 : memref<400x128xf32, #tpu.memory_space<hbm>>)
        tpu.yield
      }) : () -> ()
    } else {
    }
    %add3A_110 = arith.constant 512 : i32
    %add3A_111 = arith.addi %add3A_110, %add3A : i32
    %lt3A_112 = arith.constant 1250 : i32
    %lt3A_113 = arith.cmpi slt, %add3A_111, %lt3A_112 : i32
    %convert_element_type3A_114 = arith.extui %lt3A_113 : i1 to i32
    %cond3A_115 = arith.constant 0 : i32
    %cond3A_116 = arith.cmpi ne, %convert_element_type3A_114, %cond3A_115 : i32
    scf.if %cond3A_116 {
      %mul3A_278 = arith.constant 400 : i32
      %mul3A_279 = arith.muli %add3A_111, %mul3A_278 : i32
      "tpu.region"() ({
        %run_scoped3A = tpu.sem_alloc : memref<!tpu.dma_semaphore, #tpu.memory_space<semaphore_mem>>
        %dma_start3A_284 = tpu.memref_slice %arg3[%mul3A_279] : memref<500000xi32, #tpu.memory_space<hbm>> -> memref<400xi32, #tpu.memory_space<hbm>>
        %dma_start3A_285 = tpu.memref_slice %arg3[%mul3A_279] : memref<500000xi32, #tpu.memory_space<hbm>> -> memref<400xi32, #tpu.memory_space<hbm>>
        tpu.enqueue_dma source(%dma_start3A_285 : memref<400xi32, #tpu.memory_space<hbm>>) target(%arg5 : memref<400xi32, #tpu.memory_space<vmem>>) target_semaphore(%run_scoped3A : memref<!tpu.dma_semaphore, #tpu.memory_space<semaphore_mem>>)
        %dma_wait3A_286 = tpu.memref_slice %arg3[%mul3A_279] : memref<500000xi32, #tpu.memory_space<hbm>> -> memref<400xi32, #tpu.memory_space<hbm>>
        %dma_wait3A_287 = tpu.memref_slice %arg3[%mul3A_279] : memref<500000xi32, #tpu.memory_space<hbm>> -> memref<400xi32, #tpu.memory_space<hbm>>
        tpu.wait_dma2 semaphore(%run_scoped3A : memref<!tpu.dma_semaphore, #tpu.memory_space<semaphore_mem>>) src(%dma_wait3A_287 : memref<400xi32, #tpu.memory_space<hbm>>) dst(%arg5 : memref<400xi32, #tpu.memory_space<vmem>>)
        tpu.yield
      }) : () -> ()
      %dma_start3A = arith.constant 0 : i32
      %dma_start3A_280 = arith.constant 0 : i32
      %dma_start3A_281 = tpu.memref_slice %arg2[%dma_start3A, %dma_start3A_280] : memref<24016x128xf32, #tpu.memory_space<hbm>> -> memref<24016x128xf32, #tpu.memory_space<hbm>>
      tpu.enqueue_indirect_dma source(%dma_start3A_281 : memref<24016x128xf32, #tpu.memory_space<hbm>>) target(%arg6 : memref<400x128xf32, #tpu.memory_space<vmem>>) offsets(%arg5 : memref<400xi32, #tpu.memory_space<vmem>>) semaphore(%arg7 : memref<!tpu.dma_semaphore, #tpu.memory_space<semaphore_mem>>)
      %dma_wait3A = arith.constant 0 : i32
      %dma_wait3A_282 = arith.constant 0 : i32
      %dma_wait3A_283 = tpu.memref_slice %arg2[%dma_wait3A, %dma_wait3A_282] : memref<24016x128xf32, #tpu.memory_space<hbm>> -> memref<24016x128xf32, #tpu.memory_space<hbm>>
      tpu.wait_indirect_dma semaphore(%arg7 : memref<!tpu.dma_semaphore, #tpu.memory_space<semaphore_mem>>) src(%dma_wait3A_283 : memref<24016x128xf32, #tpu.memory_space<hbm>>) dst(%arg6 : memref<400x128xf32, #tpu.memory_space<vmem>>)
      "tpu.region"() ({
        %run_scoped3A = tpu.sem_alloc : memref<!tpu.dma_semaphore, #tpu.memory_space<semaphore_mem>>
        %dma_start3A_284 = arith.constant 0 : i32
        %dma_start3A_285 = tpu.memref_slice %arg4[%mul3A_279, %dma_start3A_284] : memref<500000x128xf32, #tpu.memory_space<hbm>> -> memref<400x128xf32, #tpu.memory_space<hbm>>
        %dma_start3A_286 = arith.constant 0 : i32
        %dma_start3A_287 = tpu.memref_slice %arg4[%mul3A_279, %dma_start3A_286] : memref<500000x128xf32, #tpu.memory_space<hbm>> -> memref<400x128xf32, #tpu.memory_space<hbm>>
        tpu.enqueue_dma source(%arg6 : memref<400x128xf32, #tpu.memory_space<vmem>>) target(%dma_start3A_287 : memref<400x128xf32, #tpu.memory_space<hbm>>) target_semaphore(%run_scoped3A : memref<!tpu.dma_semaphore, #tpu.memory_space<semaphore_mem>>)
        %dma_wait3A_288 = arith.constant 0 : i32
        %dma_wait3A_289 = tpu.memref_slice %arg4[%mul3A_279, %dma_wait3A_288] : memref<500000x128xf32, #tpu.memory_space<hbm>> -> memref<400x128xf32, #tpu.memory_space<hbm>>
        %dma_wait3A_290 = arith.constant 0 : i32
        %dma_wait3A_291 = tpu.memref_slice %arg4[%mul3A_279, %dma_wait3A_290] : memref<500000x128xf32, #tpu.memory_space<hbm>> -> memref<400x128xf32, #tpu.memory_space<hbm>>
        tpu.wait_dma2 semaphore(%run_scoped3A : memref<!tpu.dma_semaphore, #tpu.memory_space<semaphore_mem>>) src(%arg6 : memref<400x128xf32, #tpu.memory_space<vmem>>) dst(%dma_wait3A_291 : memref<400x128xf32, #tpu.memory_space<hbm>>)
        tpu.yield
      }) : () -> ()
    } else {
    }
    %add3A_117 = arith.constant 544 : i32
    %add3A_118 = arith.addi %add3A_117, %add3A : i32
    %lt3A_119 = arith.constant 1250 : i32
    %lt3A_120 = arith.cmpi slt, %add3A_118, %lt3A_119 : i32
    %convert_element_type3A_121 = arith.extui %lt3A_120 : i1 to i32
    %cond3A_122 = arith.constant 0 : i32
    %cond3A_123 = arith.cmpi ne, %convert_element_type3A_121, %cond3A_122 : i32
    scf.if %cond3A_123 {
      %mul3A_278 = arith.constant 400 : i32
      %mul3A_279 = arith.muli %add3A_118, %mul3A_278 : i32
      "tpu.region"() ({
        %run_scoped3A = tpu.sem_alloc : memref<!tpu.dma_semaphore, #tpu.memory_space<semaphore_mem>>
        %dma_start3A_284 = tpu.memref_slice %arg3[%mul3A_279] : memref<500000xi32, #tpu.memory_space<hbm>> -> memref<400xi32, #tpu.memory_space<hbm>>
        %dma_start3A_285 = tpu.memref_slice %arg3[%mul3A_279] : memref<500000xi32, #tpu.memory_space<hbm>> -> memref<400xi32, #tpu.memory_space<hbm>>
        tpu.enqueue_dma source(%dma_start3A_285 : memref<400xi32, #tpu.memory_space<hbm>>) target(%arg5 : memref<400xi32, #tpu.memory_space<vmem>>) target_semaphore(%run_scoped3A : memref<!tpu.dma_semaphore, #tpu.memory_space<semaphore_mem>>)
        %dma_wait3A_286 = tpu.memref_slice %arg3[%mul3A_279] : memref<500000xi32, #tpu.memory_space<hbm>> -> memref<400xi32, #tpu.memory_space<hbm>>
        %dma_wait3A_287 = tpu.memref_slice %arg3[%mul3A_279] : memref<500000xi32, #tpu.memory_space<hbm>> -> memref<400xi32, #tpu.memory_space<hbm>>
        tpu.wait_dma2 semaphore(%run_scoped3A : memref<!tpu.dma_semaphore, #tpu.memory_space<semaphore_mem>>) src(%dma_wait3A_287 : memref<400xi32, #tpu.memory_space<hbm>>) dst(%arg5 : memref<400xi32, #tpu.memory_space<vmem>>)
        tpu.yield
      }) : () -> ()
      %dma_start3A = arith.constant 0 : i32
      %dma_start3A_280 = arith.constant 0 : i32
      %dma_start3A_281 = tpu.memref_slice %arg2[%dma_start3A, %dma_start3A_280] : memref<24016x128xf32, #tpu.memory_space<hbm>> -> memref<24016x128xf32, #tpu.memory_space<hbm>>
      tpu.enqueue_indirect_dma source(%dma_start3A_281 : memref<24016x128xf32, #tpu.memory_space<hbm>>) target(%arg6 : memref<400x128xf32, #tpu.memory_space<vmem>>) offsets(%arg5 : memref<400xi32, #tpu.memory_space<vmem>>) semaphore(%arg7 : memref<!tpu.dma_semaphore, #tpu.memory_space<semaphore_mem>>)
      %dma_wait3A = arith.constant 0 : i32
      %dma_wait3A_282 = arith.constant 0 : i32
      %dma_wait3A_283 = tpu.memref_slice %arg2[%dma_wait3A, %dma_wait3A_282] : memref<24016x128xf32, #tpu.memory_space<hbm>> -> memref<24016x128xf32, #tpu.memory_space<hbm>>
      tpu.wait_indirect_dma semaphore(%arg7 : memref<!tpu.dma_semaphore, #tpu.memory_space<semaphore_mem>>) src(%dma_wait3A_283 : memref<24016x128xf32, #tpu.memory_space<hbm>>) dst(%arg6 : memref<400x128xf32, #tpu.memory_space<vmem>>)
      "tpu.region"() ({
        %run_scoped3A = tpu.sem_alloc : memref<!tpu.dma_semaphore, #tpu.memory_space<semaphore_mem>>
        %dma_start3A_284 = arith.constant 0 : i32
        %dma_start3A_285 = tpu.memref_slice %arg4[%mul3A_279, %dma_start3A_284] : memref<500000x128xf32, #tpu.memory_space<hbm>> -> memref<400x128xf32, #tpu.memory_space<hbm>>
        %dma_start3A_286 = arith.constant 0 : i32
        %dma_start3A_287 = tpu.memref_slice %arg4[%mul3A_279, %dma_start3A_286] : memref<500000x128xf32, #tpu.memory_space<hbm>> -> memref<400x128xf32, #tpu.memory_space<hbm>>
        tpu.enqueue_dma source(%arg6 : memref<400x128xf32, #tpu.memory_space<vmem>>) target(%dma_start3A_287 : memref<400x128xf32, #tpu.memory_space<hbm>>) target_semaphore(%run_scoped3A : memref<!tpu.dma_semaphore, #tpu.memory_space<semaphore_mem>>)
        %dma_wait3A_288 = arith.constant 0 : i32
        %dma_wait3A_289 = tpu.memref_slice %arg4[%mul3A_279, %dma_wait3A_288] : memref<500000x128xf32, #tpu.memory_space<hbm>> -> memref<400x128xf32, #tpu.memory_space<hbm>>
        %dma_wait3A_290 = arith.constant 0 : i32
        %dma_wait3A_291 = tpu.memref_slice %arg4[%mul3A_279, %dma_wait3A_290] : memref<500000x128xf32, #tpu.memory_space<hbm>> -> memref<400x128xf32, #tpu.memory_space<hbm>>
        tpu.wait_dma2 semaphore(%run_scoped3A : memref<!tpu.dma_semaphore, #tpu.memory_space<semaphore_mem>>) src(%arg6 : memref<400x128xf32, #tpu.memory_space<vmem>>) dst(%dma_wait3A_291 : memref<400x128xf32, #tpu.memory_space<hbm>>)
        tpu.yield
      }) : () -> ()
    } else {
    }
    %add3A_124 = arith.constant 576 : i32
    %add3A_125 = arith.addi %add3A_124, %add3A : i32
    %lt3A_126 = arith.constant 1250 : i32
    %lt3A_127 = arith.cmpi slt, %add3A_125, %lt3A_126 : i32
    %convert_element_type3A_128 = arith.extui %lt3A_127 : i1 to i32
    %cond3A_129 = arith.constant 0 : i32
    %cond3A_130 = arith.cmpi ne, %convert_element_type3A_128, %cond3A_129 : i32
    scf.if %cond3A_130 {
      %mul3A_278 = arith.constant 400 : i32
      %mul3A_279 = arith.muli %add3A_125, %mul3A_278 : i32
      "tpu.region"() ({
        %run_scoped3A = tpu.sem_alloc : memref<!tpu.dma_semaphore, #tpu.memory_space<semaphore_mem>>
        %dma_start3A_284 = tpu.memref_slice %arg3[%mul3A_279] : memref<500000xi32, #tpu.memory_space<hbm>> -> memref<400xi32, #tpu.memory_space<hbm>>
        %dma_start3A_285 = tpu.memref_slice %arg3[%mul3A_279] : memref<500000xi32, #tpu.memory_space<hbm>> -> memref<400xi32, #tpu.memory_space<hbm>>
        tpu.enqueue_dma source(%dma_start3A_285 : memref<400xi32, #tpu.memory_space<hbm>>) target(%arg5 : memref<400xi32, #tpu.memory_space<vmem>>) target_semaphore(%run_scoped3A : memref<!tpu.dma_semaphore, #tpu.memory_space<semaphore_mem>>)
        %dma_wait3A_286 = tpu.memref_slice %arg3[%mul3A_279] : memref<500000xi32, #tpu.memory_space<hbm>> -> memref<400xi32, #tpu.memory_space<hbm>>
        %dma_wait3A_287 = tpu.memref_slice %arg3[%mul3A_279] : memref<500000xi32, #tpu.memory_space<hbm>> -> memref<400xi32, #tpu.memory_space<hbm>>
        tpu.wait_dma2 semaphore(%run_scoped3A : memref<!tpu.dma_semaphore, #tpu.memory_space<semaphore_mem>>) src(%dma_wait3A_287 : memref<400xi32, #tpu.memory_space<hbm>>) dst(%arg5 : memref<400xi32, #tpu.memory_space<vmem>>)
        tpu.yield
      }) : () -> ()
      %dma_start3A = arith.constant 0 : i32
      %dma_start3A_280 = arith.constant 0 : i32
      %dma_start3A_281 = tpu.memref_slice %arg2[%dma_start3A, %dma_start3A_280] : memref<24016x128xf32, #tpu.memory_space<hbm>> -> memref<24016x128xf32, #tpu.memory_space<hbm>>
      tpu.enqueue_indirect_dma source(%dma_start3A_281 : memref<24016x128xf32, #tpu.memory_space<hbm>>) target(%arg6 : memref<400x128xf32, #tpu.memory_space<vmem>>) offsets(%arg5 : memref<400xi32, #tpu.memory_space<vmem>>) semaphore(%arg7 : memref<!tpu.dma_semaphore, #tpu.memory_space<semaphore_mem>>)
      %dma_wait3A = arith.constant 0 : i32
      %dma_wait3A_282 = arith.constant 0 : i32
      %dma_wait3A_283 = tpu.memref_slice %arg2[%dma_wait3A, %dma_wait3A_282] : memref<24016x128xf32, #tpu.memory_space<hbm>> -> memref<24016x128xf32, #tpu.memory_space<hbm>>
      tpu.wait_indirect_dma semaphore(%arg7 : memref<!tpu.dma_semaphore, #tpu.memory_space<semaphore_mem>>) src(%dma_wait3A_283 : memref<24016x128xf32, #tpu.memory_space<hbm>>) dst(%arg6 : memref<400x128xf32, #tpu.memory_space<vmem>>)
      "tpu.region"() ({
        %run_scoped3A = tpu.sem_alloc : memref<!tpu.dma_semaphore, #tpu.memory_space<semaphore_mem>>
        %dma_start3A_284 = arith.constant 0 : i32
        %dma_start3A_285 = tpu.memref_slice %arg4[%mul3A_279, %dma_start3A_284] : memref<500000x128xf32, #tpu.memory_space<hbm>> -> memref<400x128xf32, #tpu.memory_space<hbm>>
        %dma_start3A_286 = arith.constant 0 : i32
        %dma_start3A_287 = tpu.memref_slice %arg4[%mul3A_279, %dma_start3A_286] : memref<500000x128xf32, #tpu.memory_space<hbm>> -> memref<400x128xf32, #tpu.memory_space<hbm>>
        tpu.enqueue_dma source(%arg6 : memref<400x128xf32, #tpu.memory_space<vmem>>) target(%dma_start3A_287 : memref<400x128xf32, #tpu.memory_space<hbm>>) target_semaphore(%run_scoped3A : memref<!tpu.dma_semaphore, #tpu.memory_space<semaphore_mem>>)
        %dma_wait3A_288 = arith.constant 0 : i32
        %dma_wait3A_289 = tpu.memref_slice %arg4[%mul3A_279, %dma_wait3A_288] : memref<500000x128xf32, #tpu.memory_space<hbm>> -> memref<400x128xf32, #tpu.memory_space<hbm>>
        %dma_wait3A_290 = arith.constant 0 : i32
        %dma_wait3A_291 = tpu.memref_slice %arg4[%mul3A_279, %dma_wait3A_290] : memref<500000x128xf32, #tpu.memory_space<hbm>> -> memref<400x128xf32, #tpu.memory_space<hbm>>
        tpu.wait_dma2 semaphore(%run_scoped3A : memref<!tpu.dma_semaphore, #tpu.memory_space<semaphore_mem>>) src(%arg6 : memref<400x128xf32, #tpu.memory_space<vmem>>) dst(%dma_wait3A_291 : memref<400x128xf32, #tpu.memory_space<hbm>>)
        tpu.yield
      }) : () -> ()
    } else {
    }
    %add3A_131 = arith.constant 608 : i32
    %add3A_132 = arith.addi %add3A_131, %add3A : i32
    %lt3A_133 = arith.constant 1250 : i32
    %lt3A_134 = arith.cmpi slt, %add3A_132, %lt3A_133 : i32
    %convert_element_type3A_135 = arith.extui %lt3A_134 : i1 to i32
    %cond3A_136 = arith.constant 0 : i32
    %cond3A_137 = arith.cmpi ne, %convert_element_type3A_135, %cond3A_136 : i32
    scf.if %cond3A_137 {
      %mul3A_278 = arith.constant 400 : i32
      %mul3A_279 = arith.muli %add3A_132, %mul3A_278 : i32
      "tpu.region"() ({
        %run_scoped3A = tpu.sem_alloc : memref<!tpu.dma_semaphore, #tpu.memory_space<semaphore_mem>>
        %dma_start3A_284 = tpu.memref_slice %arg3[%mul3A_279] : memref<500000xi32, #tpu.memory_space<hbm>> -> memref<400xi32, #tpu.memory_space<hbm>>
        %dma_start3A_285 = tpu.memref_slice %arg3[%mul3A_279] : memref<500000xi32, #tpu.memory_space<hbm>> -> memref<400xi32, #tpu.memory_space<hbm>>
        tpu.enqueue_dma source(%dma_start3A_285 : memref<400xi32, #tpu.memory_space<hbm>>) target(%arg5 : memref<400xi32, #tpu.memory_space<vmem>>) target_semaphore(%run_scoped3A : memref<!tpu.dma_semaphore, #tpu.memory_space<semaphore_mem>>)
        %dma_wait3A_286 = tpu.memref_slice %arg3[%mul3A_279] : memref<500000xi32, #tpu.memory_space<hbm>> -> memref<400xi32, #tpu.memory_space<hbm>>
        %dma_wait3A_287 = tpu.memref_slice %arg3[%mul3A_279] : memref<500000xi32, #tpu.memory_space<hbm>> -> memref<400xi32, #tpu.memory_space<hbm>>
        tpu.wait_dma2 semaphore(%run_scoped3A : memref<!tpu.dma_semaphore, #tpu.memory_space<semaphore_mem>>) src(%dma_wait3A_287 : memref<400xi32, #tpu.memory_space<hbm>>) dst(%arg5 : memref<400xi32, #tpu.memory_space<vmem>>)
        tpu.yield
      }) : () -> ()
      %dma_start3A = arith.constant 0 : i32
      %dma_start3A_280 = arith.constant 0 : i32
      %dma_start3A_281 = tpu.memref_slice %arg2[%dma_start3A, %dma_start3A_280] : memref<24016x128xf32, #tpu.memory_space<hbm>> -> memref<24016x128xf32, #tpu.memory_space<hbm>>
      tpu.enqueue_indirect_dma source(%dma_start3A_281 : memref<24016x128xf32, #tpu.memory_space<hbm>>) target(%arg6 : memref<400x128xf32, #tpu.memory_space<vmem>>) offsets(%arg5 : memref<400xi32, #tpu.memory_space<vmem>>) semaphore(%arg7 : memref<!tpu.dma_semaphore, #tpu.memory_space<semaphore_mem>>)
      %dma_wait3A = arith.constant 0 : i32
      %dma_wait3A_282 = arith.constant 0 : i32
      %dma_wait3A_283 = tpu.memref_slice %arg2[%dma_wait3A, %dma_wait3A_282] : memref<24016x128xf32, #tpu.memory_space<hbm>> -> memref<24016x128xf32, #tpu.memory_space<hbm>>
      tpu.wait_indirect_dma semaphore(%arg7 : memref<!tpu.dma_semaphore, #tpu.memory_space<semaphore_mem>>) src(%dma_wait3A_283 : memref<24016x128xf32, #tpu.memory_space<hbm>>) dst(%arg6 : memref<400x128xf32, #tpu.memory_space<vmem>>)
      "tpu.region"() ({
        %run_scoped3A = tpu.sem_alloc : memref<!tpu.dma_semaphore, #tpu.memory_space<semaphore_mem>>
        %dma_start3A_284 = arith.constant 0 : i32
        %dma_start3A_285 = tpu.memref_slice %arg4[%mul3A_279, %dma_start3A_284] : memref<500000x128xf32, #tpu.memory_space<hbm>> -> memref<400x128xf32, #tpu.memory_space<hbm>>
        %dma_start3A_286 = arith.constant 0 : i32
        %dma_start3A_287 = tpu.memref_slice %arg4[%mul3A_279, %dma_start3A_286] : memref<500000x128xf32, #tpu.memory_space<hbm>> -> memref<400x128xf32, #tpu.memory_space<hbm>>
        tpu.enqueue_dma source(%arg6 : memref<400x128xf32, #tpu.memory_space<vmem>>) target(%dma_start3A_287 : memref<400x128xf32, #tpu.memory_space<hbm>>) target_semaphore(%run_scoped3A : memref<!tpu.dma_semaphore, #tpu.memory_space<semaphore_mem>>)
        %dma_wait3A_288 = arith.constant 0 : i32
        %dma_wait3A_289 = tpu.memref_slice %arg4[%mul3A_279, %dma_wait3A_288] : memref<500000x128xf32, #tpu.memory_space<hbm>> -> memref<400x128xf32, #tpu.memory_space<hbm>>
        %dma_wait3A_290 = arith.constant 0 : i32
        %dma_wait3A_291 = tpu.memref_slice %arg4[%mul3A_279, %dma_wait3A_290] : memref<500000x128xf32, #tpu.memory_space<hbm>> -> memref<400x128xf32, #tpu.memory_space<hbm>>
        tpu.wait_dma2 semaphore(%run_scoped3A : memref<!tpu.dma_semaphore, #tpu.memory_space<semaphore_mem>>) src(%arg6 : memref<400x128xf32, #tpu.memory_space<vmem>>) dst(%dma_wait3A_291 : memref<400x128xf32, #tpu.memory_space<hbm>>)
        tpu.yield
      }) : () -> ()
    } else {
    }
    %add3A_138 = arith.constant 640 : i32
    %add3A_139 = arith.addi %add3A_138, %add3A : i32
    %lt3A_140 = arith.constant 1250 : i32
    %lt3A_141 = arith.cmpi slt, %add3A_139, %lt3A_140 : i32
    %convert_element_type3A_142 = arith.extui %lt3A_141 : i1 to i32
    %cond3A_143 = arith.constant 0 : i32
    %cond3A_144 = arith.cmpi ne, %convert_element_type3A_142, %cond3A_143 : i32
    scf.if %cond3A_144 {
      %mul3A_278 = arith.constant 400 : i32
      %mul3A_279 = arith.muli %add3A_139, %mul3A_278 : i32
      "tpu.region"() ({
        %run_scoped3A = tpu.sem_alloc : memref<!tpu.dma_semaphore, #tpu.memory_space<semaphore_mem>>
        %dma_start3A_284 = tpu.memref_slice %arg3[%mul3A_279] : memref<500000xi32, #tpu.memory_space<hbm>> -> memref<400xi32, #tpu.memory_space<hbm>>
        %dma_start3A_285 = tpu.memref_slice %arg3[%mul3A_279] : memref<500000xi32, #tpu.memory_space<hbm>> -> memref<400xi32, #tpu.memory_space<hbm>>
        tpu.enqueue_dma source(%dma_start3A_285 : memref<400xi32, #tpu.memory_space<hbm>>) target(%arg5 : memref<400xi32, #tpu.memory_space<vmem>>) target_semaphore(%run_scoped3A : memref<!tpu.dma_semaphore, #tpu.memory_space<semaphore_mem>>)
        %dma_wait3A_286 = tpu.memref_slice %arg3[%mul3A_279] : memref<500000xi32, #tpu.memory_space<hbm>> -> memref<400xi32, #tpu.memory_space<hbm>>
        %dma_wait3A_287 = tpu.memref_slice %arg3[%mul3A_279] : memref<500000xi32, #tpu.memory_space<hbm>> -> memref<400xi32, #tpu.memory_space<hbm>>
        tpu.wait_dma2 semaphore(%run_scoped3A : memref<!tpu.dma_semaphore, #tpu.memory_space<semaphore_mem>>) src(%dma_wait3A_287 : memref<400xi32, #tpu.memory_space<hbm>>) dst(%arg5 : memref<400xi32, #tpu.memory_space<vmem>>)
        tpu.yield
      }) : () -> ()
      %dma_start3A = arith.constant 0 : i32
      %dma_start3A_280 = arith.constant 0 : i32
      %dma_start3A_281 = tpu.memref_slice %arg2[%dma_start3A, %dma_start3A_280] : memref<24016x128xf32, #tpu.memory_space<hbm>> -> memref<24016x128xf32, #tpu.memory_space<hbm>>
      tpu.enqueue_indirect_dma source(%dma_start3A_281 : memref<24016x128xf32, #tpu.memory_space<hbm>>) target(%arg6 : memref<400x128xf32, #tpu.memory_space<vmem>>) offsets(%arg5 : memref<400xi32, #tpu.memory_space<vmem>>) semaphore(%arg7 : memref<!tpu.dma_semaphore, #tpu.memory_space<semaphore_mem>>)
      %dma_wait3A = arith.constant 0 : i32
      %dma_wait3A_282 = arith.constant 0 : i32
      %dma_wait3A_283 = tpu.memref_slice %arg2[%dma_wait3A, %dma_wait3A_282] : memref<24016x128xf32, #tpu.memory_space<hbm>> -> memref<24016x128xf32, #tpu.memory_space<hbm>>
      tpu.wait_indirect_dma semaphore(%arg7 : memref<!tpu.dma_semaphore, #tpu.memory_space<semaphore_mem>>) src(%dma_wait3A_283 : memref<24016x128xf32, #tpu.memory_space<hbm>>) dst(%arg6 : memref<400x128xf32, #tpu.memory_space<vmem>>)
      "tpu.region"() ({
        %run_scoped3A = tpu.sem_alloc : memref<!tpu.dma_semaphore, #tpu.memory_space<semaphore_mem>>
        %dma_start3A_284 = arith.constant 0 : i32
        %dma_start3A_285 = tpu.memref_slice %arg4[%mul3A_279, %dma_start3A_284] : memref<500000x128xf32, #tpu.memory_space<hbm>> -> memref<400x128xf32, #tpu.memory_space<hbm>>
        %dma_start3A_286 = arith.constant 0 : i32
        %dma_start3A_287 = tpu.memref_slice %arg4[%mul3A_279, %dma_start3A_286] : memref<500000x128xf32, #tpu.memory_space<hbm>> -> memref<400x128xf32, #tpu.memory_space<hbm>>
        tpu.enqueue_dma source(%arg6 : memref<400x128xf32, #tpu.memory_space<vmem>>) target(%dma_start3A_287 : memref<400x128xf32, #tpu.memory_space<hbm>>) target_semaphore(%run_scoped3A : memref<!tpu.dma_semaphore, #tpu.memory_space<semaphore_mem>>)
        %dma_wait3A_288 = arith.constant 0 : i32
        %dma_wait3A_289 = tpu.memref_slice %arg4[%mul3A_279, %dma_wait3A_288] : memref<500000x128xf32, #tpu.memory_space<hbm>> -> memref<400x128xf32, #tpu.memory_space<hbm>>
        %dma_wait3A_290 = arith.constant 0 : i32
        %dma_wait3A_291 = tpu.memref_slice %arg4[%mul3A_279, %dma_wait3A_290] : memref<500000x128xf32, #tpu.memory_space<hbm>> -> memref<400x128xf32, #tpu.memory_space<hbm>>
        tpu.wait_dma2 semaphore(%run_scoped3A : memref<!tpu.dma_semaphore, #tpu.memory_space<semaphore_mem>>) src(%arg6 : memref<400x128xf32, #tpu.memory_space<vmem>>) dst(%dma_wait3A_291 : memref<400x128xf32, #tpu.memory_space<hbm>>)
        tpu.yield
      }) : () -> ()
    } else {
    }
    %add3A_145 = arith.constant 672 : i32
    %add3A_146 = arith.addi %add3A_145, %add3A : i32
    %lt3A_147 = arith.constant 1250 : i32
    %lt3A_148 = arith.cmpi slt, %add3A_146, %lt3A_147 : i32
    %convert_element_type3A_149 = arith.extui %lt3A_148 : i1 to i32
    %cond3A_150 = arith.constant 0 : i32
    %cond3A_151 = arith.cmpi ne, %convert_element_type3A_149, %cond3A_150 : i32
    scf.if %cond3A_151 {
      %mul3A_278 = arith.constant 400 : i32
      %mul3A_279 = arith.muli %add3A_146, %mul3A_278 : i32
      "tpu.region"() ({
        %run_scoped3A = tpu.sem_alloc : memref<!tpu.dma_semaphore, #tpu.memory_space<semaphore_mem>>
        %dma_start3A_284 = tpu.memref_slice %arg3[%mul3A_279] : memref<500000xi32, #tpu.memory_space<hbm>> -> memref<400xi32, #tpu.memory_space<hbm>>
        %dma_start3A_285 = tpu.memref_slice %arg3[%mul3A_279] : memref<500000xi32, #tpu.memory_space<hbm>> -> memref<400xi32, #tpu.memory_space<hbm>>
        tpu.enqueue_dma source(%dma_start3A_285 : memref<400xi32, #tpu.memory_space<hbm>>) target(%arg5 : memref<400xi32, #tpu.memory_space<vmem>>) target_semaphore(%run_scoped3A : memref<!tpu.dma_semaphore, #tpu.memory_space<semaphore_mem>>)
        %dma_wait3A_286 = tpu.memref_slice %arg3[%mul3A_279] : memref<500000xi32, #tpu.memory_space<hbm>> -> memref<400xi32, #tpu.memory_space<hbm>>
        %dma_wait3A_287 = tpu.memref_slice %arg3[%mul3A_279] : memref<500000xi32, #tpu.memory_space<hbm>> -> memref<400xi32, #tpu.memory_space<hbm>>
        tpu.wait_dma2 semaphore(%run_scoped3A : memref<!tpu.dma_semaphore, #tpu.memory_space<semaphore_mem>>) src(%dma_wait3A_287 : memref<400xi32, #tpu.memory_space<hbm>>) dst(%arg5 : memref<400xi32, #tpu.memory_space<vmem>>)
        tpu.yield
      }) : () -> ()
      %dma_start3A = arith.constant 0 : i32
      %dma_start3A_280 = arith.constant 0 : i32
      %dma_start3A_281 = tpu.memref_slice %arg2[%dma_start3A, %dma_start3A_280] : memref<24016x128xf32, #tpu.memory_space<hbm>> -> memref<24016x128xf32, #tpu.memory_space<hbm>>
      tpu.enqueue_indirect_dma source(%dma_start3A_281 : memref<24016x128xf32, #tpu.memory_space<hbm>>) target(%arg6 : memref<400x128xf32, #tpu.memory_space<vmem>>) offsets(%arg5 : memref<400xi32, #tpu.memory_space<vmem>>) semaphore(%arg7 : memref<!tpu.dma_semaphore, #tpu.memory_space<semaphore_mem>>)
      %dma_wait3A = arith.constant 0 : i32
      %dma_wait3A_282 = arith.constant 0 : i32
      %dma_wait3A_283 = tpu.memref_slice %arg2[%dma_wait3A, %dma_wait3A_282] : memref<24016x128xf32, #tpu.memory_space<hbm>> -> memref<24016x128xf32, #tpu.memory_space<hbm>>
      tpu.wait_indirect_dma semaphore(%arg7 : memref<!tpu.dma_semaphore, #tpu.memory_space<semaphore_mem>>) src(%dma_wait3A_283 : memref<24016x128xf32, #tpu.memory_space<hbm>>) dst(%arg6 : memref<400x128xf32, #tpu.memory_space<vmem>>)
      "tpu.region"() ({
        %run_scoped3A = tpu.sem_alloc : memref<!tpu.dma_semaphore, #tpu.memory_space<semaphore_mem>>
        %dma_start3A_284 = arith.constant 0 : i32
        %dma_start3A_285 = tpu.memref_slice %arg4[%mul3A_279, %dma_start3A_284] : memref<500000x128xf32, #tpu.memory_space<hbm>> -> memref<400x128xf32, #tpu.memory_space<hbm>>
        %dma_start3A_286 = arith.constant 0 : i32
        %dma_start3A_287 = tpu.memref_slice %arg4[%mul3A_279, %dma_start3A_286] : memref<500000x128xf32, #tpu.memory_space<hbm>> -> memref<400x128xf32, #tpu.memory_space<hbm>>
        tpu.enqueue_dma source(%arg6 : memref<400x128xf32, #tpu.memory_space<vmem>>) target(%dma_start3A_287 : memref<400x128xf32, #tpu.memory_space<hbm>>) target_semaphore(%run_scoped3A : memref<!tpu.dma_semaphore, #tpu.memory_space<semaphore_mem>>)
        %dma_wait3A_288 = arith.constant 0 : i32
        %dma_wait3A_289 = tpu.memref_slice %arg4[%mul3A_279, %dma_wait3A_288] : memref<500000x128xf32, #tpu.memory_space<hbm>> -> memref<400x128xf32, #tpu.memory_space<hbm>>
        %dma_wait3A_290 = arith.constant 0 : i32
        %dma_wait3A_291 = tpu.memref_slice %arg4[%mul3A_279, %dma_wait3A_290] : memref<500000x128xf32, #tpu.memory_space<hbm>> -> memref<400x128xf32, #tpu.memory_space<hbm>>
        tpu.wait_dma2 semaphore(%run_scoped3A : memref<!tpu.dma_semaphore, #tpu.memory_space<semaphore_mem>>) src(%arg6 : memref<400x128xf32, #tpu.memory_space<vmem>>) dst(%dma_wait3A_291 : memref<400x128xf32, #tpu.memory_space<hbm>>)
        tpu.yield
      }) : () -> ()
    } else {
    }
    %add3A_152 = arith.constant 704 : i32
    %add3A_153 = arith.addi %add3A_152, %add3A : i32
    %lt3A_154 = arith.constant 1250 : i32
    %lt3A_155 = arith.cmpi slt, %add3A_153, %lt3A_154 : i32
    %convert_element_type3A_156 = arith.extui %lt3A_155 : i1 to i32
    %cond3A_157 = arith.constant 0 : i32
    %cond3A_158 = arith.cmpi ne, %convert_element_type3A_156, %cond3A_157 : i32
    scf.if %cond3A_158 {
      %mul3A_278 = arith.constant 400 : i32
      %mul3A_279 = arith.muli %add3A_153, %mul3A_278 : i32
      "tpu.region"() ({
        %run_scoped3A = tpu.sem_alloc : memref<!tpu.dma_semaphore, #tpu.memory_space<semaphore_mem>>
        %dma_start3A_284 = tpu.memref_slice %arg3[%mul3A_279] : memref<500000xi32, #tpu.memory_space<hbm>> -> memref<400xi32, #tpu.memory_space<hbm>>
        %dma_start3A_285 = tpu.memref_slice %arg3[%mul3A_279] : memref<500000xi32, #tpu.memory_space<hbm>> -> memref<400xi32, #tpu.memory_space<hbm>>
        tpu.enqueue_dma source(%dma_start3A_285 : memref<400xi32, #tpu.memory_space<hbm>>) target(%arg5 : memref<400xi32, #tpu.memory_space<vmem>>) target_semaphore(%run_scoped3A : memref<!tpu.dma_semaphore, #tpu.memory_space<semaphore_mem>>)
        %dma_wait3A_286 = tpu.memref_slice %arg3[%mul3A_279] : memref<500000xi32, #tpu.memory_space<hbm>> -> memref<400xi32, #tpu.memory_space<hbm>>
        %dma_wait3A_287 = tpu.memref_slice %arg3[%mul3A_279] : memref<500000xi32, #tpu.memory_space<hbm>> -> memref<400xi32, #tpu.memory_space<hbm>>
        tpu.wait_dma2 semaphore(%run_scoped3A : memref<!tpu.dma_semaphore, #tpu.memory_space<semaphore_mem>>) src(%dma_wait3A_287 : memref<400xi32, #tpu.memory_space<hbm>>) dst(%arg5 : memref<400xi32, #tpu.memory_space<vmem>>)
        tpu.yield
      }) : () -> ()
      %dma_start3A = arith.constant 0 : i32
      %dma_start3A_280 = arith.constant 0 : i32
      %dma_start3A_281 = tpu.memref_slice %arg2[%dma_start3A, %dma_start3A_280] : memref<24016x128xf32, #tpu.memory_space<hbm>> -> memref<24016x128xf32, #tpu.memory_space<hbm>>
      tpu.enqueue_indirect_dma source(%dma_start3A_281 : memref<24016x128xf32, #tpu.memory_space<hbm>>) target(%arg6 : memref<400x128xf32, #tpu.memory_space<vmem>>) offsets(%arg5 : memref<400xi32, #tpu.memory_space<vmem>>) semaphore(%arg7 : memref<!tpu.dma_semaphore, #tpu.memory_space<semaphore_mem>>)
      %dma_wait3A = arith.constant 0 : i32
      %dma_wait3A_282 = arith.constant 0 : i32
      %dma_wait3A_283 = tpu.memref_slice %arg2[%dma_wait3A, %dma_wait3A_282] : memref<24016x128xf32, #tpu.memory_space<hbm>> -> memref<24016x128xf32, #tpu.memory_space<hbm>>
      tpu.wait_indirect_dma semaphore(%arg7 : memref<!tpu.dma_semaphore, #tpu.memory_space<semaphore_mem>>) src(%dma_wait3A_283 : memref<24016x128xf32, #tpu.memory_space<hbm>>) dst(%arg6 : memref<400x128xf32, #tpu.memory_space<vmem>>)
      "tpu.region"() ({
        %run_scoped3A = tpu.sem_alloc : memref<!tpu.dma_semaphore, #tpu.memory_space<semaphore_mem>>
        %dma_start3A_284 = arith.constant 0 : i32
        %dma_start3A_285 = tpu.memref_slice %arg4[%mul3A_279, %dma_start3A_284] : memref<500000x128xf32, #tpu.memory_space<hbm>> -> memref<400x128xf32, #tpu.memory_space<hbm>>
        %dma_start3A_286 = arith.constant 0 : i32
        %dma_start3A_287 = tpu.memref_slice %arg4[%mul3A_279, %dma_start3A_286] : memref<500000x128xf32, #tpu.memory_space<hbm>> -> memref<400x128xf32, #tpu.memory_space<hbm>>
        tpu.enqueue_dma source(%arg6 : memref<400x128xf32, #tpu.memory_space<vmem>>) target(%dma_start3A_287 : memref<400x128xf32, #tpu.memory_space<hbm>>) target_semaphore(%run_scoped3A : memref<!tpu.dma_semaphore, #tpu.memory_space<semaphore_mem>>)
        %dma_wait3A_288 = arith.constant 0 : i32
        %dma_wait3A_289 = tpu.memref_slice %arg4[%mul3A_279, %dma_wait3A_288] : memref<500000x128xf32, #tpu.memory_space<hbm>> -> memref<400x128xf32, #tpu.memory_space<hbm>>
        %dma_wait3A_290 = arith.constant 0 : i32
        %dma_wait3A_291 = tpu.memref_slice %arg4[%mul3A_279, %dma_wait3A_290] : memref<500000x128xf32, #tpu.memory_space<hbm>> -> memref<400x128xf32, #tpu.memory_space<hbm>>
        tpu.wait_dma2 semaphore(%run_scoped3A : memref<!tpu.dma_semaphore, #tpu.memory_space<semaphore_mem>>) src(%arg6 : memref<400x128xf32, #tpu.memory_space<vmem>>) dst(%dma_wait3A_291 : memref<400x128xf32, #tpu.memory_space<hbm>>)
        tpu.yield
      }) : () -> ()
    } else {
    }
    %add3A_159 = arith.constant 736 : i32
    %add3A_160 = arith.addi %add3A_159, %add3A : i32
    %lt3A_161 = arith.constant 1250 : i32
    %lt3A_162 = arith.cmpi slt, %add3A_160, %lt3A_161 : i32
    %convert_element_type3A_163 = arith.extui %lt3A_162 : i1 to i32
    %cond3A_164 = arith.constant 0 : i32
    %cond3A_165 = arith.cmpi ne, %convert_element_type3A_163, %cond3A_164 : i32
    scf.if %cond3A_165 {
      %mul3A_278 = arith.constant 400 : i32
      %mul3A_279 = arith.muli %add3A_160, %mul3A_278 : i32
      "tpu.region"() ({
        %run_scoped3A = tpu.sem_alloc : memref<!tpu.dma_semaphore, #tpu.memory_space<semaphore_mem>>
        %dma_start3A_284 = tpu.memref_slice %arg3[%mul3A_279] : memref<500000xi32, #tpu.memory_space<hbm>> -> memref<400xi32, #tpu.memory_space<hbm>>
        %dma_start3A_285 = tpu.memref_slice %arg3[%mul3A_279] : memref<500000xi32, #tpu.memory_space<hbm>> -> memref<400xi32, #tpu.memory_space<hbm>>
        tpu.enqueue_dma source(%dma_start3A_285 : memref<400xi32, #tpu.memory_space<hbm>>) target(%arg5 : memref<400xi32, #tpu.memory_space<vmem>>) target_semaphore(%run_scoped3A : memref<!tpu.dma_semaphore, #tpu.memory_space<semaphore_mem>>)
        %dma_wait3A_286 = tpu.memref_slice %arg3[%mul3A_279] : memref<500000xi32, #tpu.memory_space<hbm>> -> memref<400xi32, #tpu.memory_space<hbm>>
        %dma_wait3A_287 = tpu.memref_slice %arg3[%mul3A_279] : memref<500000xi32, #tpu.memory_space<hbm>> -> memref<400xi32, #tpu.memory_space<hbm>>
        tpu.wait_dma2 semaphore(%run_scoped3A : memref<!tpu.dma_semaphore, #tpu.memory_space<semaphore_mem>>) src(%dma_wait3A_287 : memref<400xi32, #tpu.memory_space<hbm>>) dst(%arg5 : memref<400xi32, #tpu.memory_space<vmem>>)
        tpu.yield
      }) : () -> ()
      %dma_start3A = arith.constant 0 : i32
      %dma_start3A_280 = arith.constant 0 : i32
      %dma_start3A_281 = tpu.memref_slice %arg2[%dma_start3A, %dma_start3A_280] : memref<24016x128xf32, #tpu.memory_space<hbm>> -> memref<24016x128xf32, #tpu.memory_space<hbm>>
      tpu.enqueue_indirect_dma source(%dma_start3A_281 : memref<24016x128xf32, #tpu.memory_space<hbm>>) target(%arg6 : memref<400x128xf32, #tpu.memory_space<vmem>>) offsets(%arg5 : memref<400xi32, #tpu.memory_space<vmem>>) semaphore(%arg7 : memref<!tpu.dma_semaphore, #tpu.memory_space<semaphore_mem>>)
      %dma_wait3A = arith.constant 0 : i32
      %dma_wait3A_282 = arith.constant 0 : i32
      %dma_wait3A_283 = tpu.memref_slice %arg2[%dma_wait3A, %dma_wait3A_282] : memref<24016x128xf32, #tpu.memory_space<hbm>> -> memref<24016x128xf32, #tpu.memory_space<hbm>>
      tpu.wait_indirect_dma semaphore(%arg7 : memref<!tpu.dma_semaphore, #tpu.memory_space<semaphore_mem>>) src(%dma_wait3A_283 : memref<24016x128xf32, #tpu.memory_space<hbm>>) dst(%arg6 : memref<400x128xf32, #tpu.memory_space<vmem>>)
      "tpu.region"() ({
        %run_scoped3A = tpu.sem_alloc : memref<!tpu.dma_semaphore, #tpu.memory_space<semaphore_mem>>
        %dma_start3A_284 = arith.constant 0 : i32
        %dma_start3A_285 = tpu.memref_slice %arg4[%mul3A_279, %dma_start3A_284] : memref<500000x128xf32, #tpu.memory_space<hbm>> -> memref<400x128xf32, #tpu.memory_space<hbm>>
        %dma_start3A_286 = arith.constant 0 : i32
        %dma_start3A_287 = tpu.memref_slice %arg4[%mul3A_279, %dma_start3A_286] : memref<500000x128xf32, #tpu.memory_space<hbm>> -> memref<400x128xf32, #tpu.memory_space<hbm>>
        tpu.enqueue_dma source(%arg6 : memref<400x128xf32, #tpu.memory_space<vmem>>) target(%dma_start3A_287 : memref<400x128xf32, #tpu.memory_space<hbm>>) target_semaphore(%run_scoped3A : memref<!tpu.dma_semaphore, #tpu.memory_space<semaphore_mem>>)
        %dma_wait3A_288 = arith.constant 0 : i32
        %dma_wait3A_289 = tpu.memref_slice %arg4[%mul3A_279, %dma_wait3A_288] : memref<500000x128xf32, #tpu.memory_space<hbm>> -> memref<400x128xf32, #tpu.memory_space<hbm>>
        %dma_wait3A_290 = arith.constant 0 : i32
        %dma_wait3A_291 = tpu.memref_slice %arg4[%mul3A_279, %dma_wait3A_290] : memref<500000x128xf32, #tpu.memory_space<hbm>> -> memref<400x128xf32, #tpu.memory_space<hbm>>
        tpu.wait_dma2 semaphore(%run_scoped3A : memref<!tpu.dma_semaphore, #tpu.memory_space<semaphore_mem>>) src(%arg6 : memref<400x128xf32, #tpu.memory_space<vmem>>) dst(%dma_wait3A_291 : memref<400x128xf32, #tpu.memory_space<hbm>>)
        tpu.yield
      }) : () -> ()
    } else {
    }
    %add3A_166 = arith.constant 768 : i32
    %add3A_167 = arith.addi %add3A_166, %add3A : i32
    %lt3A_168 = arith.constant 1250 : i32
    %lt3A_169 = arith.cmpi slt, %add3A_167, %lt3A_168 : i32
    %convert_element_type3A_170 = arith.extui %lt3A_169 : i1 to i32
    %cond3A_171 = arith.constant 0 : i32
    %cond3A_172 = arith.cmpi ne, %convert_element_type3A_170, %cond3A_171 : i32
    scf.if %cond3A_172 {
      %mul3A_278 = arith.constant 400 : i32
      %mul3A_279 = arith.muli %add3A_167, %mul3A_278 : i32
      "tpu.region"() ({
        %run_scoped3A = tpu.sem_alloc : memref<!tpu.dma_semaphore, #tpu.memory_space<semaphore_mem>>
        %dma_start3A_284 = tpu.memref_slice %arg3[%mul3A_279] : memref<500000xi32, #tpu.memory_space<hbm>> -> memref<400xi32, #tpu.memory_space<hbm>>
        %dma_start3A_285 = tpu.memref_slice %arg3[%mul3A_279] : memref<500000xi32, #tpu.memory_space<hbm>> -> memref<400xi32, #tpu.memory_space<hbm>>
        tpu.enqueue_dma source(%dma_start3A_285 : memref<400xi32, #tpu.memory_space<hbm>>) target(%arg5 : memref<400xi32, #tpu.memory_space<vmem>>) target_semaphore(%run_scoped3A : memref<!tpu.dma_semaphore, #tpu.memory_space<semaphore_mem>>)
        %dma_wait3A_286 = tpu.memref_slice %arg3[%mul3A_279] : memref<500000xi32, #tpu.memory_space<hbm>> -> memref<400xi32, #tpu.memory_space<hbm>>
        %dma_wait3A_287 = tpu.memref_slice %arg3[%mul3A_279] : memref<500000xi32, #tpu.memory_space<hbm>> -> memref<400xi32, #tpu.memory_space<hbm>>
        tpu.wait_dma2 semaphore(%run_scoped3A : memref<!tpu.dma_semaphore, #tpu.memory_space<semaphore_mem>>) src(%dma_wait3A_287 : memref<400xi32, #tpu.memory_space<hbm>>) dst(%arg5 : memref<400xi32, #tpu.memory_space<vmem>>)
        tpu.yield
      }) : () -> ()
      %dma_start3A = arith.constant 0 : i32
      %dma_start3A_280 = arith.constant 0 : i32
      %dma_start3A_281 = tpu.memref_slice %arg2[%dma_start3A, %dma_start3A_280] : memref<24016x128xf32, #tpu.memory_space<hbm>> -> memref<24016x128xf32, #tpu.memory_space<hbm>>
      tpu.enqueue_indirect_dma source(%dma_start3A_281 : memref<24016x128xf32, #tpu.memory_space<hbm>>) target(%arg6 : memref<400x128xf32, #tpu.memory_space<vmem>>) offsets(%arg5 : memref<400xi32, #tpu.memory_space<vmem>>) semaphore(%arg7 : memref<!tpu.dma_semaphore, #tpu.memory_space<semaphore_mem>>)
      %dma_wait3A = arith.constant 0 : i32
      %dma_wait3A_282 = arith.constant 0 : i32
      %dma_wait3A_283 = tpu.memref_slice %arg2[%dma_wait3A, %dma_wait3A_282] : memref<24016x128xf32, #tpu.memory_space<hbm>> -> memref<24016x128xf32, #tpu.memory_space<hbm>>
      tpu.wait_indirect_dma semaphore(%arg7 : memref<!tpu.dma_semaphore, #tpu.memory_space<semaphore_mem>>) src(%dma_wait3A_283 : memref<24016x128xf32, #tpu.memory_space<hbm>>) dst(%arg6 : memref<400x128xf32, #tpu.memory_space<vmem>>)
      "tpu.region"() ({
        %run_scoped3A = tpu.sem_alloc : memref<!tpu.dma_semaphore, #tpu.memory_space<semaphore_mem>>
        %dma_start3A_284 = arith.constant 0 : i32
        %dma_start3A_285 = tpu.memref_slice %arg4[%mul3A_279, %dma_start3A_284] : memref<500000x128xf32, #tpu.memory_space<hbm>> -> memref<400x128xf32, #tpu.memory_space<hbm>>
        %dma_start3A_286 = arith.constant 0 : i32
        %dma_start3A_287 = tpu.memref_slice %arg4[%mul3A_279, %dma_start3A_286] : memref<500000x128xf32, #tpu.memory_space<hbm>> -> memref<400x128xf32, #tpu.memory_space<hbm>>
        tpu.enqueue_dma source(%arg6 : memref<400x128xf32, #tpu.memory_space<vmem>>) target(%dma_start3A_287 : memref<400x128xf32, #tpu.memory_space<hbm>>) target_semaphore(%run_scoped3A : memref<!tpu.dma_semaphore, #tpu.memory_space<semaphore_mem>>)
        %dma_wait3A_288 = arith.constant 0 : i32
        %dma_wait3A_289 = tpu.memref_slice %arg4[%mul3A_279, %dma_wait3A_288] : memref<500000x128xf32, #tpu.memory_space<hbm>> -> memref<400x128xf32, #tpu.memory_space<hbm>>
        %dma_wait3A_290 = arith.constant 0 : i32
        %dma_wait3A_291 = tpu.memref_slice %arg4[%mul3A_279, %dma_wait3A_290] : memref<500000x128xf32, #tpu.memory_space<hbm>> -> memref<400x128xf32, #tpu.memory_space<hbm>>
        tpu.wait_dma2 semaphore(%run_scoped3A : memref<!tpu.dma_semaphore, #tpu.memory_space<semaphore_mem>>) src(%arg6 : memref<400x128xf32, #tpu.memory_space<vmem>>) dst(%dma_wait3A_291 : memref<400x128xf32, #tpu.memory_space<hbm>>)
        tpu.yield
      }) : () -> ()
    } else {
    }
    %add3A_173 = arith.constant 800 : i32
    %add3A_174 = arith.addi %add3A_173, %add3A : i32
    %lt3A_175 = arith.constant 1250 : i32
    %lt3A_176 = arith.cmpi slt, %add3A_174, %lt3A_175 : i32
    %convert_element_type3A_177 = arith.extui %lt3A_176 : i1 to i32
    %cond3A_178 = arith.constant 0 : i32
    %cond3A_179 = arith.cmpi ne, %convert_element_type3A_177, %cond3A_178 : i32
    scf.if %cond3A_179 {
      %mul3A_278 = arith.constant 400 : i32
      %mul3A_279 = arith.muli %add3A_174, %mul3A_278 : i32
      "tpu.region"() ({
        %run_scoped3A = tpu.sem_alloc : memref<!tpu.dma_semaphore, #tpu.memory_space<semaphore_mem>>
        %dma_start3A_284 = tpu.memref_slice %arg3[%mul3A_279] : memref<500000xi32, #tpu.memory_space<hbm>> -> memref<400xi32, #tpu.memory_space<hbm>>
        %dma_start3A_285 = tpu.memref_slice %arg3[%mul3A_279] : memref<500000xi32, #tpu.memory_space<hbm>> -> memref<400xi32, #tpu.memory_space<hbm>>
        tpu.enqueue_dma source(%dma_start3A_285 : memref<400xi32, #tpu.memory_space<hbm>>) target(%arg5 : memref<400xi32, #tpu.memory_space<vmem>>) target_semaphore(%run_scoped3A : memref<!tpu.dma_semaphore, #tpu.memory_space<semaphore_mem>>)
        %dma_wait3A_286 = tpu.memref_slice %arg3[%mul3A_279] : memref<500000xi32, #tpu.memory_space<hbm>> -> memref<400xi32, #tpu.memory_space<hbm>>
        %dma_wait3A_287 = tpu.memref_slice %arg3[%mul3A_279] : memref<500000xi32, #tpu.memory_space<hbm>> -> memref<400xi32, #tpu.memory_space<hbm>>
        tpu.wait_dma2 semaphore(%run_scoped3A : memref<!tpu.dma_semaphore, #tpu.memory_space<semaphore_mem>>) src(%dma_wait3A_287 : memref<400xi32, #tpu.memory_space<hbm>>) dst(%arg5 : memref<400xi32, #tpu.memory_space<vmem>>)
        tpu.yield
      }) : () -> ()
      %dma_start3A = arith.constant 0 : i32
      %dma_start3A_280 = arith.constant 0 : i32
      %dma_start3A_281 = tpu.memref_slice %arg2[%dma_start3A, %dma_start3A_280] : memref<24016x128xf32, #tpu.memory_space<hbm>> -> memref<24016x128xf32, #tpu.memory_space<hbm>>
      tpu.enqueue_indirect_dma source(%dma_start3A_281 : memref<24016x128xf32, #tpu.memory_space<hbm>>) target(%arg6 : memref<400x128xf32, #tpu.memory_space<vmem>>) offsets(%arg5 : memref<400xi32, #tpu.memory_space<vmem>>) semaphore(%arg7 : memref<!tpu.dma_semaphore, #tpu.memory_space<semaphore_mem>>)
      %dma_wait3A = arith.constant 0 : i32
      %dma_wait3A_282 = arith.constant 0 : i32
      %dma_wait3A_283 = tpu.memref_slice %arg2[%dma_wait3A, %dma_wait3A_282] : memref<24016x128xf32, #tpu.memory_space<hbm>> -> memref<24016x128xf32, #tpu.memory_space<hbm>>
      tpu.wait_indirect_dma semaphore(%arg7 : memref<!tpu.dma_semaphore, #tpu.memory_space<semaphore_mem>>) src(%dma_wait3A_283 : memref<24016x128xf32, #tpu.memory_space<hbm>>) dst(%arg6 : memref<400x128xf32, #tpu.memory_space<vmem>>)
      "tpu.region"() ({
        %run_scoped3A = tpu.sem_alloc : memref<!tpu.dma_semaphore, #tpu.memory_space<semaphore_mem>>
        %dma_start3A_284 = arith.constant 0 : i32
        %dma_start3A_285 = tpu.memref_slice %arg4[%mul3A_279, %dma_start3A_284] : memref<500000x128xf32, #tpu.memory_space<hbm>> -> memref<400x128xf32, #tpu.memory_space<hbm>>
        %dma_start3A_286 = arith.constant 0 : i32
        %dma_start3A_287 = tpu.memref_slice %arg4[%mul3A_279, %dma_start3A_286] : memref<500000x128xf32, #tpu.memory_space<hbm>> -> memref<400x128xf32, #tpu.memory_space<hbm>>
        tpu.enqueue_dma source(%arg6 : memref<400x128xf32, #tpu.memory_space<vmem>>) target(%dma_start3A_287 : memref<400x128xf32, #tpu.memory_space<hbm>>) target_semaphore(%run_scoped3A : memref<!tpu.dma_semaphore, #tpu.memory_space<semaphore_mem>>)
        %dma_wait3A_288 = arith.constant 0 : i32
        %dma_wait3A_289 = tpu.memref_slice %arg4[%mul3A_279, %dma_wait3A_288] : memref<500000x128xf32, #tpu.memory_space<hbm>> -> memref<400x128xf32, #tpu.memory_space<hbm>>
        %dma_wait3A_290 = arith.constant 0 : i32
        %dma_wait3A_291 = tpu.memref_slice %arg4[%mul3A_279, %dma_wait3A_290] : memref<500000x128xf32, #tpu.memory_space<hbm>> -> memref<400x128xf32, #tpu.memory_space<hbm>>
        tpu.wait_dma2 semaphore(%run_scoped3A : memref<!tpu.dma_semaphore, #tpu.memory_space<semaphore_mem>>) src(%arg6 : memref<400x128xf32, #tpu.memory_space<vmem>>) dst(%dma_wait3A_291 : memref<400x128xf32, #tpu.memory_space<hbm>>)
        tpu.yield
      }) : () -> ()
    } else {
    }
    %add3A_180 = arith.constant 832 : i32
    %add3A_181 = arith.addi %add3A_180, %add3A : i32
    %lt3A_182 = arith.constant 1250 : i32
    %lt3A_183 = arith.cmpi slt, %add3A_181, %lt3A_182 : i32
    %convert_element_type3A_184 = arith.extui %lt3A_183 : i1 to i32
    %cond3A_185 = arith.constant 0 : i32
    %cond3A_186 = arith.cmpi ne, %convert_element_type3A_184, %cond3A_185 : i32
    scf.if %cond3A_186 {
      %mul3A_278 = arith.constant 400 : i32
      %mul3A_279 = arith.muli %add3A_181, %mul3A_278 : i32
      "tpu.region"() ({
        %run_scoped3A = tpu.sem_alloc : memref<!tpu.dma_semaphore, #tpu.memory_space<semaphore_mem>>
        %dma_start3A_284 = tpu.memref_slice %arg3[%mul3A_279] : memref<500000xi32, #tpu.memory_space<hbm>> -> memref<400xi32, #tpu.memory_space<hbm>>
        %dma_start3A_285 = tpu.memref_slice %arg3[%mul3A_279] : memref<500000xi32, #tpu.memory_space<hbm>> -> memref<400xi32, #tpu.memory_space<hbm>>
        tpu.enqueue_dma source(%dma_start3A_285 : memref<400xi32, #tpu.memory_space<hbm>>) target(%arg5 : memref<400xi32, #tpu.memory_space<vmem>>) target_semaphore(%run_scoped3A : memref<!tpu.dma_semaphore, #tpu.memory_space<semaphore_mem>>)
        %dma_wait3A_286 = tpu.memref_slice %arg3[%mul3A_279] : memref<500000xi32, #tpu.memory_space<hbm>> -> memref<400xi32, #tpu.memory_space<hbm>>
        %dma_wait3A_287 = tpu.memref_slice %arg3[%mul3A_279] : memref<500000xi32, #tpu.memory_space<hbm>> -> memref<400xi32, #tpu.memory_space<hbm>>
        tpu.wait_dma2 semaphore(%run_scoped3A : memref<!tpu.dma_semaphore, #tpu.memory_space<semaphore_mem>>) src(%dma_wait3A_287 : memref<400xi32, #tpu.memory_space<hbm>>) dst(%arg5 : memref<400xi32, #tpu.memory_space<vmem>>)
        tpu.yield
      }) : () -> ()
      %dma_start3A = arith.constant 0 : i32
      %dma_start3A_280 = arith.constant 0 : i32
      %dma_start3A_281 = tpu.memref_slice %arg2[%dma_start3A, %dma_start3A_280] : memref<24016x128xf32, #tpu.memory_space<hbm>> -> memref<24016x128xf32, #tpu.memory_space<hbm>>
      tpu.enqueue_indirect_dma source(%dma_start3A_281 : memref<24016x128xf32, #tpu.memory_space<hbm>>) target(%arg6 : memref<400x128xf32, #tpu.memory_space<vmem>>) offsets(%arg5 : memref<400xi32, #tpu.memory_space<vmem>>) semaphore(%arg7 : memref<!tpu.dma_semaphore, #tpu.memory_space<semaphore_mem>>)
      %dma_wait3A = arith.constant 0 : i32
      %dma_wait3A_282 = arith.constant 0 : i32
      %dma_wait3A_283 = tpu.memref_slice %arg2[%dma_wait3A, %dma_wait3A_282] : memref<24016x128xf32, #tpu.memory_space<hbm>> -> memref<24016x128xf32, #tpu.memory_space<hbm>>
      tpu.wait_indirect_dma semaphore(%arg7 : memref<!tpu.dma_semaphore, #tpu.memory_space<semaphore_mem>>) src(%dma_wait3A_283 : memref<24016x128xf32, #tpu.memory_space<hbm>>) dst(%arg6 : memref<400x128xf32, #tpu.memory_space<vmem>>)
      "tpu.region"() ({
        %run_scoped3A = tpu.sem_alloc : memref<!tpu.dma_semaphore, #tpu.memory_space<semaphore_mem>>
        %dma_start3A_284 = arith.constant 0 : i32
        %dma_start3A_285 = tpu.memref_slice %arg4[%mul3A_279, %dma_start3A_284] : memref<500000x128xf32, #tpu.memory_space<hbm>> -> memref<400x128xf32, #tpu.memory_space<hbm>>
        %dma_start3A_286 = arith.constant 0 : i32
        %dma_start3A_287 = tpu.memref_slice %arg4[%mul3A_279, %dma_start3A_286] : memref<500000x128xf32, #tpu.memory_space<hbm>> -> memref<400x128xf32, #tpu.memory_space<hbm>>
        tpu.enqueue_dma source(%arg6 : memref<400x128xf32, #tpu.memory_space<vmem>>) target(%dma_start3A_287 : memref<400x128xf32, #tpu.memory_space<hbm>>) target_semaphore(%run_scoped3A : memref<!tpu.dma_semaphore, #tpu.memory_space<semaphore_mem>>)
        %dma_wait3A_288 = arith.constant 0 : i32
        %dma_wait3A_289 = tpu.memref_slice %arg4[%mul3A_279, %dma_wait3A_288] : memref<500000x128xf32, #tpu.memory_space<hbm>> -> memref<400x128xf32, #tpu.memory_space<hbm>>
        %dma_wait3A_290 = arith.constant 0 : i32
        %dma_wait3A_291 = tpu.memref_slice %arg4[%mul3A_279, %dma_wait3A_290] : memref<500000x128xf32, #tpu.memory_space<hbm>> -> memref<400x128xf32, #tpu.memory_space<hbm>>
        tpu.wait_dma2 semaphore(%run_scoped3A : memref<!tpu.dma_semaphore, #tpu.memory_space<semaphore_mem>>) src(%arg6 : memref<400x128xf32, #tpu.memory_space<vmem>>) dst(%dma_wait3A_291 : memref<400x128xf32, #tpu.memory_space<hbm>>)
        tpu.yield
      }) : () -> ()
    } else {
    }
    %add3A_187 = arith.constant 864 : i32
    %add3A_188 = arith.addi %add3A_187, %add3A : i32
    %lt3A_189 = arith.constant 1250 : i32
    %lt3A_190 = arith.cmpi slt, %add3A_188, %lt3A_189 : i32
    %convert_element_type3A_191 = arith.extui %lt3A_190 : i1 to i32
    %cond3A_192 = arith.constant 0 : i32
    %cond3A_193 = arith.cmpi ne, %convert_element_type3A_191, %cond3A_192 : i32
    scf.if %cond3A_193 {
      %mul3A_278 = arith.constant 400 : i32
      %mul3A_279 = arith.muli %add3A_188, %mul3A_278 : i32
      "tpu.region"() ({
        %run_scoped3A = tpu.sem_alloc : memref<!tpu.dma_semaphore, #tpu.memory_space<semaphore_mem>>
        %dma_start3A_284 = tpu.memref_slice %arg3[%mul3A_279] : memref<500000xi32, #tpu.memory_space<hbm>> -> memref<400xi32, #tpu.memory_space<hbm>>
        %dma_start3A_285 = tpu.memref_slice %arg3[%mul3A_279] : memref<500000xi32, #tpu.memory_space<hbm>> -> memref<400xi32, #tpu.memory_space<hbm>>
        tpu.enqueue_dma source(%dma_start3A_285 : memref<400xi32, #tpu.memory_space<hbm>>) target(%arg5 : memref<400xi32, #tpu.memory_space<vmem>>) target_semaphore(%run_scoped3A : memref<!tpu.dma_semaphore, #tpu.memory_space<semaphore_mem>>)
        %dma_wait3A_286 = tpu.memref_slice %arg3[%mul3A_279] : memref<500000xi32, #tpu.memory_space<hbm>> -> memref<400xi32, #tpu.memory_space<hbm>>
        %dma_wait3A_287 = tpu.memref_slice %arg3[%mul3A_279] : memref<500000xi32, #tpu.memory_space<hbm>> -> memref<400xi32, #tpu.memory_space<hbm>>
        tpu.wait_dma2 semaphore(%run_scoped3A : memref<!tpu.dma_semaphore, #tpu.memory_space<semaphore_mem>>) src(%dma_wait3A_287 : memref<400xi32, #tpu.memory_space<hbm>>) dst(%arg5 : memref<400xi32, #tpu.memory_space<vmem>>)
        tpu.yield
      }) : () -> ()
      %dma_start3A = arith.constant 0 : i32
      %dma_start3A_280 = arith.constant 0 : i32
      %dma_start3A_281 = tpu.memref_slice %arg2[%dma_start3A, %dma_start3A_280] : memref<24016x128xf32, #tpu.memory_space<hbm>> -> memref<24016x128xf32, #tpu.memory_space<hbm>>
      tpu.enqueue_indirect_dma source(%dma_start3A_281 : memref<24016x128xf32, #tpu.memory_space<hbm>>) target(%arg6 : memref<400x128xf32, #tpu.memory_space<vmem>>) offsets(%arg5 : memref<400xi32, #tpu.memory_space<vmem>>) semaphore(%arg7 : memref<!tpu.dma_semaphore, #tpu.memory_space<semaphore_mem>>)
      %dma_wait3A = arith.constant 0 : i32
      %dma_wait3A_282 = arith.constant 0 : i32
      %dma_wait3A_283 = tpu.memref_slice %arg2[%dma_wait3A, %dma_wait3A_282] : memref<24016x128xf32, #tpu.memory_space<hbm>> -> memref<24016x128xf32, #tpu.memory_space<hbm>>
      tpu.wait_indirect_dma semaphore(%arg7 : memref<!tpu.dma_semaphore, #tpu.memory_space<semaphore_mem>>) src(%dma_wait3A_283 : memref<24016x128xf32, #tpu.memory_space<hbm>>) dst(%arg6 : memref<400x128xf32, #tpu.memory_space<vmem>>)
      "tpu.region"() ({
        %run_scoped3A = tpu.sem_alloc : memref<!tpu.dma_semaphore, #tpu.memory_space<semaphore_mem>>
        %dma_start3A_284 = arith.constant 0 : i32
        %dma_start3A_285 = tpu.memref_slice %arg4[%mul3A_279, %dma_start3A_284] : memref<500000x128xf32, #tpu.memory_space<hbm>> -> memref<400x128xf32, #tpu.memory_space<hbm>>
        %dma_start3A_286 = arith.constant 0 : i32
        %dma_start3A_287 = tpu.memref_slice %arg4[%mul3A_279, %dma_start3A_286] : memref<500000x128xf32, #tpu.memory_space<hbm>> -> memref<400x128xf32, #tpu.memory_space<hbm>>
        tpu.enqueue_dma source(%arg6 : memref<400x128xf32, #tpu.memory_space<vmem>>) target(%dma_start3A_287 : memref<400x128xf32, #tpu.memory_space<hbm>>) target_semaphore(%run_scoped3A : memref<!tpu.dma_semaphore, #tpu.memory_space<semaphore_mem>>)
        %dma_wait3A_288 = arith.constant 0 : i32
        %dma_wait3A_289 = tpu.memref_slice %arg4[%mul3A_279, %dma_wait3A_288] : memref<500000x128xf32, #tpu.memory_space<hbm>> -> memref<400x128xf32, #tpu.memory_space<hbm>>
        %dma_wait3A_290 = arith.constant 0 : i32
        %dma_wait3A_291 = tpu.memref_slice %arg4[%mul3A_279, %dma_wait3A_290] : memref<500000x128xf32, #tpu.memory_space<hbm>> -> memref<400x128xf32, #tpu.memory_space<hbm>>
        tpu.wait_dma2 semaphore(%run_scoped3A : memref<!tpu.dma_semaphore, #tpu.memory_space<semaphore_mem>>) src(%arg6 : memref<400x128xf32, #tpu.memory_space<vmem>>) dst(%dma_wait3A_291 : memref<400x128xf32, #tpu.memory_space<hbm>>)
        tpu.yield
      }) : () -> ()
    } else {
    }
    %add3A_194 = arith.constant 896 : i32
    %add3A_195 = arith.addi %add3A_194, %add3A : i32
    %lt3A_196 = arith.constant 1250 : i32
    %lt3A_197 = arith.cmpi slt, %add3A_195, %lt3A_196 : i32
    %convert_element_type3A_198 = arith.extui %lt3A_197 : i1 to i32
    %cond3A_199 = arith.constant 0 : i32
    %cond3A_200 = arith.cmpi ne, %convert_element_type3A_198, %cond3A_199 : i32
    scf.if %cond3A_200 {
      %mul3A_278 = arith.constant 400 : i32
      %mul3A_279 = arith.muli %add3A_195, %mul3A_278 : i32
      "tpu.region"() ({
        %run_scoped3A = tpu.sem_alloc : memref<!tpu.dma_semaphore, #tpu.memory_space<semaphore_mem>>
        %dma_start3A_284 = tpu.memref_slice %arg3[%mul3A_279] : memref<500000xi32, #tpu.memory_space<hbm>> -> memref<400xi32, #tpu.memory_space<hbm>>
        %dma_start3A_285 = tpu.memref_slice %arg3[%mul3A_279] : memref<500000xi32, #tpu.memory_space<hbm>> -> memref<400xi32, #tpu.memory_space<hbm>>
        tpu.enqueue_dma source(%dma_start3A_285 : memref<400xi32, #tpu.memory_space<hbm>>) target(%arg5 : memref<400xi32, #tpu.memory_space<vmem>>) target_semaphore(%run_scoped3A : memref<!tpu.dma_semaphore, #tpu.memory_space<semaphore_mem>>)
        %dma_wait3A_286 = tpu.memref_slice %arg3[%mul3A_279] : memref<500000xi32, #tpu.memory_space<hbm>> -> memref<400xi32, #tpu.memory_space<hbm>>
        %dma_wait3A_287 = tpu.memref_slice %arg3[%mul3A_279] : memref<500000xi32, #tpu.memory_space<hbm>> -> memref<400xi32, #tpu.memory_space<hbm>>
        tpu.wait_dma2 semaphore(%run_scoped3A : memref<!tpu.dma_semaphore, #tpu.memory_space<semaphore_mem>>) src(%dma_wait3A_287 : memref<400xi32, #tpu.memory_space<hbm>>) dst(%arg5 : memref<400xi32, #tpu.memory_space<vmem>>)
        tpu.yield
      }) : () -> ()
      %dma_start3A = arith.constant 0 : i32
      %dma_start3A_280 = arith.constant 0 : i32
      %dma_start3A_281 = tpu.memref_slice %arg2[%dma_start3A, %dma_start3A_280] : memref<24016x128xf32, #tpu.memory_space<hbm>> -> memref<24016x128xf32, #tpu.memory_space<hbm>>
      tpu.enqueue_indirect_dma source(%dma_start3A_281 : memref<24016x128xf32, #tpu.memory_space<hbm>>) target(%arg6 : memref<400x128xf32, #tpu.memory_space<vmem>>) offsets(%arg5 : memref<400xi32, #tpu.memory_space<vmem>>) semaphore(%arg7 : memref<!tpu.dma_semaphore, #tpu.memory_space<semaphore_mem>>)
      %dma_wait3A = arith.constant 0 : i32
      %dma_wait3A_282 = arith.constant 0 : i32
      %dma_wait3A_283 = tpu.memref_slice %arg2[%dma_wait3A, %dma_wait3A_282] : memref<24016x128xf32, #tpu.memory_space<hbm>> -> memref<24016x128xf32, #tpu.memory_space<hbm>>
      tpu.wait_indirect_dma semaphore(%arg7 : memref<!tpu.dma_semaphore, #tpu.memory_space<semaphore_mem>>) src(%dma_wait3A_283 : memref<24016x128xf32, #tpu.memory_space<hbm>>) dst(%arg6 : memref<400x128xf32, #tpu.memory_space<vmem>>)
      "tpu.region"() ({
        %run_scoped3A = tpu.sem_alloc : memref<!tpu.dma_semaphore, #tpu.memory_space<semaphore_mem>>
        %dma_start3A_284 = arith.constant 0 : i32
        %dma_start3A_285 = tpu.memref_slice %arg4[%mul3A_279, %dma_start3A_284] : memref<500000x128xf32, #tpu.memory_space<hbm>> -> memref<400x128xf32, #tpu.memory_space<hbm>>
        %dma_start3A_286 = arith.constant 0 : i32
        %dma_start3A_287 = tpu.memref_slice %arg4[%mul3A_279, %dma_start3A_286] : memref<500000x128xf32, #tpu.memory_space<hbm>> -> memref<400x128xf32, #tpu.memory_space<hbm>>
        tpu.enqueue_dma source(%arg6 : memref<400x128xf32, #tpu.memory_space<vmem>>) target(%dma_start3A_287 : memref<400x128xf32, #tpu.memory_space<hbm>>) target_semaphore(%run_scoped3A : memref<!tpu.dma_semaphore, #tpu.memory_space<semaphore_mem>>)
        %dma_wait3A_288 = arith.constant 0 : i32
        %dma_wait3A_289 = tpu.memref_slice %arg4[%mul3A_279, %dma_wait3A_288] : memref<500000x128xf32, #tpu.memory_space<hbm>> -> memref<400x128xf32, #tpu.memory_space<hbm>>
        %dma_wait3A_290 = arith.constant 0 : i32
        %dma_wait3A_291 = tpu.memref_slice %arg4[%mul3A_279, %dma_wait3A_290] : memref<500000x128xf32, #tpu.memory_space<hbm>> -> memref<400x128xf32, #tpu.memory_space<hbm>>
        tpu.wait_dma2 semaphore(%run_scoped3A : memref<!tpu.dma_semaphore, #tpu.memory_space<semaphore_mem>>) src(%arg6 : memref<400x128xf32, #tpu.memory_space<vmem>>) dst(%dma_wait3A_291 : memref<400x128xf32, #tpu.memory_space<hbm>>)
        tpu.yield
      }) : () -> ()
    } else {
    }
    %add3A_201 = arith.constant 928 : i32
    %add3A_202 = arith.addi %add3A_201, %add3A : i32
    %lt3A_203 = arith.constant 1250 : i32
    %lt3A_204 = arith.cmpi slt, %add3A_202, %lt3A_203 : i32
    %convert_element_type3A_205 = arith.extui %lt3A_204 : i1 to i32
    %cond3A_206 = arith.constant 0 : i32
    %cond3A_207 = arith.cmpi ne, %convert_element_type3A_205, %cond3A_206 : i32
    scf.if %cond3A_207 {
      %mul3A_278 = arith.constant 400 : i32
      %mul3A_279 = arith.muli %add3A_202, %mul3A_278 : i32
      "tpu.region"() ({
        %run_scoped3A = tpu.sem_alloc : memref<!tpu.dma_semaphore, #tpu.memory_space<semaphore_mem>>
        %dma_start3A_284 = tpu.memref_slice %arg3[%mul3A_279] : memref<500000xi32, #tpu.memory_space<hbm>> -> memref<400xi32, #tpu.memory_space<hbm>>
        %dma_start3A_285 = tpu.memref_slice %arg3[%mul3A_279] : memref<500000xi32, #tpu.memory_space<hbm>> -> memref<400xi32, #tpu.memory_space<hbm>>
        tpu.enqueue_dma source(%dma_start3A_285 : memref<400xi32, #tpu.memory_space<hbm>>) target(%arg5 : memref<400xi32, #tpu.memory_space<vmem>>) target_semaphore(%run_scoped3A : memref<!tpu.dma_semaphore, #tpu.memory_space<semaphore_mem>>)
        %dma_wait3A_286 = tpu.memref_slice %arg3[%mul3A_279] : memref<500000xi32, #tpu.memory_space<hbm>> -> memref<400xi32, #tpu.memory_space<hbm>>
        %dma_wait3A_287 = tpu.memref_slice %arg3[%mul3A_279] : memref<500000xi32, #tpu.memory_space<hbm>> -> memref<400xi32, #tpu.memory_space<hbm>>
        tpu.wait_dma2 semaphore(%run_scoped3A : memref<!tpu.dma_semaphore, #tpu.memory_space<semaphore_mem>>) src(%dma_wait3A_287 : memref<400xi32, #tpu.memory_space<hbm>>) dst(%arg5 : memref<400xi32, #tpu.memory_space<vmem>>)
        tpu.yield
      }) : () -> ()
      %dma_start3A = arith.constant 0 : i32
      %dma_start3A_280 = arith.constant 0 : i32
      %dma_start3A_281 = tpu.memref_slice %arg2[%dma_start3A, %dma_start3A_280] : memref<24016x128xf32, #tpu.memory_space<hbm>> -> memref<24016x128xf32, #tpu.memory_space<hbm>>
      tpu.enqueue_indirect_dma source(%dma_start3A_281 : memref<24016x128xf32, #tpu.memory_space<hbm>>) target(%arg6 : memref<400x128xf32, #tpu.memory_space<vmem>>) offsets(%arg5 : memref<400xi32, #tpu.memory_space<vmem>>) semaphore(%arg7 : memref<!tpu.dma_semaphore, #tpu.memory_space<semaphore_mem>>)
      %dma_wait3A = arith.constant 0 : i32
      %dma_wait3A_282 = arith.constant 0 : i32
      %dma_wait3A_283 = tpu.memref_slice %arg2[%dma_wait3A, %dma_wait3A_282] : memref<24016x128xf32, #tpu.memory_space<hbm>> -> memref<24016x128xf32, #tpu.memory_space<hbm>>
      tpu.wait_indirect_dma semaphore(%arg7 : memref<!tpu.dma_semaphore, #tpu.memory_space<semaphore_mem>>) src(%dma_wait3A_283 : memref<24016x128xf32, #tpu.memory_space<hbm>>) dst(%arg6 : memref<400x128xf32, #tpu.memory_space<vmem>>)
      "tpu.region"() ({
        %run_scoped3A = tpu.sem_alloc : memref<!tpu.dma_semaphore, #tpu.memory_space<semaphore_mem>>
        %dma_start3A_284 = arith.constant 0 : i32
        %dma_start3A_285 = tpu.memref_slice %arg4[%mul3A_279, %dma_start3A_284] : memref<500000x128xf32, #tpu.memory_space<hbm>> -> memref<400x128xf32, #tpu.memory_space<hbm>>
        %dma_start3A_286 = arith.constant 0 : i32
        %dma_start3A_287 = tpu.memref_slice %arg4[%mul3A_279, %dma_start3A_286] : memref<500000x128xf32, #tpu.memory_space<hbm>> -> memref<400x128xf32, #tpu.memory_space<hbm>>
        tpu.enqueue_dma source(%arg6 : memref<400x128xf32, #tpu.memory_space<vmem>>) target(%dma_start3A_287 : memref<400x128xf32, #tpu.memory_space<hbm>>) target_semaphore(%run_scoped3A : memref<!tpu.dma_semaphore, #tpu.memory_space<semaphore_mem>>)
        %dma_wait3A_288 = arith.constant 0 : i32
        %dma_wait3A_289 = tpu.memref_slice %arg4[%mul3A_279, %dma_wait3A_288] : memref<500000x128xf32, #tpu.memory_space<hbm>> -> memref<400x128xf32, #tpu.memory_space<hbm>>
        %dma_wait3A_290 = arith.constant 0 : i32
        %dma_wait3A_291 = tpu.memref_slice %arg4[%mul3A_279, %dma_wait3A_290] : memref<500000x128xf32, #tpu.memory_space<hbm>> -> memref<400x128xf32, #tpu.memory_space<hbm>>
        tpu.wait_dma2 semaphore(%run_scoped3A : memref<!tpu.dma_semaphore, #tpu.memory_space<semaphore_mem>>) src(%arg6 : memref<400x128xf32, #tpu.memory_space<vmem>>) dst(%dma_wait3A_291 : memref<400x128xf32, #tpu.memory_space<hbm>>)
        tpu.yield
      }) : () -> ()
    } else {
    }
    %add3A_208 = arith.constant 960 : i32
    %add3A_209 = arith.addi %add3A_208, %add3A : i32
    %lt3A_210 = arith.constant 1250 : i32
    %lt3A_211 = arith.cmpi slt, %add3A_209, %lt3A_210 : i32
    %convert_element_type3A_212 = arith.extui %lt3A_211 : i1 to i32
    %cond3A_213 = arith.constant 0 : i32
    %cond3A_214 = arith.cmpi ne, %convert_element_type3A_212, %cond3A_213 : i32
    scf.if %cond3A_214 {
      %mul3A_278 = arith.constant 400 : i32
      %mul3A_279 = arith.muli %add3A_209, %mul3A_278 : i32
      "tpu.region"() ({
        %run_scoped3A = tpu.sem_alloc : memref<!tpu.dma_semaphore, #tpu.memory_space<semaphore_mem>>
        %dma_start3A_284 = tpu.memref_slice %arg3[%mul3A_279] : memref<500000xi32, #tpu.memory_space<hbm>> -> memref<400xi32, #tpu.memory_space<hbm>>
        %dma_start3A_285 = tpu.memref_slice %arg3[%mul3A_279] : memref<500000xi32, #tpu.memory_space<hbm>> -> memref<400xi32, #tpu.memory_space<hbm>>
        tpu.enqueue_dma source(%dma_start3A_285 : memref<400xi32, #tpu.memory_space<hbm>>) target(%arg5 : memref<400xi32, #tpu.memory_space<vmem>>) target_semaphore(%run_scoped3A : memref<!tpu.dma_semaphore, #tpu.memory_space<semaphore_mem>>)
        %dma_wait3A_286 = tpu.memref_slice %arg3[%mul3A_279] : memref<500000xi32, #tpu.memory_space<hbm>> -> memref<400xi32, #tpu.memory_space<hbm>>
        %dma_wait3A_287 = tpu.memref_slice %arg3[%mul3A_279] : memref<500000xi32, #tpu.memory_space<hbm>> -> memref<400xi32, #tpu.memory_space<hbm>>
        tpu.wait_dma2 semaphore(%run_scoped3A : memref<!tpu.dma_semaphore, #tpu.memory_space<semaphore_mem>>) src(%dma_wait3A_287 : memref<400xi32, #tpu.memory_space<hbm>>) dst(%arg5 : memref<400xi32, #tpu.memory_space<vmem>>)
        tpu.yield
      }) : () -> ()
      %dma_start3A = arith.constant 0 : i32
      %dma_start3A_280 = arith.constant 0 : i32
      %dma_start3A_281 = tpu.memref_slice %arg2[%dma_start3A, %dma_start3A_280] : memref<24016x128xf32, #tpu.memory_space<hbm>> -> memref<24016x128xf32, #tpu.memory_space<hbm>>
      tpu.enqueue_indirect_dma source(%dma_start3A_281 : memref<24016x128xf32, #tpu.memory_space<hbm>>) target(%arg6 : memref<400x128xf32, #tpu.memory_space<vmem>>) offsets(%arg5 : memref<400xi32, #tpu.memory_space<vmem>>) semaphore(%arg7 : memref<!tpu.dma_semaphore, #tpu.memory_space<semaphore_mem>>)
      %dma_wait3A = arith.constant 0 : i32
      %dma_wait3A_282 = arith.constant 0 : i32
      %dma_wait3A_283 = tpu.memref_slice %arg2[%dma_wait3A, %dma_wait3A_282] : memref<24016x128xf32, #tpu.memory_space<hbm>> -> memref<24016x128xf32, #tpu.memory_space<hbm>>
      tpu.wait_indirect_dma semaphore(%arg7 : memref<!tpu.dma_semaphore, #tpu.memory_space<semaphore_mem>>) src(%dma_wait3A_283 : memref<24016x128xf32, #tpu.memory_space<hbm>>) dst(%arg6 : memref<400x128xf32, #tpu.memory_space<vmem>>)
      "tpu.region"() ({
        %run_scoped3A = tpu.sem_alloc : memref<!tpu.dma_semaphore, #tpu.memory_space<semaphore_mem>>
        %dma_start3A_284 = arith.constant 0 : i32
        %dma_start3A_285 = tpu.memref_slice %arg4[%mul3A_279, %dma_start3A_284] : memref<500000x128xf32, #tpu.memory_space<hbm>> -> memref<400x128xf32, #tpu.memory_space<hbm>>
        %dma_start3A_286 = arith.constant 0 : i32
        %dma_start3A_287 = tpu.memref_slice %arg4[%mul3A_279, %dma_start3A_286] : memref<500000x128xf32, #tpu.memory_space<hbm>> -> memref<400x128xf32, #tpu.memory_space<hbm>>
        tpu.enqueue_dma source(%arg6 : memref<400x128xf32, #tpu.memory_space<vmem>>) target(%dma_start3A_287 : memref<400x128xf32, #tpu.memory_space<hbm>>) target_semaphore(%run_scoped3A : memref<!tpu.dma_semaphore, #tpu.memory_space<semaphore_mem>>)
        %dma_wait3A_288 = arith.constant 0 : i32
        %dma_wait3A_289 = tpu.memref_slice %arg4[%mul3A_279, %dma_wait3A_288] : memref<500000x128xf32, #tpu.memory_space<hbm>> -> memref<400x128xf32, #tpu.memory_space<hbm>>
        %dma_wait3A_290 = arith.constant 0 : i32
        %dma_wait3A_291 = tpu.memref_slice %arg4[%mul3A_279, %dma_wait3A_290] : memref<500000x128xf32, #tpu.memory_space<hbm>> -> memref<400x128xf32, #tpu.memory_space<hbm>>
        tpu.wait_dma2 semaphore(%run_scoped3A : memref<!tpu.dma_semaphore, #tpu.memory_space<semaphore_mem>>) src(%arg6 : memref<400x128xf32, #tpu.memory_space<vmem>>) dst(%dma_wait3A_291 : memref<400x128xf32, #tpu.memory_space<hbm>>)
        tpu.yield
      }) : () -> ()
    } else {
    }
    %add3A_215 = arith.constant 992 : i32
    %add3A_216 = arith.addi %add3A_215, %add3A : i32
    %lt3A_217 = arith.constant 1250 : i32
    %lt3A_218 = arith.cmpi slt, %add3A_216, %lt3A_217 : i32
    %convert_element_type3A_219 = arith.extui %lt3A_218 : i1 to i32
    %cond3A_220 = arith.constant 0 : i32
    %cond3A_221 = arith.cmpi ne, %convert_element_type3A_219, %cond3A_220 : i32
    scf.if %cond3A_221 {
      %mul3A_278 = arith.constant 400 : i32
      %mul3A_279 = arith.muli %add3A_216, %mul3A_278 : i32
      "tpu.region"() ({
        %run_scoped3A = tpu.sem_alloc : memref<!tpu.dma_semaphore, #tpu.memory_space<semaphore_mem>>
        %dma_start3A_284 = tpu.memref_slice %arg3[%mul3A_279] : memref<500000xi32, #tpu.memory_space<hbm>> -> memref<400xi32, #tpu.memory_space<hbm>>
        %dma_start3A_285 = tpu.memref_slice %arg3[%mul3A_279] : memref<500000xi32, #tpu.memory_space<hbm>> -> memref<400xi32, #tpu.memory_space<hbm>>
        tpu.enqueue_dma source(%dma_start3A_285 : memref<400xi32, #tpu.memory_space<hbm>>) target(%arg5 : memref<400xi32, #tpu.memory_space<vmem>>) target_semaphore(%run_scoped3A : memref<!tpu.dma_semaphore, #tpu.memory_space<semaphore_mem>>)
        %dma_wait3A_286 = tpu.memref_slice %arg3[%mul3A_279] : memref<500000xi32, #tpu.memory_space<hbm>> -> memref<400xi32, #tpu.memory_space<hbm>>
        %dma_wait3A_287 = tpu.memref_slice %arg3[%mul3A_279] : memref<500000xi32, #tpu.memory_space<hbm>> -> memref<400xi32, #tpu.memory_space<hbm>>
        tpu.wait_dma2 semaphore(%run_scoped3A : memref<!tpu.dma_semaphore, #tpu.memory_space<semaphore_mem>>) src(%dma_wait3A_287 : memref<400xi32, #tpu.memory_space<hbm>>) dst(%arg5 : memref<400xi32, #tpu.memory_space<vmem>>)
        tpu.yield
      }) : () -> ()
      %dma_start3A = arith.constant 0 : i32
      %dma_start3A_280 = arith.constant 0 : i32
      %dma_start3A_281 = tpu.memref_slice %arg2[%dma_start3A, %dma_start3A_280] : memref<24016x128xf32, #tpu.memory_space<hbm>> -> memref<24016x128xf32, #tpu.memory_space<hbm>>
      tpu.enqueue_indirect_dma source(%dma_start3A_281 : memref<24016x128xf32, #tpu.memory_space<hbm>>) target(%arg6 : memref<400x128xf32, #tpu.memory_space<vmem>>) offsets(%arg5 : memref<400xi32, #tpu.memory_space<vmem>>) semaphore(%arg7 : memref<!tpu.dma_semaphore, #tpu.memory_space<semaphore_mem>>)
      %dma_wait3A = arith.constant 0 : i32
      %dma_wait3A_282 = arith.constant 0 : i32
      %dma_wait3A_283 = tpu.memref_slice %arg2[%dma_wait3A, %dma_wait3A_282] : memref<24016x128xf32, #tpu.memory_space<hbm>> -> memref<24016x128xf32, #tpu.memory_space<hbm>>
      tpu.wait_indirect_dma semaphore(%arg7 : memref<!tpu.dma_semaphore, #tpu.memory_space<semaphore_mem>>) src(%dma_wait3A_283 : memref<24016x128xf32, #tpu.memory_space<hbm>>) dst(%arg6 : memref<400x128xf32, #tpu.memory_space<vmem>>)
      "tpu.region"() ({
        %run_scoped3A = tpu.sem_alloc : memref<!tpu.dma_semaphore, #tpu.memory_space<semaphore_mem>>
        %dma_start3A_284 = arith.constant 0 : i32
        %dma_start3A_285 = tpu.memref_slice %arg4[%mul3A_279, %dma_start3A_284] : memref<500000x128xf32, #tpu.memory_space<hbm>> -> memref<400x128xf32, #tpu.memory_space<hbm>>
        %dma_start3A_286 = arith.constant 0 : i32
        %dma_start3A_287 = tpu.memref_slice %arg4[%mul3A_279, %dma_start3A_286] : memref<500000x128xf32, #tpu.memory_space<hbm>> -> memref<400x128xf32, #tpu.memory_space<hbm>>
        tpu.enqueue_dma source(%arg6 : memref<400x128xf32, #tpu.memory_space<vmem>>) target(%dma_start3A_287 : memref<400x128xf32, #tpu.memory_space<hbm>>) target_semaphore(%run_scoped3A : memref<!tpu.dma_semaphore, #tpu.memory_space<semaphore_mem>>)
        %dma_wait3A_288 = arith.constant 0 : i32
        %dma_wait3A_289 = tpu.memref_slice %arg4[%mul3A_279, %dma_wait3A_288] : memref<500000x128xf32, #tpu.memory_space<hbm>> -> memref<400x128xf32, #tpu.memory_space<hbm>>
        %dma_wait3A_290 = arith.constant 0 : i32
        %dma_wait3A_291 = tpu.memref_slice %arg4[%mul3A_279, %dma_wait3A_290] : memref<500000x128xf32, #tpu.memory_space<hbm>> -> memref<400x128xf32, #tpu.memory_space<hbm>>
        tpu.wait_dma2 semaphore(%run_scoped3A : memref<!tpu.dma_semaphore, #tpu.memory_space<semaphore_mem>>) src(%arg6 : memref<400x128xf32, #tpu.memory_space<vmem>>) dst(%dma_wait3A_291 : memref<400x128xf32, #tpu.memory_space<hbm>>)
        tpu.yield
      }) : () -> ()
    } else {
    }
    %add3A_222 = arith.constant 1024 : i32
    %add3A_223 = arith.addi %add3A_222, %add3A : i32
    %lt3A_224 = arith.constant 1250 : i32
    %lt3A_225 = arith.cmpi slt, %add3A_223, %lt3A_224 : i32
    %convert_element_type3A_226 = arith.extui %lt3A_225 : i1 to i32
    %cond3A_227 = arith.constant 0 : i32
    %cond3A_228 = arith.cmpi ne, %convert_element_type3A_226, %cond3A_227 : i32
    scf.if %cond3A_228 {
      %mul3A_278 = arith.constant 400 : i32
      %mul3A_279 = arith.muli %add3A_223, %mul3A_278 : i32
      "tpu.region"() ({
        %run_scoped3A = tpu.sem_alloc : memref<!tpu.dma_semaphore, #tpu.memory_space<semaphore_mem>>
        %dma_start3A_284 = tpu.memref_slice %arg3[%mul3A_279] : memref<500000xi32, #tpu.memory_space<hbm>> -> memref<400xi32, #tpu.memory_space<hbm>>
        %dma_start3A_285 = tpu.memref_slice %arg3[%mul3A_279] : memref<500000xi32, #tpu.memory_space<hbm>> -> memref<400xi32, #tpu.memory_space<hbm>>
        tpu.enqueue_dma source(%dma_start3A_285 : memref<400xi32, #tpu.memory_space<hbm>>) target(%arg5 : memref<400xi32, #tpu.memory_space<vmem>>) target_semaphore(%run_scoped3A : memref<!tpu.dma_semaphore, #tpu.memory_space<semaphore_mem>>)
        %dma_wait3A_286 = tpu.memref_slice %arg3[%mul3A_279] : memref<500000xi32, #tpu.memory_space<hbm>> -> memref<400xi32, #tpu.memory_space<hbm>>
        %dma_wait3A_287 = tpu.memref_slice %arg3[%mul3A_279] : memref<500000xi32, #tpu.memory_space<hbm>> -> memref<400xi32, #tpu.memory_space<hbm>>
        tpu.wait_dma2 semaphore(%run_scoped3A : memref<!tpu.dma_semaphore, #tpu.memory_space<semaphore_mem>>) src(%dma_wait3A_287 : memref<400xi32, #tpu.memory_space<hbm>>) dst(%arg5 : memref<400xi32, #tpu.memory_space<vmem>>)
        tpu.yield
      }) : () -> ()
      %dma_start3A = arith.constant 0 : i32
      %dma_start3A_280 = arith.constant 0 : i32
      %dma_start3A_281 = tpu.memref_slice %arg2[%dma_start3A, %dma_start3A_280] : memref<24016x128xf32, #tpu.memory_space<hbm>> -> memref<24016x128xf32, #tpu.memory_space<hbm>>
      tpu.enqueue_indirect_dma source(%dma_start3A_281 : memref<24016x128xf32, #tpu.memory_space<hbm>>) target(%arg6 : memref<400x128xf32, #tpu.memory_space<vmem>>) offsets(%arg5 : memref<400xi32, #tpu.memory_space<vmem>>) semaphore(%arg7 : memref<!tpu.dma_semaphore, #tpu.memory_space<semaphore_mem>>)
      %dma_wait3A = arith.constant 0 : i32
      %dma_wait3A_282 = arith.constant 0 : i32
      %dma_wait3A_283 = tpu.memref_slice %arg2[%dma_wait3A, %dma_wait3A_282] : memref<24016x128xf32, #tpu.memory_space<hbm>> -> memref<24016x128xf32, #tpu.memory_space<hbm>>
      tpu.wait_indirect_dma semaphore(%arg7 : memref<!tpu.dma_semaphore, #tpu.memory_space<semaphore_mem>>) src(%dma_wait3A_283 : memref<24016x128xf32, #tpu.memory_space<hbm>>) dst(%arg6 : memref<400x128xf32, #tpu.memory_space<vmem>>)
      "tpu.region"() ({
        %run_scoped3A = tpu.sem_alloc : memref<!tpu.dma_semaphore, #tpu.memory_space<semaphore_mem>>
        %dma_start3A_284 = arith.constant 0 : i32
        %dma_start3A_285 = tpu.memref_slice %arg4[%mul3A_279, %dma_start3A_284] : memref<500000x128xf32, #tpu.memory_space<hbm>> -> memref<400x128xf32, #tpu.memory_space<hbm>>
        %dma_start3A_286 = arith.constant 0 : i32
        %dma_start3A_287 = tpu.memref_slice %arg4[%mul3A_279, %dma_start3A_286] : memref<500000x128xf32, #tpu.memory_space<hbm>> -> memref<400x128xf32, #tpu.memory_space<hbm>>
        tpu.enqueue_dma source(%arg6 : memref<400x128xf32, #tpu.memory_space<vmem>>) target(%dma_start3A_287 : memref<400x128xf32, #tpu.memory_space<hbm>>) target_semaphore(%run_scoped3A : memref<!tpu.dma_semaphore, #tpu.memory_space<semaphore_mem>>)
        %dma_wait3A_288 = arith.constant 0 : i32
        %dma_wait3A_289 = tpu.memref_slice %arg4[%mul3A_279, %dma_wait3A_288] : memref<500000x128xf32, #tpu.memory_space<hbm>> -> memref<400x128xf32, #tpu.memory_space<hbm>>
        %dma_wait3A_290 = arith.constant 0 : i32
        %dma_wait3A_291 = tpu.memref_slice %arg4[%mul3A_279, %dma_wait3A_290] : memref<500000x128xf32, #tpu.memory_space<hbm>> -> memref<400x128xf32, #tpu.memory_space<hbm>>
        tpu.wait_dma2 semaphore(%run_scoped3A : memref<!tpu.dma_semaphore, #tpu.memory_space<semaphore_mem>>) src(%arg6 : memref<400x128xf32, #tpu.memory_space<vmem>>) dst(%dma_wait3A_291 : memref<400x128xf32, #tpu.memory_space<hbm>>)
        tpu.yield
      }) : () -> ()
    } else {
    }
    %add3A_229 = arith.constant 1056 : i32
    %add3A_230 = arith.addi %add3A_229, %add3A : i32
    %lt3A_231 = arith.constant 1250 : i32
    %lt3A_232 = arith.cmpi slt, %add3A_230, %lt3A_231 : i32
    %convert_element_type3A_233 = arith.extui %lt3A_232 : i1 to i32
    %cond3A_234 = arith.constant 0 : i32
    %cond3A_235 = arith.cmpi ne, %convert_element_type3A_233, %cond3A_234 : i32
    scf.if %cond3A_235 {
      %mul3A_278 = arith.constant 400 : i32
      %mul3A_279 = arith.muli %add3A_230, %mul3A_278 : i32
      "tpu.region"() ({
        %run_scoped3A = tpu.sem_alloc : memref<!tpu.dma_semaphore, #tpu.memory_space<semaphore_mem>>
        %dma_start3A_284 = tpu.memref_slice %arg3[%mul3A_279] : memref<500000xi32, #tpu.memory_space<hbm>> -> memref<400xi32, #tpu.memory_space<hbm>>
        %dma_start3A_285 = tpu.memref_slice %arg3[%mul3A_279] : memref<500000xi32, #tpu.memory_space<hbm>> -> memref<400xi32, #tpu.memory_space<hbm>>
        tpu.enqueue_dma source(%dma_start3A_285 : memref<400xi32, #tpu.memory_space<hbm>>) target(%arg5 : memref<400xi32, #tpu.memory_space<vmem>>) target_semaphore(%run_scoped3A : memref<!tpu.dma_semaphore, #tpu.memory_space<semaphore_mem>>)
        %dma_wait3A_286 = tpu.memref_slice %arg3[%mul3A_279] : memref<500000xi32, #tpu.memory_space<hbm>> -> memref<400xi32, #tpu.memory_space<hbm>>
        %dma_wait3A_287 = tpu.memref_slice %arg3[%mul3A_279] : memref<500000xi32, #tpu.memory_space<hbm>> -> memref<400xi32, #tpu.memory_space<hbm>>
        tpu.wait_dma2 semaphore(%run_scoped3A : memref<!tpu.dma_semaphore, #tpu.memory_space<semaphore_mem>>) src(%dma_wait3A_287 : memref<400xi32, #tpu.memory_space<hbm>>) dst(%arg5 : memref<400xi32, #tpu.memory_space<vmem>>)
        tpu.yield
      }) : () -> ()
      %dma_start3A = arith.constant 0 : i32
      %dma_start3A_280 = arith.constant 0 : i32
      %dma_start3A_281 = tpu.memref_slice %arg2[%dma_start3A, %dma_start3A_280] : memref<24016x128xf32, #tpu.memory_space<hbm>> -> memref<24016x128xf32, #tpu.memory_space<hbm>>
      tpu.enqueue_indirect_dma source(%dma_start3A_281 : memref<24016x128xf32, #tpu.memory_space<hbm>>) target(%arg6 : memref<400x128xf32, #tpu.memory_space<vmem>>) offsets(%arg5 : memref<400xi32, #tpu.memory_space<vmem>>) semaphore(%arg7 : memref<!tpu.dma_semaphore, #tpu.memory_space<semaphore_mem>>)
      %dma_wait3A = arith.constant 0 : i32
      %dma_wait3A_282 = arith.constant 0 : i32
      %dma_wait3A_283 = tpu.memref_slice %arg2[%dma_wait3A, %dma_wait3A_282] : memref<24016x128xf32, #tpu.memory_space<hbm>> -> memref<24016x128xf32, #tpu.memory_space<hbm>>
      tpu.wait_indirect_dma semaphore(%arg7 : memref<!tpu.dma_semaphore, #tpu.memory_space<semaphore_mem>>) src(%dma_wait3A_283 : memref<24016x128xf32, #tpu.memory_space<hbm>>) dst(%arg6 : memref<400x128xf32, #tpu.memory_space<vmem>>)
      "tpu.region"() ({
        %run_scoped3A = tpu.sem_alloc : memref<!tpu.dma_semaphore, #tpu.memory_space<semaphore_mem>>
        %dma_start3A_284 = arith.constant 0 : i32
        %dma_start3A_285 = tpu.memref_slice %arg4[%mul3A_279, %dma_start3A_284] : memref<500000x128xf32, #tpu.memory_space<hbm>> -> memref<400x128xf32, #tpu.memory_space<hbm>>
        %dma_start3A_286 = arith.constant 0 : i32
        %dma_start3A_287 = tpu.memref_slice %arg4[%mul3A_279, %dma_start3A_286] : memref<500000x128xf32, #tpu.memory_space<hbm>> -> memref<400x128xf32, #tpu.memory_space<hbm>>
        tpu.enqueue_dma source(%arg6 : memref<400x128xf32, #tpu.memory_space<vmem>>) target(%dma_start3A_287 : memref<400x128xf32, #tpu.memory_space<hbm>>) target_semaphore(%run_scoped3A : memref<!tpu.dma_semaphore, #tpu.memory_space<semaphore_mem>>)
        %dma_wait3A_288 = arith.constant 0 : i32
        %dma_wait3A_289 = tpu.memref_slice %arg4[%mul3A_279, %dma_wait3A_288] : memref<500000x128xf32, #tpu.memory_space<hbm>> -> memref<400x128xf32, #tpu.memory_space<hbm>>
        %dma_wait3A_290 = arith.constant 0 : i32
        %dma_wait3A_291 = tpu.memref_slice %arg4[%mul3A_279, %dma_wait3A_290] : memref<500000x128xf32, #tpu.memory_space<hbm>> -> memref<400x128xf32, #tpu.memory_space<hbm>>
        tpu.wait_dma2 semaphore(%run_scoped3A : memref<!tpu.dma_semaphore, #tpu.memory_space<semaphore_mem>>) src(%arg6 : memref<400x128xf32, #tpu.memory_space<vmem>>) dst(%dma_wait3A_291 : memref<400x128xf32, #tpu.memory_space<hbm>>)
        tpu.yield
      }) : () -> ()
    } else {
    }
    %add3A_236 = arith.constant 1088 : i32
    %add3A_237 = arith.addi %add3A_236, %add3A : i32
    %lt3A_238 = arith.constant 1250 : i32
    %lt3A_239 = arith.cmpi slt, %add3A_237, %lt3A_238 : i32
    %convert_element_type3A_240 = arith.extui %lt3A_239 : i1 to i32
    %cond3A_241 = arith.constant 0 : i32
    %cond3A_242 = arith.cmpi ne, %convert_element_type3A_240, %cond3A_241 : i32
    scf.if %cond3A_242 {
      %mul3A_278 = arith.constant 400 : i32
      %mul3A_279 = arith.muli %add3A_237, %mul3A_278 : i32
      "tpu.region"() ({
        %run_scoped3A = tpu.sem_alloc : memref<!tpu.dma_semaphore, #tpu.memory_space<semaphore_mem>>
        %dma_start3A_284 = tpu.memref_slice %arg3[%mul3A_279] : memref<500000xi32, #tpu.memory_space<hbm>> -> memref<400xi32, #tpu.memory_space<hbm>>
        %dma_start3A_285 = tpu.memref_slice %arg3[%mul3A_279] : memref<500000xi32, #tpu.memory_space<hbm>> -> memref<400xi32, #tpu.memory_space<hbm>>
        tpu.enqueue_dma source(%dma_start3A_285 : memref<400xi32, #tpu.memory_space<hbm>>) target(%arg5 : memref<400xi32, #tpu.memory_space<vmem>>) target_semaphore(%run_scoped3A : memref<!tpu.dma_semaphore, #tpu.memory_space<semaphore_mem>>)
        %dma_wait3A_286 = tpu.memref_slice %arg3[%mul3A_279] : memref<500000xi32, #tpu.memory_space<hbm>> -> memref<400xi32, #tpu.memory_space<hbm>>
        %dma_wait3A_287 = tpu.memref_slice %arg3[%mul3A_279] : memref<500000xi32, #tpu.memory_space<hbm>> -> memref<400xi32, #tpu.memory_space<hbm>>
        tpu.wait_dma2 semaphore(%run_scoped3A : memref<!tpu.dma_semaphore, #tpu.memory_space<semaphore_mem>>) src(%dma_wait3A_287 : memref<400xi32, #tpu.memory_space<hbm>>) dst(%arg5 : memref<400xi32, #tpu.memory_space<vmem>>)
        tpu.yield
      }) : () -> ()
      %dma_start3A = arith.constant 0 : i32
      %dma_start3A_280 = arith.constant 0 : i32
      %dma_start3A_281 = tpu.memref_slice %arg2[%dma_start3A, %dma_start3A_280] : memref<24016x128xf32, #tpu.memory_space<hbm>> -> memref<24016x128xf32, #tpu.memory_space<hbm>>
      tpu.enqueue_indirect_dma source(%dma_start3A_281 : memref<24016x128xf32, #tpu.memory_space<hbm>>) target(%arg6 : memref<400x128xf32, #tpu.memory_space<vmem>>) offsets(%arg5 : memref<400xi32, #tpu.memory_space<vmem>>) semaphore(%arg7 : memref<!tpu.dma_semaphore, #tpu.memory_space<semaphore_mem>>)
      %dma_wait3A = arith.constant 0 : i32
      %dma_wait3A_282 = arith.constant 0 : i32
      %dma_wait3A_283 = tpu.memref_slice %arg2[%dma_wait3A, %dma_wait3A_282] : memref<24016x128xf32, #tpu.memory_space<hbm>> -> memref<24016x128xf32, #tpu.memory_space<hbm>>
      tpu.wait_indirect_dma semaphore(%arg7 : memref<!tpu.dma_semaphore, #tpu.memory_space<semaphore_mem>>) src(%dma_wait3A_283 : memref<24016x128xf32, #tpu.memory_space<hbm>>) dst(%arg6 : memref<400x128xf32, #tpu.memory_space<vmem>>)
      "tpu.region"() ({
        %run_scoped3A = tpu.sem_alloc : memref<!tpu.dma_semaphore, #tpu.memory_space<semaphore_mem>>
        %dma_start3A_284 = arith.constant 0 : i32
        %dma_start3A_285 = tpu.memref_slice %arg4[%mul3A_279, %dma_start3A_284] : memref<500000x128xf32, #tpu.memory_space<hbm>> -> memref<400x128xf32, #tpu.memory_space<hbm>>
        %dma_start3A_286 = arith.constant 0 : i32
        %dma_start3A_287 = tpu.memref_slice %arg4[%mul3A_279, %dma_start3A_286] : memref<500000x128xf32, #tpu.memory_space<hbm>> -> memref<400x128xf32, #tpu.memory_space<hbm>>
        tpu.enqueue_dma source(%arg6 : memref<400x128xf32, #tpu.memory_space<vmem>>) target(%dma_start3A_287 : memref<400x128xf32, #tpu.memory_space<hbm>>) target_semaphore(%run_scoped3A : memref<!tpu.dma_semaphore, #tpu.memory_space<semaphore_mem>>)
        %dma_wait3A_288 = arith.constant 0 : i32
        %dma_wait3A_289 = tpu.memref_slice %arg4[%mul3A_279, %dma_wait3A_288] : memref<500000x128xf32, #tpu.memory_space<hbm>> -> memref<400x128xf32, #tpu.memory_space<hbm>>
        %dma_wait3A_290 = arith.constant 0 : i32
        %dma_wait3A_291 = tpu.memref_slice %arg4[%mul3A_279, %dma_wait3A_290] : memref<500000x128xf32, #tpu.memory_space<hbm>> -> memref<400x128xf32, #tpu.memory_space<hbm>>
        tpu.wait_dma2 semaphore(%run_scoped3A : memref<!tpu.dma_semaphore, #tpu.memory_space<semaphore_mem>>) src(%arg6 : memref<400x128xf32, #tpu.memory_space<vmem>>) dst(%dma_wait3A_291 : memref<400x128xf32, #tpu.memory_space<hbm>>)
        tpu.yield
      }) : () -> ()
    } else {
    }
    %add3A_243 = arith.constant 1120 : i32
    %add3A_244 = arith.addi %add3A_243, %add3A : i32
    %lt3A_245 = arith.constant 1250 : i32
    %lt3A_246 = arith.cmpi slt, %add3A_244, %lt3A_245 : i32
    %convert_element_type3A_247 = arith.extui %lt3A_246 : i1 to i32
    %cond3A_248 = arith.constant 0 : i32
    %cond3A_249 = arith.cmpi ne, %convert_element_type3A_247, %cond3A_248 : i32
    scf.if %cond3A_249 {
      %mul3A_278 = arith.constant 400 : i32
      %mul3A_279 = arith.muli %add3A_244, %mul3A_278 : i32
      "tpu.region"() ({
        %run_scoped3A = tpu.sem_alloc : memref<!tpu.dma_semaphore, #tpu.memory_space<semaphore_mem>>
        %dma_start3A_284 = tpu.memref_slice %arg3[%mul3A_279] : memref<500000xi32, #tpu.memory_space<hbm>> -> memref<400xi32, #tpu.memory_space<hbm>>
        %dma_start3A_285 = tpu.memref_slice %arg3[%mul3A_279] : memref<500000xi32, #tpu.memory_space<hbm>> -> memref<400xi32, #tpu.memory_space<hbm>>
        tpu.enqueue_dma source(%dma_start3A_285 : memref<400xi32, #tpu.memory_space<hbm>>) target(%arg5 : memref<400xi32, #tpu.memory_space<vmem>>) target_semaphore(%run_scoped3A : memref<!tpu.dma_semaphore, #tpu.memory_space<semaphore_mem>>)
        %dma_wait3A_286 = tpu.memref_slice %arg3[%mul3A_279] : memref<500000xi32, #tpu.memory_space<hbm>> -> memref<400xi32, #tpu.memory_space<hbm>>
        %dma_wait3A_287 = tpu.memref_slice %arg3[%mul3A_279] : memref<500000xi32, #tpu.memory_space<hbm>> -> memref<400xi32, #tpu.memory_space<hbm>>
        tpu.wait_dma2 semaphore(%run_scoped3A : memref<!tpu.dma_semaphore, #tpu.memory_space<semaphore_mem>>) src(%dma_wait3A_287 : memref<400xi32, #tpu.memory_space<hbm>>) dst(%arg5 : memref<400xi32, #tpu.memory_space<vmem>>)
        tpu.yield
      }) : () -> ()
      %dma_start3A = arith.constant 0 : i32
      %dma_start3A_280 = arith.constant 0 : i32
      %dma_start3A_281 = tpu.memref_slice %arg2[%dma_start3A, %dma_start3A_280] : memref<24016x128xf32, #tpu.memory_space<hbm>> -> memref<24016x128xf32, #tpu.memory_space<hbm>>
      tpu.enqueue_indirect_dma source(%dma_start3A_281 : memref<24016x128xf32, #tpu.memory_space<hbm>>) target(%arg6 : memref<400x128xf32, #tpu.memory_space<vmem>>) offsets(%arg5 : memref<400xi32, #tpu.memory_space<vmem>>) semaphore(%arg7 : memref<!tpu.dma_semaphore, #tpu.memory_space<semaphore_mem>>)
      %dma_wait3A = arith.constant 0 : i32
      %dma_wait3A_282 = arith.constant 0 : i32
      %dma_wait3A_283 = tpu.memref_slice %arg2[%dma_wait3A, %dma_wait3A_282] : memref<24016x128xf32, #tpu.memory_space<hbm>> -> memref<24016x128xf32, #tpu.memory_space<hbm>>
      tpu.wait_indirect_dma semaphore(%arg7 : memref<!tpu.dma_semaphore, #tpu.memory_space<semaphore_mem>>) src(%dma_wait3A_283 : memref<24016x128xf32, #tpu.memory_space<hbm>>) dst(%arg6 : memref<400x128xf32, #tpu.memory_space<vmem>>)
      "tpu.region"() ({
        %run_scoped3A = tpu.sem_alloc : memref<!tpu.dma_semaphore, #tpu.memory_space<semaphore_mem>>
        %dma_start3A_284 = arith.constant 0 : i32
        %dma_start3A_285 = tpu.memref_slice %arg4[%mul3A_279, %dma_start3A_284] : memref<500000x128xf32, #tpu.memory_space<hbm>> -> memref<400x128xf32, #tpu.memory_space<hbm>>
        %dma_start3A_286 = arith.constant 0 : i32
        %dma_start3A_287 = tpu.memref_slice %arg4[%mul3A_279, %dma_start3A_286] : memref<500000x128xf32, #tpu.memory_space<hbm>> -> memref<400x128xf32, #tpu.memory_space<hbm>>
        tpu.enqueue_dma source(%arg6 : memref<400x128xf32, #tpu.memory_space<vmem>>) target(%dma_start3A_287 : memref<400x128xf32, #tpu.memory_space<hbm>>) target_semaphore(%run_scoped3A : memref<!tpu.dma_semaphore, #tpu.memory_space<semaphore_mem>>)
        %dma_wait3A_288 = arith.constant 0 : i32
        %dma_wait3A_289 = tpu.memref_slice %arg4[%mul3A_279, %dma_wait3A_288] : memref<500000x128xf32, #tpu.memory_space<hbm>> -> memref<400x128xf32, #tpu.memory_space<hbm>>
        %dma_wait3A_290 = arith.constant 0 : i32
        %dma_wait3A_291 = tpu.memref_slice %arg4[%mul3A_279, %dma_wait3A_290] : memref<500000x128xf32, #tpu.memory_space<hbm>> -> memref<400x128xf32, #tpu.memory_space<hbm>>
        tpu.wait_dma2 semaphore(%run_scoped3A : memref<!tpu.dma_semaphore, #tpu.memory_space<semaphore_mem>>) src(%arg6 : memref<400x128xf32, #tpu.memory_space<vmem>>) dst(%dma_wait3A_291 : memref<400x128xf32, #tpu.memory_space<hbm>>)
        tpu.yield
      }) : () -> ()
    } else {
    }
    %add3A_250 = arith.constant 1152 : i32
    %add3A_251 = arith.addi %add3A_250, %add3A : i32
    %lt3A_252 = arith.constant 1250 : i32
    %lt3A_253 = arith.cmpi slt, %add3A_251, %lt3A_252 : i32
    %convert_element_type3A_254 = arith.extui %lt3A_253 : i1 to i32
    %cond3A_255 = arith.constant 0 : i32
    %cond3A_256 = arith.cmpi ne, %convert_element_type3A_254, %cond3A_255 : i32
    scf.if %cond3A_256 {
      %mul3A_278 = arith.constant 400 : i32
      %mul3A_279 = arith.muli %add3A_251, %mul3A_278 : i32
      "tpu.region"() ({
        %run_scoped3A = tpu.sem_alloc : memref<!tpu.dma_semaphore, #tpu.memory_space<semaphore_mem>>
        %dma_start3A_284 = tpu.memref_slice %arg3[%mul3A_279] : memref<500000xi32, #tpu.memory_space<hbm>> -> memref<400xi32, #tpu.memory_space<hbm>>
        %dma_start3A_285 = tpu.memref_slice %arg3[%mul3A_279] : memref<500000xi32, #tpu.memory_space<hbm>> -> memref<400xi32, #tpu.memory_space<hbm>>
        tpu.enqueue_dma source(%dma_start3A_285 : memref<400xi32, #tpu.memory_space<hbm>>) target(%arg5 : memref<400xi32, #tpu.memory_space<vmem>>) target_semaphore(%run_scoped3A : memref<!tpu.dma_semaphore, #tpu.memory_space<semaphore_mem>>)
        %dma_wait3A_286 = tpu.memref_slice %arg3[%mul3A_279] : memref<500000xi32, #tpu.memory_space<hbm>> -> memref<400xi32, #tpu.memory_space<hbm>>
        %dma_wait3A_287 = tpu.memref_slice %arg3[%mul3A_279] : memref<500000xi32, #tpu.memory_space<hbm>> -> memref<400xi32, #tpu.memory_space<hbm>>
        tpu.wait_dma2 semaphore(%run_scoped3A : memref<!tpu.dma_semaphore, #tpu.memory_space<semaphore_mem>>) src(%dma_wait3A_287 : memref<400xi32, #tpu.memory_space<hbm>>) dst(%arg5 : memref<400xi32, #tpu.memory_space<vmem>>)
        tpu.yield
      }) : () -> ()
      %dma_start3A = arith.constant 0 : i32
      %dma_start3A_280 = arith.constant 0 : i32
      %dma_start3A_281 = tpu.memref_slice %arg2[%dma_start3A, %dma_start3A_280] : memref<24016x128xf32, #tpu.memory_space<hbm>> -> memref<24016x128xf32, #tpu.memory_space<hbm>>
      tpu.enqueue_indirect_dma source(%dma_start3A_281 : memref<24016x128xf32, #tpu.memory_space<hbm>>) target(%arg6 : memref<400x128xf32, #tpu.memory_space<vmem>>) offsets(%arg5 : memref<400xi32, #tpu.memory_space<vmem>>) semaphore(%arg7 : memref<!tpu.dma_semaphore, #tpu.memory_space<semaphore_mem>>)
      %dma_wait3A = arith.constant 0 : i32
      %dma_wait3A_282 = arith.constant 0 : i32
      %dma_wait3A_283 = tpu.memref_slice %arg2[%dma_wait3A, %dma_wait3A_282] : memref<24016x128xf32, #tpu.memory_space<hbm>> -> memref<24016x128xf32, #tpu.memory_space<hbm>>
      tpu.wait_indirect_dma semaphore(%arg7 : memref<!tpu.dma_semaphore, #tpu.memory_space<semaphore_mem>>) src(%dma_wait3A_283 : memref<24016x128xf32, #tpu.memory_space<hbm>>) dst(%arg6 : memref<400x128xf32, #tpu.memory_space<vmem>>)
      "tpu.region"() ({
        %run_scoped3A = tpu.sem_alloc : memref<!tpu.dma_semaphore, #tpu.memory_space<semaphore_mem>>
        %dma_start3A_284 = arith.constant 0 : i32
        %dma_start3A_285 = tpu.memref_slice %arg4[%mul3A_279, %dma_start3A_284] : memref<500000x128xf32, #tpu.memory_space<hbm>> -> memref<400x128xf32, #tpu.memory_space<hbm>>
        %dma_start3A_286 = arith.constant 0 : i32
        %dma_start3A_287 = tpu.memref_slice %arg4[%mul3A_279, %dma_start3A_286] : memref<500000x128xf32, #tpu.memory_space<hbm>> -> memref<400x128xf32, #tpu.memory_space<hbm>>
        tpu.enqueue_dma source(%arg6 : memref<400x128xf32, #tpu.memory_space<vmem>>) target(%dma_start3A_287 : memref<400x128xf32, #tpu.memory_space<hbm>>) target_semaphore(%run_scoped3A : memref<!tpu.dma_semaphore, #tpu.memory_space<semaphore_mem>>)
        %dma_wait3A_288 = arith.constant 0 : i32
        %dma_wait3A_289 = tpu.memref_slice %arg4[%mul3A_279, %dma_wait3A_288] : memref<500000x128xf32, #tpu.memory_space<hbm>> -> memref<400x128xf32, #tpu.memory_space<hbm>>
        %dma_wait3A_290 = arith.constant 0 : i32
        %dma_wait3A_291 = tpu.memref_slice %arg4[%mul3A_279, %dma_wait3A_290] : memref<500000x128xf32, #tpu.memory_space<hbm>> -> memref<400x128xf32, #tpu.memory_space<hbm>>
        tpu.wait_dma2 semaphore(%run_scoped3A : memref<!tpu.dma_semaphore, #tpu.memory_space<semaphore_mem>>) src(%arg6 : memref<400x128xf32, #tpu.memory_space<vmem>>) dst(%dma_wait3A_291 : memref<400x128xf32, #tpu.memory_space<hbm>>)
        tpu.yield
      }) : () -> ()
    } else {
    }
    %add3A_257 = arith.constant 1184 : i32
    %add3A_258 = arith.addi %add3A_257, %add3A : i32
    %lt3A_259 = arith.constant 1250 : i32
    %lt3A_260 = arith.cmpi slt, %add3A_258, %lt3A_259 : i32
    %convert_element_type3A_261 = arith.extui %lt3A_260 : i1 to i32
    %cond3A_262 = arith.constant 0 : i32
    %cond3A_263 = arith.cmpi ne, %convert_element_type3A_261, %cond3A_262 : i32
    scf.if %cond3A_263 {
      %mul3A_278 = arith.constant 400 : i32
      %mul3A_279 = arith.muli %add3A_258, %mul3A_278 : i32
      "tpu.region"() ({
        %run_scoped3A = tpu.sem_alloc : memref<!tpu.dma_semaphore, #tpu.memory_space<semaphore_mem>>
        %dma_start3A_284 = tpu.memref_slice %arg3[%mul3A_279] : memref<500000xi32, #tpu.memory_space<hbm>> -> memref<400xi32, #tpu.memory_space<hbm>>
        %dma_start3A_285 = tpu.memref_slice %arg3[%mul3A_279] : memref<500000xi32, #tpu.memory_space<hbm>> -> memref<400xi32, #tpu.memory_space<hbm>>
        tpu.enqueue_dma source(%dma_start3A_285 : memref<400xi32, #tpu.memory_space<hbm>>) target(%arg5 : memref<400xi32, #tpu.memory_space<vmem>>) target_semaphore(%run_scoped3A : memref<!tpu.dma_semaphore, #tpu.memory_space<semaphore_mem>>)
        %dma_wait3A_286 = tpu.memref_slice %arg3[%mul3A_279] : memref<500000xi32, #tpu.memory_space<hbm>> -> memref<400xi32, #tpu.memory_space<hbm>>
        %dma_wait3A_287 = tpu.memref_slice %arg3[%mul3A_279] : memref<500000xi32, #tpu.memory_space<hbm>> -> memref<400xi32, #tpu.memory_space<hbm>>
        tpu.wait_dma2 semaphore(%run_scoped3A : memref<!tpu.dma_semaphore, #tpu.memory_space<semaphore_mem>>) src(%dma_wait3A_287 : memref<400xi32, #tpu.memory_space<hbm>>) dst(%arg5 : memref<400xi32, #tpu.memory_space<vmem>>)
        tpu.yield
      }) : () -> ()
      %dma_start3A = arith.constant 0 : i32
      %dma_start3A_280 = arith.constant 0 : i32
      %dma_start3A_281 = tpu.memref_slice %arg2[%dma_start3A, %dma_start3A_280] : memref<24016x128xf32, #tpu.memory_space<hbm>> -> memref<24016x128xf32, #tpu.memory_space<hbm>>
      tpu.enqueue_indirect_dma source(%dma_start3A_281 : memref<24016x128xf32, #tpu.memory_space<hbm>>) target(%arg6 : memref<400x128xf32, #tpu.memory_space<vmem>>) offsets(%arg5 : memref<400xi32, #tpu.memory_space<vmem>>) semaphore(%arg7 : memref<!tpu.dma_semaphore, #tpu.memory_space<semaphore_mem>>)
      %dma_wait3A = arith.constant 0 : i32
      %dma_wait3A_282 = arith.constant 0 : i32
      %dma_wait3A_283 = tpu.memref_slice %arg2[%dma_wait3A, %dma_wait3A_282] : memref<24016x128xf32, #tpu.memory_space<hbm>> -> memref<24016x128xf32, #tpu.memory_space<hbm>>
      tpu.wait_indirect_dma semaphore(%arg7 : memref<!tpu.dma_semaphore, #tpu.memory_space<semaphore_mem>>) src(%dma_wait3A_283 : memref<24016x128xf32, #tpu.memory_space<hbm>>) dst(%arg6 : memref<400x128xf32, #tpu.memory_space<vmem>>)
      "tpu.region"() ({
        %run_scoped3A = tpu.sem_alloc : memref<!tpu.dma_semaphore, #tpu.memory_space<semaphore_mem>>
        %dma_start3A_284 = arith.constant 0 : i32
        %dma_start3A_285 = tpu.memref_slice %arg4[%mul3A_279, %dma_start3A_284] : memref<500000x128xf32, #tpu.memory_space<hbm>> -> memref<400x128xf32, #tpu.memory_space<hbm>>
        %dma_start3A_286 = arith.constant 0 : i32
        %dma_start3A_287 = tpu.memref_slice %arg4[%mul3A_279, %dma_start3A_286] : memref<500000x128xf32, #tpu.memory_space<hbm>> -> memref<400x128xf32, #tpu.memory_space<hbm>>
        tpu.enqueue_dma source(%arg6 : memref<400x128xf32, #tpu.memory_space<vmem>>) target(%dma_start3A_287 : memref<400x128xf32, #tpu.memory_space<hbm>>) target_semaphore(%run_scoped3A : memref<!tpu.dma_semaphore, #tpu.memory_space<semaphore_mem>>)
        %dma_wait3A_288 = arith.constant 0 : i32
        %dma_wait3A_289 = tpu.memref_slice %arg4[%mul3A_279, %dma_wait3A_288] : memref<500000x128xf32, #tpu.memory_space<hbm>> -> memref<400x128xf32, #tpu.memory_space<hbm>>
        %dma_wait3A_290 = arith.constant 0 : i32
        %dma_wait3A_291 = tpu.memref_slice %arg4[%mul3A_279, %dma_wait3A_290] : memref<500000x128xf32, #tpu.memory_space<hbm>> -> memref<400x128xf32, #tpu.memory_space<hbm>>
        tpu.wait_dma2 semaphore(%run_scoped3A : memref<!tpu.dma_semaphore, #tpu.memory_space<semaphore_mem>>) src(%arg6 : memref<400x128xf32, #tpu.memory_space<vmem>>) dst(%dma_wait3A_291 : memref<400x128xf32, #tpu.memory_space<hbm>>)
        tpu.yield
      }) : () -> ()
    } else {
    }
    %add3A_264 = arith.constant 1216 : i32
    %add3A_265 = arith.addi %add3A_264, %add3A : i32
    %lt3A_266 = arith.constant 1250 : i32
    %lt3A_267 = arith.cmpi slt, %add3A_265, %lt3A_266 : i32
    %convert_element_type3A_268 = arith.extui %lt3A_267 : i1 to i32
    %cond3A_269 = arith.constant 0 : i32
    %cond3A_270 = arith.cmpi ne, %convert_element_type3A_268, %cond3A_269 : i32
    scf.if %cond3A_270 {
      %mul3A_278 = arith.constant 400 : i32
      %mul3A_279 = arith.muli %add3A_265, %mul3A_278 : i32
      "tpu.region"() ({
        %run_scoped3A = tpu.sem_alloc : memref<!tpu.dma_semaphore, #tpu.memory_space<semaphore_mem>>
        %dma_start3A_284 = tpu.memref_slice %arg3[%mul3A_279] : memref<500000xi32, #tpu.memory_space<hbm>> -> memref<400xi32, #tpu.memory_space<hbm>>
        %dma_start3A_285 = tpu.memref_slice %arg3[%mul3A_279] : memref<500000xi32, #tpu.memory_space<hbm>> -> memref<400xi32, #tpu.memory_space<hbm>>
        tpu.enqueue_dma source(%dma_start3A_285 : memref<400xi32, #tpu.memory_space<hbm>>) target(%arg5 : memref<400xi32, #tpu.memory_space<vmem>>) target_semaphore(%run_scoped3A : memref<!tpu.dma_semaphore, #tpu.memory_space<semaphore_mem>>)
        %dma_wait3A_286 = tpu.memref_slice %arg3[%mul3A_279] : memref<500000xi32, #tpu.memory_space<hbm>> -> memref<400xi32, #tpu.memory_space<hbm>>
        %dma_wait3A_287 = tpu.memref_slice %arg3[%mul3A_279] : memref<500000xi32, #tpu.memory_space<hbm>> -> memref<400xi32, #tpu.memory_space<hbm>>
        tpu.wait_dma2 semaphore(%run_scoped3A : memref<!tpu.dma_semaphore, #tpu.memory_space<semaphore_mem>>) src(%dma_wait3A_287 : memref<400xi32, #tpu.memory_space<hbm>>) dst(%arg5 : memref<400xi32, #tpu.memory_space<vmem>>)
        tpu.yield
      }) : () -> ()
      %dma_start3A = arith.constant 0 : i32
      %dma_start3A_280 = arith.constant 0 : i32
      %dma_start3A_281 = tpu.memref_slice %arg2[%dma_start3A, %dma_start3A_280] : memref<24016x128xf32, #tpu.memory_space<hbm>> -> memref<24016x128xf32, #tpu.memory_space<hbm>>
      tpu.enqueue_indirect_dma source(%dma_start3A_281 : memref<24016x128xf32, #tpu.memory_space<hbm>>) target(%arg6 : memref<400x128xf32, #tpu.memory_space<vmem>>) offsets(%arg5 : memref<400xi32, #tpu.memory_space<vmem>>) semaphore(%arg7 : memref<!tpu.dma_semaphore, #tpu.memory_space<semaphore_mem>>)
      %dma_wait3A = arith.constant 0 : i32
      %dma_wait3A_282 = arith.constant 0 : i32
      %dma_wait3A_283 = tpu.memref_slice %arg2[%dma_wait3A, %dma_wait3A_282] : memref<24016x128xf32, #tpu.memory_space<hbm>> -> memref<24016x128xf32, #tpu.memory_space<hbm>>
      tpu.wait_indirect_dma semaphore(%arg7 : memref<!tpu.dma_semaphore, #tpu.memory_space<semaphore_mem>>) src(%dma_wait3A_283 : memref<24016x128xf32, #tpu.memory_space<hbm>>) dst(%arg6 : memref<400x128xf32, #tpu.memory_space<vmem>>)
      "tpu.region"() ({
        %run_scoped3A = tpu.sem_alloc : memref<!tpu.dma_semaphore, #tpu.memory_space<semaphore_mem>>
        %dma_start3A_284 = arith.constant 0 : i32
        %dma_start3A_285 = tpu.memref_slice %arg4[%mul3A_279, %dma_start3A_284] : memref<500000x128xf32, #tpu.memory_space<hbm>> -> memref<400x128xf32, #tpu.memory_space<hbm>>
        %dma_start3A_286 = arith.constant 0 : i32
        %dma_start3A_287 = tpu.memref_slice %arg4[%mul3A_279, %dma_start3A_286] : memref<500000x128xf32, #tpu.memory_space<hbm>> -> memref<400x128xf32, #tpu.memory_space<hbm>>
        tpu.enqueue_dma source(%arg6 : memref<400x128xf32, #tpu.memory_space<vmem>>) target(%dma_start3A_287 : memref<400x128xf32, #tpu.memory_space<hbm>>) target_semaphore(%run_scoped3A : memref<!tpu.dma_semaphore, #tpu.memory_space<semaphore_mem>>)
        %dma_wait3A_288 = arith.constant 0 : i32
        %dma_wait3A_289 = tpu.memref_slice %arg4[%mul3A_279, %dma_wait3A_288] : memref<500000x128xf32, #tpu.memory_space<hbm>> -> memref<400x128xf32, #tpu.memory_space<hbm>>
        %dma_wait3A_290 = arith.constant 0 : i32
        %dma_wait3A_291 = tpu.memref_slice %arg4[%mul3A_279, %dma_wait3A_290] : memref<500000x128xf32, #tpu.memory_space<hbm>> -> memref<400x128xf32, #tpu.memory_space<hbm>>
        tpu.wait_dma2 semaphore(%run_scoped3A : memref<!tpu.dma_semaphore, #tpu.memory_space<semaphore_mem>>) src(%arg6 : memref<400x128xf32, #tpu.memory_space<vmem>>) dst(%dma_wait3A_291 : memref<400x128xf32, #tpu.memory_space<hbm>>)
        tpu.yield
      }) : () -> ()
    } else {
    }
    %add3A_271 = arith.constant 1248 : i32
    %add3A_272 = arith.addi %add3A_271, %add3A : i32
    %lt3A_273 = arith.constant 1250 : i32
    %lt3A_274 = arith.cmpi slt, %add3A_272, %lt3A_273 : i32
    %convert_element_type3A_275 = arith.extui %lt3A_274 : i1 to i32
    %cond3A_276 = arith.constant 0 : i32
    %cond3A_277 = arith.cmpi ne, %convert_element_type3A_275, %cond3A_276 : i32
    scf.if %cond3A_277 {
      %mul3A_278 = arith.constant 400 : i32
      %mul3A_279 = arith.muli %add3A_272, %mul3A_278 : i32
      "tpu.region"() ({
        %run_scoped3A = tpu.sem_alloc : memref<!tpu.dma_semaphore, #tpu.memory_space<semaphore_mem>>
        %dma_start3A_284 = tpu.memref_slice %arg3[%mul3A_279] : memref<500000xi32, #tpu.memory_space<hbm>> -> memref<400xi32, #tpu.memory_space<hbm>>
        %dma_start3A_285 = tpu.memref_slice %arg3[%mul3A_279] : memref<500000xi32, #tpu.memory_space<hbm>> -> memref<400xi32, #tpu.memory_space<hbm>>
        tpu.enqueue_dma source(%dma_start3A_285 : memref<400xi32, #tpu.memory_space<hbm>>) target(%arg5 : memref<400xi32, #tpu.memory_space<vmem>>) target_semaphore(%run_scoped3A : memref<!tpu.dma_semaphore, #tpu.memory_space<semaphore_mem>>)
        %dma_wait3A_286 = tpu.memref_slice %arg3[%mul3A_279] : memref<500000xi32, #tpu.memory_space<hbm>> -> memref<400xi32, #tpu.memory_space<hbm>>
        %dma_wait3A_287 = tpu.memref_slice %arg3[%mul3A_279] : memref<500000xi32, #tpu.memory_space<hbm>> -> memref<400xi32, #tpu.memory_space<hbm>>
        tpu.wait_dma2 semaphore(%run_scoped3A : memref<!tpu.dma_semaphore, #tpu.memory_space<semaphore_mem>>) src(%dma_wait3A_287 : memref<400xi32, #tpu.memory_space<hbm>>) dst(%arg5 : memref<400xi32, #tpu.memory_space<vmem>>)
        tpu.yield
      }) : () -> ()
      %dma_start3A = arith.constant 0 : i32
      %dma_start3A_280 = arith.constant 0 : i32
      %dma_start3A_281 = tpu.memref_slice %arg2[%dma_start3A, %dma_start3A_280] : memref<24016x128xf32, #tpu.memory_space<hbm>> -> memref<24016x128xf32, #tpu.memory_space<hbm>>
      tpu.enqueue_indirect_dma source(%dma_start3A_281 : memref<24016x128xf32, #tpu.memory_space<hbm>>) target(%arg6 : memref<400x128xf32, #tpu.memory_space<vmem>>) offsets(%arg5 : memref<400xi32, #tpu.memory_space<vmem>>) semaphore(%arg7 : memref<!tpu.dma_semaphore, #tpu.memory_space<semaphore_mem>>)
      %dma_wait3A = arith.constant 0 : i32
      %dma_wait3A_282 = arith.constant 0 : i32
      %dma_wait3A_283 = tpu.memref_slice %arg2[%dma_wait3A, %dma_wait3A_282] : memref<24016x128xf32, #tpu.memory_space<hbm>> -> memref<24016x128xf32, #tpu.memory_space<hbm>>
      tpu.wait_indirect_dma semaphore(%arg7 : memref<!tpu.dma_semaphore, #tpu.memory_space<semaphore_mem>>) src(%dma_wait3A_283 : memref<24016x128xf32, #tpu.memory_space<hbm>>) dst(%arg6 : memref<400x128xf32, #tpu.memory_space<vmem>>)
      "tpu.region"() ({
        %run_scoped3A = tpu.sem_alloc : memref<!tpu.dma_semaphore, #tpu.memory_space<semaphore_mem>>
        %dma_start3A_284 = arith.constant 0 : i32
        %dma_start3A_285 = tpu.memref_slice %arg4[%mul3A_279, %dma_start3A_284] : memref<500000x128xf32, #tpu.memory_space<hbm>> -> memref<400x128xf32, #tpu.memory_space<hbm>>
        %dma_start3A_286 = arith.constant 0 : i32
        %dma_start3A_287 = tpu.memref_slice %arg4[%mul3A_279, %dma_start3A_286] : memref<500000x128xf32, #tpu.memory_space<hbm>> -> memref<400x128xf32, #tpu.memory_space<hbm>>
        tpu.enqueue_dma source(%arg6 : memref<400x128xf32, #tpu.memory_space<vmem>>) target(%dma_start3A_287 : memref<400x128xf32, #tpu.memory_space<hbm>>) target_semaphore(%run_scoped3A : memref<!tpu.dma_semaphore, #tpu.memory_space<semaphore_mem>>)
        %dma_wait3A_288 = arith.constant 0 : i32
        %dma_wait3A_289 = tpu.memref_slice %arg4[%mul3A_279, %dma_wait3A_288] : memref<500000x128xf32, #tpu.memory_space<hbm>> -> memref<400x128xf32, #tpu.memory_space<hbm>>
        %dma_wait3A_290 = arith.constant 0 : i32
        %dma_wait3A_291 = tpu.memref_slice %arg4[%mul3A_279, %dma_wait3A_290] : memref<500000x128xf32, #tpu.memory_space<hbm>> -> memref<400x128xf32, #tpu.memory_space<hbm>>
        tpu.wait_dma2 semaphore(%run_scoped3A : memref<!tpu.dma_semaphore, #tpu.memory_space<semaphore_mem>>) src(%arg6 : memref<400x128xf32, #tpu.memory_space<vmem>>) dst(%dma_wait3A_291 : memref<400x128xf32, #tpu.memory_space<hbm>>)
        tpu.yield
      }) : () -> ()
    } else {
    }
    return
  }
}

module attributes {stable_mosaic.version = 14 : i64} {
  func.func @_encode_body(%arg0: i32, %arg1: i32, %arg2: memref<1x10x120x100xf32, #tpu.memory_space<vmem>>, %arg3: memref<128x10xf32, #tpu.memory_space<vmem>>, %arg4: memref<1x128xf32, #tpu.memory_space<vmem>>, %arg5: memref<1x128xf32, #tpu.memory_space<vmem>>, %arg6: memref<1x120x128xf32, #tpu.memory_space<vmem>>) attributes {dimension_semantics = [#tpu.dimension_semantics<arbitrary>, #tpu.dimension_semantics<arbitrary>], iteration_bounds = array<i64: 2, 100>, scalar_prefetch = 0 : i64, scratch_operands = 0 : i64, tpu.core_type = #tpu.core_type<tc>, window_params = [{transform_indices = @transform_0, window_bounds = array<i64: 1, 10, 120, 100>}, {pipeline_mode = #tpu.pipeline_mode<synchronous>, transform_indices = @transform_1, window_bounds = array<i64: 128, 10>}, {pipeline_mode = #tpu.pipeline_mode<synchronous>, transform_indices = @transform_2, window_bounds = array<i64: 1, 128>}, {pipeline_mode = #tpu.pipeline_mode<synchronous>, transform_indices = @transform_3, window_bounds = array<i64: 1, 128>}, {transform_indices = @transform_4, window_bounds = array<i64: 1, 120, 128>}]} {
    %get3A = arith.constant 0 : index
    %get3A_0 = arith.constant 0 : index
    %get3A_1 = arith.constant 0 : index
    %get3A_2 = arith.constant 0 : index
    %get3A_3 = vector.load %arg2[%get3A, %get3A_0, %get3A_1, %get3A_2] : memref<1x10x120x100xf32, #tpu.memory_space<vmem>>, vector<1x10x120x100xf32>
    %get3A_4 = vector.shape_cast %get3A_3 : vector<1x10x120x100xf32> to vector<10x120x100xf32>
    %reshape3A = vector.shape_cast %get3A_4 : vector<10x120x100xf32> to vector<10x12000xf32>
    %get3A_5 = arith.constant 0 : index
    %get3A_6 = arith.constant 0 : index
    %get3A_7 = vector.load %arg3[%get3A_5, %get3A_6] : memref<128x10xf32, #tpu.memory_space<vmem>>, vector<128x10xf32>
    %dot_general3A = arith.constant dense<0.000000e+00> : vector<12000x128xf32>
    %dot_general3A_8 = tpu.matmul %reshape3A, %get3A_7, %dot_general3A {dimension_numbers = #tpu.dot_dimension_numbers<[0], [1], [1], [0], [0, 1, 1, 0], [], []>, transpose_lhs_hint = false} : vector<10x12000xf32>, vector<128x10xf32>, vector<12000x128xf32> -> vector<12000x128xf32>
    %get3A_9 = arith.constant 0 : index
    %get3A_10 = arith.constant 0 : index
    %get3A_11 = vector.load %arg4[%get3A_9, %get3A_10] : memref<1x128xf32, #tpu.memory_space<vmem>>, vector<1x128xf32>
    %mul3A = vector.broadcast %get3A_11 : vector<1x128xf32> to vector<12000x128xf32>
    %mul3A_12 = arith.mulf %dot_general3A_8, %mul3A : vector<12000x128xf32>
    %get3A_13 = arith.constant 0 : index
    %get3A_14 = arith.constant 0 : index
    %get3A_15 = vector.load %arg5[%get3A_13, %get3A_14] : memref<1x128xf32, #tpu.memory_space<vmem>>, vector<1x128xf32>
    %add3A = vector.broadcast %get3A_15 : vector<1x128xf32> to vector<12000x128xf32>
    %add3A_16 = arith.addf %mul3A_12, %add3A : vector<12000x128xf32>
    %max3A = arith.constant 0.000000e+00 : f32
    %max3A_17 = vector.broadcast %max3A : f32 to vector<12000x128xf32>
    %max3A_18 = arith.maximumf %add3A_16, %max3A_17 : vector<12000x128xf32>
    %reshape3A_19 = vector.shape_cast %max3A_18 : vector<12000x128xf32> to vector<120x100x128xf32>
    %reduce_max3A = arith.constant dense<0xFF800000> : vector<120x128xf32>
    %reduce_max3A_20 = vector.multi_reduction <maximumf>, %reshape3A_19, %reduce_max3A [1] : vector<120x100x128xf32> to vector<120x128xf32>
    %swap3A = arith.constant 0 : index
    %swap3A_21 = arith.constant 0 : index
    %swap3A_22 = arith.constant 0 : index
    %swap3A_23 = vector.load %arg6[%swap3A, %swap3A_21, %swap3A_22] : memref<1x120x128xf32, #tpu.memory_space<vmem>>, vector<1x120x128xf32>
    %swap3A_24 = vector.shape_cast %swap3A_23 : vector<1x120x128xf32> to vector<120x128xf32>
    %swap3A_25 = vector.shape_cast %reduce_max3A_20 : vector<120x128xf32> to vector<1x120x128xf32>
    tpu.vector_store %arg6[%swap3A, %swap3A_21, %swap3A_22], %swap3A_25 {strides = array<i32>} : memref<1x120x128xf32, #tpu.memory_space<vmem>>, vector<1x120x128xf32>,
    return
  }
  func.func @transform_0(%arg0: i32, %arg1: i32) -> (i32, i32, i32, i32) {
    %c0_i32 = arith.constant 0 : i32
    %c0_i32_0 = arith.constant 0 : i32
    %c0_i32_1 = arith.constant 0 : i32
    return %arg0, %c0_i32, %arg1, %c0_i32_0 : i32, i32, i32, i32
  }
  func.func @transform_1(%arg0: i32, %arg1: i32) -> (i32, i32) {
    %c0_i32 = arith.constant 0 : i32
    %c0_i32_0 = arith.constant 0 : i32
    %c0_i32_1 = arith.constant 0 : i32
    return %c0_i32, %c0_i32_0 : i32, i32
  }
  func.func @transform_2(%arg0: i32, %arg1: i32) -> (i32, i32) {
    %c0_i32 = arith.constant 0 : i32
    %c0_i32_0 = arith.constant 0 : i32
    %c0_i32_1 = arith.constant 0 : i32
    return %c0_i32, %c0_i32_0 : i32, i32
  }
  func.func @transform_3(%arg0: i32, %arg1: i32) -> (i32, i32) {
    %c0_i32 = arith.constant 0 : i32
    %c0_i32_0 = arith.constant 0 : i32
    %c0_i32_1 = arith.constant 0 : i32
    return %c0_i32, %c0_i32_0 : i32, i32
  }
  func.func @transform_4(%arg0: i32, %arg1: i32) -> (i32, i32, i32) {
    %c0_i32 = arith.constant 0 : i32
    %c0_i32_0 = arith.constant 0 : i32
    return %arg0, %arg1, %c0_i32 : i32, i32, i32
  }
}

module attributes {stable_mosaic.version = 14 : i64} {
  func.func @_transpose_body(%arg0: i32, %arg1: i32, %arg2: memref<1x2048x128xf32, #tpu.memory_space<vmem>>, %arg3: memref<1x64x2048xf32, #tpu.memory_space<vmem>>) attributes {dimension_semantics = [#tpu.dimension_semantics<arbitrary>, #tpu.dimension_semantics<arbitrary>], iteration_bounds = array<i64: 2, 123>, scalar_prefetch = 0 : i64, scratch_operands = 0 : i64, tpu.core_type = #tpu.core_type<tc>, window_params = [{transform_indices = @transform_0, window_bounds = array<i64: 1, 2048, 128>}, {transform_indices = @transform_1, window_bounds = array<i64: 1, 64, 2048>}]} {
    %get3A = arith.constant 0 : index
    %get3A_0 = arith.constant 0 : index
    %get3A_1 = arith.constant 0 : index
    %get3A_2 = vector.load %arg2[%get3A, %get3A_0, %get3A_1] : memref<1x2048x128xf32, #tpu.memory_space<vmem>>, vector<1x2048x128xf32>
    %get3A_3 = vector.shape_cast %get3A_2 : vector<1x2048x128xf32> to vector<2048x128xf32>
    %slice3A = vector.extract_strided_slice %get3A_3 {offsets = [0, 0], sizes = [2048, 64], strides = [1, 1]} : vector<2048x128xf32> to vector<2048x64xf32>
    %transpose3A = tpu.transpose %slice3A, [1, 0] : vector<2048x64xf32> -> vector<64x2048xf32>
    %swap3A = arith.constant 0 : index
    %swap3A_4 = arith.constant 0 : index
    %swap3A_5 = arith.constant 0 : index
    %swap3A_6 = vector.load %arg3[%swap3A, %swap3A_4, %swap3A_5] : memref<1x64x2048xf32, #tpu.memory_space<vmem>>, vector<1x64x2048xf32>
    %swap3A_7 = vector.shape_cast %swap3A_6 : vector<1x64x2048xf32> to vector<64x2048xf32>
    %swap3A_8 = vector.shape_cast %transpose3A : vector<64x2048xf32> to vector<1x64x2048xf32>
    tpu.vector_store %arg3[%swap3A, %swap3A_4, %swap3A_5], %swap3A_8 {strides = array<i32>} : memref<1x64x2048xf32, #tpu.memory_space<vmem>>, vector<1x64x2048xf32>,
    return
  }
  func.func @transform_0(%arg0: i32, %arg1: i32) -> (i32, i32, i32) {
    %c0_i32 = arith.constant 0 : i32
    %c0_i32_0 = arith.constant 0 : i32
    return %arg0, %arg1, %c0_i32 : i32, i32, i32
  }
  func.func @transform_1(%arg0: i32, %arg1: i32) -> (i32, i32, i32) {
    %c0_i32 = arith.constant 0 : i32
    %c0_i32_0 = arith.constant 0 : i32
    return %arg0, %c0_i32, %arg1 : i32, i32, i32
  }
}

</mosaic_0001>

<sc_bundles>
// kernel: kernel.5.cloned.1.call-start
scs
__scs_entry_jumppad:
0x0: {  	(pc) =	sbr.rel $0x88, $3  }
0x1: {  	(tag) =	ssettag $0x0;
	lr =	simm.s32 $0x1  }
0x2: {  	[smem:$0x3F9A] =	sst lr;
	_ =	strace $0xD0000000  }
0x3: {  	_ = 	snop  }
0x4: {  	_ = 	snop  }
0x5: {  	_ = 	snop  }
0x6: {  	_ = 	snop  }
0x7: {  	_ = 	snop  }
__scs_overlays_trampoline_lowered:
0x8: {  	[smem:$0x3FA9] =	sst s0  }
0x9: {  	[smem:$0x3FAA] =	sst s1  }
0xa: {  	[smem:$0x3FAB] =	sst s2  }
0xb: {  	[smem:$0x3FAC] =	sst s3  }
0xc: {  	[smem:$0x3FAD] =	sst s4  }
0xd: {  	[smem:$0x3FAE] =	sst s5  }
0xe: {  	[smem:$0x3FAF] =	sst s6  }
0xf: {  	[smem:$0x3FB0] =	sst s7  }
0x10: {  	[smem:$0x3FB1] =	sst s8  }
0x11: {  	[smem:$0x3FB2] =	sst s9;
	s0 =	simm.s32 @!p0 $0x0  }
0x12: {  	s1 =	sld [smem:$0x3F98];
	s0 =	simm.s32 @p0 $0x1  }
0x13: {  	[smem:$0x3FB3] =	sst s0;
	s0 =	simm.s32 @!p1 $0x0  }
0x14: {  	s2 =	sld [smem:$0x3F97];
	s0 =	simm.s32 @p1 $0x1  }
0x15: {  	[smem:$0x3FB4] =	sst s0;
	s0 =	simm.s32 @!p2 $0x0  }
0x16: {  	s3 =	sld [smem:$0x3FDB];
	s0 =	simm.s32 @p2 $0x1  }
0x17: {  	s4 =	simm.s32 $0x1BF5;
	[smem:$0x3FB6] =	sst s0  }
0x18: {  	s0 =	sld [smem:$0x3F99];
	_ =	swait.ge [sflag:s4], $0x0  }
0x19: {  	s7 =	sld [smem:$0x3F9A]  }
0x1a: {  	s8 =	sadd.s32 $0xFFFFE003, lr  }
0x1b: {  	s9 =	sadd.s32 $0xFFFFFEF7, lr;
	s5 =	simm.s32 $0xFFFFFFFF;
	p2 =	slt.u32 s8, $0xFFFFF086  }
0x1c: {  	p1 =	slt.u32 s9, $0xF7A;
	s5 =	simm.s32 @!p2 $0x0  }
0x1d: {  	s5 =	simm.s32 @p1 $0x1;
	p0 =	seq.s32 s7, s2  }
0x1e: {  	s7 =	smul.u32 @!p0 $0xF7A, s2;
	p2 =	seq.s32 @!p0 s5, $0x0  }
0x1f: {  	s9 =	smul.u32 $0xF7A, s1;
	s8 =	simm.s32 @!p0 $0x1BF5;
	p2 =	por !p2, p0  }
0x20: {  	[sflag:s8] =	ssyncset.s32 @!p0 $0xFFFFF086;
	s6 =	sadd.s32 @!p0 s3, s7;
	s7 =	simm.s32 @!p0 $0x108  }
0x21: {  	s3 =	sadd.s32 s3, s9;
	s6 =	sadd.s32 @!p0 $0x88, s6;
	s7 =	simm.s32 @p2 $0x1082  }
0x22: {  	[simem:s7], [sflag:s8] =	dma.local @!p0 [hbm:s6], $0xF7A  }
0x23: {  	s9 =	sor.u32 $0xD0000000, s2;
	s6 =	simm.s32 $0x108;
	_ =	swait.ge @!p0 [sflag:s8], $0x0  }
0x24: {  	s3 =	sadd.s32 $0x88, s3;
	s6 =	simm.s32 @!p1 $0x1082;
	[sflag:s4] =	ssyncset.s32 $0xFFFFF086  }
0x25: {  	[simem:s6], [sflag:s4] =	dma.local [hbm:s3], $0xF7A  }
0x26: {  	[smem:$0x3F9A] =	sst s1;
	(tag) =	ssettag s2;
	_ =	strace s9  }
0x27: {  	s1 =	sld [smem:$0x3FAA]  }
0x28: {  	s2 =	sld [smem:$0x3FAB]  }
0x29: {  	s4 =	sld [smem:$0x3FAD]  }
0x2a: {  	p0 =	seq.s32 s5, $0x0;
	s5 =	sld [smem:$0x3FAE]  }
0x2b: {  	s6 =	sld [smem:$0x3FAF]  }
0x2c: {  	s7 =	sld [smem:$0x3FB0]  }
0x2d: {  	s3 =	simm.s32 $0x108;
	s8 =	sld [smem:$0x3FB1]  }
0x2e: {  	s3 =	simm.s32 @!p0 $0x1082;
	s9 =	sld [smem:$0x3FB2]  }
0x2f: {  	lr =	sadd.s32 s0, s3;
	s0 =	sld [smem:$0x3FA9]  }
0x30: {  	s3 =	sld [smem:$0x3FAC]  }
0x31: {  	[smem:$0x3FB5] =	sst s10  }
0x32: {  	s10 =	sld [smem:$0x3FB3];
	_ =	sdelay $0x3  }
0x33: {  	p0 =	seq.s32 s10, $0x1;
	s10 =	sld [smem:$0x3FB5];
	_ =	sdelay $0x3  }
0x34: {  	[smem:$0x3FB5] =	sst s10  }
0x35: {  	s10 =	sld [smem:$0x3FB4];
	_ =	sdelay $0x3  }
0x36: {  	p1 =	seq.s32 s10, $0x1;
	s10 =	sld [smem:$0x3FB5];
	_ =	sdelay $0x3  }
0x37: {  	[smem:$0x3FB5] =	sst s10  }
0x38: {  	s10 =	sld [smem:$0x3FB6]  }
0x39: {  	_ = 	snop;
	(pc) =	sbr.ind lr, $3  }
0x3a: {  	_ = 	snop  }
0x3b: {  	_ = 	snop  }
0x3c: {  	p2 =	seq.s32 s10, $0x1;
	s10 =	sld [smem:$0x3FB5]  }
0x3d: {  	_ =	shalt  }
0x3e: {  	_ =	shalt  }
0x3f: {  	_ =	shalt  }
0x40: {  	_ =	shalt  }
0x41: {  	_ =	shalt  }
0x42: {  	_ =	shalt  }
0x43: {  	_ =	shalt  }
0x44: {  	_ =	shalt  }
0x45: {  	_ =	shalt  }
0x46: {  	_ =	shalt  }
0x47: {  	_ =	shalt  }
0x48: {  	_ =	shalt  }
0x49: {  	_ =	shalt  }
0x4a: {  	_ =	shalt  }
0x4b: {  	_ =	shalt  }
0x4c: {  	_ =	shalt  }
0x4d: {  	_ =	shalt  }
0x4e: {  	_ =	shalt  }
0x4f: {  	_ =	shalt  }
0x50: {  	_ =	shalt  }
0x51: {  	_ =	shalt  }
0x52: {  	_ =	shalt  }
0x53: {  	_ =	shalt  }
0x54: {  	_ =	shalt  }
0x55: {  	_ =	shalt  }
0x56: {  	_ =	shalt  }
0x57: {  	_ =	shalt  }
0x58: {  	_ =	shalt  }
0x59: {  	_ =	shalt  }
0x5a: {  	_ =	shalt  }
0x5b: {  	_ =	shalt  }
0x5c: {  	_ =	shalt  }
0x5d: {  	_ =	shalt  }
0x5e: {  	_ =	shalt  }
0x5f: {  	_ =	shalt  }
0x60: {  	_ =	shalt  }
0x61: {  	_ =	shalt  }
0x62: {  	_ =	shalt  }
0x63: {  	_ =	shalt  }
0x64: {  	_ =	shalt  }
0x65: {  	_ =	shalt  }
0x66: {  	_ =	shalt  }
0x67: {  	_ =	shalt  }
0x68: {  	_ =	shalt  }
0x69: {  	_ =	shalt  }
0x6a: {  	_ =	shalt  }
0x6b: {  	_ =	shalt  }
0x6c: {  	_ =	shalt  }
0x6d: {  	_ =	shalt  }
0x6e: {  	_ =	shalt  }
0x6f: {  	_ =	shalt  }
0x70: {  	_ =	shalt  }
0x71: {  	_ =	shalt  }
0x72: {  	_ =	shalt  }
0x73: {  	_ =	shalt  }
0x74: {  	_ =	shalt  }
0x75: {  	_ =	shalt  }
0x76: {  	_ =	shalt  }
0x77: {  	_ =	shalt  }
0x78: {  	_ =	shalt  }
0x79: {  	_ =	shalt  }
0x7a: {  	_ =	shalt  }
0x7b: {  	_ =	shalt  }
0x7c: {  	_ =	shalt  }
0x7d: {  	_ =	shalt  }
0x7e: {  	_ =	shalt  }
0x7f: {  	_ =	shalt  }
0x80: {  	_ =	shalt  }
0x81: {  	_ =	shalt  }
0x82: {  	_ =	shalt  }
0x83: {  	_ =	shalt  }
0x84: {  	_ =	shalt  }
0x85: {  	_ =	shalt  }
0x86: {  	_ =	shalt  }
0x87: {  	_ =	shalt  }
.Lfunc_end0:
.L_simem_size_0:
called_computation.2_lowered:
.L_overlay_start_0:
0x88: {  	s2 =	sld [smem:$0x3FD9]  }
0x89: {  	s3 =	sld [smem:$0x3FFE];
	_ =	sdelay $0x1  }
0x8a: {  	s1 =	srdreg.scid  }
0x8b: {  	s0 =	sand.u32 $0x1, s1  }
0x8c: {  	s17 =	sshll.u32 s0, $0xA;
	s2 =	sadd.s32 s3, s2  }
0x8d: {  	s2 =	sadd.s32 s2, s17  }
0x8e: {  	[smem:$0x3FC1] =	sst s2  }
0x8f: {  	_ = 	snop  }
0x90: {  	s2 =	sld [smem:$0x3FD0];
	(tm) =	ssettm $0x1  }
0x91: {  	s18 =	sld [smem:$0x3FFB];
	_ =	sdelay $0x3  }
0x92: {  	_ =	strace s18  }
0x93: {  	s3 =	sld [smem:$0x3FFC];
	_ =	sdelay $0x3  }
0x94: {  	_ =	strace s3  }
0x95: {  	s3 =	sld [smem:$0x3FFD];
	_ =	sdelay $0x3  }
0x96: {  	_ =	strace s3  }
0x97: {  	_ =	strace $0x8FFFFFFF  }
0x98: {  	s19 =	sld [smem:$0x3FDB];
	_ =	sdelay $0x1  }
0x99: {  	s4 =	simm.s32 $_scs_section_size  }
0x9a: {  	s5 =	simm.s32 $_size__tile_overlayer_lowered;
	s6 =	simm.s32 $_tile_overlayer_lowered  }
0x9b: {  	s22 =	simm.s32 $0x1BFF;
	s21 =	sshll.u32 s6, $0x1;
	s3 =	sadd.s32 s4, s19  }
0x9c: {  	s7 =	simm.s32 $0x0;
	s20 =	sshll.u32 s5, $0x1;
	s5 =	sadd.s32 s21, s3  }
0x9d: {  	[timem:s7], [sflag:s22] =	dma.local [hbm:s5], s20  }
0x9e: {  	_ =	swait.ge [sflag:s22], s20  }
0x9f: {  	s4 =	ssub.s32 $0x0, s20;
	[sflag:s22] =	ssyncset.done $0x0  }
0xa0: {  	[sflag:s22] =	ssyncadd.s32 s4;
	_ =	sdelay $0x1  }
0xa1: {  	s23 =	simm.s32 $0x1B8B  }
0xa2: {  	_ =	swait.ge [sflag:s23], $0x1  }
0xa3: {  	[sflag:s23] =	ssyncset.done $0x0  }
0xa4: {  	s25 =	simm.s32 $0x1B8E;
	s24 =	sld [smem:$0x3FFE];
	[sflag:s23] =	ssyncadd.s32 $0xFFFFFFFF  }
0xa5: {  	s26 =	simm.s32 $execute0_lowered;
	[smem:$0x3FD2] =	sst s25  }
0xa6: {  	s5 =	sshll.u32 s26, $0x1;
	_ =	strace $0x80000049;
	[dreg:$0x1] =	wrdreg $0xFFFFFFFF  }
0xa7: {  	s28 =	simm.s32 $_size_execute0_lowered;
	s3 =	sadd.s32 s3, s5;
	[dreg:$0x0] =	wrdreg $0x0  }
0xa8: {  	s5 =	sshll.u32 s28, $0x1;
	[dreg:$0x2] =	wrdreg s3  }
0xa9: {  	[dreg:$0x3] =	wrdreg s5  }
0xaa: {  	[dreg:$0x4] =	wrdreg $0xC0  }
0xab: {  	_ =	task [dreg:s7], $0x5FFFF  }
0xac: {  	[dreg:$0x1] =	wrdreg $0xFFFFFFFF  }
0xad: {  	[dreg:$0x0] =	wrdreg $0x60  }
0xae: {  	[dreg:$0x2] =	wrdreg s2  }
0xaf: {  	[dreg:$0x3] =	wrdreg s24  }
0xb0: {  	[dreg:$0x4] =	wrdreg $0x9  }
0xb1: {  	_ =	task.clear_ibuf [dreg:s7], $0x5FFFF;
	_ =	strace $0x90000049  }
0xb2: {  	s29 =	simm.s32 $0x9;
	_ =	strace $0x8000004B  }
0xb3: {  	_ =	swait.ge [sflag:s29], $0x1  }
0xb4: {  	[sflag:s29] =	ssyncadd.s32 $0xFFFFFFFF  }
0xb5: {  	_ =	strace $0x9000004B  }
0xb6: {  	_ =	sfence  }
0xb7: {  	s30 =	sld [smem:$0x0];
	_ =	sdelay $0x2  }
0xb8: {  	s31 =	sshll.u32 s1, $0xD;
	s1 =	sshrl.u32 s1, $0x2  }
0xb9: {  	s3 =	sand.u32 $0x4000, s31;
	s1 =	sadd.s32 s1, s30  }
0xba: {  	s0 =	sor.u32 s3, s0;
	s1 =	sshll.u32 s1, $0x11  }
0xbb: {  	s0 =	sor.u32 s1, s0  }
0xbc: {  	s0 =	sadd.s32 $0x8F2B, s0  }
0xbd: {  	[sflag:s0] =	ssyncadd.remote.s32 $0x1  }
0xbe: {  	_ =	sfence.sel $0xFFFF  }
0xbf: {  	[dreg:$0x0] =	wrdreg $0xFFFFFFFF;
	(pc) =	sbr.abs _section_cstart, $3  }
0xc0: {  	[dreg:$0x1] =	wrdreg $0xFFFFFFFF  }
0xc1: {  	_ =	task.clear_ibuf [dreg:s7], $0x2FFFF;
	_ =	strace $0x9FFFFFFF  }
0xc2: {  	(tm) =	ssettm $0x7FFFFFFF  }
0xc3: {  	_ =	shalt  }
tec
execute0_lowered:
.L_overlay_start_1:
0x0: {  	(tag) =	ssettag $0x1  }
0x1: {  	s3 =	srdreg.scid;
	s0 =	stileid.u32  }
0x2: {  	s5 =	sand.u32 $0x1, s3;
	s22 =	sshll.u32 s0, $0x1  }
0x3: {  	s4 =	sor.u32 s5, s22  }
0x4: {  	s1 =	rddreg [dreg:$0x0];
	s7 =	smul.u32 $0x32, s4  }
0x5: {  	s6 =	rddreg [dreg:$0x1];
	s8 =	smul.u32 $0x1900, s4;
	s9 =	sor.u32 $0x20, s4  }
0x6: {  	s29 =	rddreg [dreg:$0x2];
	s10 =	smul.u32 $0x32, s9  }
0x7: {  	s2 =	simm.s32 $0x0;
	s26 =	sor.u32 $0x40, s4;
	s24 =	smul.u32 $0x1900, s9  }
0x8: {  	[smem:$0x7FF] =	sst s2;
	s3 =	sadd.s32 $0x400, s6;
	s31 =	smul.u32 $0x32, s26  }
0x9: {  	s6 =	sadd.s32 $0xFA00, s6;
	s12 =	sor.u32 $0x80, s4;
	s9 =	smul.u32 $0x1900, s26  }
0xa: {  	_ =	strace $0x8000004A;
	s17 =	sor.u32 $0xA0, s4;
	s13 =	smul.u32 $0x32, s12  }
0xb: {  	s21 =	sor.u32 $0xC0, s4;
	s15 =	smul.u32 $0x1900, s12;
	s7 =	sadd.s32 s3, s7  }
0xc: {  	s19 =	smul.u32 $0x32, s17;
	s23 =	sadd.s32 s6, s8;
	[dreg:$0x3] =	wrdreg s7  }
0xd: {  	s22 =	smul.u32 $0x32, s21;
	s12 =	sor.u32 $0x120, s4;
	[dreg:$0x4] =	wrdreg s23  }
0xe: {  	s25 =	sadd.s32 s3, s10;
	s28 =	sadd.s32 s6, s24;
	s8 =	sadd.s32 s3, s31  }
0xf: {  	s10 =	sor.u32 $0x60, s4;
	s16 =	sadd.s32 s3, s13;
	s18 =	sadd.s32 s6, s15  }
0x10: {  	s20 =	sadd.s32 s3, s19;
	s13 =	smul.u32 $0x32, s12;
	[dreg:$0x5] =	wrdreg s25  }
0x11: {  	s23 =	sor.u32 $0xE0, s4;
	[dreg:$0x6] =	wrdreg s28;
	s11 =	smul.u32 $0x32, s10  }
0x12: {  	[dreg:$0x7] =	wrdreg s8;
	s8 =	sadd.s32 s6, s9;
	s9 =	smul.u32 $0x1900, s10  }
0x13: {  	s31 =	sor.u32 $0x100, s4;
	[dreg:$0xb] =	wrdreg s16;
	s24 =	smul.u32 $0x32, s23  }
0x14: {  	s19 =	sor.u32 $0x160, s4;
	[dreg:$0xc] =	wrdreg s18;
	s26 =	smul.u32 $0x1900, s23  }
0x15: {  	[dreg:$0xd] =	wrdreg s20;
	s10 =	smul.u32 $0x32, s31;
	s23 =	sor.u32 $0x180, s4  }
0x16: {  	[dreg:$0x8] =	wrdreg s8;
	s8 =	smul.u32 $0x1900, s17;
	s7 =	sadd.s32 s3, s11  }
0x17: {  	s14 =	sadd.s32 s6, s9;
	s9 =	smul.u32 $0x1900, s21;
	[dreg:$0x9] =	wrdreg s7  }
0x18: {  	s28 =	sadd.s32 s3, s24;
	s21 =	smul.u32 $0x32, s19;
	[dreg:$0xa] =	wrdreg s14  }
0x19: {  	s11 =	sadd.s32 s3, s10;
	s24 =	smul.u32 $0x32, s23;
	[dreg:$0x11] =	wrdreg s28  }
0x1a: {  	s8 =	sadd.s32 s6, s8;
	s7 =	sadd.s32 s3, s22;
	[dreg:$0x13] =	wrdreg s11  }
0x1b: {  	s14 =	sor.u32 $0x140, s4;
	s11 =	sor.u32 $0x1C0, s4;
	[dreg:$0xe] =	wrdreg s8  }
0x1c: {  	[dreg:$0xf] =	wrdreg s7;
	s25 =	sadd.s32 s6, s9;
	s8 =	smul.u32 $0x1900, s31  }
0x1d: {  	s9 =	sadd.s32 s6, s26;
	s15 =	smul.u32 $0x32, s14;
	[dreg:$0x10] =	wrdreg s25  }
0x1e: {  	s7 =	sadd.s32 s3, s13;
	s17 =	smul.u32 $0x1900, s14;
	[dreg:$0x12] =	wrdreg s9  }
0x1f: {  	s22 =	sadd.s32 s3, s21;
	s13 =	smul.u32 $0x32, s11;
	[dreg:$0x15] =	wrdreg s7  }
0x20: {  	s9 =	smul.u32 $0x1900, s12;
	[dreg:$0x19] =	wrdreg s22  }
0x21: {  	s25 =	sor.u32 $0x1A0, s4;
	s7 =	sadd.s32 s3, s24;
	s22 =	sor.u32 $0x220, s4  }
0x22: {  	s8 =	sadd.s32 s6, s8;
	s18 =	sadd.s32 s3, s15;
	s26 =	smul.u32 $0x32, s25  }
0x23: {  	s20 =	sadd.s32 s6, s17;
	[dreg:$0x1b] =	wrdreg s7;
	s31 =	smul.u32 $0x1900, s25  }
0x24: {  	s14 =	sadd.s32 s3, s13;
	s24 =	smul.u32 $0x32, s22;
	[dreg:$0x14] =	wrdreg s8  }
0x25: {  	s17 =	sor.u32 $0x200, s4;
	[dreg:$0x17] =	wrdreg s18;
	s8 =	smul.u32 $0x1900, s19  }
0x26: {  	s16 =	sadd.s32 s6, s9;
	[dreg:$0x18] =	wrdreg s20;
	s9 =	smul.u32 $0x1900, s23  }
0x27: {  	[dreg:$0x1f] =	wrdreg s14;
	s18 =	smul.u32 $0x32, s17  }
0x28: {  	s15 =	sor.u32 $0x1E0, s4;
	s20 =	smul.u32 $0x1900, s17;
	[dreg:$0x16] =	wrdreg s16  }
0x29: {  	s10 =	sadd.s32 s3, s26;
	s12 =	sadd.s32 s6, s31;
	s16 =	smul.u32 $0x32, s15  }
0x2a: {  	s25 =	sadd.s32 s3, s24;
	s26 =	sor.u32 $0x240, s4;
	s31 =	sor.u32 $0x260, s4  }
0x2b: {  	s8 =	sadd.s32 s6, s8;
	s28 =	sadd.s32 s6, s9;
	[dreg:$0x1d] =	wrdreg s10  }
0x2c: {  	[dreg:$0x1e] =	wrdreg s12;
	s9 =	smul.u32 $0x1900, s15;
	s21 =	sadd.s32 s3, s18  }
0x2d: {  	s23 =	sadd.s32 s6, s20;
	[smem:$0x7E3] =	sst s25;
	s13 =	smul.u32 $0x1900, s31  }
0x2e: {  	s15 =	sor.u32 $0x280, s4;
	[dreg:$0x1a] =	wrdreg s8;
	s8 =	smul.u32 $0x1900, s11  }
0x2f: {  	s10 =	sor.u32 $0x300, s4;
	[dreg:$0x1c] =	wrdreg s28;
	s28 =	smul.u32 $0x32, s26  }
0x30: {  	s7 =	sadd.s32 s3, s16;
	[smem:$0x7E1] =	sst s21;
	s11 =	smul.u32 $0x32, s31  }
0x31: {  	[smem:$0x7E2] =	sst s23;
	s17 =	smul.u32 $0x32, s15;
	s21 =	sor.u32 $0x2C0, s4  }
0x32: {  	[smem:$0x7DF] =	sst s7;
	s19 =	sadd.s32 s6, s9;
	s9 =	smul.u32 $0x1900, s26  }
0x33: {  	s16 =	sadd.s32 s6, s13;
	s24 =	smul.u32 $0x1900, s21;
	s26 =	sor.u32 $0x2E0, s4  }
0x34: {  	s8 =	sadd.s32 s6, s8;
	[smem:$0x7E0] =	sst s19;
	s31 =	smul.u32 $0x32, s26  }
0x35: {  	s7 =	sadd.s32 s3, s28;
	s14 =	sadd.s32 s3, s11;
	s11 =	smul.u32 $0x32, s10  }
0x36: {  	s19 =	sor.u32 $0x2A0, s4;
	[smem:$0x7DE] =	sst s8;
	s8 =	smul.u32 $0x1900, s22  }
0x37: {  	[smem:$0x7E8] =	sst s16;
	s18 =	sadd.s32 s3, s17;
	s20 =	smul.u32 $0x32, s19  }
0x38: {  	[smem:$0x7E5] =	sst s7;
	s12 =	sadd.s32 s6, s9;
	s9 =	smul.u32 $0x1900, s19  }
0x39: {  	s17 =	sor.u32 $0x340, s4;
	[smem:$0x7E7] =	sst s14;
	s22 =	smul.u32 $0x32, s21  }
0x3a: {  	[smem:$0x7E9] =	sst s18;
	s28 =	sadd.s32 s6, s24;
	s19 =	smul.u32 $0x32, s17  }
0x3b: {  	s21 =	sor.u32 $0x360, s4;
	[smem:$0x7E6] =	sst s12;
	s12 =	sor.u32 $0x320, s4  }
0x3c: {  	[smem:$0x7EE] =	sst s28;
	s8 =	sadd.s32 s6, s8;
	s13 =	smul.u32 $0x32, s12  }
0x3d: {  	s23 =	sadd.s32 s6, s9;
	s25 =	sadd.s32 s3, s22;
	s22 =	smul.u32 $0x32, s21  }
0x3e: {  	s9 =	sadd.s32 s3, s31;
	[smem:$0x7E4] =	sst s8;
	s8 =	smul.u32 $0x1900, s15  }
0x3f: {  	s7 =	sadd.s32 s3, s20;
	[smem:$0x7EF] =	sst s9;
	s9 =	smul.u32 $0x1900, s10  }
0x40: {  	[smem:$0x7EC] =	sst s23;
	s15 =	smul.u32 $0x1900, s12;
	s23 =	sor.u32 $0x380, s4  }
0x41: {  	[smem:$0x7EB] =	sst s7;
	s24 =	smul.u32 $0x32, s23  }
0x42: {  	s7 =	sadd.s32 s3, s11;
	s11 =	sor.u32 $0x3A0, s4;
	s10 =	smul.u32 $0x1900, s23  }
0x43: {  	[smem:$0x7ED] =	sst s25;
	s25 =	smul.u32 $0x32, s11  }
0x44: {  	s20 =	sadd.s32 s3, s19;
	s16 =	sadd.s32 s3, s13;
	s11 =	smul.u32 $0x1900, s11  }
0x45: {  	s13 =	sor.u32 $0x3E0, s4;
	s14 =	sadd.s32 s6, s9;
	s9 =	smul.u32 $0x1900, s21  }
0x46: {  	s5 =	ssub.s32 $0x2, s5;
	[smem:$0x7F5] =	sst s20;
	s28 =	smul.u32 $0x32, s13  }
0x47: {  	[smem:$0x7F1] =	sst s7;
	s8 =	sadd.s32 s6, s8;
	s13 =	smul.u32 $0x1900, s13  }
0x48: {  	s12 =	sor.u32 $0x3C0, s4;
	[smem:$0x7EA] =	sst s8;
	s8 =	smul.u32 $0x1900, s26  }
0x49: {  	s7 =	sadd.s32 s3, s22;
	[smem:$0x7F3] =	sst s16;
	s26 =	smul.u32 $0x32, s12  }
0x4a: {  	s18 =	sadd.s32 s6, s15;
	s15 =	sor.u32 $0x420, s4;
	s12 =	smul.u32 $0x1900, s12  }
0x4b: {  	s31 =	sor.u32 $0x480, s4;
	[smem:$0x7F7] =	sst s7;
	s20 =	smul.u32 $0x32, s15  }
0x4c: {  	[smem:$0x7F2] =	sst s14;
	s14 =	sor.u32 $0x400, s4;
	s15 =	smul.u32 $0x1900, s15  }
0x4d: {  	s16 =	sor.u32 $0x440, s4;
	[smem:$0x7F4] =	sst s18;
	s19 =	smul.u32 $0x32, s14  }
0x4e: {  	s7 =	sadd.s32 s3, s25;
	s11 =	sadd.s32 s6, s11;
	s14 =	smul.u32 $0x1900, s14  }
0x4f: {  	s18 =	sor.u32 $0x460, s4;
	[smem:$0x7FC] =	sst s11;
	s11 =	smul.u32 $0x32, s16  }
0x50: {  	s9 =	sadd.s32 s6, s9;
	[smem:$0x7FB] =	sst s7;
	s16 =	smul.u32 $0x1900, s16  }
0x51: {  	s23 =	sadd.s32 s6, s13;
	s8 =	sadd.s32 s6, s8;
	[smem:$0x7F8] =	sst s9  }
0x52: {  	s13 =	smul.u32 $0x1900, s31;
	s9 =	sadd.s32 s3, s26;
	[smem:$0x7F0] =	sst s8  }
0x53: {  	s8 =	smul.u32 $0x1900, s17;
	s17 =	sshrl.u32 s5, $0x1;
	[smem:$0x7FD] =	sst s9  }
0x54: {  	s9 =	smul.u32 $0x1900, s18;
	s22 =	sadd.s32 s3, s19;
	s19 =	sadd.s32 s6, s15  }
0x55: {  	s15 =	sor.u32 $0x4C0, s4;
	s26 =	ssub.s32 s5, s17;
	s5 =	smul.u32 $0x32, s18  }
0x56: {  	s18 =	sadd.s32 s3, s11;
	s11 =	smul.u32 $0x32, s15;
	s8 =	sadd.s32 s6, s8  }
0x57: {  	[smem:$0x7F6] =	sst s8;
	s8 =	sadd.s32 s3, s24;
	s24 =	sadd.s32 s3, s28  }
0x58: {  	s28 =	sor.u32 $0x4A0, s4;
	[smem:$0x7F9] =	sst s8;
	s8 =	smul.u32 $0x32, s31  }
0x59: {  	s25 =	sadd.s32 s6, s12;
	s4 =	sor.u32 $0x4E0, s4;
	s31 =	smul.u32 $0x32, s28  }
0x5a: {  	s21 =	sadd.s32 s6, s14;
	s14 =	sadd.s32 s3, s8;
	s8 =	smul.u32 $0x32, s4  }
0x5b: {  	s20 =	sadd.s32 s3, s20;
	s12 =	sadd.s32 s3, s31;
	s31 =	smul.u32 $0x1900, s4  }
0x5c: {  	s17 =	sadd.s32 s6, s16;
	s16 =	sadd.s32 s3, s5;
	s7 =	sadd.s32 s3, s11  }
0x5d: {  	s4 =	sadd.s32 s3, s8;
	s3 =	sadd.s32 s6, s31;
	s31 =	smax.u32 s26, $0x1  }
0x5e: {  	p0 =	sne.s32 s0, $0x0;
	s0 =	sadd.s32 $0xFFFFFFFF, s31  }
0x5f: {  	p2 =	sne.s32 s0, $0x0  }
.Ltmp0:
0x60: {  	s30 =	rddreg [dreg:$0x3];
	s10 =	sadd.s32 s6, s10;
	(pc) =	sbr.rel @!p2 .LBB2_1-.Ltmp0, $4  }
0x61: {  	p1 =	por $0x0, $0x0;
	[smem:$0x7FA] =	sst s10;
	s5 =	smul.u32 $0x1900, s15  }
0x62: {  	s10 =	simm.s32 $0x190;
	s13 =	sadd.s32 s6, s13;
	s28 =	smul.u32 $0x1900, s28  }
0x63: {  	s15 =	sadd.s32 s6, s9;
	s11 =	simm.s32 $0x1;
	s5 =	sadd.s32 s6, s5  }
0x64: {  	s9 =	sadd.s32 s6, s28;
	s6 =	simm.s32 $0x2;
	s8 =	simm.s32 $0x200  }
0x65: {  	[tilespmem:s2], [sflag:$0x2] =	stream.linear.gather [hbm4b:s30+s2], $0x190, $0x38;
	[tilespmem:$0xCA00] =	vst v63  }
0x66: {  	_ =	swait.ge [sflag:s6], $0x190  }
0x67: {  	[sflag:s6] =	ssyncset.done $0x0  }
0x68: {  	[sflag:s6] =	ssyncadd.s32 $0xFFFFFE70  }
0x69: {  	[tilespmem:s8], [sflag:$0x1] =	stream.indirect.gather [hbm4b:s1+s10], $0x80, s2, s10, $0xb8;
	[tilespmem:$0xCA00] =	vst v63  }
0x6a: {  	_ =	swait.ge [sflag:s11], $0xC800  }
0x6b: {  	[sflag:s11] =	ssyncset.done $0x0  }
0x6c: {  	s26 =	rddreg [dreg:$0x4];
	[sflag:s11] =	ssyncadd.s32 $0xFFFF3800  }
0x6d: {  	[hbm4b:s26+s2] =	stream.linear.scatter [tilespmem:s8], [sflag:$0x2], $0xC800, $0x38;
	[tilespmem:$0xCA00] =	vst v63  }
0x6e: {  	_ =	swait.ge [sflag:s6], $0xC800  }
0x6f: {  	[sflag:s6] =	ssyncset.done $0x0  }
0x70: {  	s26 =	rddreg [dreg:$0x5];
	[sflag:s6] =	ssyncadd.s32 $0xFFFF3800  }
0x71: {  	[tilespmem:s2], [sflag:$0x2] =	stream.linear.gather [hbm4b:s26+s2], $0x190, $0x38;
	[tilespmem:$0xCA00] =	vst v63  }
0x72: {  	_ =	swait.ge [sflag:s6], $0x190  }
0x73: {  	[sflag:s6] =	ssyncset.done $0x0  }
0x74: {  	[sflag:s6] =	ssyncadd.s32 $0xFFFFFE70  }
0x75: {  	[tilespmem:s8], [sflag:$0x1] =	stream.indirect.gather [hbm4b:s1+s10], $0x80, s2, s10, $0xb8;
	[tilespmem:$0xCA00] =	vst v63  }
0x76: {  	_ =	swait.ge [sflag:s11], $0xC800  }
0x77: {  	[sflag:s11] =	ssyncset.done $0x0  }
0x78: {  	s26 =	rddreg [dreg:$0x6];
	[sflag:s11] =	ssyncadd.s32 $0xFFFF3800  }
0x79: {  	[hbm4b:s26+s2] =	stream.linear.scatter [tilespmem:s8], [sflag:$0x2], $0xC800, $0x38;
	[tilespmem:$0xCA00] =	vst v63  }
0x7a: {  	_ =	swait.ge [sflag:s6], $0xC800  }
0x7b: {  	[sflag:s6] =	ssyncset.done $0x0  }
0x7c: {  	s26 =	rddreg [dreg:$0x7];
	[sflag:s6] =	ssyncadd.s32 $0xFFFF3800  }
0x7d: {  	[tilespmem:s2], [sflag:$0x2] =	stream.linear.gather [hbm4b:s26+s2], $0x190, $0x38;
	[tilespmem:$0xCA00] =	vst v63  }
0x7e: {  	_ =	swait.ge [sflag:s6], $0x190  }
0x7f: {  	[sflag:s6] =	ssyncset.done $0x0  }
0x80: {  	[sflag:s6] =	ssyncadd.s32 $0xFFFFFE70  }
0x81: {  	[tilespmem:s8], [sflag:$0x1] =	stream.indirect.gather [hbm4b:s1+s10], $0x80, s2, s10, $0xb8;
	[tilespmem:$0xCA00] =	vst v63  }
0x82: {  	_ =	swait.ge [sflag:s11], $0xC800  }
0x83: {  	[sflag:s11] =	ssyncset.done $0x0  }
0x84: {  	s26 =	rddreg [dreg:$0x8];
	[sflag:s11] =	ssyncadd.s32 $0xFFFF3800  }
0x85: {  	[hbm4b:s26+s2] =	stream.linear.scatter [tilespmem:s8], [sflag:$0x2], $0xC800, $0x38;
	[tilespmem:$0xCA00] =	vst v63  }
0x86: {  	_ =	swait.ge [sflag:s6], $0xC800  }
0x87: {  	[sflag:s6] =	ssyncset.done $0x0  }
0x88: {  	s26 =	rddreg [dreg:$0x9];
	[sflag:s6] =	ssyncadd.s32 $0xFFFF3800  }
0x89: {  	[tilespmem:s2], [sflag:$0x2] =	stream.linear.gather [hbm4b:s26+s2], $0x190, $0x38;
	[tilespmem:$0xCA00] =	vst v63  }
0x8a: {  	_ =	swait.ge [sflag:s6], $0x190  }
0x8b: {  	[sflag:s6] =	ssyncset.done $0x0  }
0x8c: {  	[sflag:s6] =	ssyncadd.s32 $0xFFFFFE70  }
0x8d: {  	[tilespmem:s8], [sflag:$0x1] =	stream.indirect.gather [hbm4b:s1+s10], $0x80, s2, s10, $0xb8;
	[tilespmem:$0xCA00] =	vst v63  }
0x8e: {  	_ =	swait.ge [sflag:s11], $0xC800  }
0x8f: {  	[sflag:s11] =	ssyncset.done $0x0  }
0x90: {  	s26 =	rddreg [dreg:$0xa];
	[sflag:s11] =	ssyncadd.s32 $0xFFFF3800  }
0x91: {  	[hbm4b:s26+s2] =	stream.linear.scatter [tilespmem:s8], [sflag:$0x2], $0xC800, $0x38;
	[tilespmem:$0xCA00] =	vst v63  }
0x92: {  	_ =	swait.ge [sflag:s6], $0xC800  }
0x93: {  	[sflag:s6] =	ssyncset.done $0x0  }
0x94: {  	s26 =	rddreg [dreg:$0xb];
	[sflag:s6] =	ssyncadd.s32 $0xFFFF3800  }
0x95: {  	[tilespmem:s2], [sflag:$0x2] =	stream.linear.gather [hbm4b:s26+s2], $0x190, $0x38;
	[tilespmem:$0xCA00] =	vst v63  }
0x96: {  	_ =	swait.ge [sflag:s6], $0x190  }
0x97: {  	[sflag:s6] =	ssyncset.done $0x0  }
0x98: {  	[sflag:s6] =	ssyncadd.s32 $0xFFFFFE70  }
0x99: {  	[tilespmem:s8], [sflag:$0x1] =	stream.indirect.gather [hbm4b:s1+s10], $0x80, s2, s10, $0xb8;
	[tilespmem:$0xCA00] =	vst v63  }
0x9a: {  	_ =	swait.ge [sflag:s11], $0xC800  }
0x9b: {  	[sflag:s11] =	ssyncset.done $0x0  }
0x9c: {  	s26 =	rddreg [dreg:$0xc];
	[sflag:s11] =	ssyncadd.s32 $0xFFFF3800  }
0x9d: {  	[hbm4b:s26+s2] =	stream.linear.scatter [tilespmem:s8], [sflag:$0x2], $0xC800, $0x38;
	[tilespmem:$0xCA00] =	vst v63  }
0x9e: {  	_ =	swait.ge [sflag:s6], $0xC800  }
0x9f: {  	[sflag:s6] =	ssyncset.done $0x0  }
0xa0: {  	s26 =	rddreg [dreg:$0xd];
	[sflag:s6] =	ssyncadd.s32 $0xFFFF3800  }
0xa1: {  	[tilespmem:s2], [sflag:$0x2] =	stream.linear.gather [hbm4b:s26+s2], $0x190, $0x38;
	[tilespmem:$0xCA00] =	vst v63  }
0xa2: {  	_ =	swait.ge [sflag:s6], $0x190  }
0xa3: {  	[sflag:s6] =	ssyncset.done $0x0  }
0xa4: {  	[sflag:s6] =	ssyncadd.s32 $0xFFFFFE70  }
0xa5: {  	[tilespmem:s8], [sflag:$0x1] =	stream.indirect.gather [hbm4b:s1+s10], $0x80, s2, s10, $0xb8;
	[tilespmem:$0xCA00] =	vst v63  }
0xa6: {  	_ =	swait.ge [sflag:s11], $0xC800  }
0xa7: {  	[sflag:s11] =	ssyncset.done $0x0  }
0xa8: {  	s26 =	rddreg [dreg:$0xe];
	[sflag:s11] =	ssyncadd.s32 $0xFFFF3800  }
0xa9: {  	[hbm4b:s26+s2] =	stream.linear.scatter [tilespmem:s8], [sflag:$0x2], $0xC800, $0x38;
	[tilespmem:$0xCA00] =	vst v63  }
0xaa: {  	_ =	swait.ge [sflag:s6], $0xC800  }
0xab: {  	[sflag:s6] =	ssyncset.done $0x0  }
0xac: {  	s26 =	rddreg [dreg:$0xf];
	[sflag:s6] =	ssyncadd.s32 $0xFFFF3800  }
0xad: {  	[tilespmem:s2], [sflag:$0x2] =	stream.linear.gather [hbm4b:s26+s2], $0x190, $0x38;
	[tilespmem:$0xCA00] =	vst v63  }
0xae: {  	_ =	swait.ge [sflag:s6], $0x190  }
0xaf: {  	[sflag:s6] =	ssyncset.done $0x0  }
0xb0: {  	[sflag:s6] =	ssyncadd.s32 $0xFFFFFE70  }
0xb1: {  	[tilespmem:s8], [sflag:$0x1] =	stream.indirect.gather [hbm4b:s1+s10], $0x80, s2, s10, $0xb8;
	[tilespmem:$0xCA00] =	vst v63  }
0xb2: {  	_ =	swait.ge [sflag:s11], $0xC800  }
0xb3: {  	[sflag:s11] =	ssyncset.done $0x0  }
0xb4: {  	s26 =	rddreg [dreg:$0x10];
	[sflag:s11] =	ssyncadd.s32 $0xFFFF3800  }
0xb5: {  	[hbm4b:s26+s2] =	stream.linear.scatter [tilespmem:s8], [sflag:$0x2], $0xC800, $0x38;
	[tilespmem:$0xCA00] =	vst v63  }
0xb6: {  	_ =	swait.ge [sflag:s6], $0xC800  }
0xb7: {  	[sflag:s6] =	ssyncset.done $0x0  }
0xb8: {  	s26 =	rddreg [dreg:$0x11];
	[sflag:s6] =	ssyncadd.s32 $0xFFFF3800  }
0xb9: {  	[tilespmem:s2], [sflag:$0x2] =	stream.linear.gather [hbm4b:s26+s2], $0x190, $0x38;
	[tilespmem:$0xCA00] =	vst v63  }
0xba: {  	_ =	swait.ge [sflag:s6], $0x190  }
0xbb: {  	[sflag:s6] =	ssyncset.done $0x0  }
0xbc: {  	[sflag:s6] =	ssyncadd.s32 $0xFFFFFE70  }
0xbd: {  	[tilespmem:s8], [sflag:$0x1] =	stream.indirect.gather [hbm4b:s1+s10], $0x80, s2, s10, $0xb8;
	[tilespmem:$0xCA00] =	vst v63  }
0xbe: {  	_ =	swait.ge [sflag:s11], $0xC800  }
0xbf: {  	[sflag:s11] =	ssyncset.done $0x0  }
0xc0: {  	s26 =	rddreg [dreg:$0x12];
	[sflag:s11] =	ssyncadd.s32 $0xFFFF3800  }
0xc1: {  	[hbm4b:s26+s2] =	stream.linear.scatter [tilespmem:s8], [sflag:$0x2], $0xC800, $0x38;
	[tilespmem:$0xCA00] =	vst v63  }
0xc2: {  	_ =	swait.ge [sflag:s6], $0xC800  }
0xc3: {  	[sflag:s6] =	ssyncset.done $0x0  }
0xc4: {  	s26 =	rddreg [dreg:$0x13];
	[sflag:s6] =	ssyncadd.s32 $0xFFFF3800  }
0xc5: {  	[tilespmem:s2], [sflag:$0x2] =	stream.linear.gather [hbm4b:s26+s2], $0x190, $0x38;
	[tilespmem:$0xCA00] =	vst v63  }
0xc6: {  	_ =	swait.ge [sflag:s6], $0x190  }
0xc7: {  	[sflag:s6] =	ssyncset.done $0x0  }
0xc8: {  	[sflag:s6] =	ssyncadd.s32 $0xFFFFFE70  }
0xc9: {  	[tilespmem:s8], [sflag:$0x1] =	stream.indirect.gather [hbm4b:s1+s10], $0x80, s2, s10, $0xb8;
	[tilespmem:$0xCA00] =	vst v63  }
0xca: {  	_ =	swait.ge [sflag:s11], $0xC800  }
0xcb: {  	[sflag:s11] =	ssyncset.done $0x0  }
0xcc: {  	s26 =	rddreg [dreg:$0x14];
	[sflag:s11] =	ssyncadd.s32 $0xFFFF3800  }
0xcd: {  	[hbm4b:s26+s2] =	stream.linear.scatter [tilespmem:s8], [sflag:$0x2], $0xC800, $0x38;
	[tilespmem:$0xCA00] =	vst v63  }
0xce: {  	_ =	swait.ge [sflag:s6], $0xC800  }
0xcf: {  	[sflag:s6] =	ssyncset.done $0x0  }
0xd0: {  	s26 =	rddreg [dreg:$0x15];
	[sflag:s6] =	ssyncadd.s32 $0xFFFF3800  }
0xd1: {  	[tilespmem:s2], [sflag:$0x2] =	stream.linear.gather [hbm4b:s26+s2], $0x190, $0x38;
	[tilespmem:$0xCA00] =	vst v63  }
0xd2: {  	_ =	swait.ge [sflag:s6], $0x190  }
0xd3: {  	[sflag:s6] =	ssyncset.done $0x0  }
0xd4: {  	[sflag:s6] =	ssyncadd.s32 $0xFFFFFE70  }
0xd5: {  	[tilespmem:s8], [sflag:$0x1] =	stream.indirect.gather [hbm4b:s1+s10], $0x80, s2, s10, $0xb8;
	[tilespmem:$0xCA00] =	vst v63  }
0xd6: {  	_ =	swait.ge [sflag:s11], $0xC800  }
0xd7: {  	[sflag:s11] =	ssyncset.done $0x0  }
0xd8: {  	s26 =	rddreg [dreg:$0x16];
	[sflag:s11] =	ssyncadd.s32 $0xFFFF3800  }
0xd9: {  	[hbm4b:s26+s2] =	stream.linear.scatter [tilespmem:s8], [sflag:$0x2], $0xC800, $0x38;
	[tilespmem:$0xCA00] =	vst v63  }
0xda: {  	_ =	swait.ge [sflag:s6], $0xC800  }
0xdb: {  	[sflag:s6] =	ssyncset.done $0x0  }
0xdc: {  	s26 =	rddreg [dreg:$0x17];
	[sflag:s6] =	ssyncadd.s32 $0xFFFF3800  }
0xdd: {  	[tilespmem:s2], [sflag:$0x2] =	stream.linear.gather [hbm4b:s26+s2], $0x190, $0x38;
	[tilespmem:$0xCA00] =	vst v63  }
0xde: {  	_ =	swait.ge [sflag:s6], $0x190  }
0xdf: {  	[sflag:s6] =	ssyncset.done $0x0  }
0xe0: {  	[sflag:s6] =	ssyncadd.s32 $0xFFFFFE70  }
0xe1: {  	[tilespmem:s8], [sflag:$0x1] =	stream.indirect.gather [hbm4b:s1+s10], $0x80, s2, s10, $0xb8;
	[tilespmem:$0xCA00] =	vst v63  }
0xe2: {  	_ =	swait.ge [sflag:s11], $0xC800  }
0xe3: {  	[sflag:s11] =	ssyncset.done $0x0  }
0xe4: {  	s26 =	rddreg [dreg:$0x18];
	[sflag:s11] =	ssyncadd.s32 $0xFFFF3800  }
0xe5: {  	[hbm4b:s26+s2] =	stream.linear.scatter [tilespmem:s8], [sflag:$0x2], $0xC800, $0x38;
	[tilespmem:$0xCA00] =	vst v63  }
0xe6: {  	_ =	swait.ge [sflag:s6], $0xC800  }
0xe7: {  	[sflag:s6] =	ssyncset.done $0x0  }
0xe8: {  	s26 =	rddreg [dreg:$0x19];
	[sflag:s6] =	ssyncadd.s32 $0xFFFF3800  }
0xe9: {  	[tilespmem:s2], [sflag:$0x2] =	stream.linear.gather [hbm4b:s26+s2], $0x190, $0x38;
	[tilespmem:$0xCA00] =	vst v63  }
0xea: {  	_ =	swait.ge [sflag:s6], $0x190  }
0xeb: {  	[sflag:s6] =	ssyncset.done $0x0  }
0xec: {  	[sflag:s6] =	ssyncadd.s32 $0xFFFFFE70  }
0xed: {  	[tilespmem:s8], [sflag:$0x1] =	stream.indirect.gather [hbm4b:s1+s10], $0x80, s2, s10, $0xb8;
	[tilespmem:$0xCA00] =	vst v63  }
0xee: {  	_ =	swait.ge [sflag:s11], $0xC800  }
0xef: {  	[sflag:s11] =	ssyncset.done $0x0  }
0xf0: {  	s26 =	rddreg [dreg:$0x1a];
	[sflag:s11] =	ssyncadd.s32 $0xFFFF3800  }
0xf1: {  	[hbm4b:s26+s2] =	stream.linear.scatter [tilespmem:s8], [sflag:$0x2], $0xC800, $0x38;
	[tilespmem:$0xCA00] =	vst v63  }
0xf2: {  	_ =	swait.ge [sflag:s6], $0xC800  }
0xf3: {  	[sflag:s6] =	ssyncset.done $0x0  }
0xf4: {  	s26 =	rddreg [dreg:$0x1b];
	[sflag:s6] =	ssyncadd.s32 $0xFFFF3800  }
0xf5: {  	[tilespmem:s2], [sflag:$0x2] =	stream.linear.gather [hbm4b:s26+s2], $0x190, $0x38;
	[tilespmem:$0xCA00] =	vst v63  }
0xf6: {  	_ =	swait.ge [sflag:s6], $0x190  }
0xf7: {  	[sflag:s6] =	ssyncset.done $0x0  }
0xf8: {  	[sflag:s6] =	ssyncadd.s32 $0xFFFFFE70  }
0xf9: {  	[tilespmem:s8], [sflag:$0x1] =	stream.indirect.gather [hbm4b:s1+s10], $0x80, s2, s10, $0xb8;
	[tilespmem:$0xCA00] =	vst v63  }
0xfa: {  	_ =	swait.ge [sflag:s11], $0xC800  }
0xfb: {  	[sflag:s11] =	ssyncset.done $0x0  }
0xfc: {  	s26 =	rddreg [dreg:$0x1c];
	[sflag:s11] =	ssyncadd.s32 $0xFFFF3800  }
0xfd: {  	[hbm4b:s26+s2] =	stream.linear.scatter [tilespmem:s8], [sflag:$0x2], $0xC800, $0x38;
	[tilespmem:$0xCA00] =	vst v63  }
0xfe: {  	_ =	swait.ge [sflag:s6], $0xC800  }
0xff: {  	[sflag:s6] =	ssyncset.done $0x0  }
0x100: {  	s26 =	rddreg [dreg:$0x1d];
	[sflag:s6] =	ssyncadd.s32 $0xFFFF3800  }
0x101: {  	[tilespmem:s2], [sflag:$0x2] =	stream.linear.gather [hbm4b:s26+s2], $0x190, $0x38;
	[tilespmem:$0xCA00] =	vst v63  }
0x102: {  	_ =	swait.ge [sflag:s6], $0x190  }
0x103: {  	[sflag:s6] =	ssyncset.done $0x0  }
0x104: {  	[sflag:s6] =	ssyncadd.s32 $0xFFFFFE70  }
0x105: {  	[tilespmem:s8], [sflag:$0x1] =	stream.indirect.gather [hbm4b:s1+s10], $0x80, s2, s10, $0xb8;
	[tilespmem:$0xCA00] =	vst v63  }
0x106: {  	_ =	swait.ge [sflag:s11], $0xC800  }
0x107: {  	[sflag:s11] =	ssyncset.done $0x0  }
0x108: {  	s26 =	rddreg [dreg:$0x1e];
	[sflag:s11] =	ssyncadd.s32 $0xFFFF3800  }
0x109: {  	[hbm4b:s26+s2] =	stream.linear.scatter [tilespmem:s8], [sflag:$0x2], $0xC800, $0x38;
	[tilespmem:$0xCA00] =	vst v63  }
0x10a: {  	_ =	swait.ge [sflag:s6], $0xC800  }
0x10b: {  	[sflag:s6] =	ssyncset.done $0x0  }
0x10c: {  	s26 =	rddreg [dreg:$0x1f];
	[sflag:s6] =	ssyncadd.s32 $0xFFFF3800  }
0x10d: {  	[tilespmem:s2], [sflag:$0x2] =	stream.linear.gather [hbm4b:s26+s2], $0x190, $0x38;
	[tilespmem:$0xCA00] =	vst v63  }
0x10e: {  	_ =	swait.ge [sflag:s6], $0x190  }
0x10f: {  	[sflag:s6] =	ssyncset.done $0x0  }
0x110: {  	[sflag:s6] =	ssyncadd.s32 $0xFFFFFE70  }
0x111: {  	[tilespmem:s8], [sflag:$0x1] =	stream.indirect.gather [hbm4b:s1+s10], $0x80, s2, s10, $0xb8;
	[tilespmem:$0xCA00] =	vst v63  }
0x112: {  	_ =	swait.ge [sflag:s11], $0xC800  }
0x113: {  	s26 =	sld [smem:$0x7DE]  }
0x114: {  	[sflag:s11] =	ssyncset.done $0x0  }
0x115: {  	[sflag:s11] =	ssyncadd.s32 $0xFFFF3800  }
0x116: {  	[hbm4b:s26+s2] =	stream.linear.scatter [tilespmem:s8], [sflag:$0x2], $0xC800, $0x38;
	[tilespmem:$0xCA00] =	vst v63  }
0x117: {  	_ =	swait.ge [sflag:s6], $0xC800  }
0x118: {  	s26 =	sld [smem:$0x7DF]  }
0x119: {  	[sflag:s6] =	ssyncset.done $0x0  }
0x11a: {  	[sflag:s6] =	ssyncadd.s32 $0xFFFF3800  }
0x11b: {  	[tilespmem:s2], [sflag:$0x2] =	stream.linear.gather [hbm4b:s26+s2], $0x190, $0x38;
	[tilespmem:$0xCA00] =	vst v63  }
0x11c: {  	_ =	swait.ge [sflag:s6], $0x190  }
0x11d: {  	[sflag:s6] =	ssyncset.done $0x0  }
0x11e: {  	[sflag:s6] =	ssyncadd.s32 $0xFFFFFE70  }
0x11f: {  	[tilespmem:s8], [sflag:$0x1] =	stream.indirect.gather [hbm4b:s1+s10], $0x80, s2, s10, $0xb8;
	[tilespmem:$0xCA00] =	vst v63  }
0x120: {  	_ =	swait.ge [sflag:s11], $0xC800  }
0x121: {  	s26 =	sld [smem:$0x7E0]  }
0x122: {  	[sflag:s11] =	ssyncset.done $0x0  }
0x123: {  	[sflag:s11] =	ssyncadd.s32 $0xFFFF3800  }
0x124: {  	[hbm4b:s26+s2] =	stream.linear.scatter [tilespmem:s8], [sflag:$0x2], $0xC800, $0x38;
	[tilespmem:$0xCA00] =	vst v63  }
0x125: {  	_ =	swait.ge [sflag:s6], $0xC800  }
0x126: {  	s26 =	sld [smem:$0x7E1]  }
0x127: {  	[sflag:s6] =	ssyncset.done $0x0  }
0x128: {  	[sflag:s6] =	ssyncadd.s32 $0xFFFF3800  }
0x129: {  	[tilespmem:s2], [sflag:$0x2] =	stream.linear.gather [hbm4b:s26+s2], $0x190, $0x38;
	[tilespmem:$0xCA00] =	vst v63  }
0x12a: {  	_ =	swait.ge [sflag:s6], $0x190  }
0x12b: {  	[sflag:s6] =	ssyncset.done $0x0  }
0x12c: {  	[sflag:s6] =	ssyncadd.s32 $0xFFFFFE70  }
0x12d: {  	[tilespmem:s8], [sflag:$0x1] =	stream.indirect.gather [hbm4b:s1+s10], $0x80, s2, s10, $0xb8;
	[tilespmem:$0xCA00] =	vst v63  }
0x12e: {  	_ =	swait.ge [sflag:s11], $0xC800  }
0x12f: {  	s26 =	sld [smem:$0x7E2]  }
0x130: {  	[sflag:s11] =	ssyncset.done $0x0  }
0x131: {  	[sflag:s11] =	ssyncadd.s32 $0xFFFF3800  }
0x132: {  	[hbm4b:s26+s2] =	stream.linear.scatter [tilespmem:s8], [sflag:$0x2], $0xC800, $0x38;
	[tilespmem:$0xCA00] =	vst v63  }
0x133: {  	_ =	swait.ge [sflag:s6], $0xC800  }
0x134: {  	s26 =	sld [smem:$0x7E3]  }
0x135: {  	[sflag:s6] =	ssyncset.done $0x0  }
0x136: {  	[sflag:s6] =	ssyncadd.s32 $0xFFFF3800  }
0x137: {  	[tilespmem:s2], [sflag:$0x2] =	stream.linear.gather [hbm4b:s26+s2], $0x190, $0x38;
	[tilespmem:$0xCA00] =	vst v63  }
0x138: {  	_ =	swait.ge [sflag:s6], $0x190  }
0x139: {  	[sflag:s6] =	ssyncset.done $0x0  }
0x13a: {  	[sflag:s6] =	ssyncadd.s32 $0xFFFFFE70  }
0x13b: {  	[tilespmem:s8], [sflag:$0x1] =	stream.indirect.gather [hbm4b:s1+s10], $0x80, s2, s10, $0xb8;
	[tilespmem:$0xCA00] =	vst v63  }
0x13c: {  	_ =	swait.ge [sflag:s11], $0xC800  }
0x13d: {  	s26 =	sld [smem:$0x7E4]  }
0x13e: {  	[sflag:s11] =	ssyncset.done $0x0  }
0x13f: {  	[sflag:s11] =	ssyncadd.s32 $0xFFFF3800  }
0x140: {  	[hbm4b:s26+s2] =	stream.linear.scatter [tilespmem:s8], [sflag:$0x2], $0xC800, $0x38;
	[tilespmem:$0xCA00] =	vst v63  }
0x141: {  	_ =	swait.ge [sflag:s6], $0xC800  }
0x142: {  	s26 =	sld [smem:$0x7E5]  }
0x143: {  	[sflag:s6] =	ssyncset.done $0x0  }
0x144: {  	[sflag:s6] =	ssyncadd.s32 $0xFFFF3800  }
0x145: {  	[tilespmem:s2], [sflag:$0x2] =	stream.linear.gather [hbm4b:s26+s2], $0x190, $0x38;
	[tilespmem:$0xCA00] =	vst v63  }
0x146: {  	_ =	swait.ge [sflag:s6], $0x190  }
0x147: {  	[sflag:s6] =	ssyncset.done $0x0  }
0x148: {  	[sflag:s6] =	ssyncadd.s32 $0xFFFFFE70  }
0x149: {  	[tilespmem:s8], [sflag:$0x1] =	stream.indirect.gather [hbm4b:s1+s10], $0x80, s2, s10, $0xb8;
	[tilespmem:$0xCA00] =	vst v63  }
0x14a: {  	_ =	swait.ge [sflag:s11], $0xC800  }
0x14b: {  	s26 =	sld [smem:$0x7E6]  }
0x14c: {  	[sflag:s11] =	ssyncset.done $0x0  }
0x14d: {  	[sflag:s11] =	ssyncadd.s32 $0xFFFF3800  }
0x14e: {  	[hbm4b:s26+s2] =	stream.linear.scatter [tilespmem:s8], [sflag:$0x2], $0xC800, $0x38;
	[tilespmem:$0xCA00] =	vst v63  }
0x14f: {  	_ =	swait.ge [sflag:s6], $0xC800  }
0x150: {  	s26 =	sld [smem:$0x7E7]  }
0x151: {  	[sflag:s6] =	ssyncset.done $0x0  }
0x152: {  	[sflag:s6] =	ssyncadd.s32 $0xFFFF3800  }
0x153: {  	[tilespmem:s2], [sflag:$0x2] =	stream.linear.gather [hbm4b:s26+s2], $0x190, $0x38;
	[tilespmem:$0xCA00] =	vst v63  }
0x154: {  	_ =	swait.ge [sflag:s6], $0x190  }
0x155: {  	[sflag:s6] =	ssyncset.done $0x0  }
0x156: {  	[sflag:s6] =	ssyncadd.s32 $0xFFFFFE70  }
0x157: {  	[tilespmem:s8], [sflag:$0x1] =	stream.indirect.gather [hbm4b:s1+s10], $0x80, s2, s10, $0xb8;
	[tilespmem:$0xCA00] =	vst v63  }
0x158: {  	_ =	swait.ge [sflag:s11], $0xC800  }
0x159: {  	s26 =	sld [smem:$0x7E8]  }
0x15a: {  	[sflag:s11] =	ssyncset.done $0x0  }
0x15b: {  	[sflag:s11] =	ssyncadd.s32 $0xFFFF3800  }
0x15c: {  	[hbm4b:s26+s2] =	stream.linear.scatter [tilespmem:s8], [sflag:$0x2], $0xC800, $0x38;
	[tilespmem:$0xCA00] =	vst v63  }
0x15d: {  	_ =	swait.ge [sflag:s6], $0xC800  }
0x15e: {  	s26 =	sld [smem:$0x7E9]  }
0x15f: {  	[sflag:s6] =	ssyncset.done $0x0  }
0x160: {  	[sflag:s6] =	ssyncadd.s32 $0xFFFF3800  }
0x161: {  	[tilespmem:s2], [sflag:$0x2] =	stream.linear.gather [hbm4b:s26+s2], $0x190, $0x38;
	[tilespmem:$0xCA00] =	vst v63  }
0x162: {  	_ =	swait.ge [sflag:s6], $0x190  }
0x163: {  	[sflag:s6] =	ssyncset.done $0x0  }
0x164: {  	[sflag:s6] =	ssyncadd.s32 $0xFFFFFE70  }
0x165: {  	[tilespmem:s8], [sflag:$0x1] =	stream.indirect.gather [hbm4b:s1+s10], $0x80, s2, s10, $0xb8;
	[tilespmem:$0xCA00] =	vst v63  }
0x166: {  	_ =	swait.ge [sflag:s11], $0xC800  }
0x167: {  	s26 =	sld [smem:$0x7EA]  }
0x168: {  	[sflag:s11] =	ssyncset.done $0x0  }
0x169: {  	[sflag:s11] =	ssyncadd.s32 $0xFFFF3800  }
0x16a: {  	[hbm4b:s26+s2] =	stream.linear.scatter [tilespmem:s8], [sflag:$0x2], $0xC800, $0x38;
	[tilespmem:$0xCA00] =	vst v63  }
0x16b: {  	_ =	swait.ge [sflag:s6], $0xC800  }
0x16c: {  	s26 =	sld [smem:$0x7EB]  }
0x16d: {  	[sflag:s6] =	ssyncset.done $0x0  }
0x16e: {  	[sflag:s6] =	ssyncadd.s32 $0xFFFF3800  }
0x16f: {  	[tilespmem:s2], [sflag:$0x2] =	stream.linear.gather [hbm4b:s26+s2], $0x190, $0x38;
	[tilespmem:$0xCA00] =	vst v63  }
0x170: {  	_ =	swait.ge [sflag:s6], $0x190  }
0x171: {  	[sflag:s6] =	ssyncset.done $0x0  }
0x172: {  	[sflag:s6] =	ssyncadd.s32 $0xFFFFFE70  }
0x173: {  	[tilespmem:s8], [sflag:$0x1] =	stream.indirect.gather [hbm4b:s1+s10], $0x80, s2, s10, $0xb8;
	[tilespmem:$0xCA00] =	vst v63  }
0x174: {  	_ =	swait.ge [sflag:s11], $0xC800  }
0x175: {  	s26 =	sld [smem:$0x7EC]  }
0x176: {  	[sflag:s11] =	ssyncset.done $0x0  }
0x177: {  	[sflag:s11] =	ssyncadd.s32 $0xFFFF3800  }
0x178: {  	[hbm4b:s26+s2] =	stream.linear.scatter [tilespmem:s8], [sflag:$0x2], $0xC800, $0x38;
	[tilespmem:$0xCA00] =	vst v63  }
0x179: {  	_ =	swait.ge [sflag:s6], $0xC800  }
0x17a: {  	s26 =	sld [smem:$0x7ED]  }
0x17b: {  	[sflag:s6] =	ssyncset.done $0x0  }
0x17c: {  	[sflag:s6] =	ssyncadd.s32 $0xFFFF3800  }
0x17d: {  	[tilespmem:s2], [sflag:$0x2] =	stream.linear.gather [hbm4b:s26+s2], $0x190, $0x38;
	[tilespmem:$0xCA00] =	vst v63  }
0x17e: {  	_ =	swait.ge [sflag:s6], $0x190  }
0x17f: {  	[sflag:s6] =	ssyncset.done $0x0  }
0x180: {  	[sflag:s6] =	ssyncadd.s32 $0xFFFFFE70  }
0x181: {  	[tilespmem:s8], [sflag:$0x1] =	stream.indirect.gather [hbm4b:s1+s10], $0x80, s2, s10, $0xb8;
	[tilespmem:$0xCA00] =	vst v63  }
0x182: {  	_ =	swait.ge [sflag:s11], $0xC800  }
0x183: {  	s26 =	sld [smem:$0x7EE]  }
0x184: {  	[sflag:s11] =	ssyncset.done $0x0  }
0x185: {  	[sflag:s11] =	ssyncadd.s32 $0xFFFF3800  }
0x186: {  	[hbm4b:s26+s2] =	stream.linear.scatter [tilespmem:s8], [sflag:$0x2], $0xC800, $0x38;
	[tilespmem:$0xCA00] =	vst v63  }
0x187: {  	_ =	swait.ge [sflag:s6], $0xC800  }
0x188: {  	s26 =	sld [smem:$0x7EF]  }
0x189: {  	[sflag:s6] =	ssyncset.done $0x0  }
0x18a: {  	[sflag:s6] =	ssyncadd.s32 $0xFFFF3800  }
0x18b: {  	[tilespmem:s2], [sflag:$0x2] =	stream.linear.gather [hbm4b:s26+s2], $0x190, $0x38;
	[tilespmem:$0xCA00] =	vst v63  }
0x18c: {  	_ =	swait.ge [sflag:s6], $0x190  }
0x18d: {  	[sflag:s6] =	ssyncset.done $0x0  }
0x18e: {  	[sflag:s6] =	ssyncadd.s32 $0xFFFFFE70  }
0x18f: {  	[tilespmem:s8], [sflag:$0x1] =	stream.indirect.gather [hbm4b:s1+s10], $0x80, s2, s10, $0xb8;
	[tilespmem:$0xCA00] =	vst v63  }
0x190: {  	_ =	swait.ge [sflag:s11], $0xC800  }
0x191: {  	s26 =	sld [smem:$0x7F0]  }
0x192: {  	[sflag:s11] =	ssyncset.done $0x0  }
0x193: {  	[sflag:s11] =	ssyncadd.s32 $0xFFFF3800  }
0x194: {  	[hbm4b:s26+s2] =	stream.linear.scatter [tilespmem:s8], [sflag:$0x2], $0xC800, $0x38;
	[tilespmem:$0xCA00] =	vst v63  }
0x195: {  	_ =	swait.ge [sflag:s6], $0xC800  }
0x196: {  	s26 =	sld [smem:$0x7F1]  }
0x197: {  	[sflag:s6] =	ssyncset.done $0x0  }
0x198: {  	[sflag:s6] =	ssyncadd.s32 $0xFFFF3800  }
0x199: {  	[tilespmem:s2], [sflag:$0x2] =	stream.linear.gather [hbm4b:s26+s2], $0x190, $0x38;
	[tilespmem:$0xCA00] =	vst v63  }
0x19a: {  	_ =	swait.ge [sflag:s6], $0x190  }
0x19b: {  	[sflag:s6] =	ssyncset.done $0x0  }
0x19c: {  	[sflag:s6] =	ssyncadd.s32 $0xFFFFFE70  }
0x19d: {  	[tilespmem:s8], [sflag:$0x1] =	stream.indirect.gather [hbm4b:s1+s10], $0x80, s2, s10, $0xb8;
	[tilespmem:$0xCA00] =	vst v63  }
0x19e: {  	_ =	swait.ge [sflag:s11], $0xC800  }
0x19f: {  	s26 =	sld [smem:$0x7F2]  }
0x1a0: {  	[sflag:s11] =	ssyncset.done $0x0  }
0x1a1: {  	[sflag:s11] =	ssyncadd.s32 $0xFFFF3800  }
0x1a2: {  	[hbm4b:s26+s2] =	stream.linear.scatter [tilespmem:s8], [sflag:$0x2], $0xC800, $0x38;
	[tilespmem:$0xCA00] =	vst v63  }
0x1a3: {  	_ =	swait.ge [sflag:s6], $0xC800  }
0x1a4: {  	s26 =	sld [smem:$0x7F3]  }
0x1a5: {  	[sflag:s6] =	ssyncset.done $0x0  }
0x1a6: {  	[sflag:s6] =	ssyncadd.s32 $0xFFFF3800  }
0x1a7: {  	[tilespmem:s2], [sflag:$0x2] =	stream.linear.gather [hbm4b:s26+s2], $0x190, $0x38;
	[tilespmem:$0xCA00] =	vst v63  }
0x1a8: {  	_ =	swait.ge [sflag:s6], $0x190  }
0x1a9: {  	[sflag:s6] =	ssyncset.done $0x0  }
0x1aa: {  	[sflag:s6] =	ssyncadd.s32 $0xFFFFFE70  }
0x1ab: {  	[tilespmem:s8], [sflag:$0x1] =	stream.indirect.gather [hbm4b:s1+s10], $0x80, s2, s10, $0xb8;
	[tilespmem:$0xCA00] =	vst v63  }
0x1ac: {  	_ =	swait.ge [sflag:s11], $0xC800  }
0x1ad: {  	s26 =	sld [smem:$0x7F4]  }
0x1ae: {  	[sflag:s11] =	ssyncset.done $0x0  }
0x1af: {  	[sflag:s11] =	ssyncadd.s32 $0xFFFF3800  }
0x1b0: {  	[hbm4b:s26+s2] =	stream.linear.scatter [tilespmem:s8], [sflag:$0x2], $0xC800, $0x38;
	[tilespmem:$0xCA00] =	vst v63  }
0x1b1: {  	_ =	swait.ge [sflag:s6], $0xC800  }
0x1b2: {  	s26 =	sld [smem:$0x7F5]  }
0x1b3: {  	[sflag:s6] =	ssyncset.done $0x0  }
0x1b4: {  	[sflag:s6] =	ssyncadd.s32 $0xFFFF3800  }
0x1b5: {  	[tilespmem:s2], [sflag:$0x2] =	stream.linear.gather [hbm4b:s26+s2], $0x190, $0x38;
	[tilespmem:$0xCA00] =	vst v63  }
0x1b6: {  	_ =	swait.ge [sflag:s6], $0x190  }
0x1b7: {  	[sflag:s6] =	ssyncset.done $0x0  }
0x1b8: {  	[sflag:s6] =	ssyncadd.s32 $0xFFFFFE70  }
0x1b9: {  	[tilespmem:s8], [sflag:$0x1] =	stream.indirect.gather [hbm4b:s1+s10], $0x80, s2, s10, $0xb8;
	[tilespmem:$0xCA00] =	vst v63  }
0x1ba: {  	_ =	swait.ge [sflag:s11], $0xC800  }
0x1bb: {  	s26 =	sld [smem:$0x7F6]  }
0x1bc: {  	[sflag:s11] =	ssyncset.done $0x0  }
0x1bd: {  	[sflag:s11] =	ssyncadd.s32 $0xFFFF3800  }
0x1be: {  	[hbm4b:s26+s2] =	stream.linear.scatter [tilespmem:s8], [sflag:$0x2], $0xC800, $0x38;
	[tilespmem:$0xCA00] =	vst v63  }
0x1bf: {  	_ =	swait.ge [sflag:s6], $0xC800  }
0x1c0: {  	s26 =	sld [smem:$0x7F7]  }
0x1c1: {  	[sflag:s6] =	ssyncset.done $0x0  }
0x1c2: {  	[sflag:s6] =	ssyncadd.s32 $0xFFFF3800  }
0x1c3: {  	[tilespmem:s2], [sflag:$0x2] =	stream.linear.gather [hbm4b:s26+s2], $0x190, $0x38;
	[tilespmem:$0xCA00] =	vst v63  }
0x1c4: {  	_ =	swait.ge [sflag:s6], $0x190  }
0x1c5: {  	[sflag:s6] =	ssyncset.done $0x0  }
0x1c6: {  	[sflag:s6] =	ssyncadd.s32 $0xFFFFFE70  }
0x1c7: {  	[tilespmem:s8], [sflag:$0x1] =	stream.indirect.gather [hbm4b:s1+s10], $0x80, s2, s10, $0xb8;
	[tilespmem:$0xCA00] =	vst v63  }
0x1c8: {  	_ =	swait.ge [sflag:s11], $0xC800  }
0x1c9: {  	s26 =	sld [smem:$0x7F8]  }
0x1ca: {  	[sflag:s11] =	ssyncset.done $0x0  }
0x1cb: {  	[sflag:s11] =	ssyncadd.s32 $0xFFFF3800  }
0x1cc: {  	[hbm4b:s26+s2] =	stream.linear.scatter [tilespmem:s8], [sflag:$0x2], $0xC800, $0x38;
	[tilespmem:$0xCA00] =	vst v63  }
0x1cd: {  	_ =	swait.ge [sflag:s6], $0xC800  }
0x1ce: {  	s26 =	sld [smem:$0x7F9]  }
0x1cf: {  	[sflag:s6] =	ssyncset.done $0x0  }
0x1d0: {  	[sflag:s6] =	ssyncadd.s32 $0xFFFF3800  }
0x1d1: {  	[tilespmem:s2], [sflag:$0x2] =	stream.linear.gather [hbm4b:s26+s2], $0x190, $0x38;
	[tilespmem:$0xCA00] =	vst v63  }
0x1d2: {  	_ =	swait.ge [sflag:s6], $0x190  }
0x1d3: {  	[sflag:s6] =	ssyncset.done $0x0  }
0x1d4: {  	[sflag:s6] =	ssyncadd.s32 $0xFFFFFE70  }
0x1d5: {  	[tilespmem:s8], [sflag:$0x1] =	stream.indirect.gather [hbm4b:s1+s10], $0x80, s2, s10, $0xb8;
	[tilespmem:$0xCA00] =	vst v63  }
0x1d6: {  	_ =	swait.ge [sflag:s11], $0xC800  }
0x1d7: {  	s26 =	sld [smem:$0x7FA]  }
0x1d8: {  	[sflag:s11] =	ssyncset.done $0x0  }
0x1d9: {  	[sflag:s11] =	ssyncadd.s32 $0xFFFF3800  }
0x1da: {  	[hbm4b:s26+s2] =	stream.linear.scatter [tilespmem:s8], [sflag:$0x2], $0xC800, $0x38;
	[tilespmem:$0xCA00] =	vst v63  }
0x1db: {  	_ =	swait.ge [sflag:s6], $0xC800  }
0x1dc: {  	s26 =	sld [smem:$0x7FB]  }
0x1dd: {  	[sflag:s6] =	ssyncset.done $0x0  }
0x1de: {  	[sflag:s6] =	ssyncadd.s32 $0xFFFF3800  }
0x1df: {  	[tilespmem:s2], [sflag:$0x2] =	stream.linear.gather [hbm4b:s26+s2], $0x190, $0x38;
	[tilespmem:$0xCA00] =	vst v63  }
0x1e0: {  	_ =	swait.ge [sflag:s6], $0x190  }
0x1e1: {  	[sflag:s6] =	ssyncset.done $0x0  }
0x1e2: {  	[sflag:s6] =	ssyncadd.s32 $0xFFFFFE70  }
0x1e3: {  	[tilespmem:s8], [sflag:$0x1] =	stream.indirect.gather [hbm4b:s1+s10], $0x80, s2, s10, $0xb8;
	[tilespmem:$0xCA00] =	vst v63  }
0x1e4: {  	_ =	swait.ge [sflag:s11], $0xC800  }
0x1e5: {  	s26 =	sld [smem:$0x7FC]  }
0x1e6: {  	[sflag:s11] =	ssyncset.done $0x0  }
0x1e7: {  	[sflag:s11] =	ssyncadd.s32 $0xFFFF3800  }
0x1e8: {  	[hbm4b:s26+s2] =	stream.linear.scatter [tilespmem:s8], [sflag:$0x2], $0xC800, $0x38;
	[tilespmem:$0xCA00] =	vst v63  }
0x1e9: {  	_ =	swait.ge [sflag:s6], $0xC800  }
0x1ea: {  	s26 =	sld [smem:$0x7FD]  }
0x1eb: {  	[sflag:s6] =	ssyncset.done $0x0  }
0x1ec: {  	[sflag:s6] =	ssyncadd.s32 $0xFFFF3800  }
0x1ed: {  	[tilespmem:s2], [sflag:$0x2] =	stream.linear.gather [hbm4b:s26+s2], $0x190, $0x38;
	[tilespmem:$0xCA00] =	vst v63  }
0x1ee: {  	_ =	swait.ge [sflag:s6], $0x190  }
0x1ef: {  	[sflag:s6] =	ssyncset.done $0x0  }
0x1f0: {  	[sflag:s6] =	ssyncadd.s32 $0xFFFFFE70  }
0x1f1: {  	[tilespmem:s8], [sflag:$0x1] =	stream.indirect.gather [hbm4b:s1+s10], $0x80, s2, s10, $0xb8;
	[tilespmem:$0xCA00] =	vst v63  }
0x1f2: {  	_ =	swait.ge [sflag:s11], $0xC800  }
0x1f3: {  	[sflag:s11] =	ssyncset.done $0x0  }
0x1f4: {  	[sflag:s11] =	ssyncadd.s32 $0xFFFF3800  }
0x1f5: {  	[hbm4b:s25+s2] =	stream.linear.scatter [tilespmem:s8], [sflag:$0x2], $0xC800, $0x38;
	[tilespmem:$0xCA00] =	vst v63  }
0x1f6: {  	_ =	swait.ge [sflag:s6], $0xC800  }
0x1f7: {  	[sflag:s6] =	ssyncset.done $0x0  }
0x1f8: {  	[sflag:s6] =	ssyncadd.s32 $0xFFFF3800  }
0x1f9: {  	[tilespmem:s2], [sflag:$0x2] =	stream.linear.gather [hbm4b:s24+s2], $0x190, $0x38;
	[tilespmem:$0xCA00] =	vst v63  }
0x1fa: {  	_ =	swait.ge [sflag:s6], $0x190  }
0x1fb: {  	[sflag:s6] =	ssyncset.done $0x0  }
0x1fc: {  	[sflag:s6] =	ssyncadd.s32 $0xFFFFFE70  }
0x1fd: {  	[tilespmem:s8], [sflag:$0x1] =	stream.indirect.gather [hbm4b:s1+s10], $0x80, s2, s10, $0xb8;
	[tilespmem:$0xCA00] =	vst v63  }
0x1fe: {  	_ =	swait.ge [sflag:s11], $0xC800  }
0x1ff: {  	[sflag:s11] =	ssyncset.done $0x0  }
0x200: {  	[sflag:s11] =	ssyncadd.s32 $0xFFFF3800  }
0x201: {  	[hbm4b:s23+s2] =	stream.linear.scatter [tilespmem:s8], [sflag:$0x2], $0xC800, $0x38;
	[tilespmem:$0xCA00] =	vst v63  }
0x202: {  	_ =	swait.ge [sflag:s6], $0xC800  }
0x203: {  	[sflag:s6] =	ssyncset.done $0x0  }
0x204: {  	[sflag:s6] =	ssyncadd.s32 $0xFFFF3800  }
0x205: {  	[tilespmem:s2], [sflag:$0x2] =	stream.linear.gather [hbm4b:s22+s2], $0x190, $0x38;
	[tilespmem:$0xCA00] =	vst v63  }
0x206: {  	_ =	swait.ge [sflag:s6], $0x190  }
0x207: {  	[sflag:s6] =	ssyncset.done $0x0  }
0x208: {  	[sflag:s6] =	ssyncadd.s32 $0xFFFFFE70  }
0x209: {  	[tilespmem:s8], [sflag:$0x1] =	stream.indirect.gather [hbm4b:s1+s10], $0x80, s2, s10, $0xb8;
	[tilespmem:$0xCA00] =	vst v63  }
0x20a: {  	_ =	swait.ge [sflag:s11], $0xC800  }
0x20b: {  	[sflag:s11] =	ssyncset.done $0x0  }
0x20c: {  	[sflag:s11] =	ssyncadd.s32 $0xFFFF3800  }
0x20d: {  	[hbm4b:s21+s2] =	stream.linear.scatter [tilespmem:s8], [sflag:$0x2], $0xC800, $0x38;
	[tilespmem:$0xCA00] =	vst v63  }
0x20e: {  	_ =	swait.ge [sflag:s6], $0xC800  }
0x20f: {  	[sflag:s6] =	ssyncset.done $0x0  }
0x210: {  	[sflag:s6] =	ssyncadd.s32 $0xFFFF3800  }
0x211: {  	[tilespmem:s2], [sflag:$0x2] =	stream.linear.gather [hbm4b:s20+s2], $0x190, $0x38;
	[tilespmem:$0xCA00] =	vst v63  }
0x212: {  	_ =	swait.ge [sflag:s6], $0x190  }
0x213: {  	[sflag:s6] =	ssyncset.done $0x0  }
0x214: {  	[sflag:s6] =	ssyncadd.s32 $0xFFFFFE70  }
0x215: {  	[tilespmem:s8], [sflag:$0x1] =	stream.indirect.gather [hbm4b:s1+s10], $0x80, s2, s10, $0xb8;
	[tilespmem:$0xCA00] =	vst v63  }
0x216: {  	_ =	swait.ge [sflag:s11], $0xC800  }
0x217: {  	[sflag:s11] =	ssyncset.done $0x0  }
0x218: {  	[sflag:s11] =	ssyncadd.s32 $0xFFFF3800  }
0x219: {  	[hbm4b:s19+s2] =	stream.linear.scatter [tilespmem:s8], [sflag:$0x2], $0xC800, $0x38;
	[tilespmem:$0xCA00] =	vst v63  }
0x21a: {  	_ =	swait.ge [sflag:s6], $0xC800  }
0x21b: {  	[sflag:s6] =	ssyncset.done $0x0  }
0x21c: {  	[sflag:s6] =	ssyncadd.s32 $0xFFFF3800  }
0x21d: {  	[tilespmem:s2], [sflag:$0x2] =	stream.linear.gather [hbm4b:s18+s2], $0x190, $0x38;
	[tilespmem:$0xCA00] =	vst v63  }
0x21e: {  	_ =	swait.ge [sflag:s6], $0x190  }
0x21f: {  	[sflag:s6] =	ssyncset.done $0x0  }
0x220: {  	[sflag:s6] =	ssyncadd.s32 $0xFFFFFE70  }
0x221: {  	[tilespmem:s8], [sflag:$0x1] =	stream.indirect.gather [hbm4b:s1+s10], $0x80, s2, s10, $0xb8;
	[tilespmem:$0xCA00] =	vst v63  }
0x222: {  	_ =	swait.ge [sflag:s11], $0xC800  }
0x223: {  	[sflag:s11] =	ssyncset.done $0x0  }
0x224: {  	[sflag:s11] =	ssyncadd.s32 $0xFFFF3800  }
0x225: {  	[hbm4b:s17+s2] =	stream.linear.scatter [tilespmem:s8], [sflag:$0x2], $0xC800, $0x38;
	[tilespmem:$0xCA00] =	vst v63  }
0x226: {  	_ =	swait.ge [sflag:s6], $0xC800  }
0x227: {  	[sflag:s6] =	ssyncset.done $0x0  }
0x228: {  	[sflag:s6] =	ssyncadd.s32 $0xFFFF3800  }
0x229: {  	[tilespmem:s2], [sflag:$0x2] =	stream.linear.gather [hbm4b:s16+s2], $0x190, $0x38;
	[tilespmem:$0xCA00] =	vst v63  }
0x22a: {  	_ =	swait.ge [sflag:s6], $0x190  }
0x22b: {  	[sflag:s6] =	ssyncset.done $0x0  }
0x22c: {  	[sflag:s6] =	ssyncadd.s32 $0xFFFFFE70  }
0x22d: {  	[tilespmem:s8], [sflag:$0x1] =	stream.indirect.gather [hbm4b:s1+s10], $0x80, s2, s10, $0xb8;
	[tilespmem:$0xCA00] =	vst v63  }
0x22e: {  	_ =	swait.ge [sflag:s11], $0xC800  }
0x22f: {  	[sflag:s11] =	ssyncset.done $0x0  }
0x230: {  	[sflag:s11] =	ssyncadd.s32 $0xFFFF3800  }
0x231: {  	[hbm4b:s15+s2] =	stream.linear.scatter [tilespmem:s8], [sflag:$0x2], $0xC800, $0x38;
	[tilespmem:$0xCA00] =	vst v63  }
0x232: {  	_ =	swait.ge [sflag:s6], $0xC800  }
0x233: {  	[sflag:s6] =	ssyncset.done $0x0  }
0x234: {  	[sflag:s6] =	ssyncadd.s32 $0xFFFF3800  }
0x235: {  	[tilespmem:s2], [sflag:$0x2] =	stream.linear.gather [hbm4b:s14+s2], $0x190, $0x38;
	[tilespmem:$0xCA00] =	vst v63  }
0x236: {  	_ =	swait.ge [sflag:s6], $0x190  }
0x237: {  	[sflag:s6] =	ssyncset.done $0x0  }
0x238: {  	[sflag:s6] =	ssyncadd.s32 $0xFFFFFE70  }
0x239: {  	[tilespmem:s8], [sflag:$0x1] =	stream.indirect.gather [hbm4b:s1+s10], $0x80, s2, s10, $0xb8;
	[tilespmem:$0xCA00] =	vst v63  }
0x23a: {  	_ =	swait.ge [sflag:s11], $0xC800  }
0x23b: {  	[sflag:s11] =	ssyncset.done $0x0  }
0x23c: {  	[sflag:s11] =	ssyncadd.s32 $0xFFFF3800  }
0x23d: {  	[hbm4b:s13+s2] =	stream.linear.scatter [tilespmem:s8], [sflag:$0x2], $0xC800, $0x38;
	[tilespmem:$0xCA00] =	vst v63  }
0x23e: {  	_ =	swait.ge [sflag:s6], $0xC800  }
0x23f: {  	[sflag:s6] =	ssyncset.done $0x0  }
0x240: {  	[sflag:s6] =	ssyncadd.s32 $0xFFFF3800  }
0x241: {  	[tilespmem:s2], [sflag:$0x2] =	stream.linear.gather [hbm4b:s12+s2], $0x190, $0x38;
	[tilespmem:$0xCA00] =	vst v63  }
0x242: {  	_ =	swait.ge [sflag:s6], $0x190  }
0x243: {  	[sflag:s6] =	ssyncset.done $0x0  }
0x244: {  	[sflag:s6] =	ssyncadd.s32 $0xFFFFFE70  }
0x245: {  	[tilespmem:s8], [sflag:$0x1] =	stream.indirect.gather [hbm4b:s1+s10], $0x80, s2, s10, $0xb8;
	[tilespmem:$0xCA00] =	vst v63  }
0x246: {  	_ =	swait.ge [sflag:s11], $0xC800  }
0x247: {  	[sflag:s11] =	ssyncset.done $0x0  }
0x248: {  	[sflag:s11] =	ssyncadd.s32 $0xFFFF3800  }
0x249: {  	[hbm4b:s9+s2] =	stream.linear.scatter [tilespmem:s8], [sflag:$0x2], $0xC800, $0x38;
	[tilespmem:$0xCA00] =	vst v63  }
0x24a: {  	_ =	swait.ge [sflag:s6], $0xC800  }
0x24b: {  	[sflag:s6] =	ssyncset.done $0x0  }
0x24c: {  	[sflag:s6] =	ssyncadd.s32 $0xFFFF3800  }
0x24d: {  	[tilespmem:s2], [sflag:$0x2] =	stream.linear.gather [hbm4b:s7+s2], $0x190, $0x38;
	[tilespmem:$0xCA00] =	vst v63  }
0x24e: {  	_ =	swait.ge [sflag:s6], $0x190  }
0x24f: {  	[sflag:s6] =	ssyncset.done $0x0  }
0x250: {  	[sflag:s6] =	ssyncadd.s32 $0xFFFFFE70  }
0x251: {  	[tilespmem:s8], [sflag:$0x1] =	stream.indirect.gather [hbm4b:s1+s10], $0x80, s2, s10, $0xb8;
	[tilespmem:$0xCA00] =	vst v63  }
0x252: {  	_ =	swait.ge [sflag:s11], $0xC800  }
0x253: {  	[sflag:s11] =	ssyncset.done $0x0  }
0x254: {  	[sflag:s11] =	ssyncadd.s32 $0xFFFF3800  }
0x255: {  	[hbm4b:s5+s2] =	stream.linear.scatter [tilespmem:s8], [sflag:$0x2], $0xC800, $0x38;
	[tilespmem:$0xCA00] =	vst v63  }
0x256: {  	_ =	swait.ge [sflag:s6], $0xC800  }
0x257: {  	[sflag:s6] =	ssyncset.done $0x0  }
0x258: {  	s28 =	simm.s32 @!p0 $0x0;
	s26 =	simm.s32 @!p0 $0x2;
	[sflag:s6] =	ssyncadd.s32 $0xFFFF3800  }
0x259: {  	[tilespmem:s28], [sflag:$0x2] =	stream.linear.gather @!p0 [hbm4b:s4+s28], $0x190, $0x38;
	[tilespmem:$0xCA00] =	vst v63  }
0x25a: {  	_ =	swait.ge @!p0 [sflag:s26], $0x190  }
0x25b: {  	s29 =	simm.s32 @!p0 $0x1;
	s30 =	simm.s32 @!p0 $0x190;
	[sflag:s26] =	ssyncset.done @!p0 $0x0  }
0x25c: {  	s31 =	simm.s32 @!p0 $0x200;
	s0 =	sadd.s32 $0xFFFFFFFF, s0;
	[sflag:s26] =	ssyncadd.s32 @!p0 $0xFFFFFE70  }
0x25d: {  	[tilespmem:s31], [sflag:$0x1] =	stream.indirect.gather @!p0 [hbm4b:s1+s30], $0x80, s28, s30, $0xb8;
	[tilespmem:$0xCA00] =	vst v63  }
0x25e: {  	p2 =	sne.s32 s0, $0x0;
	_ =	swait.ge @!p0 [sflag:s29], $0xC800  }
.Ltmp1:
0x25f: {  	[sflag:s29] =	ssyncset.done @!p0 $0x0;
	(pc) =	sbr.rel @!p2 .LBB2_3-.Ltmp1, $4  }
0x260: {  	[sflag:s29] =	ssyncadd.s32 @!p0 $0xFFFF3800  }
0x261: {  	[hbm4b:s3+s28] =	stream.linear.scatter @!p0 [tilespmem:s31], [sflag:$0x2], $0xC800, $0x38;
	[tilespmem:$0xCA00] =	vst v63  }
0x262: {  	_ =	swait.ge @!p0 [sflag:s26], $0xC800  }
0x263: {  	p1 =	por $0x1, $0x1;
	s30 =	rddreg [dreg:$0x3];
	[sflag:s26] =	ssyncset.done @!p0 $0x0  }
.LBB2_4:
0x264: {  	[sflag:s26] =	ssyncadd.s32 @!p0 $0xFFFF3800  }
0x265: {  	[tilespmem:s2], [sflag:$0x2] =	stream.linear.gather [hbm4b:s30+s2], $0x190, $0x38;
	[tilespmem:$0xCA00] =	vst v63  }
0x266: {  	_ =	swait.ge [sflag:s6], $0x190  }
0x267: {  	[sflag:s6] =	ssyncset.done $0x0  }
0x268: {  	[sflag:s6] =	ssyncadd.s32 $0xFFFFFE70  }
0x269: {  	[tilespmem:s8], [sflag:$0x1] =	stream.indirect.gather [hbm4b:s1+s10], $0x80, s2, s10, $0xb8;
	[tilespmem:$0xCA00] =	vst v63  }
0x26a: {  	_ =	swait.ge [sflag:s11], $0xC800  }
0x26b: {  	[sflag:s11] =	ssyncset.done $0x0  }
0x26c: {  	s30 =	rddreg [dreg:$0x4];
	[sflag:s11] =	ssyncadd.s32 $0xFFFF3800  }
0x26d: {  	[hbm4b:s30+s2] =	stream.linear.scatter [tilespmem:s8], [sflag:$0x2], $0xC800, $0x38;
	[tilespmem:$0xCA00] =	vst v63  }
0x26e: {  	_ =	swait.ge [sflag:s6], $0xC800  }
0x26f: {  	[sflag:s6] =	ssyncset.done $0x0  }
0x270: {  	s30 =	rddreg [dreg:$0x5];
	[sflag:s6] =	ssyncadd.s32 $0xFFFF3800  }
0x271: {  	[tilespmem:s2], [sflag:$0x2] =	stream.linear.gather [hbm4b:s30+s2], $0x190, $0x38;
	[tilespmem:$0xCA00] =	vst v63  }
0x272: {  	_ =	swait.ge [sflag:s6], $0x190  }
0x273: {  	[sflag:s6] =	ssyncset.done $0x0  }
0x274: {  	[sflag:s6] =	ssyncadd.s32 $0xFFFFFE70  }
0x275: {  	[tilespmem:s8], [sflag:$0x1] =	stream.indirect.gather [hbm4b:s1+s10], $0x80, s2, s10, $0xb8;
	[tilespmem:$0xCA00] =	vst v63  }
0x276: {  	_ =	swait.ge [sflag:s11], $0xC800  }
0x277: {  	[sflag:s11] =	ssyncset.done $0x0  }
0x278: {  	s30 =	rddreg [dreg:$0x6];
	[sflag:s11] =	ssyncadd.s32 $0xFFFF3800  }
0x279: {  	[hbm4b:s30+s2] =	stream.linear.scatter [tilespmem:s8], [sflag:$0x2], $0xC800, $0x38;
	[tilespmem:$0xCA00] =	vst v63  }
0x27a: {  	_ =	swait.ge [sflag:s6], $0xC800  }
0x27b: {  	[sflag:s6] =	ssyncset.done $0x0  }
0x27c: {  	s30 =	rddreg [dreg:$0x7];
	[sflag:s6] =	ssyncadd.s32 $0xFFFF3800  }
0x27d: {  	[tilespmem:s2], [sflag:$0x2] =	stream.linear.gather [hbm4b:s30+s2], $0x190, $0x38;
	[tilespmem:$0xCA00] =	vst v63  }
0x27e: {  	_ =	swait.ge [sflag:s6], $0x190  }
0x27f: {  	[sflag:s6] =	ssyncset.done $0x0  }
0x280: {  	[sflag:s6] =	ssyncadd.s32 $0xFFFFFE70  }
0x281: {  	[tilespmem:s8], [sflag:$0x1] =	stream.indirect.gather [hbm4b:s1+s10], $0x80, s2, s10, $0xb8;
	[tilespmem:$0xCA00] =	vst v63  }
0x282: {  	_ =	swait.ge [sflag:s11], $0xC800  }
0x283: {  	[sflag:s11] =	ssyncset.done $0x0  }
0x284: {  	s30 =	rddreg [dreg:$0x8];
	[sflag:s11] =	ssyncadd.s32 $0xFFFF3800  }
0x285: {  	[hbm4b:s30+s2] =	stream.linear.scatter [tilespmem:s8], [sflag:$0x2], $0xC800, $0x38;
	[tilespmem:$0xCA00] =	vst v63  }
0x286: {  	_ =	swait.ge [sflag:s6], $0xC800  }
0x287: {  	[sflag:s6] =	ssyncset.done $0x0  }
0x288: {  	s30 =	rddreg [dreg:$0x9];
	[sflag:s6] =	ssyncadd.s32 $0xFFFF3800  }
0x289: {  	[tilespmem:s2], [sflag:$0x2] =	stream.linear.gather [hbm4b:s30+s2], $0x190, $0x38;
	[tilespmem:$0xCA00] =	vst v63  }
0x28a: {  	_ =	swait.ge [sflag:s6], $0x190  }
0x28b: {  	[sflag:s6] =	ssyncset.done $0x0  }
0x28c: {  	[sflag:s6] =	ssyncadd.s32 $0xFFFFFE70  }
0x28d: {  	[tilespmem:s8], [sflag:$0x1] =	stream.indirect.gather [hbm4b:s1+s10], $0x80, s2, s10, $0xb8;
	[tilespmem:$0xCA00] =	vst v63  }
0x28e: {  	_ =	swait.ge [sflag:s11], $0xC800  }
0x28f: {  	[sflag:s11] =	ssyncset.done $0x0  }
0x290: {  	s30 =	rddreg [dreg:$0xa];
	[sflag:s11] =	ssyncadd.s32 $0xFFFF3800  }
0x291: {  	[hbm4b:s30+s2] =	stream.linear.scatter [tilespmem:s8], [sflag:$0x2], $0xC800, $0x38;
	[tilespmem:$0xCA00] =	vst v63  }
0x292: {  	_ =	swait.ge [sflag:s6], $0xC800  }
0x293: {  	[sflag:s6] =	ssyncset.done $0x0  }
0x294: {  	s30 =	rddreg [dreg:$0xb];
	[sflag:s6] =	ssyncadd.s32 $0xFFFF3800  }
0x295: {  	[tilespmem:s2], [sflag:$0x2] =	stream.linear.gather [hbm4b:s30+s2], $0x190, $0x38;
	[tilespmem:$0xCA00] =	vst v63  }
0x296: {  	_ =	swait.ge [sflag:s6], $0x190  }
0x297: {  	[sflag:s6] =	ssyncset.done $0x0  }
0x298: {  	[sflag:s6] =	ssyncadd.s32 $0xFFFFFE70  }
0x299: {  	[tilespmem:s8], [sflag:$0x1] =	stream.indirect.gather [hbm4b:s1+s10], $0x80, s2, s10, $0xb8;
	[tilespmem:$0xCA00] =	vst v63  }
0x29a: {  	_ =	swait.ge [sflag:s11], $0xC800  }
0x29b: {  	[sflag:s11] =	ssyncset.done $0x0  }
0x29c: {  	s30 =	rddreg [dreg:$0xc];
	[sflag:s11] =	ssyncadd.s32 $0xFFFF3800  }
0x29d: {  	[hbm4b:s30+s2] =	stream.linear.scatter [tilespmem:s8], [sflag:$0x2], $0xC800, $0x38;
	[tilespmem:$0xCA00] =	vst v63  }
0x29e: {  	_ =	swait.ge [sflag:s6], $0xC800  }
0x29f: {  	[sflag:s6] =	ssyncset.done $0x0  }
0x2a0: {  	s30 =	rddreg [dreg:$0xd];
	[sflag:s6] =	ssyncadd.s32 $0xFFFF3800  }
0x2a1: {  	[tilespmem:s2], [sflag:$0x2] =	stream.linear.gather [hbm4b:s30+s2], $0x190, $0x38;
	[tilespmem:$0xCA00] =	vst v63  }
0x2a2: {  	_ =	swait.ge [sflag:s6], $0x190  }
0x2a3: {  	[sflag:s6] =	ssyncset.done $0x0  }
0x2a4: {  	[sflag:s6] =	ssyncadd.s32 $0xFFFFFE70  }
0x2a5: {  	[tilespmem:s8], [sflag:$0x1] =	stream.indirect.gather [hbm4b:s1+s10], $0x80, s2, s10, $0xb8;
	[tilespmem:$0xCA00] =	vst v63  }
0x2a6: {  	_ =	swait.ge [sflag:s11], $0xC800  }
0x2a7: {  	[sflag:s11] =	ssyncset.done $0x0  }
0x2a8: {  	s30 =	rddreg [dreg:$0xe];
	[sflag:s11] =	ssyncadd.s32 $0xFFFF3800  }
0x2a9: {  	[hbm4b:s30+s2] =	stream.linear.scatter [tilespmem:s8], [sflag:$0x2], $0xC800, $0x38;
	[tilespmem:$0xCA00] =	vst v63  }
0x2aa: {  	_ =	swait.ge [sflag:s6], $0xC800  }
0x2ab: {  	[sflag:s6] =	ssyncset.done $0x0  }
0x2ac: {  	s30 =	rddreg [dreg:$0xf];
	[sflag:s6] =	ssyncadd.s32 $0xFFFF3800  }
0x2ad: {  	[tilespmem:s2], [sflag:$0x2] =	stream.linear.gather [hbm4b:s30+s2], $0x190, $0x38;
	[tilespmem:$0xCA00] =	vst v63  }
0x2ae: {  	_ =	swait.ge [sflag:s6], $0x190  }
0x2af: {  	[sflag:s6] =	ssyncset.done $0x0  }
0x2b0: {  	[sflag:s6] =	ssyncadd.s32 $0xFFFFFE70  }
0x2b1: {  	[tilespmem:s8], [sflag:$0x1] =	stream.indirect.gather [hbm4b:s1+s10], $0x80, s2, s10, $0xb8;
	[tilespmem:$0xCA00] =	vst v63  }
0x2b2: {  	_ =	swait.ge [sflag:s11], $0xC800  }
0x2b3: {  	[sflag:s11] =	ssyncset.done $0x0  }
0x2b4: {  	s30 =	rddreg [dreg:$0x10];
	[sflag:s11] =	ssyncadd.s32 $0xFFFF3800  }
0x2b5: {  	[hbm4b:s30+s2] =	stream.linear.scatter [tilespmem:s8], [sflag:$0x2], $0xC800, $0x38;
	[tilespmem:$0xCA00] =	vst v63  }
0x2b6: {  	_ =	swait.ge [sflag:s6], $0xC800  }
0x2b7: {  	[sflag:s6] =	ssyncset.done $0x0  }
0x2b8: {  	s30 =	rddreg [dreg:$0x11];
	[sflag:s6] =	ssyncadd.s32 $0xFFFF3800  }
0x2b9: {  	[tilespmem:s2], [sflag:$0x2] =	stream.linear.gather [hbm4b:s30+s2], $0x190, $0x38;
	[tilespmem:$0xCA00] =	vst v63  }
0x2ba: {  	_ =	swait.ge [sflag:s6], $0x190  }
0x2bb: {  	[sflag:s6] =	ssyncset.done $0x0  }
0x2bc: {  	[sflag:s6] =	ssyncadd.s32 $0xFFFFFE70  }
0x2bd: {  	[tilespmem:s8], [sflag:$0x1] =	stream.indirect.gather [hbm4b:s1+s10], $0x80, s2, s10, $0xb8;
	[tilespmem:$0xCA00] =	vst v63  }
0x2be: {  	_ =	swait.ge [sflag:s11], $0xC800  }
0x2bf: {  	[sflag:s11] =	ssyncset.done $0x0  }
0x2c0: {  	s30 =	rddreg [dreg:$0x12];
	[sflag:s11] =	ssyncadd.s32 $0xFFFF3800  }
0x2c1: {  	[hbm4b:s30+s2] =	stream.linear.scatter [tilespmem:s8], [sflag:$0x2], $0xC800, $0x38;
	[tilespmem:$0xCA00] =	vst v63  }
0x2c2: {  	_ =	swait.ge [sflag:s6], $0xC800  }
0x2c3: {  	[sflag:s6] =	ssyncset.done $0x0  }
0x2c4: {  	s30 =	rddreg [dreg:$0x13];
	[sflag:s6] =	ssyncadd.s32 $0xFFFF3800  }
0x2c5: {  	[tilespmem:s2], [sflag:$0x2] =	stream.linear.gather [hbm4b:s30+s2], $0x190, $0x38;
	[tilespmem:$0xCA00] =	vst v63  }
0x2c6: {  	_ =	swait.ge [sflag:s6], $0x190  }
0x2c7: {  	[sflag:s6] =	ssyncset.done $0x0  }
0x2c8: {  	[sflag:s6] =	ssyncadd.s32 $0xFFFFFE70  }
0x2c9: {  	[tilespmem:s8], [sflag:$0x1] =	stream.indirect.gather [hbm4b:s1+s10], $0x80, s2, s10, $0xb8;
	[tilespmem:$0xCA00] =	vst v63  }
0x2ca: {  	_ =	swait.ge [sflag:s11], $0xC800  }
0x2cb: {  	[sflag:s11] =	ssyncset.done $0x0  }
0x2cc: {  	s30 =	rddreg [dreg:$0x14];
	[sflag:s11] =	ssyncadd.s32 $0xFFFF3800  }
0x2cd: {  	[hbm4b:s30+s2] =	stream.linear.scatter [tilespmem:s8], [sflag:$0x2], $0xC800, $0x38;
	[tilespmem:$0xCA00] =	vst v63  }
0x2ce: {  	_ =	swait.ge [sflag:s6], $0xC800  }
0x2cf: {  	[sflag:s6] =	ssyncset.done $0x0  }
0x2d0: {  	s30 =	rddreg [dreg:$0x15];
	[sflag:s6] =	ssyncadd.s32 $0xFFFF3800  }
0x2d1: {  	[tilespmem:s2], [sflag:$0x2] =	stream.linear.gather [hbm4b:s30+s2], $0x190, $0x38;
	[tilespmem:$0xCA00] =	vst v63  }
0x2d2: {  	_ =	swait.ge [sflag:s6], $0x190  }
0x2d3: {  	[sflag:s6] =	ssyncset.done $0x0  }
0x2d4: {  	[sflag:s6] =	ssyncadd.s32 $0xFFFFFE70  }
0x2d5: {  	[tilespmem:s8], [sflag:$0x1] =	stream.indirect.gather [hbm4b:s1+s10], $0x80, s2, s10, $0xb8;
	[tilespmem:$0xCA00] =	vst v63  }
0x2d6: {  	_ =	swait.ge [sflag:s11], $0xC800  }
0x2d7: {  	[sflag:s11] =	ssyncset.done $0x0  }
0x2d8: {  	s30 =	rddreg [dreg:$0x16];
	[sflag:s11] =	ssyncadd.s32 $0xFFFF3800  }
0x2d9: {  	[hbm4b:s30+s2] =	stream.linear.scatter [tilespmem:s8], [sflag:$0x2], $0xC800, $0x38;
	[tilespmem:$0xCA00] =	vst v63  }
0x2da: {  	_ =	swait.ge [sflag:s6], $0xC800  }
0x2db: {  	[sflag:s6] =	ssyncset.done $0x0  }
0x2dc: {  	s30 =	rddreg [dreg:$0x17];
	[sflag:s6] =	ssyncadd.s32 $0xFFFF3800  }
0x2dd: {  	[tilespmem:s2], [sflag:$0x2] =	stream.linear.gather [hbm4b:s30+s2], $0x190, $0x38;
	[tilespmem:$0xCA00] =	vst v63  }
0x2de: {  	_ =	swait.ge [sflag:s6], $0x190  }
0x2df: {  	[sflag:s6] =	ssyncset.done $0x0  }
0x2e0: {  	[sflag:s6] =	ssyncadd.s32 $0xFFFFFE70  }
0x2e1: {  	[tilespmem:s8], [sflag:$0x1] =	stream.indirect.gather [hbm4b:s1+s10], $0x80, s2, s10, $0xb8;
	[tilespmem:$0xCA00] =	vst v63  }
0x2e2: {  	_ =	swait.ge [sflag:s11], $0xC800  }
0x2e3: {  	[sflag:s11] =	ssyncset.done $0x0  }
0x2e4: {  	s30 =	rddreg [dreg:$0x18];
	[sflag:s11] =	ssyncadd.s32 $0xFFFF3800  }
0x2e5: {  	[hbm4b:s30+s2] =	stream.linear.scatter [tilespmem:s8], [sflag:$0x2], $0xC800, $0x38;
	[tilespmem:$0xCA00] =	vst v63  }
0x2e6: {  	_ =	swait.ge [sflag:s6], $0xC800  }
0x2e7: {  	[sflag:s6] =	ssyncset.done $0x0  }
0x2e8: {  	s30 =	rddreg [dreg:$0x19];
	[sflag:s6] =	ssyncadd.s32 $0xFFFF3800  }
0x2e9: {  	[tilespmem:s2], [sflag:$0x2] =	stream.linear.gather [hbm4b:s30+s2], $0x190, $0x38;
	[tilespmem:$0xCA00] =	vst v63  }
0x2ea: {  	_ =	swait.ge [sflag:s6], $0x190  }
0x2eb: {  	[sflag:s6] =	ssyncset.done $0x0  }
0x2ec: {  	[sflag:s6] =	ssyncadd.s32 $0xFFFFFE70  }
0x2ed: {  	[tilespmem:s8], [sflag:$0x1] =	stream.indirect.gather [hbm4b:s1+s10], $0x80, s2, s10, $0xb8;
	[tilespmem:$0xCA00] =	vst v63  }
0x2ee: {  	_ =	swait.ge [sflag:s11], $0xC800  }
0x2ef: {  	[sflag:s11] =	ssyncset.done $0x0  }
0x2f0: {  	s30 =	rddreg [dreg:$0x1a];
	[sflag:s11] =	ssyncadd.s32 $0xFFFF3800  }
0x2f1: {  	[hbm4b:s30+s2] =	stream.linear.scatter [tilespmem:s8], [sflag:$0x2], $0xC800, $0x38;
	[tilespmem:$0xCA00] =	vst v63  }
0x2f2: {  	_ =	swait.ge [sflag:s6], $0xC800  }
0x2f3: {  	[sflag:s6] =	ssyncset.done $0x0  }
0x2f4: {  	s30 =	rddreg [dreg:$0x1b];
	[sflag:s6] =	ssyncadd.s32 $0xFFFF3800  }
0x2f5: {  	[tilespmem:s2], [sflag:$0x2] =	stream.linear.gather [hbm4b:s30+s2], $0x190, $0x38;
	[tilespmem:$0xCA00] =	vst v63  }
0x2f6: {  	_ =	swait.ge [sflag:s6], $0x190  }
0x2f7: {  	[sflag:s6] =	ssyncset.done $0x0  }
0x2f8: {  	[sflag:s6] =	ssyncadd.s32 $0xFFFFFE70  }
0x2f9: {  	[tilespmem:s8], [sflag:$0x1] =	stream.indirect.gather [hbm4b:s1+s10], $0x80, s2, s10, $0xb8;
	[tilespmem:$0xCA00] =	vst v63  }
0x2fa: {  	_ =	swait.ge [sflag:s11], $0xC800  }
0x2fb: {  	[sflag:s11] =	ssyncset.done $0x0  }
0x2fc: {  	s30 =	rddreg [dreg:$0x1c];
	[sflag:s11] =	ssyncadd.s32 $0xFFFF3800  }
0x2fd: {  	[hbm4b:s30+s2] =	stream.linear.scatter [tilespmem:s8], [sflag:$0x2], $0xC800, $0x38;
	[tilespmem:$0xCA00] =	vst v63  }
0x2fe: {  	_ =	swait.ge [sflag:s6], $0xC800  }
0x2ff: {  	[sflag:s6] =	ssyncset.done $0x0  }
0x300: {  	s30 =	rddreg [dreg:$0x1d];
	[sflag:s6] =	ssyncadd.s32 $0xFFFF3800  }
0x301: {  	[tilespmem:s2], [sflag:$0x2] =	stream.linear.gather [hbm4b:s30+s2], $0x190, $0x38;
	[tilespmem:$0xCA00] =	vst v63  }
0x302: {  	_ =	swait.ge [sflag:s6], $0x190  }
0x303: {  	[sflag:s6] =	ssyncset.done $0x0  }
0x304: {  	[sflag:s6] =	ssyncadd.s32 $0xFFFFFE70  }
0x305: {  	[tilespmem:s8], [sflag:$0x1] =	stream.indirect.gather [hbm4b:s1+s10], $0x80, s2, s10, $0xb8;
	[tilespmem:$0xCA00] =	vst v63  }
0x306: {  	_ =	swait.ge [sflag:s11], $0xC800  }
0x307: {  	[sflag:s11] =	ssyncset.done $0x0  }
0x308: {  	s30 =	rddreg [dreg:$0x1e];
	[sflag:s11] =	ssyncadd.s32 $0xFFFF3800  }
0x309: {  	[hbm4b:s30+s2] =	stream.linear.scatter [tilespmem:s8], [sflag:$0x2], $0xC800, $0x38;
	[tilespmem:$0xCA00] =	vst v63  }
0x30a: {  	_ =	swait.ge [sflag:s6], $0xC800  }
0x30b: {  	[sflag:s6] =	ssyncset.done $0x0  }
0x30c: {  	s30 =	rddreg [dreg:$0x1f];
	[sflag:s6] =	ssyncadd.s32 $0xFFFF3800  }
0x30d: {  	[tilespmem:s2], [sflag:$0x2] =	stream.linear.gather [hbm4b:s30+s2], $0x190, $0x38;
	[tilespmem:$0xCA00] =	vst v63  }
0x30e: {  	_ =	swait.ge [sflag:s6], $0x190  }
0x30f: {  	[sflag:s6] =	ssyncset.done $0x0  }
0x310: {  	[sflag:s6] =	ssyncadd.s32 $0xFFFFFE70  }
0x311: {  	[tilespmem:s8], [sflag:$0x1] =	stream.indirect.gather [hbm4b:s1+s10], $0x80, s2, s10, $0xb8;
	[tilespmem:$0xCA00] =	vst v63  }
0x312: {  	_ =	swait.ge [sflag:s11], $0xC800  }
0x313: {  	s30 =	sld [smem:$0x7DE]  }
0x314: {  	[sflag:s11] =	ssyncset.done $0x0  }
0x315: {  	[sflag:s11] =	ssyncadd.s32 $0xFFFF3800  }
0x316: {  	[hbm4b:s30+s2] =	stream.linear.scatter [tilespmem:s8], [sflag:$0x2], $0xC800, $0x38;
	[tilespmem:$0xCA00] =	vst v63  }
0x317: {  	_ =	swait.ge [sflag:s6], $0xC800  }
0x318: {  	s30 =	sld [smem:$0x7DF]  }
0x319: {  	[sflag:s6] =	ssyncset.done $0x0  }
0x31a: {  	[sflag:s6] =	ssyncadd.s32 $0xFFFF3800  }
0x31b: {  	[tilespmem:s2], [sflag:$0x2] =	stream.linear.gather [hbm4b:s30+s2], $0x190, $0x38;
	[tilespmem:$0xCA00] =	vst v63  }
0x31c: {  	_ =	swait.ge [sflag:s6], $0x190  }
0x31d: {  	[sflag:s6] =	ssyncset.done $0x0  }
0x31e: {  	[sflag:s6] =	ssyncadd.s32 $0xFFFFFE70  }
0x31f: {  	[tilespmem:s8], [sflag:$0x1] =	stream.indirect.gather [hbm4b:s1+s10], $0x80, s2, s10, $0xb8;
	[tilespmem:$0xCA00] =	vst v63  }
0x320: {  	_ =	swait.ge [sflag:s11], $0xC800  }
0x321: {  	s30 =	sld [smem:$0x7E0]  }
0x322: {  	[sflag:s11] =	ssyncset.done $0x0  }
0x323: {  	[sflag:s11] =	ssyncadd.s32 $0xFFFF3800  }
0x324: {  	[hbm4b:s30+s2] =	stream.linear.scatter [tilespmem:s8], [sflag:$0x2], $0xC800, $0x38;
	[tilespmem:$0xCA00] =	vst v63  }
0x325: {  	_ =	swait.ge [sflag:s6], $0xC800  }
0x326: {  	s30 =	sld [smem:$0x7E1]  }
0x327: {  	[sflag:s6] =	ssyncset.done $0x0  }
0x328: {  	[sflag:s6] =	ssyncadd.s32 $0xFFFF3800  }
0x329: {  	[tilespmem:s2], [sflag:$0x2] =	stream.linear.gather [hbm4b:s30+s2], $0x190, $0x38;
	[tilespmem:$0xCA00] =	vst v63  }
0x32a: {  	_ =	swait.ge [sflag:s6], $0x190  }
0x32b: {  	[sflag:s6] =	ssyncset.done $0x0  }
0x32c: {  	[sflag:s6] =	ssyncadd.s32 $0xFFFFFE70  }
0x32d: {  	[tilespmem:s8], [sflag:$0x1] =	stream.indirect.gather [hbm4b:s1+s10], $0x80, s2, s10, $0xb8;
	[tilespmem:$0xCA00] =	vst v63  }
0x32e: {  	_ =	swait.ge [sflag:s11], $0xC800  }
0x32f: {  	s30 =	sld [smem:$0x7E2]  }
0x330: {  	[sflag:s11] =	ssyncset.done $0x0  }
0x331: {  	[sflag:s11] =	ssyncadd.s32 $0xFFFF3800  }
0x332: {  	[hbm4b:s30+s2] =	stream.linear.scatter [tilespmem:s8], [sflag:$0x2], $0xC800, $0x38;
	[tilespmem:$0xCA00] =	vst v63  }
0x333: {  	_ =	swait.ge [sflag:s6], $0xC800  }
0x334: {  	s30 =	sld [smem:$0x7E3]  }
0x335: {  	[sflag:s6] =	ssyncset.done $0x0  }
0x336: {  	[sflag:s6] =	ssyncadd.s32 $0xFFFF3800  }
0x337: {  	[tilespmem:s2], [sflag:$0x2] =	stream.linear.gather [hbm4b:s30+s2], $0x190, $0x38;
	[tilespmem:$0xCA00] =	vst v63  }
0x338: {  	_ =	swait.ge [sflag:s6], $0x190  }
0x339: {  	[sflag:s6] =	ssyncset.done $0x0  }
0x33a: {  	[sflag:s6] =	ssyncadd.s32 $0xFFFFFE70  }
0x33b: {  	[tilespmem:s8], [sflag:$0x1] =	stream.indirect.gather [hbm4b:s1+s10], $0x80, s2, s10, $0xb8;
	[tilespmem:$0xCA00] =	vst v63  }
0x33c: {  	_ =	swait.ge [sflag:s11], $0xC800  }
0x33d: {  	s30 =	sld [smem:$0x7E4]  }
0x33e: {  	[sflag:s11] =	ssyncset.done $0x0  }
0x33f: {  	[sflag:s11] =	ssyncadd.s32 $0xFFFF3800  }
0x340: {  	[hbm4b:s30+s2] =	stream.linear.scatter [tilespmem:s8], [sflag:$0x2], $0xC800, $0x38;
	[tilespmem:$0xCA00] =	vst v63  }
0x341: {  	_ =	swait.ge [sflag:s6], $0xC800  }
0x342: {  	s30 =	sld [smem:$0x7E5]  }
0x343: {  	[sflag:s6] =	ssyncset.done $0x0  }
0x344: {  	[sflag:s6] =	ssyncadd.s32 $0xFFFF3800  }
0x345: {  	[tilespmem:s2], [sflag:$0x2] =	stream.linear.gather [hbm4b:s30+s2], $0x190, $0x38;
	[tilespmem:$0xCA00] =	vst v63  }
0x346: {  	_ =	swait.ge [sflag:s6], $0x190  }
0x347: {  	[sflag:s6] =	ssyncset.done $0x0  }
0x348: {  	[sflag:s6] =	ssyncadd.s32 $0xFFFFFE70  }
0x349: {  	[tilespmem:s8], [sflag:$0x1] =	stream.indirect.gather [hbm4b:s1+s10], $0x80, s2, s10, $0xb8;
	[tilespmem:$0xCA00] =	vst v63  }
0x34a: {  	_ =	swait.ge [sflag:s11], $0xC800  }
0x34b: {  	s30 =	sld [smem:$0x7E6]  }
0x34c: {  	[sflag:s11] =	ssyncset.done $0x0  }
0x34d: {  	[sflag:s11] =	ssyncadd.s32 $0xFFFF3800  }
0x34e: {  	[hbm4b:s30+s2] =	stream.linear.scatter [tilespmem:s8], [sflag:$0x2], $0xC800, $0x38;
	[tilespmem:$0xCA00] =	vst v63  }
0x34f: {  	_ =	swait.ge [sflag:s6], $0xC800  }
0x350: {  	s30 =	sld [smem:$0x7E7]  }
0x351: {  	[sflag:s6] =	ssyncset.done $0x0  }
0x352: {  	[sflag:s6] =	ssyncadd.s32 $0xFFFF3800  }
0x353: {  	[tilespmem:s2], [sflag:$0x2] =	stream.linear.gather [hbm4b:s30+s2], $0x190, $0x38;
	[tilespmem:$0xCA00] =	vst v63  }
0x354: {  	_ =	swait.ge [sflag:s6], $0x190  }
0x355: {  	[sflag:s6] =	ssyncset.done $0x0  }
0x356: {  	[sflag:s6] =	ssyncadd.s32 $0xFFFFFE70  }
0x357: {  	[tilespmem:s8], [sflag:$0x1] =	stream.indirect.gather [hbm4b:s1+s10], $0x80, s2, s10, $0xb8;
	[tilespmem:$0xCA00] =	vst v63  }
0x358: {  	_ =	swait.ge [sflag:s11], $0xC800  }
0x359: {  	s30 =	sld [smem:$0x7E8]  }
0x35a: {  	[sflag:s11] =	ssyncset.done $0x0  }
0x35b: {  	[sflag:s11] =	ssyncadd.s32 $0xFFFF3800  }
0x35c: {  	[hbm4b:s30+s2] =	stream.linear.scatter [tilespmem:s8], [sflag:$0x2], $0xC800, $0x38;
	[tilespmem:$0xCA00] =	vst v63  }
0x35d: {  	_ =	swait.ge [sflag:s6], $0xC800  }
0x35e: {  	s30 =	sld [smem:$0x7E9]  }
0x35f: {  	[sflag:s6] =	ssyncset.done $0x0  }
0x360: {  	[sflag:s6] =	ssyncadd.s32 $0xFFFF3800  }
0x361: {  	[tilespmem:s2], [sflag:$0x2] =	stream.linear.gather [hbm4b:s30+s2], $0x190, $0x38;
	[tilespmem:$0xCA00] =	vst v63  }
0x362: {  	_ =	swait.ge [sflag:s6], $0x190  }
0x363: {  	[sflag:s6] =	ssyncset.done $0x0  }
0x364: {  	[sflag:s6] =	ssyncadd.s32 $0xFFFFFE70  }
0x365: {  	[tilespmem:s8], [sflag:$0x1] =	stream.indirect.gather [hbm4b:s1+s10], $0x80, s2, s10, $0xb8;
	[tilespmem:$0xCA00] =	vst v63  }
0x366: {  	_ =	swait.ge [sflag:s11], $0xC800  }
0x367: {  	s30 =	sld [smem:$0x7EA]  }
0x368: {  	[sflag:s11] =	ssyncset.done $0x0  }
0x369: {  	[sflag:s11] =	ssyncadd.s32 $0xFFFF3800  }
0x36a: {  	[hbm4b:s30+s2] =	stream.linear.scatter [tilespmem:s8], [sflag:$0x2], $0xC800, $0x38;
	[tilespmem:$0xCA00] =	vst v63  }
0x36b: {  	_ =	swait.ge [sflag:s6], $0xC800  }
0x36c: {  	s30 =	sld [smem:$0x7EB]  }
0x36d: {  	[sflag:s6] =	ssyncset.done $0x0  }
0x36e: {  	[sflag:s6] =	ssyncadd.s32 $0xFFFF3800  }
0x36f: {  	[tilespmem:s2], [sflag:$0x2] =	stream.linear.gather [hbm4b:s30+s2], $0x190, $0x38;
	[tilespmem:$0xCA00] =	vst v63  }
0x370: {  	_ =	swait.ge [sflag:s6], $0x190  }
0x371: {  	[sflag:s6] =	ssyncset.done $0x0  }
0x372: {  	[sflag:s6] =	ssyncadd.s32 $0xFFFFFE70  }
0x373: {  	[tilespmem:s8], [sflag:$0x1] =	stream.indirect.gather [hbm4b:s1+s10], $0x80, s2, s10, $0xb8;
	[tilespmem:$0xCA00] =	vst v63  }
0x374: {  	_ =	swait.ge [sflag:s11], $0xC800  }
0x375: {  	s30 =	sld [smem:$0x7EC]  }
0x376: {  	[sflag:s11] =	ssyncset.done $0x0  }
0x377: {  	[sflag:s11] =	ssyncadd.s32 $0xFFFF3800  }
0x378: {  	[hbm4b:s30+s2] =	stream.linear.scatter [tilespmem:s8], [sflag:$0x2], $0xC800, $0x38;
	[tilespmem:$0xCA00] =	vst v63  }
0x379: {  	_ =	swait.ge [sflag:s6], $0xC800  }
0x37a: {  	s30 =	sld [smem:$0x7ED]  }
0x37b: {  	[sflag:s6] =	ssyncset.done $0x0  }
0x37c: {  	[sflag:s6] =	ssyncadd.s32 $0xFFFF3800  }
0x37d: {  	[tilespmem:s2], [sflag:$0x2] =	stream.linear.gather [hbm4b:s30+s2], $0x190, $0x38;
	[tilespmem:$0xCA00] =	vst v63  }
0x37e: {  	_ =	swait.ge [sflag:s6], $0x190  }
0x37f: {  	[sflag:s6] =	ssyncset.done $0x0  }
0x380: {  	[sflag:s6] =	ssyncadd.s32 $0xFFFFFE70  }
0x381: {  	[tilespmem:s8], [sflag:$0x1] =	stream.indirect.gather [hbm4b:s1+s10], $0x80, s2, s10, $0xb8;
	[tilespmem:$0xCA00] =	vst v63  }
0x382: {  	_ =	swait.ge [sflag:s11], $0xC800  }
0x383: {  	s30 =	sld [smem:$0x7EE]  }
0x384: {  	[sflag:s11] =	ssyncset.done $0x0  }
0x385: {  	[sflag:s11] =	ssyncadd.s32 $0xFFFF3800  }
0x386: {  	[hbm4b:s30+s2] =	stream.linear.scatter [tilespmem:s8], [sflag:$0x2], $0xC800, $0x38;
	[tilespmem:$0xCA00] =	vst v63  }
0x387: {  	_ =	swait.ge [sflag:s6], $0xC800  }
0x388: {  	s30 =	sld [smem:$0x7EF]  }
0x389: {  	[sflag:s6] =	ssyncset.done $0x0  }
0x38a: {  	[sflag:s6] =	ssyncadd.s32 $0xFFFF3800  }
0x38b: {  	[tilespmem:s2], [sflag:$0x2] =	stream.linear.gather [hbm4b:s30+s2], $0x190, $0x38;
	[tilespmem:$0xCA00] =	vst v63  }
0x38c: {  	_ =	swait.ge [sflag:s6], $0x190  }
0x38d: {  	[sflag:s6] =	ssyncset.done $0x0  }
0x38e: {  	[sflag:s6] =	ssyncadd.s32 $0xFFFFFE70  }
0x38f: {  	[tilespmem:s8], [sflag:$0x1] =	stream.indirect.gather [hbm4b:s1+s10], $0x80, s2, s10, $0xb8;
	[tilespmem:$0xCA00] =	vst v63  }
0x390: {  	_ =	swait.ge [sflag:s11], $0xC800  }
0x391: {  	s30 =	sld [smem:$0x7F0]  }
0x392: {  	[sflag:s11] =	ssyncset.done $0x0  }
0x393: {  	[sflag:s11] =	ssyncadd.s32 $0xFFFF3800  }
0x394: {  	[hbm4b:s30+s2] =	stream.linear.scatter [tilespmem:s8], [sflag:$0x2], $0xC800, $0x38;
	[tilespmem:$0xCA00] =	vst v63  }
0x395: {  	_ =	swait.ge [sflag:s6], $0xC800  }
0x396: {  	s30 =	sld [smem:$0x7F1]  }
0x397: {  	[sflag:s6] =	ssyncset.done $0x0  }
0x398: {  	[sflag:s6] =	ssyncadd.s32 $0xFFFF3800  }
0x399: {  	[tilespmem:s2], [sflag:$0x2] =	stream.linear.gather [hbm4b:s30+s2], $0x190, $0x38;
	[tilespmem:$0xCA00] =	vst v63  }
0x39a: {  	_ =	swait.ge [sflag:s6], $0x190  }
0x39b: {  	[sflag:s6] =	ssyncset.done $0x0  }
0x39c: {  	[sflag:s6] =	ssyncadd.s32 $0xFFFFFE70  }
0x39d: {  	[tilespmem:s8], [sflag:$0x1] =	stream.indirect.gather [hbm4b:s1+s10], $0x80, s2, s10, $0xb8;
	[tilespmem:$0xCA00] =	vst v63  }
0x39e: {  	_ =	swait.ge [sflag:s11], $0xC800  }
0x39f: {  	s30 =	sld [smem:$0x7F2]  }
0x3a0: {  	[sflag:s11] =	ssyncset.done $0x0  }
0x3a1: {  	[sflag:s11] =	ssyncadd.s32 $0xFFFF3800  }
0x3a2: {  	[hbm4b:s30+s2] =	stream.linear.scatter [tilespmem:s8], [sflag:$0x2], $0xC800, $0x38;
	[tilespmem:$0xCA00] =	vst v63  }
0x3a3: {  	_ =	swait.ge [sflag:s6], $0xC800  }
0x3a4: {  	s30 =	sld [smem:$0x7F3]  }
0x3a5: {  	[sflag:s6] =	ssyncset.done $0x0  }
0x3a6: {  	[sflag:s6] =	ssyncadd.s32 $0xFFFF3800  }
0x3a7: {  	[tilespmem:s2], [sflag:$0x2] =	stream.linear.gather [hbm4b:s30+s2], $0x190, $0x38;
	[tilespmem:$0xCA00] =	vst v63  }
0x3a8: {  	_ =	swait.ge [sflag:s6], $0x190  }
0x3a9: {  	[sflag:s6] =	ssyncset.done $0x0  }
0x3aa: {  	[sflag:s6] =	ssyncadd.s32 $0xFFFFFE70  }
0x3ab: {  	[tilespmem:s8], [sflag:$0x1] =	stream.indirect.gather [hbm4b:s1+s10], $0x80, s2, s10, $0xb8;
	[tilespmem:$0xCA00] =	vst v63  }
0x3ac: {  	_ =	swait.ge [sflag:s11], $0xC800  }
0x3ad: {  	s30 =	sld [smem:$0x7F4]  }
0x3ae: {  	[sflag:s11] =	ssyncset.done $0x0  }
0x3af: {  	[sflag:s11] =	ssyncadd.s32 $0xFFFF3800  }
0x3b0: {  	[hbm4b:s30+s2] =	stream.linear.scatter [tilespmem:s8], [sflag:$0x2], $0xC800, $0x38;
	[tilespmem:$0xCA00] =	vst v63  }
0x3b1: {  	_ =	swait.ge [sflag:s6], $0xC800  }
0x3b2: {  	s30 =	sld [smem:$0x7F5]  }
0x3b3: {  	[sflag:s6] =	ssyncset.done $0x0  }
0x3b4: {  	[sflag:s6] =	ssyncadd.s32 $0xFFFF3800  }
0x3b5: {  	[tilespmem:s2], [sflag:$0x2] =	stream.linear.gather [hbm4b:s30+s2], $0x190, $0x38;
	[tilespmem:$0xCA00] =	vst v63  }
0x3b6: {  	_ =	swait.ge [sflag:s6], $0x190  }
0x3b7: {  	[sflag:s6] =	ssyncset.done $0x0  }
0x3b8: {  	[sflag:s6] =	ssyncadd.s32 $0xFFFFFE70  }
0x3b9: {  	[tilespmem:s8], [sflag:$0x1] =	stream.indirect.gather [hbm4b:s1+s10], $0x80, s2, s10, $0xb8;
	[tilespmem:$0xCA00] =	vst v63  }
0x3ba: {  	_ =	swait.ge [sflag:s11], $0xC800  }
0x3bb: {  	s30 =	sld [smem:$0x7F6]  }
0x3bc: {  	[sflag:s11] =	ssyncset.done $0x0  }
0x3bd: {  	[sflag:s11] =	ssyncadd.s32 $0xFFFF3800  }
0x3be: {  	[hbm4b:s30+s2] =	stream.linear.scatter [tilespmem:s8], [sflag:$0x2], $0xC800, $0x38;
	[tilespmem:$0xCA00] =	vst v63  }
0x3bf: {  	_ =	swait.ge [sflag:s6], $0xC800  }
0x3c0: {  	s30 =	sld [smem:$0x7F7]  }
0x3c1: {  	[sflag:s6] =	ssyncset.done $0x0  }
0x3c2: {  	[sflag:s6] =	ssyncadd.s32 $0xFFFF3800  }
0x3c3: {  	[tilespmem:s2], [sflag:$0x2] =	stream.linear.gather [hbm4b:s30+s2], $0x190, $0x38;
	[tilespmem:$0xCA00] =	vst v63  }
0x3c4: {  	_ =	swait.ge [sflag:s6], $0x190  }
0x3c5: {  	[sflag:s6] =	ssyncset.done $0x0  }
0x3c6: {  	[sflag:s6] =	ssyncadd.s32 $0xFFFFFE70  }
0x3c7: {  	[tilespmem:s8], [sflag:$0x1] =	stream.indirect.gather [hbm4b:s1+s10], $0x80, s2, s10, $0xb8;
	[tilespmem:$0xCA00] =	vst v63  }
0x3c8: {  	_ =	swait.ge [sflag:s11], $0xC800  }
0x3c9: {  	s30 =	sld [smem:$0x7F8]  }
0x3ca: {  	[sflag:s11] =	ssyncset.done $0x0  }
0x3cb: {  	[sflag:s11] =	ssyncadd.s32 $0xFFFF3800  }
0x3cc: {  	[hbm4b:s30+s2] =	stream.linear.scatter [tilespmem:s8], [sflag:$0x2], $0xC800, $0x38;
	[tilespmem:$0xCA00] =	vst v63  }
0x3cd: {  	_ =	swait.ge [sflag:s6], $0xC800  }
0x3ce: {  	s30 =	sld [smem:$0x7F9]  }
0x3cf: {  	[sflag:s6] =	ssyncset.done $0x0  }
0x3d0: {  	[sflag:s6] =	ssyncadd.s32 $0xFFFF3800  }
0x3d1: {  	[tilespmem:s2], [sflag:$0x2] =	stream.linear.gather [hbm4b:s30+s2], $0x190, $0x38;
	[tilespmem:$0xCA00] =	vst v63  }
0x3d2: {  	_ =	swait.ge [sflag:s6], $0x190  }
0x3d3: {  	[sflag:s6] =	ssyncset.done $0x0  }
0x3d4: {  	[sflag:s6] =	ssyncadd.s32 $0xFFFFFE70  }
0x3d5: {  	[tilespmem:s8], [sflag:$0x1] =	stream.indirect.gather [hbm4b:s1+s10], $0x80, s2, s10, $0xb8;
	[tilespmem:$0xCA00] =	vst v63  }
0x3d6: {  	_ =	swait.ge [sflag:s11], $0xC800  }
0x3d7: {  	s30 =	sld [smem:$0x7FA]  }
0x3d8: {  	[sflag:s11] =	ssyncset.done $0x0  }
0x3d9: {  	[sflag:s11] =	ssyncadd.s32 $0xFFFF3800  }
0x3da: {  	[hbm4b:s30+s2] =	stream.linear.scatter [tilespmem:s8], [sflag:$0x2], $0xC800, $0x38;
	[tilespmem:$0xCA00] =	vst v63  }
0x3db: {  	_ =	swait.ge [sflag:s6], $0xC800  }
0x3dc: {  	s30 =	sld [smem:$0x7FB]  }
0x3dd: {  	[sflag:s6] =	ssyncset.done $0x0  }
0x3de: {  	[sflag:s6] =	ssyncadd.s32 $0xFFFF3800  }
0x3df: {  	[tilespmem:s2], [sflag:$0x2] =	stream.linear.gather [hbm4b:s30+s2], $0x190, $0x38;
	[tilespmem:$0xCA00] =	vst v63  }
0x3e0: {  	_ =	swait.ge [sflag:s6], $0x190  }
0x3e1: {  	[sflag:s6] =	ssyncset.done $0x0  }
0x3e2: {  	[sflag:s6] =	ssyncadd.s32 $0xFFFFFE70  }
0x3e3: {  	[tilespmem:s8], [sflag:$0x1] =	stream.indirect.gather [hbm4b:s1+s10], $0x80, s2, s10, $0xb8;
	[tilespmem:$0xCA00] =	vst v63  }
0x3e4: {  	_ =	swait.ge [sflag:s11], $0xC800  }
0x3e5: {  	s30 =	sld [smem:$0x7FC]  }
0x3e6: {  	[sflag:s11] =	ssyncset.done $0x0  }
0x3e7: {  	[sflag:s11] =	ssyncadd.s32 $0xFFFF3800  }
0x3e8: {  	[hbm4b:s30+s2] =	stream.linear.scatter [tilespmem:s8], [sflag:$0x2], $0xC800, $0x38;
	[tilespmem:$0xCA00] =	vst v63  }
0x3e9: {  	_ =	swait.ge [sflag:s6], $0xC800  }
0x3ea: {  	s30 =	sld [smem:$0x7FD]  }
0x3eb: {  	[sflag:s6] =	ssyncset.done $0x0  }
0x3ec: {  	[sflag:s6] =	ssyncadd.s32 $0xFFFF3800  }
0x3ed: {  	[tilespmem:s2], [sflag:$0x2] =	stream.linear.gather [hbm4b:s30+s2], $0x190, $0x38;
	[tilespmem:$0xCA00] =	vst v63  }
0x3ee: {  	_ =	swait.ge [sflag:s6], $0x190  }
0x3ef: {  	[sflag:s6] =	ssyncset.done $0x0  }
0x3f0: {  	[sflag:s6] =	ssyncadd.s32 $0xFFFFFE70  }
0x3f1: {  	[tilespmem:s8], [sflag:$0x1] =	stream.indirect.gather [hbm4b:s1+s10], $0x80, s2, s10, $0xb8;
	[tilespmem:$0xCA00] =	vst v63  }
0x3f2: {  	_ =	swait.ge [sflag:s11], $0xC800  }
0x3f3: {  	[sflag:s11] =	ssyncset.done $0x0  }
0x3f4: {  	[sflag:s11] =	ssyncadd.s32 $0xFFFF3800  }
0x3f5: {  	[hbm4b:s25+s2] =	stream.linear.scatter [tilespmem:s8], [sflag:$0x2], $0xC800, $0x38;
	[tilespmem:$0xCA00] =	vst v63  }
0x3f6: {  	_ =	swait.ge [sflag:s6], $0xC800  }
0x3f7: {  	[sflag:s6] =	ssyncset.done $0x0  }
0x3f8: {  	[sflag:s6] =	ssyncadd.s32 $0xFFFF3800  }
0x3f9: {  	[tilespmem:s2], [sflag:$0x2] =	stream.linear.gather [hbm4b:s24+s2], $0x190, $0x38;
	[tilespmem:$0xCA00] =	vst v63  }
0x3fa: {  	_ =	swait.ge [sflag:s6], $0x190  }
0x3fb: {  	[sflag:s6] =	ssyncset.done $0x0  }
0x3fc: {  	[sflag:s6] =	ssyncadd.s32 $0xFFFFFE70  }
0x3fd: {  	[tilespmem:s8], [sflag:$0x1] =	stream.indirect.gather [hbm4b:s1+s10], $0x80, s2, s10, $0xb8;
	[tilespmem:$0xCA00] =	vst v63  }
0x3fe: {  	_ =	swait.ge [sflag:s11], $0xC800  }
0x3ff: {  	[sflag:s11] =	ssyncset.done $0x0  }
0x400: {  	[sflag:s11] =	ssyncadd.s32 $0xFFFF3800  }
0x401: {  	[hbm4b:s23+s2] =	stream.linear.scatter [tilespmem:s8], [sflag:$0x2], $0xC800, $0x38;
	[tilespmem:$0xCA00] =	vst v63  }
0x402: {  	_ =	swait.ge [sflag:s6], $0xC800  }
0x403: {  	[sflag:s6] =	ssyncset.done $0x0  }
0x404: {  	[sflag:s6] =	ssyncadd.s32 $0xFFFF3800  }
0x405: {  	[tilespmem:s2], [sflag:$0x2] =	stream.linear.gather [hbm4b:s22+s2], $0x190, $0x38;
	[tilespmem:$0xCA00] =	vst v63  }
0x406: {  	_ =	swait.ge [sflag:s6], $0x190  }
0x407: {  	[sflag:s6] =	ssyncset.done $0x0  }
0x408: {  	[sflag:s6] =	ssyncadd.s32 $0xFFFFFE70  }
0x409: {  	[tilespmem:s8], [sflag:$0x1] =	stream.indirect.gather [hbm4b:s1+s10], $0x80, s2, s10, $0xb8;
	[tilespmem:$0xCA00] =	vst v63  }
0x40a: {  	_ =	swait.ge [sflag:s11], $0xC800  }
0x40b: {  	[sflag:s11] =	ssyncset.done $0x0  }
0x40c: {  	[sflag:s11] =	ssyncadd.s32 $0xFFFF3800  }
0x40d: {  	[hbm4b:s21+s2] =	stream.linear.scatter [tilespmem:s8], [sflag:$0x2], $0xC800, $0x38;
	[tilespmem:$0xCA00] =	vst v63  }
0x40e: {  	_ =	swait.ge [sflag:s6], $0xC800  }
0x40f: {  	[sflag:s6] =	ssyncset.done $0x0  }
0x410: {  	[sflag:s6] =	ssyncadd.s32 $0xFFFF3800  }
0x411: {  	[tilespmem:s2], [sflag:$0x2] =	stream.linear.gather [hbm4b:s20+s2], $0x190, $0x38;
	[tilespmem:$0xCA00] =	vst v63  }
0x412: {  	_ =	swait.ge [sflag:s6], $0x190  }
0x413: {  	[sflag:s6] =	ssyncset.done $0x0  }
0x414: {  	[sflag:s6] =	ssyncadd.s32 $0xFFFFFE70  }
0x415: {  	[tilespmem:s8], [sflag:$0x1] =	stream.indirect.gather [hbm4b:s1+s10], $0x80, s2, s10, $0xb8;
	[tilespmem:$0xCA00] =	vst v63  }
0x416: {  	_ =	swait.ge [sflag:s11], $0xC800  }
0x417: {  	[sflag:s11] =	ssyncset.done $0x0  }
0x418: {  	[sflag:s11] =	ssyncadd.s32 $0xFFFF3800  }
0x419: {  	[hbm4b:s19+s2] =	stream.linear.scatter [tilespmem:s8], [sflag:$0x2], $0xC800, $0x38;
	[tilespmem:$0xCA00] =	vst v63  }
0x41a: {  	_ =	swait.ge [sflag:s6], $0xC800  }
0x41b: {  	[sflag:s6] =	ssyncset.done $0x0  }
0x41c: {  	[sflag:s6] =	ssyncadd.s32 $0xFFFF3800  }
0x41d: {  	[tilespmem:s2], [sflag:$0x2] =	stream.linear.gather [hbm4b:s18+s2], $0x190, $0x38;
	[tilespmem:$0xCA00] =	vst v63  }
0x41e: {  	_ =	swait.ge [sflag:s6], $0x190  }
0x41f: {  	[sflag:s6] =	ssyncset.done $0x0  }
0x420: {  	[sflag:s6] =	ssyncadd.s32 $0xFFFFFE70  }
0x421: {  	[tilespmem:s8], [sflag:$0x1] =	stream.indirect.gather [hbm4b:s1+s10], $0x80, s2, s10, $0xb8;
	[tilespmem:$0xCA00] =	vst v63  }
0x422: {  	_ =	swait.ge [sflag:s11], $0xC800  }
0x423: {  	[sflag:s11] =	ssyncset.done $0x0  }
0x424: {  	[sflag:s11] =	ssyncadd.s32 $0xFFFF3800  }
0x425: {  	[hbm4b:s17+s2] =	stream.linear.scatter [tilespmem:s8], [sflag:$0x2], $0xC800, $0x38;
	[tilespmem:$0xCA00] =	vst v63  }
0x426: {  	_ =	swait.ge [sflag:s6], $0xC800  }
0x427: {  	[sflag:s6] =	ssyncset.done $0x0  }
0x428: {  	[sflag:s6] =	ssyncadd.s32 $0xFFFF3800  }
0x429: {  	[tilespmem:s2], [sflag:$0x2] =	stream.linear.gather [hbm4b:s16+s2], $0x190, $0x38;
	[tilespmem:$0xCA00] =	vst v63  }
0x42a: {  	_ =	swait.ge [sflag:s6], $0x190  }
0x42b: {  	[sflag:s6] =	ssyncset.done $0x0  }
0x42c: {  	[sflag:s6] =	ssyncadd.s32 $0xFFFFFE70  }
0x42d: {  	[tilespmem:s8], [sflag:$0x1] =	stream.indirect.gather [hbm4b:s1+s10], $0x80, s2, s10, $0xb8;
	[tilespmem:$0xCA00] =	vst v63  }
0x42e: {  	_ =	swait.ge [sflag:s11], $0xC800  }
0x42f: {  	[sflag:s11] =	ssyncset.done $0x0  }
0x430: {  	[sflag:s11] =	ssyncadd.s32 $0xFFFF3800  }
0x431: {  	[hbm4b:s15+s2] =	stream.linear.scatter [tilespmem:s8], [sflag:$0x2], $0xC800, $0x38;
	[tilespmem:$0xCA00] =	vst v63  }
0x432: {  	_ =	swait.ge [sflag:s6], $0xC800  }
0x433: {  	[sflag:s6] =	ssyncset.done $0x0  }
0x434: {  	[sflag:s6] =	ssyncadd.s32 $0xFFFF3800  }
0x435: {  	[tilespmem:s2], [sflag:$0x2] =	stream.linear.gather [hbm4b:s14+s2], $0x190, $0x38;
	[tilespmem:$0xCA00] =	vst v63  }
0x436: {  	_ =	swait.ge [sflag:s6], $0x190  }
0x437: {  	[sflag:s6] =	ssyncset.done $0x0  }
0x438: {  	[sflag:s6] =	ssyncadd.s32 $0xFFFFFE70  }
0x439: {  	[tilespmem:s8], [sflag:$0x1] =	stream.indirect.gather [hbm4b:s1+s10], $0x80, s2, s10, $0xb8;
	[tilespmem:$0xCA00] =	vst v63  }
0x43a: {  	_ =	swait.ge [sflag:s11], $0xC800  }
0x43b: {  	[sflag:s11] =	ssyncset.done $0x0  }
0x43c: {  	[sflag:s11] =	ssyncadd.s32 $0xFFFF3800  }
0x43d: {  	[hbm4b:s13+s2] =	stream.linear.scatter [tilespmem:s8], [sflag:$0x2], $0xC800, $0x38;
	[tilespmem:$0xCA00] =	vst v63  }
0x43e: {  	_ =	swait.ge [sflag:s6], $0xC800  }
0x43f: {  	[sflag:s6] =	ssyncset.done $0x0  }
0x440: {  	[sflag:s6] =	ssyncadd.s32 $0xFFFF3800  }
0x441: {  	[tilespmem:s2], [sflag:$0x2] =	stream.linear.gather [hbm4b:s12+s2], $0x190, $0x38;
	[tilespmem:$0xCA00] =	vst v63  }
0x442: {  	_ =	swait.ge [sflag:s6], $0x190  }
0x443: {  	[sflag:s6] =	ssyncset.done $0x0  }
0x444: {  	[sflag:s6] =	ssyncadd.s32 $0xFFFFFE70  }
0x445: {  	[tilespmem:s8], [sflag:$0x1] =	stream.indirect.gather [hbm4b:s1+s10], $0x80, s2, s10, $0xb8;
	[tilespmem:$0xCA00] =	vst v63  }
0x446: {  	_ =	swait.ge [sflag:s11], $0xC800  }
0x447: {  	[sflag:s11] =	ssyncset.done $0x0  }
0x448: {  	[sflag:s11] =	ssyncadd.s32 $0xFFFF3800  }
0x449: {  	[hbm4b:s9+s2] =	stream.linear.scatter [tilespmem:s8], [sflag:$0x2], $0xC800, $0x38;
	[tilespmem:$0xCA00] =	vst v63  }
0x44a: {  	_ =	swait.ge [sflag:s6], $0xC800  }
0x44b: {  	[sflag:s6] =	ssyncset.done $0x0  }
0x44c: {  	[sflag:s6] =	ssyncadd.s32 $0xFFFF3800  }
0x44d: {  	[tilespmem:s2], [sflag:$0x2] =	stream.linear.gather [hbm4b:s7+s2], $0x190, $0x38;
	[tilespmem:$0xCA00] =	vst v63  }
0x44e: {  	_ =	swait.ge [sflag:s6], $0x190  }
0x44f: {  	[sflag:s6] =	ssyncset.done $0x0  }
0x450: {  	[sflag:s6] =	ssyncadd.s32 $0xFFFFFE70  }
0x451: {  	[tilespmem:s8], [sflag:$0x1] =	stream.indirect.gather [hbm4b:s1+s10], $0x80, s2, s10, $0xb8;
	[tilespmem:$0xCA00] =	vst v63  }
0x452: {  	_ =	swait.ge [sflag:s11], $0xC800  }
0x453: {  	[sflag:s11] =	ssyncset.done $0x0  }
0x454: {  	[sflag:s11] =	ssyncadd.s32 $0xFFFF3800  }
0x455: {  	[hbm4b:s5+s2] =	stream.linear.scatter [tilespmem:s8], [sflag:$0x2], $0xC800, $0x38;
	[tilespmem:$0xCA00] =	vst v63  }
0x456: {  	_ =	swait.ge [sflag:s6], $0xC800  }
0x457: {  	[sflag:s6] =	ssyncset.done $0x0  }
0x458: {  	[sflag:s6] =	ssyncadd.s32 $0xFFFF3800  }
0x459: {  	[tilespmem:s28], [sflag:$0x2] =	stream.linear.gather @!p0 [hbm4b:s4+s28], $0x190, $0x38;
	[tilespmem:$0xCA00] =	vst v63  }
0x45a: {  	_ =	swait.ge @!p0 [sflag:s26], $0x190  }
0x45b: {  	[sflag:s26] =	ssyncset.done @!p0 $0x0  }
0x45c: {  	s0 =	sadd.s32 $0xFFFFFFFF, s0;
	s30 =	simm.s32 @!p0 $0x190;
	[sflag:s26] =	ssyncadd.s32 @!p0 $0xFFFFFE70  }
0x45d: {  	[tilespmem:s31], [sflag:$0x1] =	stream.indirect.gather @!p0 [hbm4b:s1+s30], $0x80, s28, s30, $0xb8;
	[tilespmem:$0xCA00] =	vst v63  }
0x45e: {  	p2 =	sne.s32 s0, $0x0;
	_ =	swait.ge @!p0 [sflag:s29], $0xC800  }
.Ltmp2:
0x45f: {  	[sflag:s29] =	ssyncset.done @!p0 $0x0;
	(pc) =	sbr.rel @p2 .LBB2_4-.Ltmp2, $4  }
0x460: {  	[sflag:s29] =	ssyncadd.s32 @!p0 $0xFFFF3800  }
0x461: {  	[hbm4b:s3+s28] =	stream.linear.scatter @!p0 [tilespmem:s31], [sflag:$0x2], $0xC800, $0x38;
	[tilespmem:$0xCA00] =	vst v63  }
0x462: {  	_ =	swait.ge @!p0 [sflag:s26], $0xC800  }
0x463: {  	s30 =	rddreg [dreg:$0x3];
	[sflag:s26] =	ssyncset.done @!p0 $0x0  }
0x464: {  	s29 =	rddreg [dreg:$0x2]  }
.LBB2_6:
0x465: {  	p1 =	por p0, !p1  }
0x466: {  	[sflag:s26] =	ssyncadd.s32 @!p1 $0xFFFF3800  }
0x467: {  	[tilespmem:s2], [sflag:$0x2] =	stream.linear.gather [hbm4b:s30+s2], $0x190, $0x38;
	[tilespmem:$0xCA00] =	vst v63  }
0x468: {  	_ =	swait.ge [sflag:s6], $0x190  }
0x469: {  	[sflag:s6] =	ssyncset.done $0x0  }
0x46a: {  	[sflag:s6] =	ssyncadd.s32 $0xFFFFFE70  }
0x46b: {  	[tilespmem:s8], [sflag:$0x1] =	stream.indirect.gather [hbm4b:s1+s10], $0x80, s2, s10, $0xb8;
	[tilespmem:$0xCA00] =	vst v63  }
0x46c: {  	_ =	swait.ge [sflag:s11], $0xC800  }
0x46d: {  	[sflag:s11] =	ssyncset.done $0x0  }
0x46e: {  	s0 =	rddreg [dreg:$0x4];
	[sflag:s11] =	ssyncadd.s32 $0xFFFF3800  }
0x46f: {  	[hbm4b:s0+s2] =	stream.linear.scatter [tilespmem:s8], [sflag:$0x2], $0xC800, $0x38;
	[tilespmem:$0xCA00] =	vst v63  }
0x470: {  	_ =	swait.ge [sflag:s6], $0xC800  }
0x471: {  	[sflag:s6] =	ssyncset.done $0x0  }
0x472: {  	s28 =	rddreg [dreg:$0x5];
	[sflag:s6] =	ssyncadd.s32 $0xFFFF3800  }
0x473: {  	[tilespmem:s2], [sflag:$0x2] =	stream.linear.gather [hbm4b:s28+s2], $0x190, $0x38;
	[tilespmem:$0xCA00] =	vst v63  }
0x474: {  	_ =	swait.ge [sflag:s6], $0x190  }
0x475: {  	[sflag:s6] =	ssyncset.done $0x0  }
0x476: {  	[sflag:s6] =	ssyncadd.s32 $0xFFFFFE70  }
0x477: {  	[tilespmem:s8], [sflag:$0x1] =	stream.indirect.gather [hbm4b:s1+s10], $0x80, s2, s10, $0xb8;
	[tilespmem:$0xCA00] =	vst v63  }
0x478: {  	_ =	swait.ge [sflag:s11], $0xC800  }
0x479: {  	[sflag:s11] =	ssyncset.done $0x0  }
0x47a: {  	s30 =	rddreg [dreg:$0x6];
	[sflag:s11] =	ssyncadd.s32 $0xFFFF3800  }
0x47b: {  	[hbm4b:s30+s2] =	stream.linear.scatter [tilespmem:s8], [sflag:$0x2], $0xC800, $0x38;
	[tilespmem:$0xCA00] =	vst v63  }
0x47c: {  	_ =	swait.ge [sflag:s6], $0xC800  }
0x47d: {  	[sflag:s6] =	ssyncset.done $0x0  }
0x47e: {  	s31 =	rddreg [dreg:$0x7];
	[sflag:s6] =	ssyncadd.s32 $0xFFFF3800  }
0x47f: {  	[tilespmem:s2], [sflag:$0x2] =	stream.linear.gather [hbm4b:s31+s2], $0x190, $0x38;
	[tilespmem:$0xCA00] =	vst v63  }
0x480: {  	_ =	swait.ge [sflag:s6], $0x190  }
0x481: {  	[sflag:s6] =	ssyncset.done $0x0  }
0x482: {  	[sflag:s6] =	ssyncadd.s32 $0xFFFFFE70  }
0x483: {  	[tilespmem:s8], [sflag:$0x1] =	stream.indirect.gather [hbm4b:s1+s10], $0x80, s2, s10, $0xb8;
	[tilespmem:$0xCA00] =	vst v63  }
0x484: {  	_ =	swait.ge [sflag:s11], $0xC800  }
0x485: {  	[sflag:s11] =	ssyncset.done $0x0  }
0x486: {  	s26 =	rddreg [dreg:$0x8];
	[sflag:s11] =	ssyncadd.s32 $0xFFFF3800  }
0x487: {  	[hbm4b:s26+s2] =	stream.linear.scatter [tilespmem:s8], [sflag:$0x2], $0xC800, $0x38;
	[tilespmem:$0xCA00] =	vst v63  }
0x488: {  	_ =	swait.ge [sflag:s6], $0xC800  }
0x489: {  	[sflag:s6] =	ssyncset.done $0x0  }
0x48a: {  	s28 =	rddreg [dreg:$0x9];
	[sflag:s6] =	ssyncadd.s32 $0xFFFF3800  }
0x48b: {  	[tilespmem:s2], [sflag:$0x2] =	stream.linear.gather [hbm4b:s28+s2], $0x190, $0x38;
	[tilespmem:$0xCA00] =	vst v63  }
0x48c: {  	_ =	swait.ge [sflag:s6], $0x190  }
0x48d: {  	[sflag:s6] =	ssyncset.done $0x0  }
0x48e: {  	[sflag:s6] =	ssyncadd.s32 $0xFFFFFE70  }
0x48f: {  	[tilespmem:s8], [sflag:$0x1] =	stream.indirect.gather [hbm4b:s1+s10], $0x80, s2, s10, $0xb8;
	[tilespmem:$0xCA00] =	vst v63  }
0x490: {  	_ =	swait.ge [sflag:s11], $0xC800  }
0x491: {  	[sflag:s11] =	ssyncset.done $0x0  }
0x492: {  	s30 =	rddreg [dreg:$0xa];
	[sflag:s11] =	ssyncadd.s32 $0xFFFF3800  }
0x493: {  	[hbm4b:s30+s2] =	stream.linear.scatter [tilespmem:s8], [sflag:$0x2], $0xC800, $0x38;
	[tilespmem:$0xCA00] =	vst v63  }
0x494: {  	_ =	swait.ge [sflag:s6], $0xC800  }
0x495: {  	[sflag:s6] =	ssyncset.done $0x0  }
0x496: {  	s31 =	rddreg [dreg:$0xb];
	[sflag:s6] =	ssyncadd.s32 $0xFFFF3800  }
0x497: {  	[tilespmem:s2], [sflag:$0x2] =	stream.linear.gather [hbm4b:s31+s2], $0x190, $0x38;
	[tilespmem:$0xCA00] =	vst v63  }
0x498: {  	_ =	swait.ge [sflag:s6], $0x190  }
0x499: {  	[sflag:s6] =	ssyncset.done $0x0  }
0x49a: {  	[sflag:s6] =	ssyncadd.s32 $0xFFFFFE70  }
0x49b: {  	[tilespmem:s8], [sflag:$0x1] =	stream.indirect.gather [hbm4b:s1+s10], $0x80, s2, s10, $0xb8;
	[tilespmem:$0xCA00] =	vst v63  }
0x49c: {  	_ =	swait.ge [sflag:s11], $0xC800  }
0x49d: {  	[sflag:s11] =	ssyncset.done $0x0  }
0x49e: {  	s26 =	rddreg [dreg:$0xc];
	[sflag:s11] =	ssyncadd.s32 $0xFFFF3800  }
0x49f: {  	[hbm4b:s26+s2] =	stream.linear.scatter [tilespmem:s8], [sflag:$0x2], $0xC800, $0x38;
	[tilespmem:$0xCA00] =	vst v63  }
0x4a0: {  	_ =	swait.ge [sflag:s6], $0xC800  }
0x4a1: {  	[sflag:s6] =	ssyncset.done $0x0  }
0x4a2: {  	s28 =	rddreg [dreg:$0xd];
	[sflag:s6] =	ssyncadd.s32 $0xFFFF3800  }
0x4a3: {  	[tilespmem:s2], [sflag:$0x2] =	stream.linear.gather [hbm4b:s28+s2], $0x190, $0x38;
	[tilespmem:$0xCA00] =	vst v63  }
0x4a4: {  	_ =	swait.ge [sflag:s6], $0x190  }
0x4a5: {  	[sflag:s6] =	ssyncset.done $0x0  }
0x4a6: {  	[sflag:s6] =	ssyncadd.s32 $0xFFFFFE70  }
0x4a7: {  	[tilespmem:s8], [sflag:$0x1] =	stream.indirect.gather [hbm4b:s1+s10], $0x80, s2, s10, $0xb8;
	[tilespmem:$0xCA00] =	vst v63  }
0x4a8: {  	_ =	swait.ge [sflag:s11], $0xC800  }
0x4a9: {  	[sflag:s11] =	ssyncset.done $0x0  }
0x4aa: {  	s30 =	rddreg [dreg:$0xe];
	[sflag:s11] =	ssyncadd.s32 $0xFFFF3800  }
0x4ab: {  	[hbm4b:s30+s2] =	stream.linear.scatter [tilespmem:s8], [sflag:$0x2], $0xC800, $0x38;
	[tilespmem:$0xCA00] =	vst v63  }
0x4ac: {  	_ =	swait.ge [sflag:s6], $0xC800  }
0x4ad: {  	[sflag:s6] =	ssyncset.done $0x0  }
0x4ae: {  	s31 =	rddreg [dreg:$0xf];
	[sflag:s6] =	ssyncadd.s32 $0xFFFF3800  }
0x4af: {  	[tilespmem:s2], [sflag:$0x2] =	stream.linear.gather [hbm4b:s31+s2], $0x190, $0x38;
	[tilespmem:$0xCA00] =	vst v63  }
0x4b0: {  	_ =	swait.ge [sflag:s6], $0x190  }
0x4b1: {  	[sflag:s6] =	ssyncset.done $0x0  }
0x4b2: {  	[sflag:s6] =	ssyncadd.s32 $0xFFFFFE70  }
0x4b3: {  	[tilespmem:s8], [sflag:$0x1] =	stream.indirect.gather [hbm4b:s1+s10], $0x80, s2, s10, $0xb8;
	[tilespmem:$0xCA00] =	vst v63  }
0x4b4: {  	_ =	swait.ge [sflag:s11], $0xC800  }
0x4b5: {  	[sflag:s11] =	ssyncset.done $0x0  }
0x4b6: {  	s26 =	rddreg [dreg:$0x10];
	[sflag:s11] =	ssyncadd.s32 $0xFFFF3800  }
0x4b7: {  	[hbm4b:s26+s2] =	stream.linear.scatter [tilespmem:s8], [sflag:$0x2], $0xC800, $0x38;
	[tilespmem:$0xCA00] =	vst v63  }
0x4b8: {  	_ =	swait.ge [sflag:s6], $0xC800  }
0x4b9: {  	[sflag:s6] =	ssyncset.done $0x0  }
0x4ba: {  	s28 =	rddreg [dreg:$0x11];
	[sflag:s6] =	ssyncadd.s32 $0xFFFF3800  }
0x4bb: {  	[tilespmem:s2], [sflag:$0x2] =	stream.linear.gather [hbm4b:s28+s2], $0x190, $0x38;
	[tilespmem:$0xCA00] =	vst v63  }
0x4bc: {  	_ =	swait.ge [sflag:s6], $0x190  }
0x4bd: {  	[sflag:s6] =	ssyncset.done $0x0  }
0x4be: {  	[sflag:s6] =	ssyncadd.s32 $0xFFFFFE70  }
0x4bf: {  	[tilespmem:s8], [sflag:$0x1] =	stream.indirect.gather [hbm4b:s1+s10], $0x80, s2, s10, $0xb8;
	[tilespmem:$0xCA00] =	vst v63  }
0x4c0: {  	_ =	swait.ge [sflag:s11], $0xC800  }
0x4c1: {  	[sflag:s11] =	ssyncset.done $0x0  }
0x4c2: {  	s30 =	rddreg [dreg:$0x12];
	[sflag:s11] =	ssyncadd.s32 $0xFFFF3800  }
0x4c3: {  	[hbm4b:s30+s2] =	stream.linear.scatter [tilespmem:s8], [sflag:$0x2], $0xC800, $0x38;
	[tilespmem:$0xCA00] =	vst v63  }
0x4c4: {  	_ =	swait.ge [sflag:s6], $0xC800  }
0x4c5: {  	[sflag:s6] =	ssyncset.done $0x0  }
0x4c6: {  	s31 =	rddreg [dreg:$0x13];
	[sflag:s6] =	ssyncadd.s32 $0xFFFF3800  }
0x4c7: {  	[tilespmem:s2], [sflag:$0x2] =	stream.linear.gather [hbm4b:s31+s2], $0x190, $0x38;
	[tilespmem:$0xCA00] =	vst v63  }
0x4c8: {  	_ =	swait.ge [sflag:s6], $0x190  }
0x4c9: {  	[sflag:s6] =	ssyncset.done $0x0  }
0x4ca: {  	[sflag:s6] =	ssyncadd.s32 $0xFFFFFE70  }
0x4cb: {  	[tilespmem:s8], [sflag:$0x1] =	stream.indirect.gather [hbm4b:s1+s10], $0x80, s2, s10, $0xb8;
	[tilespmem:$0xCA00] =	vst v63  }
0x4cc: {  	_ =	swait.ge [sflag:s11], $0xC800  }
0x4cd: {  	[sflag:s11] =	ssyncset.done $0x0  }
0x4ce: {  	s26 =	rddreg [dreg:$0x14];
	[sflag:s11] =	ssyncadd.s32 $0xFFFF3800  }
0x4cf: {  	[hbm4b:s26+s2] =	stream.linear.scatter [tilespmem:s8], [sflag:$0x2], $0xC800, $0x38;
	[tilespmem:$0xCA00] =	vst v63  }
0x4d0: {  	_ =	swait.ge [sflag:s6], $0xC800  }
0x4d1: {  	[sflag:s6] =	ssyncset.done $0x0  }
0x4d2: {  	s28 =	rddreg [dreg:$0x15];
	[sflag:s6] =	ssyncadd.s32 $0xFFFF3800  }
0x4d3: {  	[tilespmem:s2], [sflag:$0x2] =	stream.linear.gather [hbm4b:s28+s2], $0x190, $0x38;
	[tilespmem:$0xCA00] =	vst v63  }
0x4d4: {  	_ =	swait.ge [sflag:s6], $0x190  }
0x4d5: {  	[sflag:s6] =	ssyncset.done $0x0  }
0x4d6: {  	[sflag:s6] =	ssyncadd.s32 $0xFFFFFE70  }
0x4d7: {  	[tilespmem:s8], [sflag:$0x1] =	stream.indirect.gather [hbm4b:s1+s10], $0x80, s2, s10, $0xb8;
	[tilespmem:$0xCA00] =	vst v63  }
0x4d8: {  	_ =	swait.ge [sflag:s11], $0xC800  }
0x4d9: {  	[sflag:s11] =	ssyncset.done $0x0  }
0x4da: {  	s30 =	rddreg [dreg:$0x16];
	[sflag:s11] =	ssyncadd.s32 $0xFFFF3800  }
0x4db: {  	[hbm4b:s30+s2] =	stream.linear.scatter [tilespmem:s8], [sflag:$0x2], $0xC800, $0x38;
	[tilespmem:$0xCA00] =	vst v63  }
0x4dc: {  	_ =	swait.ge [sflag:s6], $0xC800  }
0x4dd: {  	[sflag:s6] =	ssyncset.done $0x0  }
0x4de: {  	s31 =	rddreg [dreg:$0x17];
	[sflag:s6] =	ssyncadd.s32 $0xFFFF3800  }
0x4df: {  	[tilespmem:s2], [sflag:$0x2] =	stream.linear.gather [hbm4b:s31+s2], $0x190, $0x38;
	[tilespmem:$0xCA00] =	vst v63  }
0x4e0: {  	_ =	swait.ge [sflag:s6], $0x190  }
0x4e1: {  	[sflag:s6] =	ssyncset.done $0x0  }
0x4e2: {  	[sflag:s6] =	ssyncadd.s32 $0xFFFFFE70  }
0x4e3: {  	[tilespmem:s8], [sflag:$0x1] =	stream.indirect.gather [hbm4b:s1+s10], $0x80, s2, s10, $0xb8;
	[tilespmem:$0xCA00] =	vst v63  }
0x4e4: {  	_ =	swait.ge [sflag:s11], $0xC800  }
0x4e5: {  	[sflag:s11] =	ssyncset.done $0x0  }
0x4e6: {  	s26 =	rddreg [dreg:$0x18];
	[sflag:s11] =	ssyncadd.s32 $0xFFFF3800  }
0x4e7: {  	[hbm4b:s26+s2] =	stream.linear.scatter [tilespmem:s8], [sflag:$0x2], $0xC800, $0x38;
	[tilespmem:$0xCA00] =	vst v63  }
0x4e8: {  	_ =	swait.ge [sflag:s6], $0xC800  }
0x4e9: {  	[sflag:s6] =	ssyncset.done $0x0  }
0x4ea: {  	s28 =	rddreg [dreg:$0x19];
	[sflag:s6] =	ssyncadd.s32 $0xFFFF3800  }
0x4eb: {  	[tilespmem:s2], [sflag:$0x2] =	stream.linear.gather [hbm4b:s28+s2], $0x190, $0x38;
	[tilespmem:$0xCA00] =	vst v63  }
0x4ec: {  	_ =	swait.ge [sflag:s6], $0x190  }
0x4ed: {  	[sflag:s6] =	ssyncset.done $0x0  }
0x4ee: {  	[sflag:s6] =	ssyncadd.s32 $0xFFFFFE70  }
0x4ef: {  	[tilespmem:s8], [sflag:$0x1] =	stream.indirect.gather [hbm4b:s1+s10], $0x80, s2, s10, $0xb8;
	[tilespmem:$0xCA00] =	vst v63  }
0x4f0: {  	_ =	swait.ge [sflag:s11], $0xC800  }
0x4f1: {  	[sflag:s11] =	ssyncset.done $0x0  }
0x4f2: {  	s30 =	rddreg [dreg:$0x1a];
	[sflag:s11] =	ssyncadd.s32 $0xFFFF3800  }
0x4f3: {  	[hbm4b:s30+s2] =	stream.linear.scatter [tilespmem:s8], [sflag:$0x2], $0xC800, $0x38;
	[tilespmem:$0xCA00] =	vst v63  }
0x4f4: {  	_ =	swait.ge [sflag:s6], $0xC800  }
0x4f5: {  	[sflag:s6] =	ssyncset.done $0x0  }
0x4f6: {  	s31 =	rddreg [dreg:$0x1b];
	[sflag:s6] =	ssyncadd.s32 $0xFFFF3800  }
0x4f7: {  	[tilespmem:s2], [sflag:$0x2] =	stream.linear.gather [hbm4b:s31+s2], $0x190, $0x38;
	[tilespmem:$0xCA00] =	vst v63  }
0x4f8: {  	_ =	swait.ge [sflag:s6], $0x190  }
0x4f9: {  	[sflag:s6] =	ssyncset.done $0x0  }
0x4fa: {  	[sflag:s6] =	ssyncadd.s32 $0xFFFFFE70  }
0x4fb: {  	[tilespmem:s8], [sflag:$0x1] =	stream.indirect.gather [hbm4b:s1+s10], $0x80, s2, s10, $0xb8;
	[tilespmem:$0xCA00] =	vst v63  }
0x4fc: {  	_ =	swait.ge [sflag:s11], $0xC800  }
0x4fd: {  	[sflag:s11] =	ssyncset.done $0x0  }
0x4fe: {  	s26 =	rddreg [dreg:$0x1c];
	[sflag:s11] =	ssyncadd.s32 $0xFFFF3800  }
0x4ff: {  	[hbm4b:s26+s2] =	stream.linear.scatter [tilespmem:s8], [sflag:$0x2], $0xC800, $0x38;
	[tilespmem:$0xCA00] =	vst v63  }
0x500: {  	_ =	swait.ge [sflag:s6], $0xC800  }
0x501: {  	[sflag:s6] =	ssyncset.done $0x0  }
0x502: {  	s28 =	rddreg [dreg:$0x1d];
	[sflag:s6] =	ssyncadd.s32 $0xFFFF3800  }
0x503: {  	[tilespmem:s2], [sflag:$0x2] =	stream.linear.gather [hbm4b:s28+s2], $0x190, $0x38;
	[tilespmem:$0xCA00] =	vst v63  }
0x504: {  	_ =	swait.ge [sflag:s6], $0x190  }
0x505: {  	[sflag:s6] =	ssyncset.done $0x0  }
0x506: {  	[sflag:s6] =	ssyncadd.s32 $0xFFFFFE70  }
0x507: {  	[tilespmem:s8], [sflag:$0x1] =	stream.indirect.gather [hbm4b:s1+s10], $0x80, s2, s10, $0xb8;
	[tilespmem:$0xCA00] =	vst v63  }
0x508: {  	_ =	swait.ge [sflag:s11], $0xC800  }
0x509: {  	[sflag:s11] =	ssyncset.done $0x0  }
0x50a: {  	s30 =	rddreg [dreg:$0x1e];
	[sflag:s11] =	ssyncadd.s32 $0xFFFF3800  }
0x50b: {  	[hbm4b:s30+s2] =	stream.linear.scatter [tilespmem:s8], [sflag:$0x2], $0xC800, $0x38;
	[tilespmem:$0xCA00] =	vst v63  }
0x50c: {  	_ =	swait.ge [sflag:s6], $0xC800  }
0x50d: {  	[sflag:s6] =	ssyncset.done $0x0  }
0x50e: {  	s31 =	rddreg [dreg:$0x1f];
	[sflag:s6] =	ssyncadd.s32 $0xFFFF3800  }
0x50f: {  	[tilespmem:s2], [sflag:$0x2] =	stream.linear.gather [hbm4b:s31+s2], $0x190, $0x38;
	[tilespmem:$0xCA00] =	vst v63  }
0x510: {  	_ =	swait.ge [sflag:s6], $0x190  }
0x511: {  	[sflag:s6] =	ssyncset.done $0x0  }
0x512: {  	[sflag:s6] =	ssyncadd.s32 $0xFFFFFE70  }
0x513: {  	[tilespmem:s8], [sflag:$0x1] =	stream.indirect.gather [hbm4b:s1+s10], $0x80, s2, s10, $0xb8;
	[tilespmem:$0xCA00] =	vst v63  }
0x514: {  	_ =	swait.ge [sflag:s11], $0xC800  }
0x515: {  	s26 =	sld [smem:$0x7DE]  }
0x516: {  	[sflag:s11] =	ssyncset.done $0x0  }
0x517: {  	[sflag:s11] =	ssyncadd.s32 $0xFFFF3800  }
0x518: {  	[hbm4b:s26+s2] =	stream.linear.scatter [tilespmem:s8], [sflag:$0x2], $0xC800, $0x38;
	[tilespmem:$0xCA00] =	vst v63  }
0x519: {  	_ =	swait.ge [sflag:s6], $0xC800  }
0x51a: {  	s28 =	sld [smem:$0x7DF]  }
0x51b: {  	[sflag:s6] =	ssyncset.done $0x0  }
0x51c: {  	[sflag:s6] =	ssyncadd.s32 $0xFFFF3800  }
0x51d: {  	[tilespmem:s2], [sflag:$0x2] =	stream.linear.gather [hbm4b:s28+s2], $0x190, $0x38;
	[tilespmem:$0xCA00] =	vst v63  }
0x51e: {  	_ =	swait.ge [sflag:s6], $0x190  }
0x51f: {  	[sflag:s6] =	ssyncset.done $0x0  }
0x520: {  	[sflag:s6] =	ssyncadd.s32 $0xFFFFFE70  }
0x521: {  	[tilespmem:s8], [sflag:$0x1] =	stream.indirect.gather [hbm4b:s1+s10], $0x80, s2, s10, $0xb8;
	[tilespmem:$0xCA00] =	vst v63  }
0x522: {  	_ =	swait.ge [sflag:s11], $0xC800  }
0x523: {  	s30 =	sld [smem:$0x7E0]  }
0x524: {  	[sflag:s11] =	ssyncset.done $0x0  }
0x525: {  	[sflag:s11] =	ssyncadd.s32 $0xFFFF3800  }
0x526: {  	[hbm4b:s30+s2] =	stream.linear.scatter [tilespmem:s8], [sflag:$0x2], $0xC800, $0x38;
	[tilespmem:$0xCA00] =	vst v63  }
0x527: {  	_ =	swait.ge [sflag:s6], $0xC800  }
0x528: {  	s31 =	sld [smem:$0x7E1]  }
0x529: {  	[sflag:s6] =	ssyncset.done $0x0  }
0x52a: {  	[sflag:s6] =	ssyncadd.s32 $0xFFFF3800  }
0x52b: {  	[tilespmem:s2], [sflag:$0x2] =	stream.linear.gather [hbm4b:s31+s2], $0x190, $0x38;
	[tilespmem:$0xCA00] =	vst v63  }
0x52c: {  	_ =	swait.ge [sflag:s6], $0x190  }
0x52d: {  	[sflag:s6] =	ssyncset.done $0x0  }
0x52e: {  	[sflag:s6] =	ssyncadd.s32 $0xFFFFFE70  }
0x52f: {  	[tilespmem:s8], [sflag:$0x1] =	stream.indirect.gather [hbm4b:s1+s10], $0x80, s2, s10, $0xb8;
	[tilespmem:$0xCA00] =	vst v63  }
0x530: {  	_ =	swait.ge [sflag:s11], $0xC800  }
0x531: {  	s26 =	sld [smem:$0x7E2]  }
0x532: {  	[sflag:s11] =	ssyncset.done $0x0  }
0x533: {  	[sflag:s11] =	ssyncadd.s32 $0xFFFF3800  }
0x534: {  	[hbm4b:s26+s2] =	stream.linear.scatter [tilespmem:s8], [sflag:$0x2], $0xC800, $0x38;
	[tilespmem:$0xCA00] =	vst v63  }
0x535: {  	_ =	swait.ge [sflag:s6], $0xC800  }
0x536: {  	s28 =	sld [smem:$0x7E3]  }
0x537: {  	[sflag:s6] =	ssyncset.done $0x0  }
0x538: {  	[sflag:s6] =	ssyncadd.s32 $0xFFFF3800  }
0x539: {  	[tilespmem:s2], [sflag:$0x2] =	stream.linear.gather [hbm4b:s28+s2], $0x190, $0x38;
	[tilespmem:$0xCA00] =	vst v63  }
0x53a: {  	_ =	swait.ge [sflag:s6], $0x190  }
0x53b: {  	[sflag:s6] =	ssyncset.done $0x0  }
0x53c: {  	[sflag:s6] =	ssyncadd.s32 $0xFFFFFE70  }
0x53d: {  	[tilespmem:s8], [sflag:$0x1] =	stream.indirect.gather [hbm4b:s1+s10], $0x80, s2, s10, $0xb8;
	[tilespmem:$0xCA00] =	vst v63  }
0x53e: {  	_ =	swait.ge [sflag:s11], $0xC800  }
0x53f: {  	s30 =	sld [smem:$0x7E4]  }
0x540: {  	[sflag:s11] =	ssyncset.done $0x0  }
0x541: {  	[sflag:s11] =	ssyncadd.s32 $0xFFFF3800  }
0x542: {  	[hbm4b:s30+s2] =	stream.linear.scatter [tilespmem:s8], [sflag:$0x2], $0xC800, $0x38;
	[tilespmem:$0xCA00] =	vst v63  }
0x543: {  	_ =	swait.ge [sflag:s6], $0xC800  }
0x544: {  	s31 =	sld [smem:$0x7E5]  }
0x545: {  	[sflag:s6] =	ssyncset.done $0x0  }
0x546: {  	[sflag:s6] =	ssyncadd.s32 $0xFFFF3800  }
0x547: {  	[tilespmem:s2], [sflag:$0x2] =	stream.linear.gather [hbm4b:s31+s2], $0x190, $0x38;
	[tilespmem:$0xCA00] =	vst v63  }
0x548: {  	_ =	swait.ge [sflag:s6], $0x190  }
0x549: {  	[sflag:s6] =	ssyncset.done $0x0  }
0x54a: {  	[sflag:s6] =	ssyncadd.s32 $0xFFFFFE70  }
0x54b: {  	[tilespmem:s8], [sflag:$0x1] =	stream.indirect.gather [hbm4b:s1+s10], $0x80, s2, s10, $0xb8;
	[tilespmem:$0xCA00] =	vst v63  }
0x54c: {  	_ =	swait.ge [sflag:s11], $0xC800  }
0x54d: {  	s26 =	sld [smem:$0x7E6]  }
0x54e: {  	[sflag:s11] =	ssyncset.done $0x0  }
0x54f: {  	[sflag:s11] =	ssyncadd.s32 $0xFFFF3800  }
0x550: {  	[hbm4b:s26+s2] =	stream.linear.scatter [tilespmem:s8], [sflag:$0x2], $0xC800, $0x38;
	[tilespmem:$0xCA00] =	vst v63  }
0x551: {  	_ =	swait.ge [sflag:s6], $0xC800  }
0x552: {  	s28 =	sld [smem:$0x7E7]  }
0x553: {  	[sflag:s6] =	ssyncset.done $0x0  }
0x554: {  	[sflag:s6] =	ssyncadd.s32 $0xFFFF3800  }
0x555: {  	[tilespmem:s2], [sflag:$0x2] =	stream.linear.gather [hbm4b:s28+s2], $0x190, $0x38;
	[tilespmem:$0xCA00] =	vst v63  }
0x556: {  	_ =	swait.ge [sflag:s6], $0x190  }
0x557: {  	[sflag:s6] =	ssyncset.done $0x0  }
0x558: {  	[sflag:s6] =	ssyncadd.s32 $0xFFFFFE70  }
0x559: {  	[tilespmem:s8], [sflag:$0x1] =	stream.indirect.gather [hbm4b:s1+s10], $0x80, s2, s10, $0xb8;
	[tilespmem:$0xCA00] =	vst v63  }
0x55a: {  	_ =	swait.ge [sflag:s11], $0xC800  }
0x55b: {  	s30 =	sld [smem:$0x7E8]  }
0x55c: {  	[sflag:s11] =	ssyncset.done $0x0  }
0x55d: {  	[sflag:s11] =	ssyncadd.s32 $0xFFFF3800  }
0x55e: {  	[hbm4b:s30+s2] =	stream.linear.scatter [tilespmem:s8], [sflag:$0x2], $0xC800, $0x38;
	[tilespmem:$0xCA00] =	vst v63  }
0x55f: {  	_ =	swait.ge [sflag:s6], $0xC800  }
0x560: {  	s31 =	sld [smem:$0x7E9]  }
0x561: {  	[sflag:s6] =	ssyncset.done $0x0  }
0x562: {  	[sflag:s6] =	ssyncadd.s32 $0xFFFF3800  }
0x563: {  	[tilespmem:s2], [sflag:$0x2] =	stream.linear.gather [hbm4b:s31+s2], $0x190, $0x38;
	[tilespmem:$0xCA00] =	vst v63  }
0x564: {  	_ =	swait.ge [sflag:s6], $0x190  }
0x565: {  	[sflag:s6] =	ssyncset.done $0x0  }
0x566: {  	[sflag:s6] =	ssyncadd.s32 $0xFFFFFE70  }
0x567: {  	[tilespmem:s8], [sflag:$0x1] =	stream.indirect.gather [hbm4b:s1+s10], $0x80, s2, s10, $0xb8;
	[tilespmem:$0xCA00] =	vst v63  }
0x568: {  	_ =	swait.ge [sflag:s11], $0xC800  }
0x569: {  	s26 =	sld [smem:$0x7EA]  }
0x56a: {  	[sflag:s11] =	ssyncset.done $0x0  }
0x56b: {  	[sflag:s11] =	ssyncadd.s32 $0xFFFF3800  }
0x56c: {  	[hbm4b:s26+s2] =	stream.linear.scatter [tilespmem:s8], [sflag:$0x2], $0xC800, $0x38;
	[tilespmem:$0xCA00] =	vst v63  }
0x56d: {  	_ =	swait.ge [sflag:s6], $0xC800  }
0x56e: {  	s28 =	sld [smem:$0x7EB]  }
0x56f: {  	[sflag:s6] =	ssyncset.done $0x0  }
0x570: {  	[sflag:s6] =	ssyncadd.s32 $0xFFFF3800  }
0x571: {  	[tilespmem:s2], [sflag:$0x2] =	stream.linear.gather [hbm4b:s28+s2], $0x190, $0x38;
	[tilespmem:$0xCA00] =	vst v63  }
0x572: {  	_ =	swait.ge [sflag:s6], $0x190  }
0x573: {  	[sflag:s6] =	ssyncset.done $0x0  }
0x574: {  	[sflag:s6] =	ssyncadd.s32 $0xFFFFFE70  }
0x575: {  	[tilespmem:s8], [sflag:$0x1] =	stream.indirect.gather [hbm4b:s1+s10], $0x80, s2, s10, $0xb8;
	[tilespmem:$0xCA00] =	vst v63  }
0x576: {  	_ =	swait.ge [sflag:s11], $0xC800  }
0x577: {  	s30 =	sld [smem:$0x7EC]  }
0x578: {  	[sflag:s11] =	ssyncset.done $0x0  }
0x579: {  	[sflag:s11] =	ssyncadd.s32 $0xFFFF3800  }
0x57a: {  	[hbm4b:s30+s2] =	stream.linear.scatter [tilespmem:s8], [sflag:$0x2], $0xC800, $0x38;
	[tilespmem:$0xCA00] =	vst v63  }
0x57b: {  	_ =	swait.ge [sflag:s6], $0xC800  }
0x57c: {  	s31 =	sld [smem:$0x7ED]  }
0x57d: {  	[sflag:s6] =	ssyncset.done $0x0  }
0x57e: {  	[sflag:s6] =	ssyncadd.s32 $0xFFFF3800  }
0x57f: {  	[tilespmem:s2], [sflag:$0x2] =	stream.linear.gather [hbm4b:s31+s2], $0x190, $0x38;
	[tilespmem:$0xCA00] =	vst v63  }
0x580: {  	_ =	swait.ge [sflag:s6], $0x190  }
0x581: {  	[sflag:s6] =	ssyncset.done $0x0  }
0x582: {  	[sflag:s6] =	ssyncadd.s32 $0xFFFFFE70  }
0x583: {  	[tilespmem:s8], [sflag:$0x1] =	stream.indirect.gather [hbm4b:s1+s10], $0x80, s2, s10, $0xb8;
	[tilespmem:$0xCA00] =	vst v63  }
0x584: {  	_ =	swait.ge [sflag:s11], $0xC800  }
0x585: {  	s26 =	sld [smem:$0x7EE]  }
0x586: {  	[sflag:s11] =	ssyncset.done $0x0  }
0x587: {  	[sflag:s11] =	ssyncadd.s32 $0xFFFF3800  }
0x588: {  	[hbm4b:s26+s2] =	stream.linear.scatter [tilespmem:s8], [sflag:$0x2], $0xC800, $0x38;
	[tilespmem:$0xCA00] =	vst v63  }
0x589: {  	_ =	swait.ge [sflag:s6], $0xC800  }
0x58a: {  	s28 =	sld [smem:$0x7EF]  }
0x58b: {  	[sflag:s6] =	ssyncset.done $0x0  }
0x58c: {  	[sflag:s6] =	ssyncadd.s32 $0xFFFF3800  }
0x58d: {  	[tilespmem:s2], [sflag:$0x2] =	stream.linear.gather [hbm4b:s28+s2], $0x190, $0x38;
	[tilespmem:$0xCA00] =	vst v63  }
0x58e: {  	_ =	swait.ge [sflag:s6], $0x190  }
0x58f: {  	[sflag:s6] =	ssyncset.done $0x0  }
0x590: {  	[sflag:s6] =	ssyncadd.s32 $0xFFFFFE70  }
0x591: {  	[tilespmem:s8], [sflag:$0x1] =	stream.indirect.gather [hbm4b:s1+s10], $0x80, s2, s10, $0xb8;
	[tilespmem:$0xCA00] =	vst v63  }
0x592: {  	_ =	swait.ge [sflag:s11], $0xC800  }
0x593: {  	s30 =	sld [smem:$0x7F0]  }
0x594: {  	[sflag:s11] =	ssyncset.done $0x0  }
0x595: {  	[sflag:s11] =	ssyncadd.s32 $0xFFFF3800  }
0x596: {  	[hbm4b:s30+s2] =	stream.linear.scatter [tilespmem:s8], [sflag:$0x2], $0xC800, $0x38;
	[tilespmem:$0xCA00] =	vst v63  }
0x597: {  	_ =	swait.ge [sflag:s6], $0xC800  }
0x598: {  	s31 =	sld [smem:$0x7F1]  }
0x599: {  	[sflag:s6] =	ssyncset.done $0x0  }
0x59a: {  	[sflag:s6] =	ssyncadd.s32 $0xFFFF3800  }
0x59b: {  	[tilespmem:s2], [sflag:$0x2] =	stream.linear.gather [hbm4b:s31+s2], $0x190, $0x38;
	[tilespmem:$0xCA00] =	vst v63  }
0x59c: {  	_ =	swait.ge [sflag:s6], $0x190  }
0x59d: {  	[sflag:s6] =	ssyncset.done $0x0  }
0x59e: {  	[sflag:s6] =	ssyncadd.s32 $0xFFFFFE70  }
0x59f: {  	[tilespmem:s8], [sflag:$0x1] =	stream.indirect.gather [hbm4b:s1+s10], $0x80, s2, s10, $0xb8;
	[tilespmem:$0xCA00] =	vst v63  }
0x5a0: {  	_ =	swait.ge [sflag:s11], $0xC800  }
0x5a1: {  	s26 =	sld [smem:$0x7F2]  }
0x5a2: {  	[sflag:s11] =	ssyncset.done $0x0  }
0x5a3: {  	[sflag:s11] =	ssyncadd.s32 $0xFFFF3800  }
0x5a4: {  	[hbm4b:s26+s2] =	stream.linear.scatter [tilespmem:s8], [sflag:$0x2], $0xC800, $0x38;
	[tilespmem:$0xCA00] =	vst v63  }
0x5a5: {  	_ =	swait.ge [sflag:s6], $0xC800  }
0x5a6: {  	s28 =	sld [smem:$0x7F3]  }
0x5a7: {  	[sflag:s6] =	ssyncset.done $0x0  }
0x5a8: {  	[sflag:s6] =	ssyncadd.s32 $0xFFFF3800  }
0x5a9: {  	[tilespmem:s2], [sflag:$0x2] =	stream.linear.gather [hbm4b:s28+s2], $0x190, $0x38;
	[tilespmem:$0xCA00] =	vst v63  }
0x5aa: {  	_ =	swait.ge [sflag:s6], $0x190  }
0x5ab: {  	[sflag:s6] =	ssyncset.done $0x0  }
0x5ac: {  	[sflag:s6] =	ssyncadd.s32 $0xFFFFFE70  }
0x5ad: {  	[tilespmem:s8], [sflag:$0x1] =	stream.indirect.gather [hbm4b:s1+s10], $0x80, s2, s10, $0xb8;
	[tilespmem:$0xCA00] =	vst v63  }
0x5ae: {  	_ =	swait.ge [sflag:s11], $0xC800  }
0x5af: {  	s30 =	sld [smem:$0x7F4]  }
0x5b0: {  	[sflag:s11] =	ssyncset.done $0x0  }
0x5b1: {  	[sflag:s11] =	ssyncadd.s32 $0xFFFF3800  }
0x5b2: {  	[hbm4b:s30+s2] =	stream.linear.scatter [tilespmem:s8], [sflag:$0x2], $0xC800, $0x38;
	[tilespmem:$0xCA00] =	vst v63  }
0x5b3: {  	_ =	swait.ge [sflag:s6], $0xC800  }
0x5b4: {  	s31 =	sld [smem:$0x7F5]  }
0x5b5: {  	[sflag:s6] =	ssyncset.done $0x0  }
0x5b6: {  	[sflag:s6] =	ssyncadd.s32 $0xFFFF3800  }
0x5b7: {  	[tilespmem:s2], [sflag:$0x2] =	stream.linear.gather [hbm4b:s31+s2], $0x190, $0x38;
	[tilespmem:$0xCA00] =	vst v63  }
0x5b8: {  	_ =	swait.ge [sflag:s6], $0x190  }
0x5b9: {  	[sflag:s6] =	ssyncset.done $0x0  }
0x5ba: {  	[sflag:s6] =	ssyncadd.s32 $0xFFFFFE70  }
0x5bb: {  	[tilespmem:s8], [sflag:$0x1] =	stream.indirect.gather [hbm4b:s1+s10], $0x80, s2, s10, $0xb8;
	[tilespmem:$0xCA00] =	vst v63  }
0x5bc: {  	_ =	swait.ge [sflag:s11], $0xC800  }
0x5bd: {  	s26 =	sld [smem:$0x7F6]  }
0x5be: {  	[sflag:s11] =	ssyncset.done $0x0  }
0x5bf: {  	[sflag:s11] =	ssyncadd.s32 $0xFFFF3800  }
0x5c0: {  	[hbm4b:s26+s2] =	stream.linear.scatter [tilespmem:s8], [sflag:$0x2], $0xC800, $0x38;
	[tilespmem:$0xCA00] =	vst v63  }
0x5c1: {  	_ =	swait.ge [sflag:s6], $0xC800  }
0x5c2: {  	s28 =	sld [smem:$0x7F7]  }
0x5c3: {  	[sflag:s6] =	ssyncset.done $0x0  }
0x5c4: {  	[sflag:s6] =	ssyncadd.s32 $0xFFFF3800  }
0x5c5: {  	[tilespmem:s2], [sflag:$0x2] =	stream.linear.gather [hbm4b:s28+s2], $0x190, $0x38;
	[tilespmem:$0xCA00] =	vst v63  }
0x5c6: {  	_ =	swait.ge [sflag:s6], $0x190  }
0x5c7: {  	[sflag:s6] =	ssyncset.done $0x0  }
0x5c8: {  	[sflag:s6] =	ssyncadd.s32 $0xFFFFFE70  }
0x5c9: {  	[tilespmem:s8], [sflag:$0x1] =	stream.indirect.gather [hbm4b:s1+s10], $0x80, s2, s10, $0xb8;
	[tilespmem:$0xCA00] =	vst v63  }
0x5ca: {  	_ =	swait.ge [sflag:s11], $0xC800  }
0x5cb: {  	s30 =	sld [smem:$0x7F8]  }
0x5cc: {  	[sflag:s11] =	ssyncset.done $0x0  }
0x5cd: {  	[sflag:s11] =	ssyncadd.s32 $0xFFFF3800  }
0x5ce: {  	[hbm4b:s30+s2] =	stream.linear.scatter [tilespmem:s8], [sflag:$0x2], $0xC800, $0x38;
	[tilespmem:$0xCA00] =	vst v63  }
0x5cf: {  	_ =	swait.ge [sflag:s6], $0xC800  }
0x5d0: {  	s31 =	sld [smem:$0x7F9]  }
0x5d1: {  	[sflag:s6] =	ssyncset.done $0x0  }
0x5d2: {  	[sflag:s6] =	ssyncadd.s32 $0xFFFF3800  }
0x5d3: {  	[tilespmem:s2], [sflag:$0x2] =	stream.linear.gather [hbm4b:s31+s2], $0x190, $0x38;
	[tilespmem:$0xCA00] =	vst v63  }
0x5d4: {  	_ =	swait.ge [sflag:s6], $0x190  }
0x5d5: {  	[sflag:s6] =	ssyncset.done $0x0  }
0x5d6: {  	[sflag:s6] =	ssyncadd.s32 $0xFFFFFE70  }
0x5d7: {  	[tilespmem:s8], [sflag:$0x1] =	stream.indirect.gather [hbm4b:s1+s10], $0x80, s2, s10, $0xb8;
	[tilespmem:$0xCA00] =	vst v63  }
0x5d8: {  	_ =	swait.ge [sflag:s11], $0xC800  }
0x5d9: {  	s26 =	sld [smem:$0x7FA]  }
0x5da: {  	[sflag:s11] =	ssyncset.done $0x0  }
0x5db: {  	[sflag:s11] =	ssyncadd.s32 $0xFFFF3800  }
0x5dc: {  	[hbm4b:s26+s2] =	stream.linear.scatter [tilespmem:s8], [sflag:$0x2], $0xC800, $0x38;
	[tilespmem:$0xCA00] =	vst v63  }
0x5dd: {  	_ =	swait.ge [sflag:s6], $0xC800  }
0x5de: {  	s28 =	sld [smem:$0x7FB]  }
0x5df: {  	[sflag:s6] =	ssyncset.done $0x0  }
0x5e0: {  	[sflag:s6] =	ssyncadd.s32 $0xFFFF3800  }
0x5e1: {  	[tilespmem:s2], [sflag:$0x2] =	stream.linear.gather [hbm4b:s28+s2], $0x190, $0x38;
	[tilespmem:$0xCA00] =	vst v63  }
0x5e2: {  	_ =	swait.ge [sflag:s6], $0x190  }
0x5e3: {  	[sflag:s6] =	ssyncset.done $0x0  }
0x5e4: {  	[sflag:s6] =	ssyncadd.s32 $0xFFFFFE70  }
0x5e5: {  	[tilespmem:s8], [sflag:$0x1] =	stream.indirect.gather [hbm4b:s1+s10], $0x80, s2, s10, $0xb8;
	[tilespmem:$0xCA00] =	vst v63  }
0x5e6: {  	_ =	swait.ge [sflag:s11], $0xC800  }
0x5e7: {  	s30 =	sld [smem:$0x7FC]  }
0x5e8: {  	[sflag:s11] =	ssyncset.done $0x0  }
0x5e9: {  	[sflag:s11] =	ssyncadd.s32 $0xFFFF3800  }
0x5ea: {  	[hbm4b:s30+s2] =	stream.linear.scatter [tilespmem:s8], [sflag:$0x2], $0xC800, $0x38;
	[tilespmem:$0xCA00] =	vst v63  }
0x5eb: {  	_ =	swait.ge [sflag:s6], $0xC800  }
0x5ec: {  	s31 =	sld [smem:$0x7FD]  }
0x5ed: {  	[sflag:s6] =	ssyncset.done $0x0  }
0x5ee: {  	[sflag:s6] =	ssyncadd.s32 $0xFFFF3800  }
0x5ef: {  	[tilespmem:s2], [sflag:$0x2] =	stream.linear.gather [hbm4b:s31+s2], $0x190, $0x38;
	[tilespmem:$0xCA00] =	vst v63  }
0x5f0: {  	_ =	swait.ge [sflag:s6], $0x190  }
0x5f1: {  	[sflag:s6] =	ssyncset.done $0x0  }
0x5f2: {  	[sflag:s6] =	ssyncadd.s32 $0xFFFFFE70  }
0x5f3: {  	[tilespmem:s8], [sflag:$0x1] =	stream.indirect.gather [hbm4b:s1+s10], $0x80, s2, s10, $0xb8;
	[tilespmem:$0xCA00] =	vst v63  }
0x5f4: {  	_ =	swait.ge [sflag:s11], $0xC800  }
0x5f5: {  	[sflag:s11] =	ssyncset.done $0x0  }
0x5f6: {  	[sflag:s11] =	ssyncadd.s32 $0xFFFF3800  }
0x5f7: {  	[hbm4b:s25+s2] =	stream.linear.scatter [tilespmem:s8], [sflag:$0x2], $0xC800, $0x38;
	[tilespmem:$0xCA00] =	vst v63  }
0x5f8: {  	_ =	swait.ge [sflag:s6], $0xC800  }
0x5f9: {  	[sflag:s6] =	ssyncset.done $0x0  }
0x5fa: {  	[sflag:s6] =	ssyncadd.s32 $0xFFFF3800  }
0x5fb: {  	[tilespmem:s2], [sflag:$0x2] =	stream.linear.gather [hbm4b:s24+s2], $0x190, $0x38;
	[tilespmem:$0xCA00] =	vst v63  }
0x5fc: {  	_ =	swait.ge [sflag:s6], $0x190  }
0x5fd: {  	[sflag:s6] =	ssyncset.done $0x0  }
0x5fe: {  	[sflag:s6] =	ssyncadd.s32 $0xFFFFFE70  }
0x5ff: {  	[tilespmem:s8], [sflag:$0x1] =	stream.indirect.gather [hbm4b:s1+s10], $0x80, s2, s10, $0xb8;
	[tilespmem:$0xCA00] =	vst v63  }
0x600: {  	_ =	swait.ge [sflag:s11], $0xC800  }
0x601: {  	[sflag:s11] =	ssyncset.done $0x0  }
0x602: {  	[sflag:s11] =	ssyncadd.s32 $0xFFFF3800  }
0x603: {  	[hbm4b:s23+s2] =	stream.linear.scatter [tilespmem:s8], [sflag:$0x2], $0xC800, $0x38;
	[tilespmem:$0xCA00] =	vst v63  }
0x604: {  	_ =	swait.ge [sflag:s6], $0xC800  }
0x605: {  	[sflag:s6] =	ssyncset.done $0x0  }
0x606: {  	[sflag:s6] =	ssyncadd.s32 $0xFFFF3800  }
0x607: {  	[tilespmem:s2], [sflag:$0x2] =	stream.linear.gather [hbm4b:s22+s2], $0x190, $0x38;
	[tilespmem:$0xCA00] =	vst v63  }
0x608: {  	_ =	swait.ge [sflag:s6], $0x190  }
0x609: {  	[sflag:s6] =	ssyncset.done $0x0  }
0x60a: {  	[sflag:s6] =	ssyncadd.s32 $0xFFFFFE70  }
0x60b: {  	[tilespmem:s8], [sflag:$0x1] =	stream.indirect.gather [hbm4b:s1+s10], $0x80, s2, s10, $0xb8;
	[tilespmem:$0xCA00] =	vst v63  }
0x60c: {  	_ =	swait.ge [sflag:s11], $0xC800  }
0x60d: {  	[sflag:s11] =	ssyncset.done $0x0  }
0x60e: {  	[sflag:s11] =	ssyncadd.s32 $0xFFFF3800  }
0x60f: {  	[hbm4b:s21+s2] =	stream.linear.scatter [tilespmem:s8], [sflag:$0x2], $0xC800, $0x38;
	[tilespmem:$0xCA00] =	vst v63  }
0x610: {  	_ =	swait.ge [sflag:s6], $0xC800  }
0x611: {  	[sflag:s6] =	ssyncset.done $0x0  }
0x612: {  	[sflag:s6] =	ssyncadd.s32 $0xFFFF3800  }
0x613: {  	[tilespmem:s2], [sflag:$0x2] =	stream.linear.gather [hbm4b:s20+s2], $0x190, $0x38;
	[tilespmem:$0xCA00] =	vst v63  }
0x614: {  	_ =	swait.ge [sflag:s6], $0x190  }
0x615: {  	[sflag:s6] =	ssyncset.done $0x0  }
0x616: {  	[sflag:s6] =	ssyncadd.s32 $0xFFFFFE70  }
0x617: {  	[tilespmem:s8], [sflag:$0x1] =	stream.indirect.gather [hbm4b:s1+s10], $0x80, s2, s10, $0xb8;
	[tilespmem:$0xCA00] =	vst v63  }
0x618: {  	_ =	swait.ge [sflag:s11], $0xC800  }
0x619: {  	[sflag:s11] =	ssyncset.done $0x0  }
0x61a: {  	[sflag:s11] =	ssyncadd.s32 $0xFFFF3800  }
0x61b: {  	[hbm4b:s19+s2] =	stream.linear.scatter [tilespmem:s8], [sflag:$0x2], $0xC800, $0x38;
	[tilespmem:$0xCA00] =	vst v63  }
0x61c: {  	_ =	swait.ge [sflag:s6], $0xC800  }
0x61d: {  	[sflag:s6] =	ssyncset.done $0x0  }
0x61e: {  	[sflag:s6] =	ssyncadd.s32 $0xFFFF3800  }
0x61f: {  	[tilespmem:s2], [sflag:$0x2] =	stream.linear.gather [hbm4b:s18+s2], $0x190, $0x38;
	[tilespmem:$0xCA00] =	vst v63  }
0x620: {  	_ =	swait.ge [sflag:s6], $0x190  }
0x621: {  	[sflag:s6] =	ssyncset.done $0x0  }
0x622: {  	[sflag:s6] =	ssyncadd.s32 $0xFFFFFE70  }
0x623: {  	[tilespmem:s8], [sflag:$0x1] =	stream.indirect.gather [hbm4b:s1+s10], $0x80, s2, s10, $0xb8;
	[tilespmem:$0xCA00] =	vst v63  }
0x624: {  	_ =	swait.ge [sflag:s11], $0xC800  }
0x625: {  	[sflag:s11] =	ssyncset.done $0x0  }
0x626: {  	[sflag:s11] =	ssyncadd.s32 $0xFFFF3800  }
0x627: {  	[hbm4b:s17+s2] =	stream.linear.scatter [tilespmem:s8], [sflag:$0x2], $0xC800, $0x38;
	[tilespmem:$0xCA00] =	vst v63  }
0x628: {  	_ =	swait.ge [sflag:s6], $0xC800  }
0x629: {  	[sflag:s6] =	ssyncset.done $0x0  }
0x62a: {  	[sflag:s6] =	ssyncadd.s32 $0xFFFF3800  }
0x62b: {  	[tilespmem:s2], [sflag:$0x2] =	stream.linear.gather [hbm4b:s16+s2], $0x190, $0x38;
	[tilespmem:$0xCA00] =	vst v63  }
0x62c: {  	_ =	swait.ge [sflag:s6], $0x190  }
0x62d: {  	[sflag:s6] =	ssyncset.done $0x0  }
0x62e: {  	[sflag:s6] =	ssyncadd.s32 $0xFFFFFE70  }
0x62f: {  	[tilespmem:s8], [sflag:$0x1] =	stream.indirect.gather [hbm4b:s1+s10], $0x80, s2, s10, $0xb8;
	[tilespmem:$0xCA00] =	vst v63  }
0x630: {  	_ =	swait.ge [sflag:s11], $0xC800  }
0x631: {  	[sflag:s11] =	ssyncset.done $0x0  }
0x632: {  	[sflag:s11] =	ssyncadd.s32 $0xFFFF3800  }
0x633: {  	[hbm4b:s15+s2] =	stream.linear.scatter [tilespmem:s8], [sflag:$0x2], $0xC800, $0x38;
	[tilespmem:$0xCA00] =	vst v63  }
0x634: {  	_ =	swait.ge [sflag:s6], $0xC800  }
0x635: {  	[sflag:s6] =	ssyncset.done $0x0  }
0x636: {  	[sflag:s6] =	ssyncadd.s32 $0xFFFF3800  }
0x637: {  	[tilespmem:s2], [sflag:$0x2] =	stream.linear.gather [hbm4b:s14+s2], $0x190, $0x38;
	[tilespmem:$0xCA00] =	vst v63  }
0x638: {  	_ =	swait.ge [sflag:s6], $0x190  }
0x639: {  	[sflag:s6] =	ssyncset.done $0x0  }
0x63a: {  	[sflag:s6] =	ssyncadd.s32 $0xFFFFFE70  }
0x63b: {  	[tilespmem:s8], [sflag:$0x1] =	stream.indirect.gather [hbm4b:s1+s10], $0x80, s2, s10, $0xb8;
	[tilespmem:$0xCA00] =	vst v63  }
0x63c: {  	_ =	swait.ge [sflag:s11], $0xC800  }
0x63d: {  	[sflag:s11] =	ssyncset.done $0x0  }
0x63e: {  	[sflag:s11] =	ssyncadd.s32 $0xFFFF3800  }
0x63f: {  	[hbm4b:s13+s2] =	stream.linear.scatter [tilespmem:s8], [sflag:$0x2], $0xC800, $0x38;
	[tilespmem:$0xCA00] =	vst v63  }
0x640: {  	_ =	swait.ge [sflag:s6], $0xC800  }
0x641: {  	[sflag:s6] =	ssyncset.done $0x0  }
0x642: {  	[sflag:s6] =	ssyncadd.s32 $0xFFFF3800  }
0x643: {  	[tilespmem:s2], [sflag:$0x2] =	stream.linear.gather [hbm4b:s12+s2], $0x190, $0x38;
	[tilespmem:$0xCA00] =	vst v63  }
0x644: {  	_ =	swait.ge [sflag:s6], $0x190  }
0x645: {  	[sflag:s6] =	ssyncset.done $0x0  }
0x646: {  	[sflag:s6] =	ssyncadd.s32 $0xFFFFFE70  }
0x647: {  	[tilespmem:s8], [sflag:$0x1] =	stream.indirect.gather [hbm4b:s1+s10], $0x80, s2, s10, $0xb8;
	[tilespmem:$0xCA00] =	vst v63  }
0x648: {  	_ =	swait.ge [sflag:s11], $0xC800  }
0x649: {  	[sflag:s11] =	ssyncset.done $0x0  }
0x64a: {  	[sflag:s11] =	ssyncadd.s32 $0xFFFF3800  }
0x64b: {  	[hbm4b:s9+s2] =	stream.linear.scatter [tilespmem:s8], [sflag:$0x2], $0xC800, $0x38;
	[tilespmem:$0xCA00] =	vst v63  }
0x64c: {  	_ =	swait.ge [sflag:s6], $0xC800  }
0x64d: {  	[sflag:s6] =	ssyncset.done $0x0  }
0x64e: {  	[sflag:s6] =	ssyncadd.s32 $0xFFFF3800  }
0x64f: {  	[tilespmem:s2], [sflag:$0x2] =	stream.linear.gather [hbm4b:s7+s2], $0x190, $0x38;
	[tilespmem:$0xCA00] =	vst v63  }
0x650: {  	_ =	swait.ge [sflag:s6], $0x190  }
0x651: {  	[sflag:s6] =	ssyncset.done $0x0  }
0x652: {  	[sflag:s6] =	ssyncadd.s32 $0xFFFFFE70  }
0x653: {  	[tilespmem:s8], [sflag:$0x1] =	stream.indirect.gather [hbm4b:s1+s10], $0x80, s2, s10, $0xb8;
	[tilespmem:$0xCA00] =	vst v63  }
0x654: {  	_ =	swait.ge [sflag:s11], $0xC800  }
0x655: {  	[sflag:s11] =	ssyncset.done $0x0  }
0x656: {  	[sflag:s11] =	ssyncadd.s32 $0xFFFF3800  }
0x657: {  	[hbm4b:s5+s2] =	stream.linear.scatter [tilespmem:s8], [sflag:$0x2], $0xC800, $0x38;
	[tilespmem:$0xCA00] =	vst v63  }
0x658: {  	_ =	swait.ge [sflag:s6], $0xC800  }
0x659: {  	[sflag:s6] =	ssyncset.done $0x0  }
0x65a: {  	s0 =	simm.s32 @!p0 $0x0;
	s2 =	simm.s32 @!p0 $0x2;
	[sflag:s6] =	ssyncadd.s32 $0xFFFF3800  }
0x65b: {  	[tilespmem:s0], [sflag:$0x2] =	stream.linear.gather @!p0 [hbm4b:s4+s0], $0x190, $0x38;
	[tilespmem:$0xCA00] =	vst v63  }
0x65c: {  	_ =	swait.ge @!p0 [sflag:s2], $0x190  }
0x65d: {  	[sflag:s2] =	ssyncset.done @!p0 $0x0  }
0x65e: {  	s5 =	simm.s32 @!p0 $0x200;
	s4 =	simm.s32 @!p0 $0x190;
	[sflag:s2] =	ssyncadd.s32 @!p0 $0xFFFFFE70  }
0x65f: {  	[tilespmem:s5], [sflag:$0x1] =	stream.indirect.gather @!p0 [hbm4b:s1+s4], $0x80, s0, s4, $0xb8;
	[tilespmem:$0xCA00] =	vst v63  }
0x660: {  	s1 =	simm.s32 @!p0 $0x1  }
0x661: {  	_ =	swait.ge @!p0 [sflag:s1], $0xC800  }
0x662: {  	[sflag:s1] =	ssyncset.done @!p0 $0x0  }
0x663: {  	[sflag:s1] =	ssyncadd.s32 @!p0 $0xFFFF3800  }
0x664: {  	[hbm4b:s3+s0] =	stream.linear.scatter @!p0 [tilespmem:s5], [sflag:$0x2], $0xC800, $0x38;
	[tilespmem:$0xCA00] =	vst v63  }
0x665: {  	_ =	swait.ge @!p0 [sflag:s2], $0xC800  }
0x666: {  	[sflag:s2] =	ssyncset.done @!p0 $0x0  }
0x667: {  	[sflag:s2] =	ssyncadd.s32 @!p0 $0xFFFF3800  }
0x668: {  	_ =	sfence.sel $0x180000  }
0x669: {  	[bflag:$0x0] =	sbarrier.arrive $0xFFFF  }
0x66a: {  	_ =	strace $0x9000004A  }
0x66b: {  	s0 =	sadd.s32 @!p0 $0x100000, s29;
	[bflag:$0x2] =	sbarrier.arrive $0xFFFF  }
0x66c: {  	[sflag:s0] =	ssyncadd.tile.s32 @!p0 $0x1;
	_ =	shalt  }
.LBB2_1:
.Ltmp3:
0x66d: {  	(pc) =	sbr.rel .LBB2_6-.Ltmp3, $2  }
0x66e: {  	_ =	sdelay $0x2  }
0x66f: {  	_ = 	snop  }
.LBB2_3:
.Ltmp4:
0x670: {  	(pc) =	sbr.rel .LBB2_6-.Ltmp4, $2  }
0x671: {  	_ =	sdelay $0x2  }
0x672: {  	s29 =	rddreg [dreg:$0x2]  }
.Lfunc_end2:
_tile_overlayer_lowered:
.L_overlay_start_2:
0x673: {  	(tag) =	ssettag $0x2  }
0x674: {  	s0 =	rddreg [dreg:$0x0];
	s2 =	stileid.u32  }
0x675: {  	s1 =	rddreg [dreg:$0x1];
	p0 =	sne.s32 s2, $0x0  }
0x676: {  	s3 =	rddreg [dreg:$0x2];
	[bflag:$0x3] =	sbarrier.arrive $0xFFFF;
	s2 =	simm.s32 @!p0 $0x1C02  }
0x677: {  	[timem:s3], [sflag:s2] =	dma.local @!p0 [hbm:s0], s1  }
0x678: {  	s0 =	simm.s32 @!p0 $0x2  }
0x679: {  	_ =	swait.ge @!p0 [sflag:s0], s1  }
0x67a: {  	s1 =	ssub.s32 @!p0 $0x0, s1;
	[sflag:s0] =	ssyncset.done @!p0 $0x0  }
0x67b: {  	[sflag:s0] =	ssyncadd.s32 @!p0 s1  }
0x67c: {  	[bflag:$0x3] =	sbarrier.arrive $0xFFFF  }
0x67d: {  	_ =	shalt  }

// kernel: scatter_offload_async_start
scs
__scs_entry_jumppad:
0x0: {  	(pc) =	sbr.rel $0x88, $3  }
0x1: {  	(tag) =	ssettag $0x0;
	lr =	simm.s32 $0x1  }
0x2: {  	[smem:$0x3F9A] =	sst lr;
	_ =	strace $0xD0000000  }
0x3: {  	_ = 	snop  }
0x4: {  	_ = 	snop  }
0x5: {  	_ = 	snop  }
0x6: {  	_ = 	snop  }
0x7: {  	_ = 	snop  }
__scs_overlays_trampoline_lowered:
0x8: {  	[smem:$0x3FA9] =	sst s0  }
0x9: {  	[smem:$0x3FAA] =	sst s1  }
0xa: {  	[smem:$0x3FAB] =	sst s2  }
0xb: {  	[smem:$0x3FAC] =	sst s3  }
0xc: {  	[smem:$0x3FAD] =	sst s4  }
0xd: {  	[smem:$0x3FAE] =	sst s5  }
0xe: {  	[smem:$0x3FAF] =	sst s6  }
0xf: {  	[smem:$0x3FB0] =	sst s7  }
0x10: {  	[smem:$0x3FB1] =	sst s8  }
0x11: {  	[smem:$0x3FB2] =	sst s9;
	s0 =	simm.s32 @!p0 $0x0  }
0x12: {  	s1 =	sld [smem:$0x3F98];
	s0 =	simm.s32 @p0 $0x1  }
0x13: {  	[smem:$0x3FB3] =	sst s0;
	s0 =	simm.s32 @!p1 $0x0  }
0x14: {  	s2 =	sld [smem:$0x3F97];
	s0 =	simm.s32 @p1 $0x1  }
0x15: {  	[smem:$0x3FB4] =	sst s0;
	s0 =	simm.s32 @!p2 $0x0  }
0x16: {  	s3 =	sld [smem:$0x3FDB];
	s0 =	simm.s32 @p2 $0x1  }
0x17: {  	s4 =	simm.s32 $0x1BF5;
	[smem:$0x3FB6] =	sst s0  }
0x18: {  	s0 =	sld [smem:$0x3F99];
	_ =	swait.ge [sflag:s4], $0x0  }
0x19: {  	s7 =	sld [smem:$0x3F9A]  }
0x1a: {  	s8 =	sadd.s32 $0xFFFFE003, lr  }
0x1b: {  	s9 =	sadd.s32 $0xFFFFFEF7, lr;
	s5 =	simm.s32 $0xFFFFFFFF;
	p2 =	slt.u32 s8, $0xFFFFF086  }
0x1c: {  	p1 =	slt.u32 s9, $0xF7A;
	s5 =	simm.s32 @!p2 $0x0  }
0x1d: {  	s5 =	simm.s32 @p1 $0x1;
	p0 =	seq.s32 s7, s2  }
0x1e: {  	s7 =	smul.u32 @!p0 $0xF7A, s2;
	p2 =	seq.s32 @!p0 s5, $0x0  }
0x1f: {  	s9 =	smul.u32 $0xF7A, s1;
	s8 =	simm.s32 @!p0 $0x1BF5;
	p2 =	por !p2, p0  }
0x20: {  	[sflag:s8] =	ssyncset.s32 @!p0 $0xFFFFF086;
	s6 =	sadd.s32 @!p0 s3, s7;
	s7 =	simm.s32 @!p0 $0x108  }
0x21: {  	s3 =	sadd.s32 s3, s9;
	s6 =	sadd.s32 @!p0 $0x88, s6;
	s7 =	simm.s32 @p2 $0x1082  }
0x22: {  	[simem:s7], [sflag:s8] =	dma.local @!p0 [hbm:s6], $0xF7A  }
0x23: {  	s9 =	sor.u32 $0xD0000000, s2;
	s6 =	simm.s32 $0x108;
	_ =	swait.ge @!p0 [sflag:s8], $0x0  }
0x24: {  	s3 =	sadd.s32 $0x88, s3;
	s6 =	simm.s32 @!p1 $0x1082;
	[sflag:s4] =	ssyncset.s32 $0xFFFFF086  }
0x25: {  	[simem:s6], [sflag:s4] =	dma.local [hbm:s3], $0xF7A  }
0x26: {  	[smem:$0x3F9A] =	sst s1;
	(tag) =	ssettag s2;
	_ =	strace s9  }
0x27: {  	s1 =	sld [smem:$0x3FAA]  }
0x28: {  	s2 =	sld [smem:$0x3FAB]  }
0x29: {  	s4 =	sld [smem:$0x3FAD]  }
0x2a: {  	p0 =	seq.s32 s5, $0x0;
	s5 =	sld [smem:$0x3FAE]  }
0x2b: {  	s6 =	sld [smem:$0x3FAF]  }
0x2c: {  	s7 =	sld [smem:$0x3FB0]  }
0x2d: {  	s3 =	simm.s32 $0x108;
	s8 =	sld [smem:$0x3FB1]  }
0x2e: {  	s3 =	simm.s32 @!p0 $0x1082;
	s9 =	sld [smem:$0x3FB2]  }
0x2f: {  	lr =	sadd.s32 s0, s3;
	s0 =	sld [smem:$0x3FA9]  }
0x30: {  	s3 =	sld [smem:$0x3FAC]  }
0x31: {  	[smem:$0x3FB5] =	sst s10  }
0x32: {  	s10 =	sld [smem:$0x3FB3];
	_ =	sdelay $0x3  }
0x33: {  	p0 =	seq.s32 s10, $0x1;
	s10 =	sld [smem:$0x3FB5];
	_ =	sdelay $0x3  }
0x34: {  	[smem:$0x3FB5] =	sst s10  }
0x35: {  	s10 =	sld [smem:$0x3FB4];
	_ =	sdelay $0x3  }
0x36: {  	p1 =	seq.s32 s10, $0x1;
	s10 =	sld [smem:$0x3FB5];
	_ =	sdelay $0x3  }
0x37: {  	[smem:$0x3FB5] =	sst s10  }
0x38: {  	s10 =	sld [smem:$0x3FB6]  }
0x39: {  	_ = 	snop;
	(pc) =	sbr.ind lr, $3  }
0x3a: {  	_ = 	snop  }
0x3b: {  	_ = 	snop  }
0x3c: {  	p2 =	seq.s32 s10, $0x1;
	s10 =	sld [smem:$0x3FB5]  }
0x3d: {  	_ =	shalt  }
0x3e: {  	_ =	shalt  }
0x3f: {  	_ =	shalt  }
0x40: {  	_ =	shalt  }
0x41: {  	_ =	shalt  }
0x42: {  	_ =	shalt  }
0x43: {  	_ =	shalt  }
0x44: {  	_ =	shalt  }
0x45: {  	_ =	shalt  }
0x46: {  	_ =	shalt  }
0x47: {  	_ =	shalt  }
0x48: {  	_ =	shalt  }
0x49: {  	_ =	shalt  }
0x4a: {  	_ =	shalt  }
0x4b: {  	_ =	shalt  }
0x4c: {  	_ =	shalt  }
0x4d: {  	_ =	shalt  }
0x4e: {  	_ =	shalt  }
0x4f: {  	_ =	shalt  }
0x50: {  	_ =	shalt  }
0x51: {  	_ =	shalt  }
0x52: {  	_ =	shalt  }
0x53: {  	_ =	shalt  }
0x54: {  	_ =	shalt  }
0x55: {  	_ =	shalt  }
0x56: {  	_ =	shalt  }
0x57: {  	_ =	shalt  }
0x58: {  	_ =	shalt  }
0x59: {  	_ =	shalt  }
0x5a: {  	_ =	shalt  }
0x5b: {  	_ =	shalt  }
0x5c: {  	_ =	shalt  }
0x5d: {  	_ =	shalt  }
0x5e: {  	_ =	shalt  }
0x5f: {  	_ =	shalt  }
0x60: {  	_ =	shalt  }
0x61: {  	_ =	shalt  }
0x62: {  	_ =	shalt  }
0x63: {  	_ =	shalt  }
0x64: {  	_ =	shalt  }
0x65: {  	_ =	shalt  }
0x66: {  	_ =	shalt  }
0x67: {  	_ =	shalt  }
0x68: {  	_ =	shalt  }
0x69: {  	_ =	shalt  }
0x6a: {  	_ =	shalt  }
0x6b: {  	_ =	shalt  }
0x6c: {  	_ =	shalt  }
0x6d: {  	_ =	shalt  }
0x6e: {  	_ =	shalt  }
0x6f: {  	_ =	shalt  }
0x70: {  	_ =	shalt  }
0x71: {  	_ =	shalt  }
0x72: {  	_ =	shalt  }
0x73: {  	_ =	shalt  }
0x74: {  	_ =	shalt  }
0x75: {  	_ =	shalt  }
0x76: {  	_ =	shalt  }
0x77: {  	_ =	shalt  }
0x78: {  	_ =	shalt  }
0x79: {  	_ =	shalt  }
0x7a: {  	_ =	shalt  }
0x7b: {  	_ =	shalt  }
0x7c: {  	_ =	shalt  }
0x7d: {  	_ =	shalt  }
0x7e: {  	_ =	shalt  }
0x7f: {  	_ =	shalt  }
0x80: {  	_ =	shalt  }
0x81: {  	_ =	shalt  }
0x82: {  	_ =	shalt  }
0x83: {  	_ =	shalt  }
0x84: {  	_ =	shalt  }
0x85: {  	_ =	shalt  }
0x86: {  	_ =	shalt  }
0x87: {  	_ =	shalt  }
.Lfunc_end0:
.L_simem_size_0:
called_computation_lowered:
.L_overlay_start_0:
0x88: {  	s0 =	sld [smem:$0x3FD9]  }
0x89: {  	s1 =	sld [smem:$0x3FFE];
	_ =	sdelay $0x3  }
0x8a: {  	s0 =	sadd.s32 s1, s0  }
0x8b: {  	[smem:$0x3FC1] =	sst s0  }
0x8c: {  	_ = 	snop  }
0x8d: {  	(tm) =	ssettm $0x1  }
0x8e: {  	s15 =	sld [smem:$0x3FFB];
	_ =	sdelay $0x3  }
0x8f: {  	_ =	strace s15  }
0x90: {  	s0 =	sld [smem:$0x3FFC];
	_ =	sdelay $0x3  }
0x91: {  	_ =	strace s0  }
0x92: {  	s0 =	sld [smem:$0x3FFD];
	_ =	sdelay $0x3  }
0x93: {  	_ =	strace s0  }
0x94: {  	_ =	strace $0x8FFFFFFF  }
0x95: {  	s16 =	sld [smem:$0x3FDB];
	_ =	sdelay $0x1  }
0x96: {  	s17 =	simm.s32 $_scs_section_size  }
0x97: {  	s2 =	simm.s32 $_size__tile_overlayer_lowered;
	s3 =	simm.s32 $_tile_overlayer_lowered  }
0x98: {  	s20 =	simm.s32 $0x1BFF;
	s19 =	sshll.u32 s3, $0x1;
	s0 =	sadd.s32 s17, s16  }
0x99: {  	s4 =	simm.s32 $0x0;
	s18 =	sshll.u32 s2, $0x1;
	s2 =	sadd.s32 s19, s0  }
0x9a: {  	[timem:s4], [sflag:s20] =	dma.local [hbm:s2], s18  }
0x9b: {  	_ =	swait.ge [sflag:s20], s18  }
0x9c: {  	s1 =	ssub.s32 $0x0, s18;
	[sflag:s20] =	ssyncset.done $0x0  }
0x9d: {  	[sflag:s20] =	ssyncadd.s32 s1;
	_ =	sdelay $0x1  }
0x9e: {  	s21 =	simm.s32 $0x1B8B  }
0x9f: {  	_ =	swait.ge [sflag:s21], $0x1  }
0xa0: {  	[sflag:s21] =	ssyncset.done $0x0  }
0xa1: {  	s23 =	simm.s32 $0x1B8E;
	s22 =	sld [smem:$0x3FFE];
	[sflag:s21] =	ssyncadd.s32 $0xFFFFFFFF  }
0xa2: {  	s24 =	simm.s32 $execute0_lowered;
	[smem:$0x3FD2] =	sst s23  }
0xa3: {  	s2 =	sshll.u32 s24, $0x1;
	_ =	strace $0x80000046;
	[dreg:$0x1] =	wrdreg $0xFFFFFFFF  }
0xa4: {  	s25 =	simm.s32 $_size_execute0_lowered;
	s0 =	sadd.s32 s0, s2;
	[dreg:$0x0] =	wrdreg $0x0  }
0xa5: {  	s2 =	sshll.u32 s25, $0x1;
	[dreg:$0x2] =	wrdreg s0  }
0xa6: {  	[dreg:$0x3] =	wrdreg s2  }
0xa7: {  	[dreg:$0x4] =	wrdreg $0xC0  }
0xa8: {  	_ =	task [dreg:s4], $0x5FFFF  }
0xa9: {  	[dreg:$0x1] =	wrdreg $0xFFFFFFFF  }
0xaa: {  	[dreg:$0x0] =	wrdreg $0x60  }
0xab: {  	[dreg:$0x2] =	wrdreg s22  }
0xac: {  	[dreg:$0x3] =	wrdreg $0x9  }
0xad: {  	_ =	task.clear_ibuf [dreg:s4], $0x4FFFF;
	_ =	strace $0x90000046  }
0xae: {  	s26 =	simm.s32 $0x9;
	_ =	strace $0x80000048  }
0xaf: {  	_ =	swait.ge [sflag:s26], $0x1  }
0xb0: {  	[sflag:s26] =	ssyncadd.s32 $0xFFFFFFFF  }
0xb1: {  	_ =	strace $0x90000048  }
0xb2: {  	_ =	sfence  }
0xb3: {  	s28 =	sld [smem:$0x0];
	_ =	sdelay $0x1  }
0xb4: {  	s29 =	srdreg.scid  }
0xb5: {  	s30 =	sshll.u32 s29, $0xD;
	s31 =	sshrl.u32 s29, $0x2  }
0xb6: {  	s1 =	sand.u32 $0x1, s29;
	s2 =	sand.u32 $0x4000, s30;
	s0 =	sadd.s32 s31, s28  }
0xb7: {  	s1 =	sor.u32 s2, s1;
	s0 =	sshll.u32 s0, $0x11  }
0xb8: {  	s0 =	sor.u32 s0, s1  }
0xb9: {  	s0 =	sadd.s32 $0x8F2B, s0  }
0xba: {  	[sflag:s0] =	ssyncadd.remote.s32 $0x1  }
0xbb: {  	_ =	sfence.sel $0xFFFF  }
0xbc: {  	[dreg:$0x0] =	wrdreg $0xFFFFFFFF;
	(pc) =	sbr.abs _section_cstart, $3  }
0xbd: {  	[dreg:$0x1] =	wrdreg $0xFFFFFFFF  }
0xbe: {  	_ =	task.clear_ibuf [dreg:s4], $0x2FFFF;
	_ =	strace $0x9FFFFFFF  }
0xbf: {  	(tm) =	ssettm $0x7FFFFFFF  }
tec
execute0_lowered:
.L_overlay_start_1:
0x0: {  	(tag) =	ssettag $0x1  }
0x1: {  	s0 =	rddreg [dreg:$0x0];
	s11 =	stileid.u32  }
0x2: {  	_ =	strace $0x80000047;
	s2 =	simm.s32 $0x1;
	s1 =	smin.u32 s11, $0x4  }
0x3: {  	v1 =	vimm.s32 $0xFFFFFFFF;
	[sflag:s2] =	ssyncpa.u1 $0x0;
	s1 =	sadd.s32 s11, s1  }
0x4: {  	p0 =	slt.u32 s11, $0x4;
	[tilespmem:$0x10] =	vst v1;
	s3 =	smul.u32 $0x4B0, s1;
	s1 =	simm.s32 $0x960  }
0x5: {  	v0 =	vimm.s32 $0x80000000;
	[tilespmem:$0x20] =	vst v1;
	s1 =	simm.s32 @!p0 $0x4B0  }
0x6: {  	[tilespmem:$0x30] =	vst v0;
	s1 =	sadd.s32 s1, s3  }
0x7: {  	[tilespmem:$0x40] =	vst v0;
	s4 =	smin.u32 s1, $0x5DC0  }
0x8: {  	[tilespmem:$0x50] =	vst v0;
	s6 =	ssub.s32 s4, s3  }
0x9: {  	s7 =	simm.s32 $0x2;
	[tilespmem:$0x60] =	vst v1;
	p0 =	sgt.s32 s6, $0x0  }
0xa: {  	s8 =	simm.s32 $0x8;
	s29 =	simm.s32 $0x9;
	[tilespmem:$0x70] =	vst v1;
	s6 =	simm.s32 @!p0 $0x0  }
0xb: {  	s16 =	simm.s32 $0x0;
	s17 =	simm.s32 $0xF0;
	[tilespmem:$0x80] =	vst v1;
	s28 =	sand.u32 $0xFFF0, s6  }
0xc: {  	s18 =	simm.s32 $0xFFFFFFFF;
	s19 =	simm.s32 $0xFFFFF7A0;
	v1 =	vimm.s32 $0x0;
	[tilespmem:$0xB0] =	vst v0;
	s1 =	sshrl.u32 s28, $0x4  }
0xd: {  	s20 =	simm.s32 $0xFFFFFFFE;
	s21 =	simm.s32 $0xF;
	[tilespmem:$0x90] =	vst v1;
	s5 =	smul.u32 $0x36A, s1  }
0xe: {  	s25 =	simm.s32 $0x0;
	[tilespmem:$0xA0] =	vst v1;
	[sflag:s7] =	ssyncpa.u1 $0x0;
	s7 =	simm.s32 $0x7  }
0xf: {  	s24 =	simm.s32 $0x0;
	[sflag:s7] =	ssyncpa.u1 $0x0;
	s9 =	sshrl.u32 s5, $0x10  }
0x10: {  	s14 =	sshllo.u32 s11, $0x1;
	[sflag:s8] =	ssyncpa.u1 $0x0;
	s10 =	smul.u32 $0x4B0, s9  }
0x11: {  	s23 =	smov.u32 s3;
	[sflag:s29] =	ssyncpa.u1 $0x0;
	s1 =	sadd.s32 $0x5FA00, s0  }
.Ltmp0:
0x12: {  	s5 =	sadd.s32 $0x600, s0;
	p0 =	sne.s32 s6, s10;
	(pc) =	sbr.rel .LBB2_1-.Ltmp0, $4  }
0x13: {  	s0 =	sadd.s32 $0x1200, s0;
	s10 =	sshll.u32 s11, $0x1;
	s2 =	simm.s32 @!p0 $0x0  }
0x14: {  	[dreg:$0x2] =	wrdreg s0;
	s31 =	sor.u32 $0x81, s10;
	s9 =	sadd.s32 s9, s2  }
0x15: {  	vm0 =	vmmov $0xffff;
	v2 =	vlaneseq.u32;
	s15 =	sor.u32 $0x80, s10;
	[dreg:$0x4] =	wrdreg s31;
	s30 =	sadd.s32 $0x1, s9  }
0x16: {  	vm1 =	vmxor vm1, vm1;
	vm2 =	vmmov $0x1;
	vm3 =	vcmask $0x3F3C;
	p0 =	por $0x0, $0x0;
	s12 =	sadd.s32 $0x2, s9;
	[dreg:$0x3] =	wrdreg s30  }
.LBB2_9:
0x17: {  	p1 =	slt.u32 s24, $0x3  }
0x18: {  	s0 =	simm.s32 @!p1 $0x2  }
0x19: {  	_ =	swait.ge @!p1 [sflag:s0], $0x4B0  }
0x1a: {  	[sflag:s0] =	ssyncset.done @!p1 $0x0  }
0x1b: {  	[sflag:s0] =	ssyncadd.s32 @!p1 $0xFFFFFB50;
	s0 =	simm.s32 @!p1 $0x9  }
0x1c: {  	_ =	swait.ge @!p1 [sflag:s0], $0x10  }
0x1d: {  	[sflag:s0] =	ssyncset.done @!p1 $0x0  }
0x1e: {  	[sflag:s0] =	ssyncadd.s32 @!p1 $0xFFFFFFF0;
	p1 =	sne.s32 s24, s12  }
.Ltmp1:
0x1f: {  	s2 =	sadd.s32 $0x4B0, s23;
	(pc) =	sbr.rel @!p1 .LBB2_10-.Ltmp1, $4  }
0x20: {  	s6 =	smov.u32 s3;
	s31 =	sadd.s32 $0x1, s24;
	s17 =	sadd.s32 $0x4B0, s17  }
0x21: {  	s18 =	sadd.s32 $0x1, s18;
	s25 =	smov.u32 s23;
	p2 =	slt.s32 s2, s4  }
0x22: {  	p0 =	por !p0, !p0;
	s19 =	sadd.s32 $0x4B0, s19;
	s6 =	smov.u32 @p2 s2  }
0x23: {  	s20 =	sadd.s32 $0x1, s20;
	s23 =	smov.u32 s6;
	s24 =	smov.u32 s31  }
.LBB2_1:
0x24: {  	p1 =	sge.u32 s24, s9  }
0x25: {  	s0 =	smulhi.u32 @!p1 $0xAAAAAAAB, s24;
	_ =	sdelay $0x1  }
0x26: {  	s0 =	sshrl.u32 @!p1 s0, $0x1  }
0x27: {  	s0 =	smul.u32 @!p1 $0x3, s0;
	_ =	sdelay $0x1  }
0x28: {  	s0 =	ssub.s32 @!p1 s24, s0  }
0x29: {  	s0 =	smul.u32 @!p1 $0x12C0, s0;
	_ =	sdelay $0x1  }
0x2a: {  	s2 =	sshrl.u32 @!p1 s23, $0x3;
	s0 =	sshrl.u32 @!p1 s0, $0x2  }
0x2b: {  	s6 =	sand.u32 @!p1 $0x7, s23;
	s2 =	sadd.s32 @!p1 s5, s2;
	s0 =	sadd.s32 @!p1 $0x100, s0  }
0x2c: {  	[tilespmem:s0], [sflag:$0x7] =	stream.linear.gather @!p1 [hbm4b:s2+s6], $0x4B0, $0x38;
	[tilespmem:$0x2B50] =	vst v63  }
0x2d: {  	s0 =	sadd.s32 $0xFFFFFFFF, s24  }
0x2e: {  	p1 =	sge.u32 s0, s9  }
.Ltmp2:
0x2f: {  	_ = 	snop;
	(pc) =	sbr.rel @p1 .LBB2_5-.Ltmp2, $1  }
0x30: {  	_ =	sdelay $0x3  }
0x31: {  	s2 =	smulhi.u32 $0xAAAAAAAB, s0;
	_ =	sdelay $0x1  }
0x32: {  	s2 =	sshrl.u32 s2, $0x1  }
0x33: {  	s2 =	smul.u32 $0x3, s2;
	_ =	sdelay $0x1  }
0x34: {  	s2 =	ssub.s32 s0, s2  }
0x35: {  	s2 =	smul.u32 $0x12C0, s2  }
0x36: {  	_ =	swait.ge [sflag:s7], $0x4B0  }
0x37: {  	[sflag:s7] =	ssyncset.done $0x0;
	s2 =	sshrl.u32 s2, $0x2  }
0x38: {  	[sflag:s7] =	ssyncadd.s32 $0xFFFFFB50;
	(ifvalue) =	ssetifvalue $0xFFFFFFFF;
	v3 =	vld.msk [tilespmem:s2+$0x100 ss:$0x1], $0xffff;
	_ =	sdelay $0x2  }
0x39: {  	s30 =	smulhi.u32 $0xAAAAAAAB, s18;
	p1 =	sne.s32 s24, $0x1  }
0x3a: {  	v4 =	vimm.s32 @!p1 $0x0  }
0x3b: {  	s2 =	sshrl.u32 s30, $0x1;
	v4 =	vperm.xlane @!p1 v3, v4  }
0x3c: {  	s6 =	sshll.u32 s24, $0x4;
	s2 =	smul.u32 $0xFFFFC7C0, s2;
	vm4 =	vlt.u32 v3, $0x7A400  }
0x3d: {  	s6 =	sand.u32 $0x10, s6;
	v3 =	vnsel vm4, $0xFFFFFFFE, v3;
	vm4 =	vlt.u32 @!p1 v4, $0x7A400  }
0x3e: {  	s2 =	sshra.s32 s2, $0x2;
	[tilespmem:s6+$0x60] =	vst v3;
	v3 =	vnsel @!p1 vm4, $0xFFFFFFFE, v4  }
0x3f: {  	s26 =	sadd.s32 s2, s17;
	[tilespmem:$0x80] =	vst @!p1 v3  }
0x40: {  	v3 =	vld.msk [tilespmem:s26+$0x0 ss:$0x1], $0xffff;
	_ =	sdelay $0x4  }
0x41: {  	(xrf1) =	vunique.msk.u32 $0xffff, v3;
	_ =	sdelay $0xd  }
0x42: {  	v4 =	vimm.s32 $0xFFFFFFFF;
	v5, _, _ =	vpop (xrf1)  }
0x43: {  	vm5 =	vne.s32 v3, v4;
	vm4 =	veq.s32 v5, v2  }
0x44: {  	vm6 =	vlt.u32 v3, $0x7A400;
	vm4 =	vmand vm5, vm4  }
0x45: {  	vm4 =	vmand vm6, vm4  }
0x46: {  	v4 =	vnsel vm4, $0xFFFFFFFF, v3  }
0x47: {  	s31 =	sand.u32 $0x1, s0  }
0x48: {  	s0 =	simm.s32 $0x4B0;
	p1 =	seq.s32 s31, $0x1  }
0x49: {  	s0 =	simm.s32 @!p1 $0x0  }
0x4a: {  	s2 =	sadd.s32 $0x13B0, s0;
	(ifvalue) =	ssetifvalue $0xFFFFFFFF  }
0x4b: {  	v3 =	vperm.xlane v3, v1;
	[tilespmem:s2], [sflag:$0x8] =	stream.indirect_vreg.gather [hbm4b:s1+s16], $0x1, v4, vm0, $0x4038;
	v4 =	vnsel vm6, $0xFFFFFFFE, v4;
	[tilespmem:$0x2B50] =	vst v63  }
0x4c: {  	s22 =	sadd.s32 $0xFFFFFFF0, s26;
	s6 =	simm.s32 $0x0;
	[tilespmem:s26+$0x0] =	vst v4  }
.LBB2_3:
0x4d: {  	v4 =	vld.msk [tilespmem:s22+$0x0 ss:$0x1], $0xffff;
	s6 =	sadd.s32 $0x10, s6;
	v5 =	vmov v3;
	s26 =	smov.u32 s22  }
0x4e: {  	p1 =	slt.u32 s6, $0x4A0;
	_ =	sdelay $0x4  }
0x4f: {  	v3 =	vperm.xlane v4, v1;
	(xrf1) =	vunique.msk.u32 $0xffff, v4;
	_ =	sdelay $0xd  }
0x50: {  	v6, _, _ =	vpop (xrf1)  }
0x51: {  	vm5 =	vne.s32 v4, v5;
	vm4 =	veq.s32 v6, v2  }
0x52: {  	vm6 =	vlt.u32 v4, $0x7A400;
	vm4 =	vmand vm5, vm4  }
0x53: {  	vm4 =	vmand vm6, vm4  }
0x54: {  	v4 =	vnsel vm4, $0xFFFFFFFF, v4  }
.Ltmp3:
0x55: {  	v5 =	vnsel vm6, $0xFFFFFFFE, v4;
	(pc) =	sbr.rel @p1 .LBB2_3-.Ltmp3, $3  }
0x56: {  	_ =	sdelay $0x1  }
0x57: {  	s22 =	sadd.s32 $0xFFFFFFF0, s22;
	s2 =	sadd.s32 $0xFFFFFFF0, s2;
	(ifvalue) =	ssetifvalue $0xFFFFFFFF  }
0x58: {  	[tilespmem:s2], [sflag:$0x8] =	stream.indirect_vreg.gather [hbm4b:s1+s16], $0x1, v4, vm0, $0x4038;
	[tilespmem:s26+$0x0] =	vst v5  }
0x59: {  	s2 =	sshrl.u32 s25, $0x3;
	s6 =	rddreg [dreg:$0x2]  }
0x5a: {  	s0 =	sadd.s32 $0x1870, s0;
	s2 =	sadd.s32 s6, s2  }
0x5b: {  	[tilespmem:s0], [sflag:$0x8] =	stream.linear.gather [hbm:s2], $0x4B0, $0x38;
	[tilespmem:$0x2B50] =	vst v63  }
.LBB2_5:
0x5c: {  	p1 =	slt.u32 s24, $0x2  }
0x5d: {  	p2 =	sge.u32 @!p1 s24, s12  }
0x5e: {  	p1 =	por p1, p2  }
.Ltmp4:
0x5f: {  	_ = 	snop;
	(pc) =	sbr.rel @p1 .LBB2_9-.Ltmp4, $1  }
0x60: {  	_ =	sdelay $0x3  }
0x61: {  	s0 =	sadd.s32 $0xFFFFFFFE, s24  }
0x62: {  	s2 =	smulhi.u32 $0xAAAAAAAB, s0;
	_ =	sdelay $0x1  }
0x63: {  	s2 =	sshrl.u32 s2, $0x1  }
0x64: {  	s2 =	smul.u32 $0x3, s2;
	_ =	sdelay $0x1  }
0x65: {  	_ =	swait.ge [sflag:s8], $0x960;
	s0 =	ssub.s32 s0, s2  }
0x66: {  	s6 =	rddreg [dreg:$0x3];
	s0 =	smul.u32 $0x4B0, s0  }
0x67: {  	[sflag:s8] =	ssyncset.done $0x0;
	p1 =	sne.s32 s24, s6  }
0x68: {  	[sflag:s8] =	ssyncadd.s32 $0xFFFFF6A0;
	s6 =	rddreg [dreg:$0x4];
	s2 =	sadd.s32 @!p1 $0x5AF, s0  }
0x69: {  	[spmem:s6] =	stream.linear.scatter @!p1 [tilespmem:s2], [sflag:$0x1], $0x1, $0x38;
	[tilespmem:$0x2B50] =	vst v63  }
0x6a: {  	s2 =	simm.s32 @!p1 $0x1  }
0x6b: {  	_ =	swait.ge @!p1 [sflag:s2], $0x1  }
0x6c: {  	s11 =	sshll.u32 s24, $0x4;
	[sflag:s2] =	ssyncset.done @!p1 $0x0  }
0x6d: {  	s25 =	sand.u32 $0x10, s11;
	[sflag:s2] =	ssyncadd.s32 @!p1 $0xFFFFFFFF  }
0x6e: {  	s2 =	sxor.u32 $0x10, s25;
	v4 =	vld [tilespmem:s25+$0x10]  }
0x6f: {  	v5 =	vld [tilespmem:s2+$0x60]  }
0x70: {  	v3 =	vld [tilespmem:$0x80];
	_ =	sdelay $0x2  }
0x71: {  	(v2sf) =	vpush v4, $0x0  }
0x72: {  	(v2sf) =	vpush v5, $0x0  }
0x73: {  	(v2sf) =	vpush v3, $0x0;
	_ =	sdelay $0xc  }
0x74: {  	s13 =	spop (v2sf)  }
0x75: {  	s22 =	spop (v2sf)  }
0x76: {  	s26 =	spop (v2sf)  }
0x77: {  	p2 =	seq.s32 s13, s22;
	p3 =	seq.s32 s26, s13  }
0x78: {  	p3 =	por p2, p3  }
0x79: {  	s22 =	sand.u32 $0x1, s24;
	v4 =	vpsel p3, $0xFFFFFFFF, v4  }
0x7a: {  	s28 =	smul.u32 $0x4B0, s22;
	[tilespmem:s25+$0x10] =	vst.msk $0x1, v4  }
0x7b: {  	v4 =	vld [tilespmem:$0x30]  }
0x7c: {  	v5 =	vld [tilespmem:s28+$0x1870]  }
0x7d: {  	v6 =	vld [tilespmem:s25+$0x40];
	_ =	sdelay $0x3  }
0x7e: {  	vm4 =	vmmov vm1;
	vm6 =	vmmov vm2;
	vm5 =	vgt.s32 v4, v5  }
0x7f: {  	vm4 =	vmmov @p2 vm2;
	v5 =	vsel vm5, v4, v5;
	vm5 =	vgt.s32 v4, v6  }
0x80: {  	s6 =	sshll.u32 s22, $0x4;
	vm6 =	vmmov @p3 vm1;
	v4 =	vsel vm5, v4, v6;
	[tilespmem:s28+$0x1870] =	vst.msk vm4, v5  }
0x81: {  	[tilespmem:s6+$0x2B30] =	vst.msk vm6, v4  }
0x82: {  	v4 =	vld [tilespmem:s28+$0x13B0];
	_ =	sdelay $0x4  }
0x83: {  	v4 =	vshift.insert v4, v1, s21  }
0x84: {  	s11 =	sor.u32 $0x40, s2  }
0x85: {  	v5 =	vimm.s32 $0x80000000;
	[tilespmem:s11+$0x0] =	vst.msk $0x1, v4  }
0x86: {  	[tilespmem:s28+$0x13BF] =	vst.msk $0x1, v5  }
0x87: {  	v4 =	vld [tilespmem:s0+$0x5A0];
	_ =	sdelay $0x1  }
0x88: {  	s0 =	simm.s32 $0x1  }
0x89: {  	s13 =	smulhi.u32 $0xAAAAAAAB, s20;
	s0 =	simm.s32 @!p0 $0x0  }
0x8a: {  	s0 =	smul.u32 $0x12C0, s0  }
0x8b: {  	s22 =	sshrl.u32 s13, $0x1;
	v4 =	vshift.insert v4, v1, s21  }
0x8c: {  	s22 =	smul.u32 $0xFFFFC7C0, s22;
	s0 =	sshrl.u32 s0, $0x2  }
0x8d: {  	s11 =	sadd.s32 $0x1870, s0;
	[tilespmem:s2+$0x10] =	vst.msk $0x1, v4  }
0x8e: {  	s22 =	sshra.s32 s22, $0x2;
	v6 =	vld [tilespmem:s11+$0x0]  }
0x8f: {  	s2 =	sadd.s32 s22, s19  }
0x90: {  	v7 =	vld [tilespmem:s2+$0x0];
	_ =	sdelay $0x2  }
0x91: {  	vm4 =	vgt.s32 v6, v5  }
0x92: {  	v5 =	vsel vm4, v6, v5  }
0x93: {  	vm4 =	vne.s32 v7, $0xFFFFFFFF;
	v5 =	vxor.u32 $0x80000000, v5  }
0x94: {  	(xrf0) =	vmax.seg.scan.u32 vm4, v5  }
0x95: {  	s13 =	sadd.s32 $0xF10, s0  }
0x96: {  	v8 =	vld [tilespmem:s13+$0x0]  }
0x97: {  	v6 =	vld [tilespmem:$0xA0];
	_ =	sdelay $0x2  }
0x98: {  	v5 =	vperm.xlane v4, v1;
	v9, _, _ =	vpop (xrf0)  }
0x99: {  	vm6 =	veq.s32 v7, v3;
	v9 =	vxor.u32 $0x80000000, v9  }
0x9a: {  	vm8 =	veq.s32 v7, v5;
	vm5 =	veq.s32 v6, $0x1;
	vm7 =	vgt.s32 v9, v8  }
0x9b: {  	vm8 =	vmor vm8, vm6;
	v6 =	vsel vm7, v9, v8;
	vm7 =	vgt.u32 v7, $0xFFFFFFFD  }
0x9c: {  	v10 =	vld [tilespmem:$0x90];
	vm9 =	vmand vm4, vm3;
	vm4 =	vmor vm5, vm6;
	vm5 =	vmor vm8, vm7  }
0x9d: {  	v8 =	vsel vm5, $0xFFFFFFFF, v7;
	_ =	sdelay $0x1  }
0x9e: {  	s31 =	simm.s32 $0x0;
	s29 =	sadd.s32 $0x2B30, s6  }
0x9f: {  	s30 =	sadd.s32 $0x21D0, s0;
	s0 =	sadd.s32 $0x10, s11;
	s6 =	sadd.s32 $0x10, s13;
	v11 =	vsel vm9, $0x80000000, v9;
	v6 =	vsel vm6, v9, v6  }
0xa0: {  	s22 =	sadd.s32 $0x10, s30;
	s2 =	sadd.s32 $0x10, s2;
	[tilespmem:s30+$0x0] =	vst v6;
	v6 =	vsel vm6, v9, v10;
	v7 =	vshift.insert v11, v0, s21;
	(ifvalue) =	ssetifvalue $0xFFFFFFFF  }
.LBB2_7:
0xa1: {  	[hbm4b:s1+s16] =	stream.indirect_vreg.scatter [tilespmem:s30], [sflag:$0x2], $0x1, v8, vm0, $0x4038;
	[tilespmem:$0x2B50] =	vst v63  }
0xa2: {  	s31 =	sadd.s32 $0x10, s31;
	s30 =	smov.u32 s22;
	v8 =	vld [tilespmem:s0+$0x0]  }
0xa3: {  	p2 =	slt.u32 s31, $0x4A0  }
0xa4: {  	v9 =	vld [tilespmem:s2+$0x0];
	_ =	sdelay $0x2  }
0xa5: {  	vm5 =	vgt.s32 v8, v7  }
0xa6: {  	v7 =	vsel vm5, v8, v7  }
0xa7: {  	vm5 =	vne.s32 v9, $0xFFFFFFFF;
	v7 =	vxor.u32 $0x80000000, v7  }
0xa8: {  	(xrf0) =	vmax.seg.scan.u32 vm5, v7;
	_ =	sdelay $0x2  }
0xa9: {  	v7 =	vld [tilespmem:s6+$0x0];
	_ =	sdelay $0x1  }
0xaa: {  	vm6 =	veq.s32 v9, v3;
	vm7 =	veq.s32 v9, v5  }
0xab: {  	vm8 =	vgt.u32 v9, $0xFFFFFFFD;
	vm4 =	vmor vm4, vm6;
	vm7 =	vmor vm7, vm6;
	v8, _, _ =	vpop (xrf0)  }
0xac: {  	vm5 =	vmand vm5, vm3;
	vm7 =	vmor vm7, vm8;
	v10 =	vxor.u32 $0x80000000, v8  }
.Ltmp5:
0xad: {  	v8 =	vsel vm7, $0xFFFFFFFF, v9;
	vm7 =	vgt.s32 v10, v7;
	v9 =	vsel vm5, $0x80000000, v10;
	(pc) =	sbr.rel @p2 .LBB2_7-.Ltmp5, $4  }
0xae: {  	v6 =	vsel vm6, v10, v6;
	v11 =	vsel vm7, v10, v7;
	v7 =	vshift.insert v9, v0, s21  }
0xaf: {  	v9 =	vsel vm6, v10, v11  }
0xb0: {  	s0 =	sadd.s32 $0x10, s0;
	s2 =	sadd.s32 $0x10, s2;
	[tilespmem:s22+$0x0] =	vst v9  }
0xb1: {  	s6 =	sadd.s32 $0x10, s6;
	s22 =	sadd.s32 $0x10, s22;
	(ifvalue) =	ssetifvalue $0xFFFFFFFF  }
0xb2: {  	_ =	sdelay $0x3  }
0xb3: {  	[hbm4b:s1+s16] =	stream.indirect_vreg.scatter [tilespmem:s30], [sflag:$0x2], $0x1, v8, vm0, $0x4038;
	[tilespmem:$0x2B50] =	vst v63  }
0xb4: {  	v3 =	vld [tilespmem:s28+$0x2670];
	_ =	sdelay $0x4  }
0xb5: {  	v3 =	vshift.insert v3, v1, s21  }
0xb6: {  	s0 =	simm.s32 $0x30  }
0xb7: {  	[tilespmem:s0+$0x0] =	vst.msk $0x1, v3  }
0xb8: {  	v3 =	vsel vm4, $0x1, v1;
	[tilespmem:$0x90] =	vst v6  }
0xb9: {  	s0 =	sadd.s32 @!p1 $0x267F, s28;
	[tilespmem:$0xA0] =	vst v3  }
0xba: {  	[spmem:s14] =	stream.linear.scatter @!p1 [tilespmem:s0], [sflag:$0x1], $0x1, $0x38;
	[tilespmem:$0x2B50] =	vst v63  }
0xbb: {  	s0 =	simm.s32 @!p1 $0x1  }
0xbc: {  	v3 =	vmctz.xlane @!p1 vm4;
	_ =	swait.ge @!p1 [sflag:s0], $0x1  }
0xbd: {  	(v2sf) =	vpush @!p1 v4, $0x0  }
0xbe: {  	(v2sf) =	vpush @!p1 v3, $0x0;
	_ =	sdelay $0xd  }
0xbf: {  	s2 =	spop @!p1 (v2sf)  }
0xc0: {  	s6 =	spop @!p1 (v2sf)  }
0xc1: {  	p2 =	sne.s32 @!p1 s26, s2;
	p3 =	slt.s32 @!p1 s6, $0xF  }
0xc2: {  	[sflag:s0] =	ssyncset.done @!p1 $0x0;
	p2 =	por p2, p1;
	p3 =	por !p3, p1  }
0xc3: {  	[sflag:s0] =	ssyncadd.s32 @!p1 $0xFFFFFFFF;
	v3 =	vimm.s32 @!p2 $0xFFFFFFFF;
	s6 =	simm.s32 @p3 $0xF  }
0xc4: {  	[tilespmem:$0x80] =	vst @!p2 v3;
	s2 =	sadd.s32 @!p1 $0x90, s6  }
0xc5: {  	[spmem:s10] =	stream.linear.scatter @!p1 [tilespmem:s2], [sflag:$0x1], $0x1, $0x38;
	[tilespmem:$0x2B50] =	vst v63  }
0xc6: {  	_ =	swait.ge @!p1 [sflag:s0], $0x1  }
0xc7: {  	[sflag:s0] =	ssyncset.done @!p1 $0x0  }
0xc8: {  	s2 =	simm.s32 @!p1 $0x80;
	[sflag:s0] =	ssyncadd.s32 @!p1 $0xFFFFFFFF  }
0xc9: {  	[spmem:s15] =	stream.linear.scatter @!p1 [tilespmem:s2], [sflag:$0x1], $0x1, $0x38;
	[tilespmem:$0x2B50] =	vst v63  }
0xca: {  	_ =	swait.ge @!p1 [sflag:s0], $0x1  }
0xcb: {  	[sflag:s0] =	ssyncset.done @!p1 $0x0  }
0xcc: {  	[sflag:s0] =	ssyncadd.s32 @!p1 $0xFFFFFFFF;
	(ifvalue) =	ssetifvalue $0xFFFFFFFF;
	v3 =	vld [tilespmem:s25+$0x10];
	_ =	sdelay $0x3  }
.Ltmp6:
0xcd: {  	_ = 	snop;
	(pc) =	sbr.rel .LBB2_9-.Ltmp6, $3  }
0xce: {  	_ =	sdelay $0x1  }
0xcf: {  	(ifvalue) =	ssetifvalue $0xFFFFFFFF  }
0xd0: {  	[hbm4b:s1+s16] =	stream.indirect_vreg.scatter [tilespmem:s29], [sflag:$0x9], $0x1, v3, vm0, $0x4038;
	[tilespmem:$0x2B50] =	vst v63  }
.LBB2_10:
0xd1: {  	_ =	sfence.sel $0x180000  }
0xd2: {  	s0 =	simm.s32 $0x7;
	[bflag:$0x0] =	sbarrier.arrive $0xFFFF  }
0xd3: {  	s26 =	simm.s32 $0x8;
	[sflag:s0] =	ssyncpa.u1 $0x1  }
0xd4: {  	s28 =	simm.s32 $0x9;
	[sflag:s26] =	ssyncpa.u1 $0x1  }
0xd5: {  	[sflag:s28] =	ssyncpa.u1 $0x1  }
0xd6: {  	_ =	sfence.stream.spmem  }
0xd7: {  	s29 =	simm.s32 $0x3;
	[bflag:$0x0] =	sbarrier.arrive $0xFFFF  }
0xd8: {  	s30 =	simm.s32 $0x4;
	[sflag:s29] =	ssyncpa.u1 $0x1  }
0xd9: {  	s31 =	simm.s32 $0x3C;
	s2 =	stileid.u32;
	[sflag:s30] =	ssyncpa.u1 $0x1  }
0xda: {  	p0 =	sne.s32 s2, $0x0;
	[sflag:s31] =	ssyncpa.u1 $0x1  }
0xdb: {  	s0 =	simm.s32 @p0 $0x1;
	_ =	sfence @p0  }
0xdc: {  	[sflag:s0] =	ssyncpa.u1 @p0 $0x1;
	s0 =	simm.s32 @p0 $0x2  }
0xdd: {  	[sflag:s0] =	ssyncpa.u1 @p0 $0x1  }
0xde: {  	_ =	strace @p0 $0x90000047  }
0xdf: {  	[bflag:$0x2] =	sbarrier.arrive @p0 $0xFFFF  }
0xe0: {  	_ =	shalt @p0  }
.LBB2_11:
0xe1: {  	_ =	sfence.stream.spmem;
	s0 =	simm.s32 $0x5  }
0xe2: {  	s2 =	simm.s32 $0x80;
	s3 =	simm.s32 $0xC0;
	[sflag:s0] =	ssyncpa.u1 $0x0  }
0xe3: {  	[tilespmem:s3], [sflag:$0x5] =	stream.linear.gather [spmem:s2], $0x20, $0x38;
	[tilespmem:$0x2B50] =	vst v63  }
0xe4: {  	s30 =	simm.s32 $0xE0;
	s2 =	simm.s32 $0x0  }
0xe5: {  	[tilespmem:s30], [sflag:$0x5] =	stream.linear.gather [spmem:s2], $0x20, $0x38;
	[tilespmem:$0x2B50] =	vst v63  }
.Ltmp7:
0xe6: {  	_ = 	snop;
	(pc) =	sbr.rel .LBB2_12-.Ltmp7, $4  }
0xe7: {  	_ =	swait.ge [sflag:s0], $0x40  }
0xe8: {  	[sflag:s0] =	ssyncset.done $0x0  }
0xe9: {  	s31 =	simm.s32 $0x6;
	[sflag:s0] =	ssyncadd.s32 $0xFFFFFFC0  }
0xea: {  	s3 =	simm.s32 $0x0;
	[sflag:s31] =	ssyncpa.u1 $0x0  }
.LBB2_17:
0xeb: {  	p0 =	sgt.u32 s4, $0x7A3FF  }
0xec: {  	s0 =	sshrl.u32 @!p0 s4, $0x3  }
0xed: {  	s4 =	sand.u32 @!p0 $0x7, s4;
	s5 =	simm.s32 @!p0 $0xB0;
	s0 =	sadd.s32 @!p0 s1, s0  }
0xee: {  	[tilespmem:s5], [sflag:$0x6] =	stream.linear.gather @!p0 [hbm4b:s0+s4], $0x1, $0x38;
	[tilespmem:$0x2B50] =	vst v63  }
0xef: {  	s0 =	simm.s32 @!p0 $0x6  }
0xf0: {  	_ =	swait.ge @!p0 [sflag:s0], $0x1  }
0xf1: {  	[sflag:s0] =	ssyncset.done @!p0 $0x0  }
0xf2: {  	[sflag:s0] =	ssyncadd.s32 @!p0 $0xFFFFFFFF  }
0xf3: {  	v1 =	vld.msk @!p0 [tilespmem:$0xB0], $0x1  }
0xf4: {  	v2 =	vld.msk @!p0 [tilespmem:s3+$0xE0], $0x1;
	_ =	sdelay $0x4  }
0xf5: {  	vm0 =	vgt.s32 @!p0 v2, v1  }
0xf6: {  	v1 =	vsel @!p0 vm0, v2, v1  }
0xf7: {  	[tilespmem:s3+$0xE0] =	vst.msk @!p0 $0x1, v1  }
0xf8: {  	[tilespmem:s2+$0xC0] =	vst.msk $0x1, v0  }
0xf9: {  	v0 =	vld.msk [tilespmem:s3+$0xE0], $0x1;
	_ =	sdelay $0x4  }
0xfa: {  	[tilespmem:s2+$0xE0] =	vst.msk $0x1, v0;
	s2 =	sadd.s32 $0x1, s2  }
.LBB2_19:
0xfb: {  	s3 =	sadd.s32 $0x1, s3  }
0xfc: {  	p0 =	sne.s32 s3, $0x20  }
.Ltmp8:
0xfd: {  	_ = 	snop;
	(pc) =	sbr.rel @!p0 .LBB2_20-.Ltmp8, $1  }
0xfe: {  	_ =	sdelay $0x3  }
.LBB2_12:
0xff: {  	v0 =	vld.msk [tilespmem:s3+$0xC0], $0x1;
	_ =	sdelay $0x4  }
0x100: {  	(v2sf) =	vpush v0, $0x0;
	_ =	sdelay $0xe  }
0x101: {  	s4 =	spop (v2sf)  }
0x102: {  	p0 =	seq.s32 s4, $0xFFFFFFFF  }
.Ltmp9:
0x103: {  	_ = 	snop;
	(pc) =	sbr.rel @p0 .LBB2_19-.Ltmp9, $1  }
0x104: {  	_ =	sdelay $0x3  }
0x105: {  	p0 =	slt.s32 s2, $0x1  }
.Ltmp10:
0x106: {  	_ = 	snop;
	(pc) =	sbr.rel @p0 .LBB2_17-.Ltmp10, $1  }
0x107: {  	_ =	sdelay $0x3  }
0x108: {  	s0 =	simm.s32 $0xC0;
	p0 =	por $0x0, $0x0  }
0x109: {  	v1 =	vld.msk @!p0 [tilespmem:s0+$0x0], $0x1;
	_ =	sdelay $0x4  }
0x10a: {  	(v2sf) =	vpush @!p0 v1, $0x0;
	_ =	sdelay $0xd  }
0x10b: {  	p2 =	sne.s32 s2, $0x1  }
.Ltmp11:
0x10c: {  	s5 =	spop @!p0 (v2sf);
	(pc) =	sbr.rel @!p2 .LBB2_16-.Ltmp11, $4  }
0x10d: {  	p1 =	seq.s32 @!p0 s4, s5  }
0x10e: {  	s5 =	simm.s32 $0x0;
	p1 =	por !p1, p0  }
0x10f: {  	s7 =	simm.s32 $0xFFFFFFFF;
	s5 =	simm.s32 @p1 $0xFFFFFFFF  }
0x110: {  	s6 =	simm.s32 $0x1;
	s5 =	smov.u32 @p0 s7  }
.LBB2_15:
0x111: {  	s7 =	smov.u32 s5;
	p0 =	sne.s32 s5, $0xFFFFFFFF  }
0x112: {  	s0 =	sadd.s32 $0x1, s0;
	s5 =	smov.u32 s6;
	s6 =	sadd.s32 $0x1, s6  }
0x113: {  	p1 =	sne.s32 s2, s6;
	v1 =	vld.msk @!p0 [tilespmem:s0+$0x0], $0x1;
	_ =	sdelay $0x4  }
0x114: {  	(v2sf) =	vpush @!p0 v1, $0x0;
	_ =	sdelay $0xe  }
.Ltmp12:
0x115: {  	s8 =	spop @!p0 (v2sf);
	(pc) =	sbr.rel @p1 .LBB2_15-.Ltmp12, $4  }
0x116: {  	p2 =	seq.s32 @!p0 s4, s8  }
0x117: {  	p2 =	por !p2, p0  }
0x118: {  	s5 =	simm.s32 @p2 $0xFFFFFFFF  }
0x119: {  	s5 =	smov.u32 @p0 s7  }
.LBB2_16:
0x11a: {  	p0 =	sne.s32 s5, $0xFFFFFFFF  }
.Ltmp13:
0x11b: {  	_ = 	snop;
	(pc) =	sbr.rel @!p0 .LBB2_17-.Ltmp13, $1  }
0x11c: {  	_ =	sdelay $0x3  }
0x11d: {  	v0 =	vld.msk [tilespmem:s3+$0xE0], $0x1  }
0x11e: {  	v1 =	vld.msk [tilespmem:s5+$0xE0], $0x1;
	_ =	sdelay $0x2  }
.Ltmp14:
0x11f: {  	_ = 	snop;
	(pc) =	sbr.rel .LBB2_19-.Ltmp14, $4  }
0x120: {  	_ = 	snop  }
0x121: {  	vm0 =	vgt.s32 v1, v0  }
0x122: {  	v0 =	vsel vm0, v1, v0  }
0x123: {  	[tilespmem:s5+$0xE0] =	vst.msk $0x1, v0  }
.LBB2_20:
0x124: {  	p0 =	slt.s32 s2, $0x1  }
.Ltmp15:
0x125: {  	_ = 	snop;
	(pc) =	sbr.rel @p0 .LBB2_24-.Ltmp15, $3  }
0x126: {  	_ =	sdelay $0x1  }
0x127: {  	s0 =	simm.s32 $0x6  }
0x128: {  	s3 =	simm.s32 $0x0;
	[sflag:s0] =	ssyncpa.u1 $0x1  }
0x129: {  	s0 =	simm.s32 $0xC0  }
0x12a: {  	v0 =	vld.msk [tilespmem:s0+$0x0], $0x1;
	_ =	sdelay $0x4  }
0x12b: {  	(v2sf) =	vpush v0, $0x0;
	_ =	sdelay $0xe  }
0x12c: {  	s2 =	sadd.s32 $0xFFFFFFFF, s2;
	s4 =	spop (v2sf)  }
0x12d: {  	p1 =	sne.s32 s2, $0x0;
	p0 =	sgt.u32 s4, $0x7A3FF  }
.Ltmp16:
0x12e: {  	s5 =	sshrl.u32 @!p0 s4, $0x3;
	(pc) =	sbr.rel @!p1 .LBB2_23-.Ltmp16, $4  }
0x12f: {  	s0 =	simm.s32 $0xE0;
	s4 =	sand.u32 @!p0 $0x7, s4;
	s5 =	sadd.s32 @!p0 s1, s5  }
0x130: {  	[hbm4b:s5+s4] =	stream.linear.scatter @!p0 [tilespmem:s0], [sflag:$0x5], $0x1, $0x38;
	[tilespmem:$0x2B50] =	vst v63  }
0x131: {  	s5 =	simm.s32 $0x0  }
0x132: {  	s4 =	simm.s32 $0xC1;
	s5 =	simm.s32 @!p0 $0x4  }
.LBB2_22:
0x133: {  	v0 =	vld.msk [tilespmem:s4+$0x0], $0x1;
	s2 =	sadd.s32 $0xFFFFFFFF, s2;
	s3 =	sadd.s32 s3, s5  }
0x134: {  	p0 =	sne.s32 s2, $0x0;
	_ =	sdelay $0x3  }
0x135: {  	(v2sf) =	vpush v0, $0x0;
	_ =	sdelay $0xe  }
.Ltmp17:
0x136: {  	s6 =	spop (v2sf);
	(pc) =	sbr.rel @p0 .LBB2_22-.Ltmp17, $4  }
0x137: {  	s5 =	simm.s32 $0x0;
	p1 =	sgt.u32 s6, $0x7A3FF  }
0x138: {  	s0 =	sadd.s32 $0x1, s0;
	s5 =	simm.s32 @!p1 $0x4;
	s7 =	sshrl.u32 @!p1 s6, $0x3  }
0x139: {  	s4 =	sadd.s32 $0x1, s4;
	s6 =	sand.u32 @!p1 $0x7, s6;
	s7 =	sadd.s32 @!p1 s1, s7  }
0x13a: {  	[hbm4b:s7+s6] =	stream.linear.scatter @!p1 [tilespmem:s0], [sflag:$0x5], $0x1, $0x38;
	[tilespmem:$0x2B50] =	vst v63  }
.LBB2_23:
0x13b: {  	s0 =	sadd.s32 s3, s5  }
0x13c: {  	s3 =	sshrl.u32 s0, $0x2  }
.LBB2_24:
0x13d: {  	s0 =	simm.s32 $0x5  }
0x13e: {  	_ =	swait.ge [sflag:s0], s3  }
0x13f: {  	s1 =	ssub.s32 $0x0, s3;
	[sflag:s0] =	ssyncset.done $0x0  }
0x140: {  	[sflag:s0] =	ssyncadd.s32 s1  }
0x141: {  	[sflag:s0] =	ssyncpa.u1 $0x1  }
0x142: {  	s29 =	simm.s32 $0x1;
	_ =	sfence  }
0x143: {  	s30 =	simm.s32 $0x2;
	[sflag:s29] =	ssyncpa.u1 $0x1  }
0x144: {  	[sflag:s30] =	ssyncpa.u1 $0x1  }
0x145: {  	_ =	strace $0x90000047  }
0x146: {  	[bflag:$0x2] =	sbarrier.arrive $0xFFFF  }
0x147: {  	s31 =	rddreg [dreg:$0x1]  }
0x148: {  	s0 =	sadd.s32 $0x100000, s31  }
0x149: {  	[sflag:s0] =	ssyncadd.tile.s32 $0x1;
	_ =	shalt  }
.Lfunc_end2:
_tile_overlayer_lowered:
.L_overlay_start_2:
0x14a: {  	(tag) =	ssettag $0x2  }
0x14b: {  	s0 =	rddreg [dreg:$0x0];
	s2 =	stileid.u32  }
0x14c: {  	s1 =	rddreg [dreg:$0x1];
	p0 =	sne.s32 s2, $0x0  }
0x14d: {  	s3 =	rddreg [dreg:$0x2];
	[bflag:$0x3] =	sbarrier.arrive $0xFFFF;
	s2 =	simm.s32 @!p0 $0x1C01  }
0x14e: {  	[timem:s3], [sflag:s2] =	dma.local @!p0 [hbm:s0], s1  }
0x14f: {  	s0 =	simm.s32 @!p0 $0x1  }
0x150: {  	_ =	swait.ge @!p0 [sflag:s0], s1  }
0x151: {  	s1 =	ssub.s32 @!p0 $0x0, s1;
	[sflag:s0] =	ssyncset.done @!p0 $0x0  }
0x152: {  	[sflag:s0] =	ssyncadd.s32 @!p0 s1  }
0x153: {  	[bflag:$0x3] =	sbarrier.arrive $0xFFFF  }
0x154: {  	_ =	shalt  }

// kernel: sparse-core-data-format-call.cloned.1.call-start
scs
called_computation.1_lowered:
.L_overlay_start_0:
0x0: {  	s2 =	sld [smem:$0x3FD9]  }
0x1: {  	s3 =	sld [smem:$0x3FFE];
	_ =	sdelay $0x1  }
0x2: {  	s1 =	srdreg.scid  }
0x3: {  	s0 =	sand.u32 $0x1, s1  }
0x4: {  	s18 =	sshll.u32 s0, $0xA;
	s2 =	sadd.s32 s3, s2  }
0x5: {  	s2 =	sadd.s32 s2, s18  }
0x6: {  	[smem:$0x3FC1] =	sst s2  }
0x7: {  	_ = 	snop  }
0x8: {  	s2 =	sld [smem:$0x3FD0];
	(tm) =	ssettm $0x1  }
0x9: {  	s19 =	sld [smem:$0x3FFB];
	_ =	sdelay $0x3  }
0xa: {  	_ =	strace s19  }
0xb: {  	s3 =	sld [smem:$0x3FFC];
	_ =	sdelay $0x3  }
0xc: {  	_ =	strace s3  }
0xd: {  	s3 =	sld [smem:$0x3FFD];
	_ =	sdelay $0x3  }
0xe: {  	_ =	strace s3  }
0xf: {  	_ =	strace $0x8FFFFFFF  }
0x10: {  	s20 =	sld [smem:$0x3FDB];
	_ =	sdelay $0x1  }
0x11: {  	s4 =	simm.s32 $_scs_section_size  }
0x12: {  	s5 =	simm.s32 $_size__tile_overlayer_lowered;
	s6 =	simm.s32 $_tile_overlayer_lowered  }
0x13: {  	s23 =	simm.s32 $0x1BFF;
	s22 =	sshll.u32 s6, $0x1;
	s3 =	sadd.s32 s4, s20  }
0x14: {  	s7 =	simm.s32 $0x0;
	s21 =	sshll.u32 s5, $0x1;
	s5 =	sadd.s32 s22, s3  }
0x15: {  	[timem:s7], [sflag:s23] =	dma.local [hbm:s5], s21  }
0x16: {  	_ =	swait.ge [sflag:s23], s21  }
0x17: {  	s4 =	ssub.s32 $0x0, s21;
	[sflag:s23] =	ssyncset.done $0x0  }
0x18: {  	[sflag:s23] =	ssyncadd.s32 s4;
	_ =	sdelay $0x1  }
0x19: {  	s24 =	simm.s32 $0x1B8B  }
0x1a: {  	_ =	swait.ge [sflag:s24], $0x1  }
0x1b: {  	[sflag:s24] =	ssyncset.done $0x0  }
0x1c: {  	s26 =	simm.s32 $0x1B8E;
	s25 =	sld [smem:$0x3FFE];
	[sflag:s24] =	ssyncadd.s32 $0xFFFFFFFF  }
0x1d: {  	s27 =	simm.s32 $execute0_lowered;
	[smem:$0x3FD2] =	sst s26  }
0x1e: {  	s5 =	sshll.u32 s27, $0x1;
	_ =	strace $0x8000004C;
	[dreg:$0x1] =	wrdreg $0xFFFFFFFF  }
0x1f: {  	s28 =	simm.s32 $_size_execute0_lowered;
	s3 =	sadd.s32 s3, s5;
	[dreg:$0x0] =	wrdreg $0x0  }
0x20: {  	s5 =	sshll.u32 s28, $0x1;
	[dreg:$0x2] =	wrdreg s3  }
0x21: {  	[dreg:$0x3] =	wrdreg s5  }
0x22: {  	[dreg:$0x4] =	wrdreg $0xC0  }
0x23: {  	_ =	task [dreg:s7], $0x5FFFF  }
0x24: {  	[dreg:$0x1] =	wrdreg $0xFFFFFFFF  }
0x25: {  	[dreg:$0x0] =	wrdreg $0x60  }
0x26: {  	[dreg:$0x2] =	wrdreg s25  }
0x27: {  	[dreg:$0x3] =	wrdreg s2  }
0x28: {  	[dreg:$0x4] =	wrdreg $0x9  }
0x29: {  	_ =	task.clear_ibuf [dreg:s7], $0x5FFFF;
	_ =	strace $0x9000004C  }
0x2a: {  	s29 =	simm.s32 $0x9;
	_ =	strace $0x8000004E  }
0x2b: {  	_ =	swait.ge [sflag:s29], $0x1  }
0x2c: {  	[sflag:s29] =	ssyncadd.s32 $0xFFFFFFFF  }
0x2d: {  	_ =	strace $0x9000004E  }
0x2e: {  	_ =	sfence  }
0x2f: {  	s30 =	sld [smem:$0x0];
	_ =	sdelay $0x2  }
0x30: {  	s31 =	sshll.u32 s1, $0xD;
	s1 =	sshrl.u32 s1, $0x2  }
0x31: {  	s3 =	sand.u32 $0x4000, s31;
	s1 =	sadd.s32 s1, s30  }
0x32: {  	s0 =	sor.u32 s3, s0;
	s1 =	sshll.u32 s1, $0x11  }
0x33: {  	s0 =	sor.u32 s1, s0  }
0x34: {  	s0 =	sadd.s32 $0x8F2B, s0  }
0x35: {  	[sflag:s0] =	ssyncadd.remote.s32 $0x1  }
0x36: {  	_ =	sfence.sel $0xFFFF  }
0x37: {  	[dreg:$0x0] =	wrdreg $0xFFFFFFFF;
	(pc) =	sbr.abs _section_cstart, $3  }
0x38: {  	[dreg:$0x1] =	wrdreg $0xFFFFFFFF  }
0x39: {  	_ =	task.clear_ibuf [dreg:s7], $0x2FFFF;
	_ =	strace $0x9FFFFFFF  }
0x3a: {  	(tm) =	ssettm $0x7FFFFFFF  }
0x3b: {  	_ =	shalt  }
tec
execute0_lowered:
.L_overlay_start_1:
0x0: {  	(tag) =	ssettag $0x1  }
0x1: {  	s7 =	rddreg [dreg:$0x0]  }
0x2: {  	s2 =	rddreg [dreg:$0x1]  }
0x3: {  	s0 =	rddreg [dreg:$0x2];
	_ =	strace $0x8000004D;
	s1 =	stileid.u32  }
0x4: {  	s5 =	srdreg.scid;
	s31 =	simm.s32 $0x2;
	s18 =	simm.s32 $0x0  }
0x5: {  	s16 =	simm.s32 $0x0;
	s17 =	simm.s32 $0x0;
	s19 =	simm.s32 $0x0  }
0x6: {  	s13 =	simm.s32 $0x0;
	s15 =	simm.s32 $0x0;
	s3 =	sand.u32 $0x1, s1  }
0x7: {  	s4 =	sand.u32 $0x6, s1;
	s6 =	sshll.u32 s1, $0x7;
	s5 =	sshll.u32 s5, $0xB  }
0x8: {  	s7 =	sadd.s32 $0x400, s7;
	s8 =	ssub.s32 $0x1F4, s4;
	s9 =	sor.u32 s6, s5  }
0x9: {  	s29 =	ssub.s32 $0x2, s3;
	s6 =	simm.s32 $0x1;
	s30 =	sand.u32 $0x6, s8  }
0xa: {  	s10 =	sshrl.u32 s29, $0x1;
	s11 =	sand.u32 $0x1, s29;
	p0 =	sne.s32 s30, $0x0  }
.Ltmp0:
0xb: {  	s8 =	sshrl.u32 s8, $0x3;
	s6 =	simm.s32 @!p0 $0x0;
	(pc) =	sbr.rel .LBB1_1-.Ltmp0, $4  }
0xc: {  	s5 =	simm.s32 $0x1;
	s10 =	sadd.s32 s11, s10;
	s6 =	sadd.s32 s6, s8  }
0xd: {  	s12 =	smov.u32 s4;
	[sflag:s5] =	ssyncpa.u1 $0x0;
	s6 =	smul.u32 s10, s6  }
0xe: {  	s14 =	smov.u32 s3;
	[sflag:s31] =	ssyncpa.u1 $0x0;
	s11 =	simm.s32 $0x1000  }
0xf: {  	s8 =	sand.u32 $0xC00, s9;
	s10 =	simm.s32 $0x400;
	s9 =	sadd.s32 $0x1, s6  }
.LBB1_7:
0x10: {  	s20 =	sadd.s32 $0x8, s12  }
0x11: {  	s16 =	sadd.s32 $0x40, s13;
	s21 =	smov.u32 s13;
	p1 =	sgt.s32 s20, $0x1F3  }
0x12: {  	s21 =	smov.u32 @p1 s16  }
0x13: {  	s22 =	smov.u32 s14;
	s16 =	sadd.s32 $0x2, s14;
	p2 =	sgt.s32 s21, $0x3F  }
0x14: {  	s22 =	smov.u32 @p2 s16  }
0x15: {  	s20 =	smov.u32 @p1 s4;
	p1 =	sgt.s32 s22, $0x1  }
0x16: {  	p0 =	slt.u32 s15, $0x2;
	s22 =	smov.u32 @p1 s3;
	p1 =	sne.s32 s15, s9  }
.Ltmp1:
0x17: {  	s18 =	simm.s32 @!p0 $0x2;
	(pc) =	sbr.rel @!p1 .LBB1_8-.Ltmp1, $4  }
0x18: {  	s17 =	smov.u32 s13;
	s19 =	smov.u32 s14;
	_ =	swait.ge @!p0 [sflag:s18], $0x4000  }
0x19: {  	[sflag:s18] =	ssyncset.done @!p0 $0x0;
	s21 =	simm.s32 @p2 $0x0;
	s16 =	smov.u32 s12  }
0x1a: {  	[sflag:s18] =	ssyncadd.s32 @!p0 $0xFFFFC000;
	s18 =	smov.u32 s8;
	s12 =	smov.u32 s20  }
0x1b: {  	s13 =	smov.u32 s21;
	s15 =	sadd.s32 $0x1, s15;
	s14 =	smov.u32 s22  }
.LBB1_1:
0x1c: {  	p0 =	sge.u32 s15, s6  }
0x1d: {  	s20 =	sshll.u32 @!p0 s12, $0x9;
	s21 =	sshll.u32 @!p0 s12, $0x7  }
0x1e: {  	s20 =	sand.u32 @!p0 $0xFFFFF000, s20;
	s21 =	sand.u32 @!p0 $0x200, s21  }
0x1f: {  	s20 =	sor.u32 @!p0 s21, s20  }
0x20: {  	s20 =	sor.u32 @!p0 s8, s20  }
0x21: {  	s20 =	sshrl.u32 @!p0 s20, $0x9  }
0x22: {  	s21 =	smulhi.u32 @!p0 $0x820821, s20  }
0x23: {  	s22 =	smul.u32 @!p0 $0x1F8000, s14  }
0x24: {  	s21 =	smul.u32 @!p0 $0x1F8, s21  }
0x25: {  	s31 =	sadd.s32 $0xFFFFFFFF, s15;
	s23 =	sxor.u32 @!p0 $0xFFFFFFFF, s15;
	s24 =	smul.u32 @!p0 $0x7E00, s13  }
0x26: {  	s22 =	sadd.s32 @!p0 s7, s22;
	s20 =	ssub.s32 @!p0 s20, s21;
	s21 =	sshll.u32 @!p0 s12, $0x4  }
0x27: {  	s23 =	sshll.u32 @!p0 s23, $0xE;
	s22 =	sadd.s32 @!p0 s24, s22;
	s21 =	sand.u32 @!p0 $0x30, s21  }
0x28: {  	s23 =	sand.u32 @!p0 $0x4000, s23;
	s20 =	sshll.u32 @!p0 s20, $0x6;
	s21 =	sadd.s32 @!p0 s21, s22  }
0x29: {  	s22 =	simm.s32 @!p0 $0x3F000;
	s20 =	sadd.s32 @!p0 s20, s21;
	s21 =	simm.s32 @!p0 $0x100  }
0x2a: {  	[tilespmem:s23], [sflag:$0x1] =	stream.strided.gather @!p0 [hbm4b:s20+s21], $0x4000, s22, s21, $0x38;
	[tilespmem:$0x10000] =	vst v63  }
0x2b: {  	p0 =	sge.u32 s31, s6  }
.Ltmp2:
0x2c: {  	_ = 	snop;
	(pc) =	sbr.rel @p0 .LBB1_7-.Ltmp2, $1  }
0x2d: {  	_ =	sdelay $0x3  }
0x2e: {  	_ =	swait.ge [sflag:s5], $0x4000;
	s20 =	sshll.u32 s15, $0xE  }
0x2f: {  	[sflag:s5] =	ssyncset.done $0x0;
	s21 =	sand.u32 $0x4000, s20  }
0x30: {  	s22 =	simm.s32 $0x0;
	[sflag:s5] =	ssyncadd.s32 $0xFFFFC000;
	s20 =	sor.u32 $0x8000, s21  }
.LBB1_3:
0x31: {  	s23 =	sshll.u32 s22, $0x8  }
0x32: {  	s23 =	sand.u32 $0x3FFFFF00, s23  }
0x33: {  	s24 =	sshll.u32 s22, $0x7;
	s23 =	sadd.s32 s23, s21  }
0x34: {  	s24 =	sand.u32 $0x3FFFFF80, s24;
	v0 =	vmov s23  }
0x35: {  	s24 =	sadd.s32 s24, s20  }
0x36: {  	p0 =	por $0x1, $0x1;
	v1 =	vmov s24;
	s23 =	simm.s32 $0x0  }
.LBB1_4:
0x37: {  	s24 =	sshll.u32 s23, $0x7  }
0x38: {  	s24 =	sand.u32 $0x3FFFFF80, s24  }
0x39: {  	v2 =	vld.idx.msk [tilespmem:v0+s24+$0x0 ss:$0x1], $0xffff  }
0x3a: {  	v3 =	vld.idx.msk [tilespmem:v0+s24+$0x10 ss:$0x1], $0xffff  }
0x3b: {  	v4 =	vld.idx.msk [tilespmem:v0+s24+$0x20 ss:$0x1], $0xffff  }
0x3c: {  	s31 =	sshll.u32 s23, $0xD;
	v5 =	vld.idx.msk [tilespmem:v0+s24+$0x30 ss:$0x1], $0xffff  }
0x3d: {  	s23 =	sand.u32 $0x3FFFE000, s31;
	v6 =	vld.idx.msk [tilespmem:v0+s24+$0x40 ss:$0x1], $0xffff  }
0x3e: {  	v63 =	vld.idx.msk [tilespmem:v0+s24+$0x70 ss:$0x1], $0xffff;
	[tilespmem:v1+s23+$0x0 ss:$0x1] =	vst.idx.msk $0xffff, v2  }
0x3f: {  	v2 =	vld.idx.msk [tilespmem:v0+s24+$0x50 ss:$0x1], $0xffff;
	[tilespmem:v1+s23+$0x10 ss:$0x1] =	vst.idx.msk $0xffff, v3  }
0x40: {  	p1 =	por p0, p0;
	v3 =	vld.idx.msk [tilespmem:v0+s24+$0x60 ss:$0x1], $0xffff;
	[tilespmem:v1+s23+$0x20 ss:$0x1] =	vst.idx.msk $0xffff, v4  }
.Ltmp3:
0x41: {  	[tilespmem:v1+s23+$0x30 ss:$0x1] =	vst.idx.msk $0xffff, v5;
	(pc) =	sbr.rel @p1 .LBB1_4-.Ltmp3, $4  }
0x42: {  	[tilespmem:v1+s23+$0x40 ss:$0x1] =	vst.idx.msk $0xffff, v6  }
0x43: {  	[tilespmem:v1+s23+$0x70 ss:$0x1] =	vst.idx.msk $0xffff, v63  }
0x44: {  	[tilespmem:v1+s23+$0x50 ss:$0x1] =	vst.idx.msk $0xffff, v2  }
0x45: {  	p0 =	por $0x0, $0x0;
	[tilespmem:v1+s23+$0x60 ss:$0x1] =	vst.idx.msk $0xffff, v3;
	s23 =	simm.s32 $0x1  }
0x46: {  	s22 =	sadd.s32 $0x1, s22  }
0x47: {  	p0 =	sne.s32 s22, $0x40  }
.Ltmp4:
0x48: {  	_ = 	snop;
	(pc) =	sbr.rel @p0 .LBB1_3-.Ltmp4, $1  }
0x49: {  	_ =	sdelay $0x3  }
0x4a: {  	s21 =	sshll.u32 s17, $0x9  }
0x4b: {  	s22 =	sshll.u32 s17, $0x7;
	s19 =	smul.u32 $0x1F4000, s19;
	s16 =	sshll.u32 s16, $0xC  }
0x4c: {  	s31 =	sshll.u32 s17, $0x4;
	s21 =	sand.u32 $0x7000, s21;
	s30 =	sand.u32 $0x200, s22  }
.Ltmp5:
0x4d: {  	s18 =	sor.u32 s18, s21;
	s19 =	sadd.s32 s2, s19;
	(pc) =	sbr.rel .LBB1_7-.Ltmp5, $4  }
0x4e: {  	s17 =	sand.u32 $0x30, s31;
	s18 =	sor.u32 s30, s18;
	s16 =	sadd.s32 s16, s19  }
0x4f: {  	s18 =	sshrl.u32 s18, $0x3;
	s16 =	sadd.s32 s17, s16  }
0x50: {  	s16 =	sadd.s32 s18, s16  }
0x51: {  	[hbm4b:s16+s10] =	stream.strided.scatter [tilespmem:s20], [sflag:$0x2], $0x4000, s11, s10, $0x38;
	[tilespmem:$0x10000] =	vst v63  }
.LBB1_8:
0x52: {  	_ =	sfence.sel $0x180000  }
0x53: {  	s2 =	simm.s32 $0x1;
	[bflag:$0x0] =	sbarrier.arrive $0xFFFF  }
0x54: {  	s31 =	simm.s32 $0x2;
	[sflag:s2] =	ssyncpa.u1 $0x1  }
0x55: {  	[sflag:s31] =	ssyncpa.u1 $0x1  }
0x56: {  	p0 =	sne.s32 s1, $0x0;
	_ =	strace $0x9000004D  }
0x57: {  	s0 =	sadd.s32 @!p0 $0x100000, s0;
	[bflag:$0x2] =	sbarrier.arrive $0xFFFF  }
0x58: {  	[sflag:s0] =	ssyncadd.tile.s32 @!p0 $0x1;
	_ =	shalt  }
.Lfunc_end1:
_tile_overlayer_lowered:
.L_overlay_start_2:
0x59: {  	(tag) =	ssettag $0x2  }
0x5a: {  	s0 =	rddreg [dreg:$0x0];
	s2 =	stileid.u32  }
0x5b: {  	s1 =	rddreg [dreg:$0x1];
	p0 =	sne.s32 s2, $0x0  }
0x5c: {  	s3 =	rddreg [dreg:$0x2];
	[bflag:$0x3] =	sbarrier.arrive $0xFFFF;
	s2 =	simm.s32 @!p0 $0x1C01  }
0x5d: {  	[timem:s3], [sflag:s2] =	dma.local @!p0 [hbm:s0], s1  }
0x5e: {  	s0 =	simm.s32 @!p0 $0x1  }
0x5f: {  	_ =	swait.ge @!p0 [sflag:s0], s1  }
0x60: {  	s1 =	ssub.s32 @!p0 $0x0, s1;
	[sflag:s0] =	ssyncset.done @!p0 $0x0  }
0x61: {  	[sflag:s0] =	ssyncadd.s32 @!p0 s1  }
0x62: {  	[bflag:$0x3] =	sbarrier.arrive $0xFFFF  }
0x63: {  	_ =	shalt  }

</sc_bundles>
